<compile_context>
chip_gen: v7x
topology: tpu7x:2x2x1
jax: 0.10.2.dev20260603
libtpu: 0.0.44.dev20260713+nightly
codegen_flags: <defaults>
</compile_context>

<pallas_src>
import functools

import jax
import jax.numpy as jnp
from jax import lax
from jax.experimental import pallas as pl
from jax.experimental.pallas import tpu as pltpu
from jax.experimental.pallas import tpu_sc as plsc

D = 64
PW = 128
TPR = 8
L = 16
NC = 2
NS = 16
NW = NC * NS
CHUNK = 32


@jax.jit
def _sc_softmax_gather(x, table3):
    B = x.shape[0]
    assert B % (NW * CHUNK) == 0
    bpw = B // NW
    groups = bpw // L
    nch = bpw // CHUNK

    mesh = plsc.VectorSubcoreMesh(core_axis_name="c", subcore_axis_name="s")

    @functools.partial(
        pl.kernel,
        out_type=jax.ShapeDtypeStruct((B // 2, PW), jnp.float32),
        mesh=mesh,
        scratch_types=[
            pltpu.VMEM((bpw,), jnp.int32),
            pltpu.VMEM((bpw,), jnp.int32),
            pltpu.VMEM((2, CHUNK, TPR, D), jnp.float32),
            pltpu.VMEM((bpw // 2, PW), jnp.float32),
            pltpu.SemaphoreType.DMA,
            pltpu.SemaphoreType.DMA,
        ],
        compiler_params=pltpu.CompilerParams(
            needs_layout_passes=False, use_tc_tiling_on_sc=True
        ),
    )
    def run(
        x_hbm, table_hbm, out_hbm, idx_v, tidx_v, tiles_v, out_v, sem0, sem1
    ):
        wid = lax.axis_index("s") * NC + lax.axis_index("c")
        base = wid * bpw

        pltpu.sync_copy(x_hbm.at[pl.ds(base, bpw)], idx_v)

        def shift_body(i, carry):
            xv = idx_v[pl.ds(i * L, L)]
            tidx_v[pl.ds(i * L, L)] = lax.shift_right_logical(xv, 3)
            return carry

        lax.fori_loop(0, groups, shift_body, 0)

        nvec = D // L
        gpc = CHUNK // L
        sems = [sem0, sem1]

        def fire(c, buf):
            def fire_body(g, carry):
                tv = tidx_v[pl.ds(c * CHUNK + g * L, L)]
                for u in range(L):
                    pltpu.async_copy(
                        table_hbm.at[tv[u]],
                        tiles_v.at[buf, g * L + u],
                        sems[buf],
                    )
                return carry

            lax.fori_loop(0, gpc, fire_body, 0)

        def drain(buf):
            pltpu.make_async_copy(
                table_hbm.at[pl.ds(0, CHUNK)], tiles_v.at[buf], sems[buf]
            ).wait()

        def compute(c, buf):
            def group_body(g, carry):
                sub = idx_v[pl.ds(c * CHUNK + g * L, L)] & 7
                for u in range(L):
                    j = g * L + u
                    s = sub[u]
                    e = [
                        jnp.exp(tiles_v[buf, j, s, pl.ds(k * L, L)])
                        for k in range(nvec)
                    ]
                    t = jnp.sum((e[0] + e[1]) + (e[2] + e[3]))
                    inv = jnp.ones((L,), jnp.float32) / jnp.full(
                        (L,), t, jnp.float32
                    )
                    half = (u % 2) * D
                    orow = c * (CHUNK // 2) + g * (L // 2) + u // 2
                    for k in range(nvec):
                        out_v[orow, pl.ds(half + k * L, L)] = e[k] * inv
                return carry

            lax.fori_loop(0, gpc, group_body, 0)

        fire(0, 0)

        def pair_body(i, carry):
            c0 = 2 * i
            fire(c0 + 1, 1)
            drain(0)
            compute(c0, 0)

            @pl.when(c0 + 2 < nch)
            def _():
                fire(c0 + 2, 0)

            drain(1)
            compute(c0 + 1, 1)
            return carry

        lax.fori_loop(0, nch // 2, pair_body, 0)

        obase = pl.multiple_of(base // 2, bpw // 2)
        pltpu.sync_copy(out_v, out_hbm.at[pl.ds(obase, bpw // 2)])

    return run(x, table3)


def kernel(x, table):
    table3 = table.reshape(table.shape[0] // TPR, TPR, D)
    out2 = _sc_softmax_gather(x.astype(jnp.int32), table3)
    return out2.reshape(x.shape[0], D)

# --- scband reference (transcript-rebuilt; emitter-appended) ---
"""Pipeline reference for scband-alt-my-embedding-67594195304510 (READ-ONLY COPY).

The authoritative reference and input builder live on the scoring server;
editing this copy changes nothing except your own understanding.
"""

import jax, jax.numpy as jnp
import numpy as np

NUM_USERS = 1000000
NUM_COMMUNITIES = 64
BATCH = 16384


def setup_inputs(seed: int = 0) -> dict:
    key = jax.random.key(seed)
    k_x, k_tab = jax.random.split(key)
    x = jax.random.randint(k_x, (BATCH,), 0, NUM_USERS, dtype=jnp.int64 if jax.config.jax_enable_x64 else jnp.int32)
    # nn.Embedding default init: N(0, 1)
    table = jax.random.normal(k_tab, (NUM_USERS, NUM_COMMUNITIES), dtype=jnp.float32)
    return {"x": x, "table": table}


def reference(x, table):
    # forward: softmax over the FULL embedding table along dim=1, then gather rows at x
    probs = jax.nn.softmax(table, axis=1)
    return probs[x]

if __name__ == "__main__":
    import jax
    _d = setup_inputs()
    print(jax.jit(kernel)(*tuple(_d.values())))

</pallas_src>

<mosaic_0001>
#map = affine_map<(d0, d1) -> (0)>
#map1 = affine_map<(d0, d1) -> (0, 0, 0)>
#map2 = affine_map<(d0, d1) -> (0, 0)>
module attributes {stable_mosaic.version = 14 : i64} {
  func.func @run(%arg0: i32, %arg1: i32, %arg2: memref<16384xi32, #tpu.memory_space<hbm>>, %arg3: memref<125000x8x64xf32, #tpu.memory_space<hbm>>, %arg4: memref<8192x128xf32, #tpu.memory_space<hbm>>, %arg5: memref<512xi32, #tpu.memory_space<vmem>>, %arg6: memref<512xi32, #tpu.memory_space<vmem>>, %arg7: memref<2x32x8x64xf32, #tpu.memory_space<vmem>>, %arg8: memref<256x128xf32, #tpu.memory_space<vmem>>, %arg9: memref<!tpu.dma_semaphore, #tpu.memory_space<semaphore_mem>>, %arg10: memref<!tpu.dma_semaphore, #tpu.memory_space<semaphore_mem>>) attributes {dimension_semantics = [#tpu.dimension_semantics<core_parallel>, #tpu.dimension_semantics<subcore_parallel>], iteration_bounds = array<i64: 2, 16>, scalar_prefetch = 0 : i64, scratch_operands = 6 : i64, tpu.core_type = #tpu.core_type<sc_vector_subcore>, window_params = [{transform_indices = #map}, {transform_indices = #map1}, {transform_indices = #map2}]} {
    %mul3A = arith.constant 2 : i32
    %mul3A_0 = arith.muli %arg1, %mul3A : i32
    %add3A = arith.addi %mul3A_0, %arg0 : i32
    %mul3A_1 = arith.constant 512 : i32
    %mul3A_2 = arith.muli %add3A, %mul3A_1 : i32
    "tpu.region"() ({
      %run_scoped3A = tpu.sem_alloc : memref<!tpu.dma_semaphore, #tpu.memory_space<semaphore_mem>>
      %dma_start3A = tpu.memref_slice %arg2[%mul3A_2] : memref<16384xi32, #tpu.memory_space<hbm>> -> memref<512xi32, #tpu.memory_space<hbm>>
      %dma_start3A_36 = tpu.memref_slice %arg2[%mul3A_2] : memref<16384xi32, #tpu.memory_space<hbm>> -> memref<512xi32, #tpu.memory_space<hbm>>
      tpu.enqueue_dma source(%dma_start3A_36 : memref<512xi32, #tpu.memory_space<hbm>>) target(%arg5 : memref<512xi32, #tpu.memory_space<vmem>>) target_semaphore(%run_scoped3A : memref<!tpu.dma_semaphore, #tpu.memory_space<semaphore_mem>>)
      %dma_wait3A = tpu.memref_slice %arg2[%mul3A_2] : memref<16384xi32, #tpu.memory_space<hbm>> -> memref<512xi32, #tpu.memory_space<hbm>>
      %dma_wait3A_37 = tpu.memref_slice %arg2[%mul3A_2] : memref<16384xi32, #tpu.memory_space<hbm>> -> memref<512xi32, #tpu.memory_space<hbm>>
      tpu.wait_dma2 semaphore(%run_scoped3A : memref<!tpu.dma_semaphore, #tpu.memory_space<semaphore_mem>>) src(%dma_wait3A_37 : memref<512xi32, #tpu.memory_space<hbm>>) dst(%arg5 : memref<512xi32, #tpu.memory_space<vmem>>)
      tpu.yield
    }) : () -> ()
    %scan3A = arith.constant 0 : i32
    %scan3A_3 = arith.constant 0 : i32
    %scan3A_4 = arith.constant 32 : i32
    %scan3A_5 = arith.addi %scan3A_3, %scan3A_4 : i32
    %scan3A_6 = arith.constant 1 : i32
    scf.for %scan3A_36 = %scan3A_3 to %scan3A_5 step %scan3A_6  : i32 {
      %mul3A_37 = arith.constant 16 : i32
      %mul3A_38 = arith.muli %scan3A_36, %mul3A_37 : i32
      %get3A = arith.index_cast %mul3A_38 : i32 to index
      %get3A_39 = tpu.vector_load %arg5[%get3A] {strides = array<i32>} : memref<512xi32, #tpu.memory_space<vmem>>, vector<16xi32>,
      %shift_right_logical3A = arith.constant 3 : i32
      %shift_right_logical3A_40 = vector.broadcast %shift_right_logical3A : i32 to vector<16xi32>
      %shift_right_logical3A_41 = arith.shrui %get3A_39, %shift_right_logical3A_40 : vector<16xi32>
      %mul3A_42 = arith.constant 16 : i32
      %mul3A_43 = arith.muli %scan3A_36, %mul3A_42 : i32
      %swap3A = arith.index_cast %mul3A_43 : i32 to index
      %swap3A_44 = tpu.vector_load %arg6[%swap3A] {strides = array<i32>} : memref<512xi32, #tpu.memory_space<vmem>>, vector<16xi32>,
      tpu.vector_store %arg6[%swap3A], %shift_right_logical3A_41 {strides = array<i32>} : memref<512xi32, #tpu.memory_space<vmem>>, vector<16xi32>,
    }
    %scan3A_7 = arith.constant 32 : i32
    %scan3A_8 = arith.constant 0 : i32
    %scan3A_9 = arith.constant 0 : i32
    %scan3A_10 = arith.constant 2 : i32
    %scan3A_11 = arith.addi %scan3A_9, %scan3A_10 : i32
    %scan3A_12 = arith.constant 1 : i32
    scf.for %scan3A_36 = %scan3A_9 to %scan3A_11 step %scan3A_12  : i32 {
      %mul3A_37 = arith.constant 16 : i32
      %mul3A_38 = arith.muli %scan3A_36, %mul3A_37 : i32
      %add3A_39 = arith.constant 0 : i32
      %add3A_40 = arith.addi %add3A_39, %mul3A_38 : i32
      %get3A = arith.index_cast %add3A_40 : i32 to index
      %get3A_41 = tpu.vector_load %arg6[%get3A] {strides = array<i32>} : memref<512xi32, #tpu.memory_space<vmem>>, vector<16xi32>,
      %slice3A = vector.extract_strided_slice %get3A_41 {offsets = [0], sizes = [1], strides = [1]} : vector<16xi32> to vector<1xi32>
      %squeeze3A = vector.extract %slice3A[0] : i32 from vector<1xi32>
      %mul3A_42 = arith.constant 16 : i32
      %mul3A_43 = arith.muli %scan3A_36, %mul3A_42 : i32
      %add3A_44 = arith.constant 0 : i32
      %add3A_45 = arith.addi %mul3A_43, %add3A_44 : i32
      %dma_start3A = arith.constant 0 : i32
      %dma_start3A_46 = arith.constant 0 : i32
      %dma_start3A_47 = arith.constant 0 : i32
      %dma_start3A_48 = tpu.memref_slice %arg7[%dma_start3A, %add3A_45, %dma_start3A_46, %dma_start3A_47] : memref<2x32x8x64xf32, #tpu.memory_space<vmem>> -> memref<1x1x8x64xf32, #tpu.memory_space<vmem>>
      %dma_start3A_49 = tpu.memref_squeeze %dma_start3A_48 : memref<1x1x8x64xf32, #tpu.memory_space<vmem>> -> memref<8x64xf32, #tpu.memory_space<vmem>>
      %dma_start3A_50 = arith.constant 0 : i32
      %dma_start3A_51 = arith.constant 0 : i32
      %dma_start3A_52 = tpu.memref_slice %arg3[%squeeze3A, %dma_start3A_50, %dma_start3A_51] : memref<125000x8x64xf32, #tpu.memory_space<hbm>> -> memref<1x8x64xf32, #tpu.memory_space<hbm>>
      %dma_start3A_53 = tpu.memref_squeeze %dma_start3A_52 : memref<1x8x64xf32, #tpu.memory_space<hbm>> -> memref<8x64xf32, #tpu.memory_space<hbm>>
      %dma_start3A_54 = arith.constant 0 : i32
      %dma_start3A_55 = arith.constant 0 : i32
      %dma_start3A_56 = tpu.memref_slice %arg7[%dma_start3A, %add3A_45, %dma_start3A_54, %dma_start3A_55] : memref<2x32x8x64xf32, #tpu.memory_space<vmem>> -> memref<1x1x8x64xf32, #tpu.memory_space<vmem>>
      %dma_start3A_57 = tpu.memref_squeeze %dma_start3A_56 : memref<1x1x8x64xf32, #tpu.memory_space<vmem>> -> memref<8x64xf32, #tpu.memory_space<vmem>>
      %dma_start3A_58 = arith.constant 0 : i32
      %dma_start3A_59 = arith.constant 0 : i32
      %dma_start3A_60 = tpu.memref_slice %arg3[%squeeze3A, %dma_start3A_58, %dma_start3A_59] : memref<125000x8x64xf32, #tpu.memory_space<hbm>> -> memref<1x8x64xf32, #tpu.memory_space<hbm>>
      %dma_start3A_61 = tpu.memref_squeeze %dma_start3A_60 : memref<1x8x64xf32, #tpu.memory_space<hbm>> -> memref<8x64xf32, #tpu.memory_space<hbm>>
      tpu.enqueue_dma source(%dma_start3A_61 : memref<8x64xf32, #tpu.memory_space<hbm>>) target(%dma_start3A_57 : memref<8x64xf32, #tpu.memory_space<vmem>>) target_semaphore(%arg9 : memref<!tpu.dma_semaphore, #tpu.memory_space<semaphore_mem>>)
      %slice3A_62 = vector.extract_strided_slice %get3A_41 {offsets = [1], sizes = [1], strides = [1]} : vector<16xi32> to vector<1xi32>
      %squeeze3A_63 = vector.extract %slice3A_62[0] : i32 from vector<1xi32>
      %mul3A_64 = arith.constant 16 : i32
      %mul3A_65 = arith.muli %scan3A_36, %mul3A_64 : i32
      %add3A_66 = arith.constant 1 : i32
      %add3A_67 = arith.addi %mul3A_65, %add3A_66 : i32
      %dma_start3A_68 = arith.constant 0 : i32
      %dma_start3A_69 = arith.constant 0 : i32
      %dma_start3A_70 = arith.constant 0 : i32
      %dma_start3A_71 = tpu.memref_slice %arg7[%dma_start3A_68, %add3A_67, %dma_start3A_69, %dma_start3A_70] : memref<2x32x8x64xf32, #tpu.memory_space<vmem>> -> memref<1x1x8x64xf32, #tpu.memory_space<vmem>>
      %dma_start3A_72 = tpu.memref_squeeze %dma_start3A_71 : memref<1x1x8x64xf32, #tpu.memory_space<vmem>> -> memref<8x64xf32, #tpu.memory_space<vmem>>
      %dma_start3A_73 = arith.constant 0 : i32
      %dma_start3A_74 = arith.constant 0 : i32
      %dma_start3A_75 = tpu.memref_slice %arg3[%squeeze3A_63, %dma_start3A_73, %dma_start3A_74] : memref<125000x8x64xf32, #tpu.memory_space<hbm>> -> memref<1x8x64xf32, #tpu.memory_space<hbm>>
      %dma_start3A_76 = tpu.memref_squeeze %dma_start3A_75 : memref<1x8x64xf32, #tpu.memory_space<hbm>> -> memref<8x64xf32, #tpu.memory_space<hbm>>
      %dma_start3A_77 = arith.constant 0 : i32
      %dma_start3A_78 = arith.constant 0 : i32
      %dma_start3A_79 = tpu.memref_slice %arg7[%dma_start3A_68, %add3A_67, %dma_start3A_77, %dma_start3A_78] : memref<2x32x8x64xf32, #tpu.memory_space<vmem>> -> memref<1x1x8x64xf32, #tpu.memory_space<vmem>>
      %dma_start3A_80 = tpu.memref_squeeze %dma_start3A_79 : memref<1x1x8x64xf32, #tpu.memory_space<vmem>> -> memref<8x64xf32, #tpu.memory_space<vmem>>
      %dma_start3A_81 = arith.constant 0 : i32
      %dma_start3A_82 = arith.constant 0 : i32
      %dma_start3A_83 = tpu.memref_slice %arg3[%squeeze3A_63, %dma_start3A_81, %dma_start3A_82] : memref<125000x8x64xf32, #tpu.memory_space<hbm>> -> memref<1x8x64xf32, #tpu.memory_space<hbm>>
      %dma_start3A_84 = tpu.memref_squeeze %dma_start3A_83 : memref<1x8x64xf32, #tpu.memory_space<hbm>> -> memref<8x64xf32, #tpu.memory_space<hbm>>
      tpu.enqueue_dma source(%dma_start3A_84 : memref<8x64xf32, #tpu.memory_space<hbm>>) target(%dma_start3A_80 : memref<8x64xf32, #tpu.memory_space<vmem>>) target_semaphore(%arg9 : memref<!tpu.dma_semaphore, #tpu.memory_space<semaphore_mem>>)
      %slice3A_85 = vector.extract_strided_slice %get3A_41 {offsets = [2], sizes = [1], strides = [1]} : vector<16xi32> to vector<1xi32>
      %squeeze3A_86 = vector.extract %slice3A_85[0] : i32 from vector<1xi32>
      %mul3A_87 = arith.constant 16 : i32
      %mul3A_88 = arith.muli %scan3A_36, %mul3A_87 : i32
      %add3A_89 = arith.constant 2 : i32
      %add3A_90 = arith.addi %mul3A_88, %add3A_89 : i32
      %dma_start3A_91 = arith.constant 0 : i32
      %dma_start3A_92 = arith.constant 0 : i32
      %dma_start3A_93 = arith.constant 0 : i32
      %dma_start3A_94 = tpu.memref_slice %arg7[%dma_start3A_91, %add3A_90, %dma_start3A_92, %dma_start3A_93] : memref<2x32x8x64xf32, #tpu.memory_space<vmem>> -> memref<1x1x8x64xf32, #tpu.memory_space<vmem>>
      %dma_start3A_95 = tpu.memref_squeeze %dma_start3A_94 : memref<1x1x8x64xf32, #tpu.memory_space<vmem>> -> memref<8x64xf32, #tpu.memory_space<vmem>>
      %dma_start3A_96 = arith.constant 0 : i32
      %dma_start3A_97 = arith.constant 0 : i32
      %dma_start3A_98 = tpu.memref_slice %arg3[%squeeze3A_86, %dma_start3A_96, %dma_start3A_97] : memref<125000x8x64xf32, #tpu.memory_space<hbm>> -> memref<1x8x64xf32, #tpu.memory_space<hbm>>
      %dma_start3A_99 = tpu.memref_squeeze %dma_start3A_98 : memref<1x8x64xf32, #tpu.memory_space<hbm>> -> memref<8x64xf32, #tpu.memory_space<hbm>>
      %dma_start3A_100 = arith.constant 0 : i32
      %dma_start3A_101 = arith.constant 0 : i32
      %dma_start3A_102 = tpu.memref_slice %arg7[%dma_start3A_91, %add3A_90, %dma_start3A_100, %dma_start3A_101] : memref<2x32x8x64xf32, #tpu.memory_space<vmem>> -> memref<1x1x8x64xf32, #tpu.memory_space<vmem>>
      %dma_start3A_103 = tpu.memref_squeeze %dma_start3A_102 : memref<1x1x8x64xf32, #tpu.memory_space<vmem>> -> memref<8x64xf32, #tpu.memory_space<vmem>>
      %dma_start3A_104 = arith.constant 0 : i32
      %dma_start3A_105 = arith.constant 0 : i32
      %dma_start3A_106 = tpu.memref_slice %arg3[%squeeze3A_86, %dma_start3A_104, %dma_start3A_105] : memref<125000x8x64xf32, #tpu.memory_space<hbm>> -> memref<1x8x64xf32, #tpu.memory_space<hbm>>
      %dma_start3A_107 = tpu.memref_squeeze %dma_start3A_106 : memref<1x8x64xf32, #tpu.memory_space<hbm>> -> memref<8x64xf32, #tpu.memory_space<hbm>>
      tpu.enqueue_dma source(%dma_start3A_107 : memref<8x64xf32, #tpu.memory_space<hbm>>) target(%dma_start3A_103 : memref<8x64xf32, #tpu.memory_space<vmem>>) target_semaphore(%arg9 : memref<!tpu.dma_semaphore, #tpu.memory_space<semaphore_mem>>)
      %slice3A_108 = vector.extract_strided_slice %get3A_41 {offsets = [3], sizes = [1], strides = [1]} : vector<16xi32> to vector<1xi32>
      %squeeze3A_109 = vector.extract %slice3A_108[0] : i32 from vector<1xi32>
      %mul3A_110 = arith.constant 16 : i32
      %mul3A_111 = arith.muli %scan3A_36, %mul3A_110 : i32
      %add3A_112 = arith.constant 3 : i32
      %add3A_113 = arith.addi %mul3A_111, %add3A_112 : i32
      %dma_start3A_114 = arith.constant 0 : i32
      %dma_start3A_115 = arith.constant 0 : i32
      %dma_start3A_116 = arith.constant 0 : i32
      %dma_start3A_117 = tpu.memref_slice %arg7[%dma_start3A_114, %add3A_113, %dma_start3A_115, %dma_start3A_116] : memref<2x32x8x64xf32, #tpu.memory_space<vmem>> -> memref<1x1x8x64xf32, #tpu.memory_space<vmem>>
      %dma_start3A_118 = tpu.memref_squeeze %dma_start3A_117 : memref<1x1x8x64xf32, #tpu.memory_space<vmem>> -> memref<8x64xf32, #tpu.memory_space<vmem>>
      %dma_start3A_119 = arith.constant 0 : i32
      %dma_start3A_120 = arith.constant 0 : i32
      %dma_start3A_121 = tpu.memref_slice %arg3[%squeeze3A_109, %dma_start3A_119, %dma_start3A_120] : memref<125000x8x64xf32, #tpu.memory_space<hbm>> -> memref<1x8x64xf32, #tpu.memory_space<hbm>>
      %dma_start3A_122 = tpu.memref_squeeze %dma_start3A_121 : memref<1x8x64xf32, #tpu.memory_space<hbm>> -> memref<8x64xf32, #tpu.memory_space<hbm>>
      %dma_start3A_123 = arith.constant 0 : i32
      %dma_start3A_124 = arith.constant 0 : i32
      %dma_start3A_125 = tpu.memref_slice %arg7[%dma_start3A_114, %add3A_113, %dma_start3A_123, %dma_start3A_124] : memref<2x32x8x64xf32, #tpu.memory_space<vmem>> -> memref<1x1x8x64xf32, #tpu.memory_space<vmem>>
      %dma_start3A_126 = tpu.memref_squeeze %dma_start3A_125 : memref<1x1x8x64xf32, #tpu.memory_space<vmem>> -> memref<8x64xf32, #tpu.memory_space<vmem>>
      %dma_start3A_127 = arith.constant 0 : i32
      %dma_start3A_128 = arith.constant 0 : i32
      %dma_start3A_129 = tpu.memref_slice %arg3[%squeeze3A_109, %dma_start3A_127, %dma_start3A_128] : memref<125000x8x64xf32, #tpu.memory_space<hbm>> -> memref<1x8x64xf32, #tpu.memory_space<hbm>>
      %dma_start3A_130 = tpu.memref_squeeze %dma_start3A_129 : memref<1x8x64xf32, #tpu.memory_space<hbm>> -> memref<8x64xf32, #tpu.memory_space<hbm>>
      tpu.enqueue_dma source(%dma_start3A_130 : memref<8x64xf32, #tpu.memory_space<hbm>>) target(%dma_start3A_126 : memref<8x64xf32, #tpu.memory_space<vmem>>) target_semaphore(%arg9 : memref<!tpu.dma_semaphore, #tpu.memory_space<semaphore_mem>>)
      %slice3A_131 = vector.extract_strided_slice %get3A_41 {offsets = [4], sizes = [1], strides = [1]} : vector<16xi32> to vector<1xi32>
      %squeeze3A_132 = vector.extract %slice3A_131[0] : i32 from vector<1xi32>
      %mul3A_133 = arith.constant 16 : i32
      %mul3A_134 = arith.muli %scan3A_36, %mul3A_133 : i32
      %add3A_135 = arith.constant 4 : i32
      %add3A_136 = arith.addi %mul3A_134, %add3A_135 : i32
      %dma_start3A_137 = arith.constant 0 : i32
      %dma_start3A_138 = arith.constant 0 : i32
      %dma_start3A_139 = arith.constant 0 : i32
      %dma_start3A_140 = tpu.memref_slice %arg7[%dma_start3A_137, %add3A_136, %dma_start3A_138, %dma_start3A_139] : memref<2x32x8x64xf32, #tpu.memory_space<vmem>> -> memref<1x1x8x64xf32, #tpu.memory_space<vmem>>
      %dma_start3A_141 = tpu.memref_squeeze %dma_start3A_140 : memref<1x1x8x64xf32, #tpu.memory_space<vmem>> -> memref<8x64xf32, #tpu.memory_space<vmem>>
      %dma_start3A_142 = arith.constant 0 : i32
      %dma_start3A_143 = arith.constant 0 : i32
      %dma_start3A_144 = tpu.memref_slice %arg3[%squeeze3A_132, %dma_start3A_142, %dma_start3A_143] : memref<125000x8x64xf32, #tpu.memory_space<hbm>> -> memref<1x8x64xf32, #tpu.memory_space<hbm>>
      %dma_start3A_145 = tpu.memref_squeeze %dma_start3A_144 : memref<1x8x64xf32, #tpu.memory_space<hbm>> -> memref<8x64xf32, #tpu.memory_space<hbm>>
      %dma_start3A_146 = arith.constant 0 : i32
      %dma_start3A_147 = arith.constant 0 : i32
      %dma_start3A_148 = tpu.memref_slice %arg7[%dma_start3A_137, %add3A_136, %dma_start3A_146, %dma_start3A_147] : memref<2x32x8x64xf32, #tpu.memory_space<vmem>> -> memref<1x1x8x64xf32, #tpu.memory_space<vmem>>
      %dma_start3A_149 = tpu.memref_squeeze %dma_start3A_148 : memref<1x1x8x64xf32, #tpu.memory_space<vmem>> -> memref<8x64xf32, #tpu.memory_space<vmem>>
      %dma_start3A_150 = arith.constant 0 : i32
      %dma_start3A_151 = arith.constant 0 : i32
      %dma_start3A_152 = tpu.memref_slice %arg3[%squeeze3A_132, %dma_start3A_150, %dma_start3A_151] : memref<125000x8x64xf32, #tpu.memory_space<hbm>> -> memref<1x8x64xf32, #tpu.memory_space<hbm>>
      %dma_start3A_153 = tpu.memref_squeeze %dma_start3A_152 : memref<1x8x64xf32, #tpu.memory_space<hbm>> -> memref<8x64xf32, #tpu.memory_space<hbm>>
      tpu.enqueue_dma source(%dma_start3A_153 : memref<8x64xf32, #tpu.memory_space<hbm>>) target(%dma_start3A_149 : memref<8x64xf32, #tpu.memory_space<vmem>>) target_semaphore(%arg9 : memref<!tpu.dma_semaphore, #tpu.memory_space<semaphore_mem>>)
      %slice3A_154 = vector.extract_strided_slice %get3A_41 {offsets = [5], sizes = [1], strides = [1]} : vector<16xi32> to vector<1xi32>
      %squeeze3A_155 = vector.extract %slice3A_154[0] : i32 from vector<1xi32>
      %mul3A_156 = arith.constant 16 : i32
      %mul3A_157 = arith.muli %scan3A_36, %mul3A_156 : i32
      %add3A_158 = arith.constant 5 : i32
      %add3A_159 = arith.addi %mul3A_157, %add3A_158 : i32
      %dma_start3A_160 = arith.constant 0 : i32
      %dma_start3A_161 = arith.constant 0 : i32
      %dma_start3A_162 = arith.constant 0 : i32
      %dma_start3A_163 = tpu.memref_slice %arg7[%dma_start3A_160, %add3A_159, %dma_start3A_161, %dma_start3A_162] : memref<2x32x8x64xf32, #tpu.memory_space<vmem>> -> memref<1x1x8x64xf32, #tpu.memory_space<vmem>>
      %dma_start3A_164 = tpu.memref_squeeze %dma_start3A_163 : memref<1x1x8x64xf32, #tpu.memory_space<vmem>> -> memref<8x64xf32, #tpu.memory_space<vmem>>
      %dma_start3A_165 = arith.constant 0 : i32
      %dma_start3A_166 = arith.constant 0 : i32
      %dma_start3A_167 = tpu.memref_slice %arg3[%squeeze3A_155, %dma_start3A_165, %dma_start3A_166] : memref<125000x8x64xf32, #tpu.memory_space<hbm>> -> memref<1x8x64xf32, #tpu.memory_space<hbm>>
      %dma_start3A_168 = tpu.memref_squeeze %dma_start3A_167 : memref<1x8x64xf32, #tpu.memory_space<hbm>> -> memref<8x64xf32, #tpu.memory_space<hbm>>
      %dma_start3A_169 = arith.constant 0 : i32
      %dma_start3A_170 = arith.constant 0 : i32
      %dma_start3A_171 = tpu.memref_slice %arg7[%dma_start3A_160, %add3A_159, %dma_start3A_169, %dma_start3A_170] : memref<2x32x8x64xf32, #tpu.memory_space<vmem>> -> memref<1x1x8x64xf32, #tpu.memory_space<vmem>>
      %dma_start3A_172 = tpu.memref_squeeze %dma_start3A_171 : memref<1x1x8x64xf32, #tpu.memory_space<vmem>> -> memref<8x64xf32, #tpu.memory_space<vmem>>
      %dma_start3A_173 = arith.constant 0 : i32
      %dma_start3A_174 = arith.constant 0 : i32
      %dma_start3A_175 = tpu.memref_slice %arg3[%squeeze3A_155, %dma_start3A_173, %dma_start3A_174] : memref<125000x8x64xf32, #tpu.memory_space<hbm>> -> memref<1x8x64xf32, #tpu.memory_space<hbm>>
      %dma_start3A_176 = tpu.memref_squeeze %dma_start3A_175 : memref<1x8x64xf32, #tpu.memory_space<hbm>> -> memref<8x64xf32, #tpu.memory_space<hbm>>
      tpu.enqueue_dma source(%dma_start3A_176 : memref<8x64xf32, #tpu.memory_space<hbm>>) target(%dma_start3A_172 : memref<8x64xf32, #tpu.memory_space<vmem>>) target_semaphore(%arg9 : memref<!tpu.dma_semaphore, #tpu.memory_space<semaphore_mem>>)
      %slice3A_177 = vector.extract_strided_slice %get3A_41 {offsets = [6], sizes = [1], strides = [1]} : vector<16xi32> to vector<1xi32>
      %squeeze3A_178 = vector.extract %slice3A_177[0] : i32 from vector<1xi32>
      %mul3A_179 = arith.constant 16 : i32
      %mul3A_180 = arith.muli %scan3A_36, %mul3A_179 : i32
      %add3A_181 = arith.constant 6 : i32
      %add3A_182 = arith.addi %mul3A_180, %add3A_181 : i32
      %dma_start3A_183 = arith.constant 0 : i32
      %dma_start3A_184 = arith.constant 0 : i32
      %dma_start3A_185 = arith.constant 0 : i32
      %dma_start3A_186 = tpu.memref_slice %arg7[%dma_start3A_183, %add3A_182, %dma_start3A_184, %dma_start3A_185] : memref<2x32x8x64xf32, #tpu.memory_space<vmem>> -> memref<1x1x8x64xf32, #tpu.memory_space<vmem>>
      %dma_start3A_187 = tpu.memref_squeeze %dma_start3A_186 : memref<1x1x8x64xf32, #tpu.memory_space<vmem>> -> memref<8x64xf32, #tpu.memory_space<vmem>>
      %dma_start3A_188 = arith.constant 0 : i32
      %dma_start3A_189 = arith.constant 0 : i32
      %dma_start3A_190 = tpu.memref_slice %arg3[%squeeze3A_178, %dma_start3A_188, %dma_start3A_189] : memref<125000x8x64xf32, #tpu.memory_space<hbm>> -> memref<1x8x64xf32, #tpu.memory_space<hbm>>
      %dma_start3A_191 = tpu.memref_squeeze %dma_start3A_190 : memref<1x8x64xf32, #tpu.memory_space<hbm>> -> memref<8x64xf32, #tpu.memory_space<hbm>>
      %dma_start3A_192 = arith.constant 0 : i32
      %dma_start3A_193 = arith.constant 0 : i32
      %dma_start3A_194 = tpu.memref_slice %arg7[%dma_start3A_183, %add3A_182, %dma_start3A_192, %dma_start3A_193] : memref<2x32x8x64xf32, #tpu.memory_space<vmem>> -> memref<1x1x8x64xf32, #tpu.memory_space<vmem>>
      %dma_start3A_195 = tpu.memref_squeeze %dma_start3A_194 : memref<1x1x8x64xf32, #tpu.memory_space<vmem>> -> memref<8x64xf32, #tpu.memory_space<vmem>>
      %dma_start3A_196 = arith.constant 0 : i32
      %dma_start3A_197 = arith.constant 0 : i32
      %dma_start3A_198 = tpu.memref_slice %arg3[%squeeze3A_178, %dma_start3A_196, %dma_start3A_197] : memref<125000x8x64xf32, #tpu.memory_space<hbm>> -> memref<1x8x64xf32, #tpu.memory_space<hbm>>
      %dma_start3A_199 = tpu.memref_squeeze %dma_start3A_198 : memref<1x8x64xf32, #tpu.memory_space<hbm>> -> memref<8x64xf32, #tpu.memory_space<hbm>>
      tpu.enqueue_dma source(%dma_start3A_199 : memref<8x64xf32, #tpu.memory_space<hbm>>) target(%dma_start3A_195 : memref<8x64xf32, #tpu.memory_space<vmem>>) target_semaphore(%arg9 : memref<!tpu.dma_semaphore, #tpu.memory_space<semaphore_mem>>)
      %slice3A_200 = vector.extract_strided_slice %get3A_41 {offsets = [7], sizes = [1], strides = [1]} : vector<16xi32> to vector<1xi32>
      %squeeze3A_201 = vector.extract %slice3A_200[0] : i32 from vector<1xi32>
      %mul3A_202 = arith.constant 16 : i32
      %mul3A_203 = arith.muli %scan3A_36, %mul3A_202 : i32
      %add3A_204 = arith.constant 7 : i32
      %add3A_205 = arith.addi %mul3A_203, %add3A_204 : i32
      %dma_start3A_206 = arith.constant 0 : i32
      %dma_start3A_207 = arith.constant 0 : i32
      %dma_start3A_208 = arith.constant 0 : i32
      %dma_start3A_209 = tpu.memref_slice %arg7[%dma_start3A_206, %add3A_205, %dma_start3A_207, %dma_start3A_208] : memref<2x32x8x64xf32, #tpu.memory_space<vmem>> -> memref<1x1x8x64xf32, #tpu.memory_space<vmem>>
      %dma_start3A_210 = tpu.memref_squeeze %dma_start3A_209 : memref<1x1x8x64xf32, #tpu.memory_space<vmem>> -> memref<8x64xf32, #tpu.memory_space<vmem>>
      %dma_start3A_211 = arith.constant 0 : i32
      %dma_start3A_212 = arith.constant 0 : i32
      %dma_start3A_213 = tpu.memref_slice %arg3[%squeeze3A_201, %dma_start3A_211, %dma_start3A_212] : memref<125000x8x64xf32, #tpu.memory_space<hbm>> -> memref<1x8x64xf32, #tpu.memory_space<hbm>>
      %dma_start3A_214 = tpu.memref_squeeze %dma_start3A_213 : memref<1x8x64xf32, #tpu.memory_space<hbm>> -> memref<8x64xf32, #tpu.memory_space<hbm>>
      %dma_start3A_215 = arith.constant 0 : i32
      %dma_start3A_216 = arith.constant 0 : i32
      %dma_start3A_217 = tpu.memref_slice %arg7[%dma_start3A_206, %add3A_205, %dma_start3A_215, %dma_start3A_216] : memref<2x32x8x64xf32, #tpu.memory_space<vmem>> -> memref<1x1x8x64xf32, #tpu.memory_space<vmem>>
      %dma_start3A_218 = tpu.memref_squeeze %dma_start3A_217 : memref<1x1x8x64xf32, #tpu.memory_space<vmem>> -> memref<8x64xf32, #tpu.memory_space<vmem>>
      %dma_start3A_219 = arith.constant 0 : i32
      %dma_start3A_220 = arith.constant 0 : i32
      %dma_start3A_221 = tpu.memref_slice %arg3[%squeeze3A_201, %dma_start3A_219, %dma_start3A_220] : memref<125000x8x64xf32, #tpu.memory_space<hbm>> -> memref<1x8x64xf32, #tpu.memory_space<hbm>>
      %dma_start3A_222 = tpu.memref_squeeze %dma_start3A_221 : memref<1x8x64xf32, #tpu.memory_space<hbm>> -> memref<8x64xf32, #tpu.memory_space<hbm>>
      tpu.enqueue_dma source(%dma_start3A_222 : memref<8x64xf32, #tpu.memory_space<hbm>>) target(%dma_start3A_218 : memref<8x64xf32, #tpu.memory_space<vmem>>) target_semaphore(%arg9 : memref<!tpu.dma_semaphore, #tpu.memory_space<semaphore_mem>>)
      %slice3A_223 = vector.extract_strided_slice %get3A_41 {offsets = [8], sizes = [1], strides = [1]} : vector<16xi32> to vector<1xi32>
      %squeeze3A_224 = vector.extract %slice3A_223[0] : i32 from vector<1xi32>
      %mul3A_225 = arith.constant 16 : i32
      %mul3A_226 = arith.muli %scan3A_36, %mul3A_225 : i32
      %add3A_227 = arith.constant 8 : i32
      %add3A_228 = arith.addi %mul3A_226, %add3A_227 : i32
      %dma_start3A_229 = arith.constant 0 : i32
      %dma_start3A_230 = arith.constant 0 : i32
      %dma_start3A_231 = arith.constant 0 : i32
      %dma_start3A_232 = tpu.memref_slice %arg7[%dma_start3A_229, %add3A_228, %dma_start3A_230, %dma_start3A_231] : memref<2x32x8x64xf32, #tpu.memory_space<vmem>> -> memref<1x1x8x64xf32, #tpu.memory_space<vmem>>
      %dma_start3A_233 = tpu.memref_squeeze %dma_start3A_232 : memref<1x1x8x64xf32, #tpu.memory_space<vmem>> -> memref<8x64xf32, #tpu.memory_space<vmem>>
      %dma_start3A_234 = arith.constant 0 : i32
      %dma_start3A_235 = arith.constant 0 : i32
      %dma_start3A_236 = tpu.memref_slice %arg3[%squeeze3A_224, %dma_start3A_234, %dma_start3A_235] : memref<125000x8x64xf32, #tpu.memory_space<hbm>> -> memref<1x8x64xf32, #tpu.memory_space<hbm>>
      %dma_start3A_237 = tpu.memref_squeeze %dma_start3A_236 : memref<1x8x64xf32, #tpu.memory_space<hbm>> -> memref<8x64xf32, #tpu.memory_space<hbm>>
      %dma_start3A_238 = arith.constant 0 : i32
      %dma_start3A_239 = arith.constant 0 : i32
      %dma_start3A_240 = tpu.memref_slice %arg7[%dma_start3A_229, %add3A_228, %dma_start3A_238, %dma_start3A_239] : memref<2x32x8x64xf32, #tpu.memory_space<vmem>> -> memref<1x1x8x64xf32, #tpu.memory_space<vmem>>
      %dma_start3A_241 = tpu.memref_squeeze %dma_start3A_240 : memref<1x1x8x64xf32, #tpu.memory_space<vmem>> -> memref<8x64xf32, #tpu.memory_space<vmem>>
      %dma_start3A_242 = arith.constant 0 : i32
      %dma_start3A_243 = arith.constant 0 : i32
      %dma_start3A_244 = tpu.memref_slice %arg3[%squeeze3A_224, %dma_start3A_242, %dma_start3A_243] : memref<125000x8x64xf32, #tpu.memory_space<hbm>> -> memref<1x8x64xf32, #tpu.memory_space<hbm>>
      %dma_start3A_245 = tpu.memref_squeeze %dma_start3A_244 : memref<1x8x64xf32, #tpu.memory_space<hbm>> -> memref<8x64xf32, #tpu.memory_space<hbm>>
      tpu.enqueue_dma source(%dma_start3A_245 : memref<8x64xf32, #tpu.memory_space<hbm>>) target(%dma_start3A_241 : memref<8x64xf32, #tpu.memory_space<vmem>>) target_semaphore(%arg9 : memref<!tpu.dma_semaphore, #tpu.memory_space<semaphore_mem>>)
      %slice3A_246 = vector.extract_strided_slice %get3A_41 {offsets = [9], sizes = [1], strides = [1]} : vector<16xi32> to vector<1xi32>
      %squeeze3A_247 = vector.extract %slice3A_246[0] : i32 from vector<1xi32>
      %mul3A_248 = arith.constant 16 : i32
      %mul3A_249 = arith.muli %scan3A_36, %mul3A_248 : i32
      %add3A_250 = arith.constant 9 : i32
      %add3A_251 = arith.addi %mul3A_249, %add3A_250 : i32
      %dma_start3A_252 = arith.constant 0 : i32
      %dma_start3A_253 = arith.constant 0 : i32
      %dma_start3A_254 = arith.constant 0 : i32
      %dma_start3A_255 = tpu.memref_slice %arg7[%dma_start3A_252, %add3A_251, %dma_start3A_253, %dma_start3A_254] : memref<2x32x8x64xf32, #tpu.memory_space<vmem>> -> memref<1x1x8x64xf32, #tpu.memory_space<vmem>>
      %dma_start3A_256 = tpu.memref_squeeze %dma_start3A_255 : memref<1x1x8x64xf32, #tpu.memory_space<vmem>> -> memref<8x64xf32, #tpu.memory_space<vmem>>
      %dma_start3A_257 = arith.constant 0 : i32
      %dma_start3A_258 = arith.constant 0 : i32
      %dma_start3A_259 = tpu.memref_slice %arg3[%squeeze3A_247, %dma_start3A_257, %dma_start3A_258] : memref<125000x8x64xf32, #tpu.memory_space<hbm>> -> memref<1x8x64xf32, #tpu.memory_space<hbm>>
      %dma_start3A_260 = tpu.memref_squeeze %dma_start3A_259 : memref<1x8x64xf32, #tpu.memory_space<hbm>> -> memref<8x64xf32, #tpu.memory_space<hbm>>
      %dma_start3A_261 = arith.constant 0 : i32
      %dma_start3A_262 = arith.constant 0 : i32
      %dma_start3A_263 = tpu.memref_slice %arg7[%dma_start3A_252, %add3A_251, %dma_start3A_261, %dma_start3A_262] : memref<2x32x8x64xf32, #tpu.memory_space<vmem>> -> memref<1x1x8x64xf32, #tpu.memory_space<vmem>>
      %dma_start3A_264 = tpu.memref_squeeze %dma_start3A_263 : memref<1x1x8x64xf32, #tpu.memory_space<vmem>> -> memref<8x64xf32, #tpu.memory_space<vmem>>
      %dma_start3A_265 = arith.constant 0 : i32
      %dma_start3A_266 = arith.constant 0 : i32
      %dma_start3A_267 = tpu.memref_slice %arg3[%squeeze3A_247, %dma_start3A_265, %dma_start3A_266] : memref<125000x8x64xf32, #tpu.memory_space<hbm>> -> memref<1x8x64xf32, #tpu.memory_space<hbm>>
      %dma_start3A_268 = tpu.memref_squeeze %dma_start3A_267 : memref<1x8x64xf32, #tpu.memory_space<hbm>> -> memref<8x64xf32, #tpu.memory_space<hbm>>
      tpu.enqueue_dma source(%dma_start3A_268 : memref<8x64xf32, #tpu.memory_space<hbm>>) target(%dma_start3A_264 : memref<8x64xf32, #tpu.memory_space<vmem>>) target_semaphore(%arg9 : memref<!tpu.dma_semaphore, #tpu.memory_space<semaphore_mem>>)
      %slice3A_269 = vector.extract_strided_slice %get3A_41 {offsets = [10], sizes = [1], strides = [1]} : vector<16xi32> to vector<1xi32>
      %squeeze3A_270 = vector.extract %slice3A_269[0] : i32 from vector<1xi32>
      %mul3A_271 = arith.constant 16 : i32
      %mul3A_272 = arith.muli %scan3A_36, %mul3A_271 : i32
      %add3A_273 = arith.constant 10 : i32
      %add3A_274 = arith.addi %mul3A_272, %add3A_273 : i32
      %dma_start3A_275 = arith.constant 0 : i32
      %dma_start3A_276 = arith.constant 0 : i32
      %dma_start3A_277 = arith.constant 0 : i32
      %dma_start3A_278 = tpu.memref_slice %arg7[%dma_start3A_275, %add3A_274, %dma_start3A_276, %dma_start3A_277] : memref<2x32x8x64xf32, #tpu.memory_space<vmem>> -> memref<1x1x8x64xf32, #tpu.memory_space<vmem>>
      %dma_start3A_279 = tpu.memref_squeeze %dma_start3A_278 : memref<1x1x8x64xf32, #tpu.memory_space<vmem>> -> memref<8x64xf32, #tpu.memory_space<vmem>>
      %dma_start3A_280 = arith.constant 0 : i32
      %dma_start3A_281 = arith.constant 0 : i32
      %dma_start3A_282 = tpu.memref_slice %arg3[%squeeze3A_270, %dma_start3A_280, %dma_start3A_281] : memref<125000x8x64xf32, #tpu.memory_space<hbm>> -> memref<1x8x64xf32, #tpu.memory_space<hbm>>
      %dma_start3A_283 = tpu.memref_squeeze %dma_start3A_282 : memref<1x8x64xf32, #tpu.memory_space<hbm>> -> memref<8x64xf32, #tpu.memory_space<hbm>>
      %dma_start3A_284 = arith.constant 0 : i32
      %dma_start3A_285 = arith.constant 0 : i32
      %dma_start3A_286 = tpu.memref_slice %arg7[%dma_start3A_275, %add3A_274, %dma_start3A_284, %dma_start3A_285] : memref<2x32x8x64xf32, #tpu.memory_space<vmem>> -> memref<1x1x8x64xf32, #tpu.memory_space<vmem>>
      %dma_start3A_287 = tpu.memref_squeeze %dma_start3A_286 : memref<1x1x8x64xf32, #tpu.memory_space<vmem>> -> memref<8x64xf32, #tpu.memory_space<vmem>>
      %dma_start3A_288 = arith.constant 0 : i32
      %dma_start3A_289 = arith.constant 0 : i32
      %dma_start3A_290 = tpu.memref_slice %arg3[%squeeze3A_270, %dma_start3A_288, %dma_start3A_289] : memref<125000x8x64xf32, #tpu.memory_space<hbm>> -> memref<1x8x64xf32, #tpu.memory_space<hbm>>
      %dma_start3A_291 = tpu.memref_squeeze %dma_start3A_290 : memref<1x8x64xf32, #tpu.memory_space<hbm>> -> memref<8x64xf32, #tpu.memory_space<hbm>>
      tpu.enqueue_dma source(%dma_start3A_291 : memref<8x64xf32, #tpu.memory_space<hbm>>) target(%dma_start3A_287 : memref<8x64xf32, #tpu.memory_space<vmem>>) target_semaphore(%arg9 : memref<!tpu.dma_semaphore, #tpu.memory_space<semaphore_mem>>)
      %slice3A_292 = vector.extract_strided_slice %get3A_41 {offsets = [11], sizes = [1], strides = [1]} : vector<16xi32> to vector<1xi32>
      %squeeze3A_293 = vector.extract %slice3A_292[0] : i32 from vector<1xi32>
      %mul3A_294 = arith.constant 16 : i32
      %mul3A_295 = arith.muli %scan3A_36, %mul3A_294 : i32
      %add3A_296 = arith.constant 11 : i32
      %add3A_297 = arith.addi %mul3A_295, %add3A_296 : i32
      %dma_start3A_298 = arith.constant 0 : i32
      %dma_start3A_299 = arith.constant 0 : i32
      %dma_start3A_300 = arith.constant 0 : i32
      %dma_start3A_301 = tpu.memref_slice %arg7[%dma_start3A_298, %add3A_297, %dma_start3A_299, %dma_start3A_300] : memref<2x32x8x64xf32, #tpu.memory_space<vmem>> -> memref<1x1x8x64xf32, #tpu.memory_space<vmem>>
      %dma_start3A_302 = tpu.memref_squeeze %dma_start3A_301 : memref<1x1x8x64xf32, #tpu.memory_space<vmem>> -> memref<8x64xf32, #tpu.memory_space<vmem>>
      %dma_start3A_303 = arith.constant 0 : i32
      %dma_start3A_304 = arith.constant 0 : i32
      %dma_start3A_305 = tpu.memref_slice %arg3[%squeeze3A_293, %dma_start3A_303, %dma_start3A_304] : memref<125000x8x64xf32, #tpu.memory_space<hbm>> -> memref<1x8x64xf32, #tpu.memory_space<hbm>>
      %dma_start3A_306 = tpu.memref_squeeze %dma_start3A_305 : memref<1x8x64xf32, #tpu.memory_space<hbm>> -> memref<8x64xf32, #tpu.memory_space<hbm>>
      %dma_start3A_307 = arith.constant 0 : i32
      %dma_start3A_308 = arith.constant 0 : i32
      %dma_start3A_309 = tpu.memref_slice %arg7[%dma_start3A_298, %add3A_297, %dma_start3A_307, %dma_start3A_308] : memref<2x32x8x64xf32, #tpu.memory_space<vmem>> -> memref<1x1x8x64xf32, #tpu.memory_space<vmem>>
      %dma_start3A_310 = tpu.memref_squeeze %dma_start3A_309 : memref<1x1x8x64xf32, #tpu.memory_space<vmem>> -> memref<8x64xf32, #tpu.memory_space<vmem>>
      %dma_start3A_311 = arith.constant 0 : i32
      %dma_start3A_312 = arith.constant 0 : i32
      %dma_start3A_313 = tpu.memref_slice %arg3[%squeeze3A_293, %dma_start3A_311, %dma_start3A_312] : memref<125000x8x64xf32, #tpu.memory_space<hbm>> -> memref<1x8x64xf32, #tpu.memory_space<hbm>>
      %dma_start3A_314 = tpu.memref_squeeze %dma_start3A_313 : memref<1x8x64xf32, #tpu.memory_space<hbm>> -> memref<8x64xf32, #tpu.memory_space<hbm>>
      tpu.enqueue_dma source(%dma_start3A_314 : memref<8x64xf32, #tpu.memory_space<hbm>>) target(%dma_start3A_310 : memref<8x64xf32, #tpu.memory_space<vmem>>) target_semaphore(%arg9 : memref<!tpu.dma_semaphore, #tpu.memory_space<semaphore_mem>>)
      %slice3A_315 = vector.extract_strided_slice %get3A_41 {offsets = [12], sizes = [1], strides = [1]} : vector<16xi32> to vector<1xi32>
      %squeeze3A_316 = vector.extract %slice3A_315[0] : i32 from vector<1xi32>
      %mul3A_317 = arith.constant 16 : i32
      %mul3A_318 = arith.muli %scan3A_36, %mul3A_317 : i32
      %add3A_319 = arith.constant 12 : i32
      %add3A_320 = arith.addi %mul3A_318, %add3A_319 : i32
      %dma_start3A_321 = arith.constant 0 : i32
      %dma_start3A_322 = arith.constant 0 : i32
      %dma_start3A_323 = arith.constant 0 : i32
      %dma_start3A_324 = tpu.memref_slice %arg7[%dma_start3A_321, %add3A_320, %dma_start3A_322, %dma_start3A_323] : memref<2x32x8x64xf32, #tpu.memory_space<vmem>> -> memref<1x1x8x64xf32, #tpu.memory_space<vmem>>
      %dma_start3A_325 = tpu.memref_squeeze %dma_start3A_324 : memref<1x1x8x64xf32, #tpu.memory_space<vmem>> -> memref<8x64xf32, #tpu.memory_space<vmem>>
      %dma_start3A_326 = arith.constant 0 : i32
      %dma_start3A_327 = arith.constant 0 : i32
      %dma_start3A_328 = tpu.memref_slice %arg3[%squeeze3A_316, %dma_start3A_326, %dma_start3A_327] : memref<125000x8x64xf32, #tpu.memory_space<hbm>> -> memref<1x8x64xf32, #tpu.memory_space<hbm>>
      %dma_start3A_329 = tpu.memref_squeeze %dma_start3A_328 : memref<1x8x64xf32, #tpu.memory_space<hbm>> -> memref<8x64xf32, #tpu.memory_space<hbm>>
      %dma_start3A_330 = arith.constant 0 : i32
      %dma_start3A_331 = arith.constant 0 : i32
      %dma_start3A_332 = tpu.memref_slice %arg7[%dma_start3A_321, %add3A_320, %dma_start3A_330, %dma_start3A_331] : memref<2x32x8x64xf32, #tpu.memory_space<vmem>> -> memref<1x1x8x64xf32, #tpu.memory_space<vmem>>
      %dma_start3A_333 = tpu.memref_squeeze %dma_start3A_332 : memref<1x1x8x64xf32, #tpu.memory_space<vmem>> -> memref<8x64xf32, #tpu.memory_space<vmem>>
      %dma_start3A_334 = arith.constant 0 : i32
      %dma_start3A_335 = arith.constant 0 : i32
      %dma_start3A_336 = tpu.memref_slice %arg3[%squeeze3A_316, %dma_start3A_334, %dma_start3A_335] : memref<125000x8x64xf32, #tpu.memory_space<hbm>> -> memref<1x8x64xf32, #tpu.memory_space<hbm>>
      %dma_start3A_337 = tpu.memref_squeeze %dma_start3A_336 : memref<1x8x64xf32, #tpu.memory_space<hbm>> -> memref<8x64xf32, #tpu.memory_space<hbm>>
      tpu.enqueue_dma source(%dma_start3A_337 : memref<8x64xf32, #tpu.memory_space<hbm>>) target(%dma_start3A_333 : memref<8x64xf32, #tpu.memory_space<vmem>>) target_semaphore(%arg9 : memref<!tpu.dma_semaphore, #tpu.memory_space<semaphore_mem>>)
      %slice3A_338 = vector.extract_strided_slice %get3A_41 {offsets = [13], sizes = [1], strides = [1]} : vector<16xi32> to vector<1xi32>
      %squeeze3A_339 = vector.extract %slice3A_338[0] : i32 from vector<1xi32>
      %mul3A_340 = arith.constant 16 : i32
      %mul3A_341 = arith.muli %scan3A_36, %mul3A_340 : i32
      %add3A_342 = arith.constant 13 : i32
      %add3A_343 = arith.addi %mul3A_341, %add3A_342 : i32
      %dma_start3A_344 = arith.constant 0 : i32
      %dma_start3A_345 = arith.constant 0 : i32
      %dma_start3A_346 = arith.constant 0 : i32
      %dma_start3A_347 = tpu.memref_slice %arg7[%dma_start3A_344, %add3A_343, %dma_start3A_345, %dma_start3A_346] : memref<2x32x8x64xf32, #tpu.memory_space<vmem>> -> memref<1x1x8x64xf32, #tpu.memory_space<vmem>>
      %dma_start3A_348 = tpu.memref_squeeze %dma_start3A_347 : memref<1x1x8x64xf32, #tpu.memory_space<vmem>> -> memref<8x64xf32, #tpu.memory_space<vmem>>
      %dma_start3A_349 = arith.constant 0 : i32
      %dma_start3A_350 = arith.constant 0 : i32
      %dma_start3A_351 = tpu.memref_slice %arg3[%squeeze3A_339, %dma_start3A_349, %dma_start3A_350] : memref<125000x8x64xf32, #tpu.memory_space<hbm>> -> memref<1x8x64xf32, #tpu.memory_space<hbm>>
      %dma_start3A_352 = tpu.memref_squeeze %dma_start3A_351 : memref<1x8x64xf32, #tpu.memory_space<hbm>> -> memref<8x64xf32, #tpu.memory_space<hbm>>
      %dma_start3A_353 = arith.constant 0 : i32
      %dma_start3A_354 = arith.constant 0 : i32
      %dma_start3A_355 = tpu.memref_slice %arg7[%dma_start3A_344, %add3A_343, %dma_start3A_353, %dma_start3A_354] : memref<2x32x8x64xf32, #tpu.memory_space<vmem>> -> memref<1x1x8x64xf32, #tpu.memory_space<vmem>>
      %dma_start3A_356 = tpu.memref_squeeze %dma_start3A_355 : memref<1x1x8x64xf32, #tpu.memory_space<vmem>> -> memref<8x64xf32, #tpu.memory_space<vmem>>
      %dma_start3A_357 = arith.constant 0 : i32
      %dma_start3A_358 = arith.constant 0 : i32
      %dma_start3A_359 = tpu.memref_slice %arg3[%squeeze3A_339, %dma_start3A_357, %dma_start3A_358] : memref<125000x8x64xf32, #tpu.memory_space<hbm>> -> memref<1x8x64xf32, #tpu.memory_space<hbm>>
      %dma_start3A_360 = tpu.memref_squeeze %dma_start3A_359 : memref<1x8x64xf32, #tpu.memory_space<hbm>> -> memref<8x64xf32, #tpu.memory_space<hbm>>
      tpu.enqueue_dma source(%dma_start3A_360 : memref<8x64xf32, #tpu.memory_space<hbm>>) target(%dma_start3A_356 : memref<8x64xf32, #tpu.memory_space<vmem>>) target_semaphore(%arg9 : memref<!tpu.dma_semaphore, #tpu.memory_space<semaphore_mem>>)
      %slice3A_361 = vector.extract_strided_slice %get3A_41 {offsets = [14], sizes = [1], strides = [1]} : vector<16xi32> to vector<1xi32>
      %squeeze3A_362 = vector.extract %slice3A_361[0] : i32 from vector<1xi32>
      %mul3A_363 = arith.constant 16 : i32
      %mul3A_364 = arith.muli %scan3A_36, %mul3A_363 : i32
      %add3A_365 = arith.constant 14 : i32
      %add3A_366 = arith.addi %mul3A_364, %add3A_365 : i32
      %dma_start3A_367 = arith.constant 0 : i32
      %dma_start3A_368 = arith.constant 0 : i32
      %dma_start3A_369 = arith.constant 0 : i32
      %dma_start3A_370 = tpu.memref_slice %arg7[%dma_start3A_367, %add3A_366, %dma_start3A_368, %dma_start3A_369] : memref<2x32x8x64xf32, #tpu.memory_space<vmem>> -> memref<1x1x8x64xf32, #tpu.memory_space<vmem>>
      %dma_start3A_371 = tpu.memref_squeeze %dma_start3A_370 : memref<1x1x8x64xf32, #tpu.memory_space<vmem>> -> memref<8x64xf32, #tpu.memory_space<vmem>>
      %dma_start3A_372 = arith.constant 0 : i32
      %dma_start3A_373 = arith.constant 0 : i32
      %dma_start3A_374 = tpu.memref_slice %arg3[%squeeze3A_362, %dma_start3A_372, %dma_start3A_373] : memref<125000x8x64xf32, #tpu.memory_space<hbm>> -> memref<1x8x64xf32, #tpu.memory_space<hbm>>
      %dma_start3A_375 = tpu.memref_squeeze %dma_start3A_374 : memref<1x8x64xf32, #tpu.memory_space<hbm>> -> memref<8x64xf32, #tpu.memory_space<hbm>>
      %dma_start3A_376 = arith.constant 0 : i32
      %dma_start3A_377 = arith.constant 0 : i32
      %dma_start3A_378 = tpu.memref_slice %arg7[%dma_start3A_367, %add3A_366, %dma_start3A_376, %dma_start3A_377] : memref<2x32x8x64xf32, #tpu.memory_space<vmem>> -> memref<1x1x8x64xf32, #tpu.memory_space<vmem>>
      %dma_start3A_379 = tpu.memref_squeeze %dma_start3A_378 : memref<1x1x8x64xf32, #tpu.memory_space<vmem>> -> memref<8x64xf32, #tpu.memory_space<vmem>>
      %dma_start3A_380 = arith.constant 0 : i32
      %dma_start3A_381 = arith.constant 0 : i32
      %dma_start3A_382 = tpu.memref_slice %arg3[%squeeze3A_362, %dma_start3A_380, %dma_start3A_381] : memref<125000x8x64xf32, #tpu.memory_space<hbm>> -> memref<1x8x64xf32, #tpu.memory_space<hbm>>
      %dma_start3A_383 = tpu.memref_squeeze %dma_start3A_382 : memref<1x8x64xf32, #tpu.memory_space<hbm>> -> memref<8x64xf32, #tpu.memory_space<hbm>>
      tpu.enqueue_dma source(%dma_start3A_383 : memref<8x64xf32, #tpu.memory_space<hbm>>) target(%dma_start3A_379 : memref<8x64xf32, #tpu.memory_space<vmem>>) target_semaphore(%arg9 : memref<!tpu.dma_semaphore, #tpu.memory_space<semaphore_mem>>)
      %slice3A_384 = vector.extract_strided_slice %get3A_41 {offsets = [15], sizes = [1], strides = [1]} : vector<16xi32> to vector<1xi32>
      %squeeze3A_385 = vector.extract %slice3A_384[0] : i32 from vector<1xi32>
      %mul3A_386 = arith.constant 16 : i32
      %mul3A_387 = arith.muli %scan3A_36, %mul3A_386 : i32
      %add3A_388 = arith.constant 15 : i32
      %add3A_389 = arith.addi %mul3A_387, %add3A_388 : i32
      %dma_start3A_390 = arith.constant 0 : i32
      %dma_start3A_391 = arith.constant 0 : i32
      %dma_start3A_392 = arith.constant 0 : i32
      %dma_start3A_393 = tpu.memref_slice %arg7[%dma_start3A_390, %add3A_389, %dma_start3A_391, %dma_start3A_392] : memref<2x32x8x64xf32, #tpu.memory_space<vmem>> -> memref<1x1x8x64xf32, #tpu.memory_space<vmem>>
      %dma_start3A_394 = tpu.memref_squeeze %dma_start3A_393 : memref<1x1x8x64xf32, #tpu.memory_space<vmem>> -> memref<8x64xf32, #tpu.memory_space<vmem>>
      %dma_start3A_395 = arith.constant 0 : i32
      %dma_start3A_396 = arith.constant 0 : i32
      %dma_start3A_397 = tpu.memref_slice %arg3[%squeeze3A_385, %dma_start3A_395, %dma_start3A_396] : memref<125000x8x64xf32, #tpu.memory_space<hbm>> -> memref<1x8x64xf32, #tpu.memory_space<hbm>>
      %dma_start3A_398 = tpu.memref_squeeze %dma_start3A_397 : memref<1x8x64xf32, #tpu.memory_space<hbm>> -> memref<8x64xf32, #tpu.memory_space<hbm>>
      %dma_start3A_399 = arith.constant 0 : i32
      %dma_start3A_400 = arith.constant 0 : i32
      %dma_start3A_401 = tpu.memref_slice %arg7[%dma_start3A_390, %add3A_389, %dma_start3A_399, %dma_start3A_400] : memref<2x32x8x64xf32, #tpu.memory_space<vmem>> -> memref<1x1x8x64xf32, #tpu.memory_space<vmem>>
      %dma_start3A_402 = tpu.memref_squeeze %dma_start3A_401 : memref<1x1x8x64xf32, #tpu.memory_space<vmem>> -> memref<8x64xf32, #tpu.memory_space<vmem>>
      %dma_start3A_403 = arith.constant 0 : i32
      %dma_start3A_404 = arith.constant 0 : i32
      %dma_start3A_405 = tpu.memref_slice %arg3[%squeeze3A_385, %dma_start3A_403, %dma_start3A_404] : memref<125000x8x64xf32, #tpu.memory_space<hbm>> -> memref<1x8x64xf32, #tpu.memory_space<hbm>>
      %dma_start3A_406 = tpu.memref_squeeze %dma_start3A_405 : memref<1x8x64xf32, #tpu.memory_space<hbm>> -> memref<8x64xf32, #tpu.memory_space<hbm>>
      tpu.enqueue_dma source(%dma_start3A_406 : memref<8x64xf32, #tpu.memory_space<hbm>>) target(%dma_start3A_402 : memref<8x64xf32, #tpu.memory_space<vmem>>) target_semaphore(%arg9 : memref<!tpu.dma_semaphore, #tpu.memory_space<semaphore_mem>>)
    }
    %scan3A_13 = arith.constant 2 : i32
    %scan3A_14 = arith.constant 0 : i32
    %scan3A_15 = arith.constant 0 : i32
    %scan3A_16 = arith.constant 8 : i32
    %scan3A_17 = arith.addi %scan3A_15, %scan3A_16 : i32
    %scan3A_18 = arith.constant 1 : i32
    scf.for %scan3A_36 = %scan3A_15 to %scan3A_17 step %scan3A_18  : i32 {
      %mul3A_37 = arith.constant 2 : i32
      %mul3A_38 = arith.muli %mul3A_37, %scan3A_36 : i32
      %add3A_39 = arith.constant 1 : i32
      %add3A_40 = arith.addi %mul3A_38, %add3A_39 : i32
      %scan3A_41 = arith.constant 0 : i32
      %scan3A_42 = arith.constant 0 : i32
      %scan3A_43 = arith.constant 2 : i32
      %scan3A_44 = arith.addi %scan3A_42, %scan3A_43 : i32
      %scan3A_45 = arith.constant 1 : i32
      scf.for %scan3A_102 = %scan3A_42 to %scan3A_44 step %scan3A_45  : i32 {
        %mul3A_103 = arith.constant 32 : i32
        %mul3A_104 = arith.muli %add3A_40, %mul3A_103 : i32
        %mul3A_105 = arith.constant 16 : i32
        %mul3A_106 = arith.muli %scan3A_102, %mul3A_105 : i32
        %add3A_107 = arith.addi %mul3A_104, %mul3A_106 : i32
        %get3A = arith.index_cast %add3A_107 : i32 to index
        %get3A_108 = tpu.vector_load %arg6[%get3A] {strides = array<i32>} : memref<512xi32, #tpu.memory_space<vmem>>, vector<16xi32>,
        %slice3A = vector.extract_strided_slice %get3A_108 {offsets = [0], sizes = [1], strides = [1]} : vector<16xi32> to vector<1xi32>
        %squeeze3A = vector.extract %slice3A[0] : i32 from vector<1xi32>
        %mul3A_109 = arith.constant 16 : i32
        %mul3A_110 = arith.muli %scan3A_102, %mul3A_109 : i32
        %add3A_111 = arith.constant 0 : i32
        %add3A_112 = arith.addi %mul3A_110, %add3A_111 : i32
        %dma_start3A = arith.constant 1 : i32
        %dma_start3A_113 = arith.constant 0 : i32
        %dma_start3A_114 = arith.constant 0 : i32
        %dma_start3A_115 = tpu.memref_slice %arg7[%dma_start3A, %add3A_112, %dma_start3A_113, %dma_start3A_114] : memref<2x32x8x64xf32, #tpu.memory_space<vmem>> -> memref<1x1x8x64xf32, #tpu.memory_space<vmem>>
        %dma_start3A_116 = tpu.memref_squeeze %dma_start3A_115 : memref<1x1x8x64xf32, #tpu.memory_space<vmem>> -> memref<8x64xf32, #tpu.memory_space<vmem>>
        %dma_start3A_117 = arith.constant 0 : i32
        %dma_start3A_118 = arith.constant 0 : i32
        %dma_start3A_119 = tpu.memref_slice %arg3[%squeeze3A, %dma_start3A_117, %dma_start3A_118] : memref<125000x8x64xf32, #tpu.memory_space<hbm>> -> memref<1x8x64xf32, #tpu.memory_space<hbm>>
        %dma_start3A_120 = tpu.memref_squeeze %dma_start3A_119 : memref<1x8x64xf32, #tpu.memory_space<hbm>> -> memref<8x64xf32, #tpu.memory_space<hbm>>
        %dma_start3A_121 = arith.constant 0 : i32
        %dma_start3A_122 = arith.constant 0 : i32
        %dma_start3A_123 = tpu.memref_slice %arg7[%dma_start3A, %add3A_112, %dma_start3A_121, %dma_start3A_122] : memref<2x32x8x64xf32, #tpu.memory_space<vmem>> -> memref<1x1x8x64xf32, #tpu.memory_space<vmem>>
        %dma_start3A_124 = tpu.memref_squeeze %dma_start3A_123 : memref<1x1x8x64xf32, #tpu.memory_space<vmem>> -> memref<8x64xf32, #tpu.memory_space<vmem>>
        %dma_start3A_125 = arith.constant 0 : i32
        %dma_start3A_126 = arith.constant 0 : i32
        %dma_start3A_127 = tpu.memref_slice %arg3[%squeeze3A, %dma_start3A_125, %dma_start3A_126] : memref<125000x8x64xf32, #tpu.memory_space<hbm>> -> memref<1x8x64xf32, #tpu.memory_space<hbm>>
        %dma_start3A_128 = tpu.memref_squeeze %dma_start3A_127 : memref<1x8x64xf32, #tpu.memory_space<hbm>> -> memref<8x64xf32, #tpu.memory_space<hbm>>
        tpu.enqueue_dma source(%dma_start3A_128 : memref<8x64xf32, #tpu.memory_space<hbm>>) target(%dma_start3A_124 : memref<8x64xf32, #tpu.memory_space<vmem>>) target_semaphore(%arg10 : memref<!tpu.dma_semaphore, #tpu.memory_space<semaphore_mem>>)
        %slice3A_129 = vector.extract_strided_slice %get3A_108 {offsets = [1], sizes = [1], strides = [1]} : vector<16xi32> to vector<1xi32>
        %squeeze3A_130 = vector.extract %slice3A_129[0] : i32 from vector<1xi32>
        %mul3A_131 = arith.constant 16 : i32
        %mul3A_132 = arith.muli %scan3A_102, %mul3A_131 : i32
        %add3A_133 = arith.constant 1 : i32
        %add3A_134 = arith.addi %mul3A_132, %add3A_133 : i32
        %dma_start3A_135 = arith.constant 1 : i32
        %dma_start3A_136 = arith.constant 0 : i32
        %dma_start3A_137 = arith.constant 0 : i32
        %dma_start3A_138 = tpu.memref_slice %arg7[%dma_start3A_135, %add3A_134, %dma_start3A_136, %dma_start3A_137] : memref<2x32x8x64xf32, #tpu.memory_space<vmem>> -> memref<1x1x8x64xf32, #tpu.memory_space<vmem>>
        %dma_start3A_139 = tpu.memref_squeeze %dma_start3A_138 : memref<1x1x8x64xf32, #tpu.memory_space<vmem>> -> memref<8x64xf32, #tpu.memory_space<vmem>>
        %dma_start3A_140 = arith.constant 0 : i32
        %dma_start3A_141 = arith.constant 0 : i32
        %dma_start3A_142 = tpu.memref_slice %arg3[%squeeze3A_130, %dma_start3A_140, %dma_start3A_141] : memref<125000x8x64xf32, #tpu.memory_space<hbm>> -> memref<1x8x64xf32, #tpu.memory_space<hbm>>
        %dma_start3A_143 = tpu.memref_squeeze %dma_start3A_142 : memref<1x8x64xf32, #tpu.memory_space<hbm>> -> memref<8x64xf32, #tpu.memory_space<hbm>>
        %dma_start3A_144 = arith.constant 0 : i32
        %dma_start3A_145 = arith.constant 0 : i32
        %dma_start3A_146 = tpu.memref_slice %arg7[%dma_start3A_135, %add3A_134, %dma_start3A_144, %dma_start3A_145] : memref<2x32x8x64xf32, #tpu.memory_space<vmem>> -> memref<1x1x8x64xf32, #tpu.memory_space<vmem>>
        %dma_start3A_147 = tpu.memref_squeeze %dma_start3A_146 : memref<1x1x8x64xf32, #tpu.memory_space<vmem>> -> memref<8x64xf32, #tpu.memory_space<vmem>>
        %dma_start3A_148 = arith.constant 0 : i32
        %dma_start3A_149 = arith.constant 0 : i32
        %dma_start3A_150 = tpu.memref_slice %arg3[%squeeze3A_130, %dma_start3A_148, %dma_start3A_149] : memref<125000x8x64xf32, #tpu.memory_space<hbm>> -> memref<1x8x64xf32, #tpu.memory_space<hbm>>
        %dma_start3A_151 = tpu.memref_squeeze %dma_start3A_150 : memref<1x8x64xf32, #tpu.memory_space<hbm>> -> memref<8x64xf32, #tpu.memory_space<hbm>>
        tpu.enqueue_dma source(%dma_start3A_151 : memref<8x64xf32, #tpu.memory_space<hbm>>) target(%dma_start3A_147 : memref<8x64xf32, #tpu.memory_space<vmem>>) target_semaphore(%arg10 : memref<!tpu.dma_semaphore, #tpu.memory_space<semaphore_mem>>)
        %slice3A_152 = vector.extract_strided_slice %get3A_108 {offsets = [2], sizes = [1], strides = [1]} : vector<16xi32> to vector<1xi32>
        %squeeze3A_153 = vector.extract %slice3A_152[0] : i32 from vector<1xi32>
        %mul3A_154 = arith.constant 16 : i32
        %mul3A_155 = arith.muli %scan3A_102, %mul3A_154 : i32
        %add3A_156 = arith.constant 2 : i32
        %add3A_157 = arith.addi %mul3A_155, %add3A_156 : i32
        %dma_start3A_158 = arith.constant 1 : i32
        %dma_start3A_159 = arith.constant 0 : i32
        %dma_start3A_160 = arith.constant 0 : i32
        %dma_start3A_161 = tpu.memref_slice %arg7[%dma_start3A_158, %add3A_157, %dma_start3A_159, %dma_start3A_160] : memref<2x32x8x64xf32, #tpu.memory_space<vmem>> -> memref<1x1x8x64xf32, #tpu.memory_space<vmem>>
        %dma_start3A_162 = tpu.memref_squeeze %dma_start3A_161 : memref<1x1x8x64xf32, #tpu.memory_space<vmem>> -> memref<8x64xf32, #tpu.memory_space<vmem>>
        %dma_start3A_163 = arith.constant 0 : i32
        %dma_start3A_164 = arith.constant 0 : i32
        %dma_start3A_165 = tpu.memref_slice %arg3[%squeeze3A_153, %dma_start3A_163, %dma_start3A_164] : memref<125000x8x64xf32, #tpu.memory_space<hbm>> -> memref<1x8x64xf32, #tpu.memory_space<hbm>>
        %dma_start3A_166 = tpu.memref_squeeze %dma_start3A_165 : memref<1x8x64xf32, #tpu.memory_space<hbm>> -> memref<8x64xf32, #tpu.memory_space<hbm>>
        %dma_start3A_167 = arith.constant 0 : i32
        %dma_start3A_168 = arith.constant 0 : i32
        %dma_start3A_169 = tpu.memref_slice %arg7[%dma_start3A_158, %add3A_157, %dma_start3A_167, %dma_start3A_168] : memref<2x32x8x64xf32, #tpu.memory_space<vmem>> -> memref<1x1x8x64xf32, #tpu.memory_space<vmem>>
        %dma_start3A_170 = tpu.memref_squeeze %dma_start3A_169 : memref<1x1x8x64xf32, #tpu.memory_space<vmem>> -> memref<8x64xf32, #tpu.memory_space<vmem>>
        %dma_start3A_171 = arith.constant 0 : i32
        %dma_start3A_172 = arith.constant 0 : i32
        %dma_start3A_173 = tpu.memref_slice %arg3[%squeeze3A_153, %dma_start3A_171, %dma_start3A_172] : memref<125000x8x64xf32, #tpu.memory_space<hbm>> -> memref<1x8x64xf32, #tpu.memory_space<hbm>>
        %dma_start3A_174 = tpu.memref_squeeze %dma_start3A_173 : memref<1x8x64xf32, #tpu.memory_space<hbm>> -> memref<8x64xf32, #tpu.memory_space<hbm>>
        tpu.enqueue_dma source(%dma_start3A_174 : memref<8x64xf32, #tpu.memory_space<hbm>>) target(%dma_start3A_170 : memref<8x64xf32, #tpu.memory_space<vmem>>) target_semaphore(%arg10 : memref<!tpu.dma_semaphore, #tpu.memory_space<semaphore_mem>>)
        %slice3A_175 = vector.extract_strided_slice %get3A_108 {offsets = [3], sizes = [1], strides = [1]} : vector<16xi32> to vector<1xi32>
        %squeeze3A_176 = vector.extract %slice3A_175[0] : i32 from vector<1xi32>
        %mul3A_177 = arith.constant 16 : i32
        %mul3A_178 = arith.muli %scan3A_102, %mul3A_177 : i32
        %add3A_179 = arith.constant 3 : i32
        %add3A_180 = arith.addi %mul3A_178, %add3A_179 : i32
        %dma_start3A_181 = arith.constant 1 : i32
        %dma_start3A_182 = arith.constant 0 : i32
        %dma_start3A_183 = arith.constant 0 : i32
        %dma_start3A_184 = tpu.memref_slice %arg7[%dma_start3A_181, %add3A_180, %dma_start3A_182, %dma_start3A_183] : memref<2x32x8x64xf32, #tpu.memory_space<vmem>> -> memref<1x1x8x64xf32, #tpu.memory_space<vmem>>
        %dma_start3A_185 = tpu.memref_squeeze %dma_start3A_184 : memref<1x1x8x64xf32, #tpu.memory_space<vmem>> -> memref<8x64xf32, #tpu.memory_space<vmem>>
        %dma_start3A_186 = arith.constant 0 : i32
        %dma_start3A_187 = arith.constant 0 : i32
        %dma_start3A_188 = tpu.memref_slice %arg3[%squeeze3A_176, %dma_start3A_186, %dma_start3A_187] : memref<125000x8x64xf32, #tpu.memory_space<hbm>> -> memref<1x8x64xf32, #tpu.memory_space<hbm>>
        %dma_start3A_189 = tpu.memref_squeeze %dma_start3A_188 : memref<1x8x64xf32, #tpu.memory_space<hbm>> -> memref<8x64xf32, #tpu.memory_space<hbm>>
        %dma_start3A_190 = arith.constant 0 : i32
        %dma_start3A_191 = arith.constant 0 : i32
        %dma_start3A_192 = tpu.memref_slice %arg7[%dma_start3A_181, %add3A_180, %dma_start3A_190, %dma_start3A_191] : memref<2x32x8x64xf32, #tpu.memory_space<vmem>> -> memref<1x1x8x64xf32, #tpu.memory_space<vmem>>
        %dma_start3A_193 = tpu.memref_squeeze %dma_start3A_192 : memref<1x1x8x64xf32, #tpu.memory_space<vmem>> -> memref<8x64xf32, #tpu.memory_space<vmem>>
        %dma_start3A_194 = arith.constant 0 : i32
        %dma_start3A_195 = arith.constant 0 : i32
        %dma_start3A_196 = tpu.memref_slice %arg3[%squeeze3A_176, %dma_start3A_194, %dma_start3A_195] : memref<125000x8x64xf32, #tpu.memory_space<hbm>> -> memref<1x8x64xf32, #tpu.memory_space<hbm>>
        %dma_start3A_197 = tpu.memref_squeeze %dma_start3A_196 : memref<1x8x64xf32, #tpu.memory_space<hbm>> -> memref<8x64xf32, #tpu.memory_space<hbm>>
        tpu.enqueue_dma source(%dma_start3A_197 : memref<8x64xf32, #tpu.memory_space<hbm>>) target(%dma_start3A_193 : memref<8x64xf32, #tpu.memory_space<vmem>>) target_semaphore(%arg10 : memref<!tpu.dma_semaphore, #tpu.memory_space<semaphore_mem>>)
        %slice3A_198 = vector.extract_strided_slice %get3A_108 {offsets = [4], sizes = [1], strides = [1]} : vector<16xi32> to vector<1xi32>
        %squeeze3A_199 = vector.extract %slice3A_198[0] : i32 from vector<1xi32>
        %mul3A_200 = arith.constant 16 : i32
        %mul3A_201 = arith.muli %scan3A_102, %mul3A_200 : i32
        %add3A_202 = arith.constant 4 : i32
        %add3A_203 = arith.addi %mul3A_201, %add3A_202 : i32
        %dma_start3A_204 = arith.constant 1 : i32
        %dma_start3A_205 = arith.constant 0 : i32
        %dma_start3A_206 = arith.constant 0 : i32
        %dma_start3A_207 = tpu.memref_slice %arg7[%dma_start3A_204, %add3A_203, %dma_start3A_205, %dma_start3A_206] : memref<2x32x8x64xf32, #tpu.memory_space<vmem>> -> memref<1x1x8x64xf32, #tpu.memory_space<vmem>>
        %dma_start3A_208 = tpu.memref_squeeze %dma_start3A_207 : memref<1x1x8x64xf32, #tpu.memory_space<vmem>> -> memref<8x64xf32, #tpu.memory_space<vmem>>
        %dma_start3A_209 = arith.constant 0 : i32
        %dma_start3A_210 = arith.constant 0 : i32
        %dma_start3A_211 = tpu.memref_slice %arg3[%squeeze3A_199, %dma_start3A_209, %dma_start3A_210] : memref<125000x8x64xf32, #tpu.memory_space<hbm>> -> memref<1x8x64xf32, #tpu.memory_space<hbm>>
        %dma_start3A_212 = tpu.memref_squeeze %dma_start3A_211 : memref<1x8x64xf32, #tpu.memory_space<hbm>> -> memref<8x64xf32, #tpu.memory_space<hbm>>
        %dma_start3A_213 = arith.constant 0 : i32
        %dma_start3A_214 = arith.constant 0 : i32
        %dma_start3A_215 = tpu.memref_slice %arg7[%dma_start3A_204, %add3A_203, %dma_start3A_213, %dma_start3A_214] : memref<2x32x8x64xf32, #tpu.memory_space<vmem>> -> memref<1x1x8x64xf32, #tpu.memory_space<vmem>>
        %dma_start3A_216 = tpu.memref_squeeze %dma_start3A_215 : memref<1x1x8x64xf32, #tpu.memory_space<vmem>> -> memref<8x64xf32, #tpu.memory_space<vmem>>
        %dma_start3A_217 = arith.constant 0 : i32
        %dma_start3A_218 = arith.constant 0 : i32
        %dma_start3A_219 = tpu.memref_slice %arg3[%squeeze3A_199, %dma_start3A_217, %dma_start3A_218] : memref<125000x8x64xf32, #tpu.memory_space<hbm>> -> memref<1x8x64xf32, #tpu.memory_space<hbm>>
        %dma_start3A_220 = tpu.memref_squeeze %dma_start3A_219 : memref<1x8x64xf32, #tpu.memory_space<hbm>> -> memref<8x64xf32, #tpu.memory_space<hbm>>
        tpu.enqueue_dma source(%dma_start3A_220 : memref<8x64xf32, #tpu.memory_space<hbm>>) target(%dma_start3A_216 : memref<8x64xf32, #tpu.memory_space<vmem>>) target_semaphore(%arg10 : memref<!tpu.dma_semaphore, #tpu.memory_space<semaphore_mem>>)
        %slice3A_221 = vector.extract_strided_slice %get3A_108 {offsets = [5], sizes = [1], strides = [1]} : vector<16xi32> to vector<1xi32>
        %squeeze3A_222 = vector.extract %slice3A_221[0] : i32 from vector<1xi32>
        %mul3A_223 = arith.constant 16 : i32
        %mul3A_224 = arith.muli %scan3A_102, %mul3A_223 : i32
        %add3A_225 = arith.constant 5 : i32
        %add3A_226 = arith.addi %mul3A_224, %add3A_225 : i32
        %dma_start3A_227 = arith.constant 1 : i32
        %dma_start3A_228 = arith.constant 0 : i32
        %dma_start3A_229 = arith.constant 0 : i32
        %dma_start3A_230 = tpu.memref_slice %arg7[%dma_start3A_227, %add3A_226, %dma_start3A_228, %dma_start3A_229] : memref<2x32x8x64xf32, #tpu.memory_space<vmem>> -> memref<1x1x8x64xf32, #tpu.memory_space<vmem>>
        %dma_start3A_231 = tpu.memref_squeeze %dma_start3A_230 : memref<1x1x8x64xf32, #tpu.memory_space<vmem>> -> memref<8x64xf32, #tpu.memory_space<vmem>>
        %dma_start3A_232 = arith.constant 0 : i32
        %dma_start3A_233 = arith.constant 0 : i32
        %dma_start3A_234 = tpu.memref_slice %arg3[%squeeze3A_222, %dma_start3A_232, %dma_start3A_233] : memref<125000x8x64xf32, #tpu.memory_space<hbm>> -> memref<1x8x64xf32, #tpu.memory_space<hbm>>
        %dma_start3A_235 = tpu.memref_squeeze %dma_start3A_234 : memref<1x8x64xf32, #tpu.memory_space<hbm>> -> memref<8x64xf32, #tpu.memory_space<hbm>>
        %dma_start3A_236 = arith.constant 0 : i32
        %dma_start3A_237 = arith.constant 0 : i32
        %dma_start3A_238 = tpu.memref_slice %arg7[%dma_start3A_227, %add3A_226, %dma_start3A_236, %dma_start3A_237] : memref<2x32x8x64xf32, #tpu.memory_space<vmem>> -> memref<1x1x8x64xf32, #tpu.memory_space<vmem>>
        %dma_start3A_239 = tpu.memref_squeeze %dma_start3A_238 : memref<1x1x8x64xf32, #tpu.memory_space<vmem>> -> memref<8x64xf32, #tpu.memory_space<vmem>>
        %dma_start3A_240 = arith.constant 0 : i32
        %dma_start3A_241 = arith.constant 0 : i32
        %dma_start3A_242 = tpu.memref_slice %arg3[%squeeze3A_222, %dma_start3A_240, %dma_start3A_241] : memref<125000x8x64xf32, #tpu.memory_space<hbm>> -> memref<1x8x64xf32, #tpu.memory_space<hbm>>
        %dma_start3A_243 = tpu.memref_squeeze %dma_start3A_242 : memref<1x8x64xf32, #tpu.memory_space<hbm>> -> memref<8x64xf32, #tpu.memory_space<hbm>>
        tpu.enqueue_dma source(%dma_start3A_243 : memref<8x64xf32, #tpu.memory_space<hbm>>) target(%dma_start3A_239 : memref<8x64xf32, #tpu.memory_space<vmem>>) target_semaphore(%arg10 : memref<!tpu.dma_semaphore, #tpu.memory_space<semaphore_mem>>)
        %slice3A_244 = vector.extract_strided_slice %get3A_108 {offsets = [6], sizes = [1], strides = [1]} : vector<16xi32> to vector<1xi32>
        %squeeze3A_245 = vector.extract %slice3A_244[0] : i32 from vector<1xi32>
        %mul3A_246 = arith.constant 16 : i32
        %mul3A_247 = arith.muli %scan3A_102, %mul3A_246 : i32
        %add3A_248 = arith.constant 6 : i32
        %add3A_249 = arith.addi %mul3A_247, %add3A_248 : i32
        %dma_start3A_250 = arith.constant 1 : i32
        %dma_start3A_251 = arith.constant 0 : i32
        %dma_start3A_252 = arith.constant 0 : i32
        %dma_start3A_253 = tpu.memref_slice %arg7[%dma_start3A_250, %add3A_249, %dma_start3A_251, %dma_start3A_252] : memref<2x32x8x64xf32, #tpu.memory_space<vmem>> -> memref<1x1x8x64xf32, #tpu.memory_space<vmem>>
        %dma_start3A_254 = tpu.memref_squeeze %dma_start3A_253 : memref<1x1x8x64xf32, #tpu.memory_space<vmem>> -> memref<8x64xf32, #tpu.memory_space<vmem>>
        %dma_start3A_255 = arith.constant 0 : i32
        %dma_start3A_256 = arith.constant 0 : i32
        %dma_start3A_257 = tpu.memref_slice %arg3[%squeeze3A_245, %dma_start3A_255, %dma_start3A_256] : memref<125000x8x64xf32, #tpu.memory_space<hbm>> -> memref<1x8x64xf32, #tpu.memory_space<hbm>>
        %dma_start3A_258 = tpu.memref_squeeze %dma_start3A_257 : memref<1x8x64xf32, #tpu.memory_space<hbm>> -> memref<8x64xf32, #tpu.memory_space<hbm>>
        %dma_start3A_259 = arith.constant 0 : i32
        %dma_start3A_260 = arith.constant 0 : i32
        %dma_start3A_261 = tpu.memref_slice %arg7[%dma_start3A_250, %add3A_249, %dma_start3A_259, %dma_start3A_260] : memref<2x32x8x64xf32, #tpu.memory_space<vmem>> -> memref<1x1x8x64xf32, #tpu.memory_space<vmem>>
        %dma_start3A_262 = tpu.memref_squeeze %dma_start3A_261 : memref<1x1x8x64xf32, #tpu.memory_space<vmem>> -> memref<8x64xf32, #tpu.memory_space<vmem>>
        %dma_start3A_263 = arith.constant 0 : i32
        %dma_start3A_264 = arith.constant 0 : i32
        %dma_start3A_265 = tpu.memref_slice %arg3[%squeeze3A_245, %dma_start3A_263, %dma_start3A_264] : memref<125000x8x64xf32, #tpu.memory_space<hbm>> -> memref<1x8x64xf32, #tpu.memory_space<hbm>>
        %dma_start3A_266 = tpu.memref_squeeze %dma_start3A_265 : memref<1x8x64xf32, #tpu.memory_space<hbm>> -> memref<8x64xf32, #tpu.memory_space<hbm>>
        tpu.enqueue_dma source(%dma_start3A_266 : memref<8x64xf32, #tpu.memory_space<hbm>>) target(%dma_start3A_262 : memref<8x64xf32, #tpu.memory_space<vmem>>) target_semaphore(%arg10 : memref<!tpu.dma_semaphore, #tpu.memory_space<semaphore_mem>>)
        %slice3A_267 = vector.extract_strided_slice %get3A_108 {offsets = [7], sizes = [1], strides = [1]} : vector<16xi32> to vector<1xi32>
        %squeeze3A_268 = vector.extract %slice3A_267[0] : i32 from vector<1xi32>
        %mul3A_269 = arith.constant 16 : i32
        %mul3A_270 = arith.muli %scan3A_102, %mul3A_269 : i32
        %add3A_271 = arith.constant 7 : i32
        %add3A_272 = arith.addi %mul3A_270, %add3A_271 : i32
        %dma_start3A_273 = arith.constant 1 : i32
        %dma_start3A_274 = arith.constant 0 : i32
        %dma_start3A_275 = arith.constant 0 : i32
        %dma_start3A_276 = tpu.memref_slice %arg7[%dma_start3A_273, %add3A_272, %dma_start3A_274, %dma_start3A_275] : memref<2x32x8x64xf32, #tpu.memory_space<vmem>> -> memref<1x1x8x64xf32, #tpu.memory_space<vmem>>
        %dma_start3A_277 = tpu.memref_squeeze %dma_start3A_276 : memref<1x1x8x64xf32, #tpu.memory_space<vmem>> -> memref<8x64xf32, #tpu.memory_space<vmem>>
        %dma_start3A_278 = arith.constant 0 : i32
        %dma_start3A_279 = arith.constant 0 : i32
        %dma_start3A_280 = tpu.memref_slice %arg3[%squeeze3A_268, %dma_start3A_278, %dma_start3A_279] : memref<125000x8x64xf32, #tpu.memory_space<hbm>> -> memref<1x8x64xf32, #tpu.memory_space<hbm>>
        %dma_start3A_281 = tpu.memref_squeeze %dma_start3A_280 : memref<1x8x64xf32, #tpu.memory_space<hbm>> -> memref<8x64xf32, #tpu.memory_space<hbm>>
        %dma_start3A_282 = arith.constant 0 : i32
        %dma_start3A_283 = arith.constant 0 : i32
        %dma_start3A_284 = tpu.memref_slice %arg7[%dma_start3A_273, %add3A_272, %dma_start3A_282, %dma_start3A_283] : memref<2x32x8x64xf32, #tpu.memory_space<vmem>> -> memref<1x1x8x64xf32, #tpu.memory_space<vmem>>
        %dma_start3A_285 = tpu.memref_squeeze %dma_start3A_284 : memref<1x1x8x64xf32, #tpu.memory_space<vmem>> -> memref<8x64xf32, #tpu.memory_space<vmem>>
        %dma_start3A_286 = arith.constant 0 : i32
        %dma_start3A_287 = arith.constant 0 : i32
        %dma_start3A_288 = tpu.memref_slice %arg3[%squeeze3A_268, %dma_start3A_286, %dma_start3A_287] : memref<125000x8x64xf32, #tpu.memory_space<hbm>> -> memref<1x8x64xf32, #tpu.memory_space<hbm>>
        %dma_start3A_289 = tpu.memref_squeeze %dma_start3A_288 : memref<1x8x64xf32, #tpu.memory_space<hbm>> -> memref<8x64xf32, #tpu.memory_space<hbm>>
        tpu.enqueue_dma source(%dma_start3A_289 : memref<8x64xf32, #tpu.memory_space<hbm>>) target(%dma_start3A_285 : memref<8x64xf32, #tpu.memory_space<vmem>>) target_semaphore(%arg10 : memref<!tpu.dma_semaphore, #tpu.memory_space<semaphore_mem>>)
        %slice3A_290 = vector.extract_strided_slice %get3A_108 {offsets = [8], sizes = [1], strides = [1]} : vector<16xi32> to vector<1xi32>
        %squeeze3A_291 = vector.extract %slice3A_290[0] : i32 from vector<1xi32>
        %mul3A_292 = arith.constant 16 : i32
        %mul3A_293 = arith.muli %scan3A_102, %mul3A_292 : i32
        %add3A_294 = arith.constant 8 : i32
        %add3A_295 = arith.addi %mul3A_293, %add3A_294 : i32
        %dma_start3A_296 = arith.constant 1 : i32
        %dma_start3A_297 = arith.constant 0 : i32
        %dma_start3A_298 = arith.constant 0 : i32
        %dma_start3A_299 = tpu.memref_slice %arg7[%dma_start3A_296, %add3A_295, %dma_start3A_297, %dma_start3A_298] : memref<2x32x8x64xf32, #tpu.memory_space<vmem>> -> memref<1x1x8x64xf32, #tpu.memory_space<vmem>>
        %dma_start3A_300 = tpu.memref_squeeze %dma_start3A_299 : memref<1x1x8x64xf32, #tpu.memory_space<vmem>> -> memref<8x64xf32, #tpu.memory_space<vmem>>
        %dma_start3A_301 = arith.constant 0 : i32
        %dma_start3A_302 = arith.constant 0 : i32
        %dma_start3A_303 = tpu.memref_slice %arg3[%squeeze3A_291, %dma_start3A_301, %dma_start3A_302] : memref<125000x8x64xf32, #tpu.memory_space<hbm>> -> memref<1x8x64xf32, #tpu.memory_space<hbm>>
        %dma_start3A_304 = tpu.memref_squeeze %dma_start3A_303 : memref<1x8x64xf32, #tpu.memory_space<hbm>> -> memref<8x64xf32, #tpu.memory_space<hbm>>
        %dma_start3A_305 = arith.constant 0 : i32
        %dma_start3A_306 = arith.constant 0 : i32
        %dma_start3A_307 = tpu.memref_slice %arg7[%dma_start3A_296, %add3A_295, %dma_start3A_305, %dma_start3A_306] : memref<2x32x8x64xf32, #tpu.memory_space<vmem>> -> memref<1x1x8x64xf32, #tpu.memory_space<vmem>>
        %dma_start3A_308 = tpu.memref_squeeze %dma_start3A_307 : memref<1x1x8x64xf32, #tpu.memory_space<vmem>> -> memref<8x64xf32, #tpu.memory_space<vmem>>
        %dma_start3A_309 = arith.constant 0 : i32
        %dma_start3A_310 = arith.constant 0 : i32
        %dma_start3A_311 = tpu.memref_slice %arg3[%squeeze3A_291, %dma_start3A_309, %dma_start3A_310] : memref<125000x8x64xf32, #tpu.memory_space<hbm>> -> memref<1x8x64xf32, #tpu.memory_space<hbm>>
        %dma_start3A_312 = tpu.memref_squeeze %dma_start3A_311 : memref<1x8x64xf32, #tpu.memory_space<hbm>> -> memref<8x64xf32, #tpu.memory_space<hbm>>
        tpu.enqueue_dma source(%dma_start3A_312 : memref<8x64xf32, #tpu.memory_space<hbm>>) target(%dma_start3A_308 : memref<8x64xf32, #tpu.memory_space<vmem>>) target_semaphore(%arg10 : memref<!tpu.dma_semaphore, #tpu.memory_space<semaphore_mem>>)
        %slice3A_313 = vector.extract_strided_slice %get3A_108 {offsets = [9], sizes = [1], strides = [1]} : vector<16xi32> to vector<1xi32>
        %squeeze3A_314 = vector.extract %slice3A_313[0] : i32 from vector<1xi32>
        %mul3A_315 = arith.constant 16 : i32
        %mul3A_316 = arith.muli %scan3A_102, %mul3A_315 : i32
        %add3A_317 = arith.constant 9 : i32
        %add3A_318 = arith.addi %mul3A_316, %add3A_317 : i32
        %dma_start3A_319 = arith.constant 1 : i32
        %dma_start3A_320 = arith.constant 0 : i32
        %dma_start3A_321 = arith.constant 0 : i32
        %dma_start3A_322 = tpu.memref_slice %arg7[%dma_start3A_319, %add3A_318, %dma_start3A_320, %dma_start3A_321] : memref<2x32x8x64xf32, #tpu.memory_space<vmem>> -> memref<1x1x8x64xf32, #tpu.memory_space<vmem>>
        %dma_start3A_323 = tpu.memref_squeeze %dma_start3A_322 : memref<1x1x8x64xf32, #tpu.memory_space<vmem>> -> memref<8x64xf32, #tpu.memory_space<vmem>>
        %dma_start3A_324 = arith.constant 0 : i32
        %dma_start3A_325 = arith.constant 0 : i32
        %dma_start3A_326 = tpu.memref_slice %arg3[%squeeze3A_314, %dma_start3A_324, %dma_start3A_325] : memref<125000x8x64xf32, #tpu.memory_space<hbm>> -> memref<1x8x64xf32, #tpu.memory_space<hbm>>
        %dma_start3A_327 = tpu.memref_squeeze %dma_start3A_326 : memref<1x8x64xf32, #tpu.memory_space<hbm>> -> memref<8x64xf32, #tpu.memory_space<hbm>>
        %dma_start3A_328 = arith.constant 0 : i32
        %dma_start3A_329 = arith.constant 0 : i32
        %dma_start3A_330 = tpu.memref_slice %arg7[%dma_start3A_319, %add3A_318, %dma_start3A_328, %dma_start3A_329] : memref<2x32x8x64xf32, #tpu.memory_space<vmem>> -> memref<1x1x8x64xf32, #tpu.memory_space<vmem>>
        %dma_start3A_331 = tpu.memref_squeeze %dma_start3A_330 : memref<1x1x8x64xf32, #tpu.memory_space<vmem>> -> memref<8x64xf32, #tpu.memory_space<vmem>>
        %dma_start3A_332 = arith.constant 0 : i32
        %dma_start3A_333 = arith.constant 0 : i32
        %dma_start3A_334 = tpu.memref_slice %arg3[%squeeze3A_314, %dma_start3A_332, %dma_start3A_333] : memref<125000x8x64xf32, #tpu.memory_space<hbm>> -> memref<1x8x64xf32, #tpu.memory_space<hbm>>
        %dma_start3A_335 = tpu.memref_squeeze %dma_start3A_334 : memref<1x8x64xf32, #tpu.memory_space<hbm>> -> memref<8x64xf32, #tpu.memory_space<hbm>>
        tpu.enqueue_dma source(%dma_start3A_335 : memref<8x64xf32, #tpu.memory_space<hbm>>) target(%dma_start3A_331 : memref<8x64xf32, #tpu.memory_space<vmem>>) target_semaphore(%arg10 : memref<!tpu.dma_semaphore, #tpu.memory_space<semaphore_mem>>)
        %slice3A_336 = vector.extract_strided_slice %get3A_108 {offsets = [10], sizes = [1], strides = [1]} : vector<16xi32> to vector<1xi32>
        %squeeze3A_337 = vector.extract %slice3A_336[0] : i32 from vector<1xi32>
        %mul3A_338 = arith.constant 16 : i32
        %mul3A_339 = arith.muli %scan3A_102, %mul3A_338 : i32
        %add3A_340 = arith.constant 10 : i32
        %add3A_341 = arith.addi %mul3A_339, %add3A_340 : i32
        %dma_start3A_342 = arith.constant 1 : i32
        %dma_start3A_343 = arith.constant 0 : i32
        %dma_start3A_344 = arith.constant 0 : i32
        %dma_start3A_345 = tpu.memref_slice %arg7[%dma_start3A_342, %add3A_341, %dma_start3A_343, %dma_start3A_344] : memref<2x32x8x64xf32, #tpu.memory_space<vmem>> -> memref<1x1x8x64xf32, #tpu.memory_space<vmem>>
        %dma_start3A_346 = tpu.memref_squeeze %dma_start3A_345 : memref<1x1x8x64xf32, #tpu.memory_space<vmem>> -> memref<8x64xf32, #tpu.memory_space<vmem>>
        %dma_start3A_347 = arith.constant 0 : i32
        %dma_start3A_348 = arith.constant 0 : i32
        %dma_start3A_349 = tpu.memref_slice %arg3[%squeeze3A_337, %dma_start3A_347, %dma_start3A_348] : memref<125000x8x64xf32, #tpu.memory_space<hbm>> -> memref<1x8x64xf32, #tpu.memory_space<hbm>>
        %dma_start3A_350 = tpu.memref_squeeze %dma_start3A_349 : memref<1x8x64xf32, #tpu.memory_space<hbm>> -> memref<8x64xf32, #tpu.memory_space<hbm>>
        %dma_start3A_351 = arith.constant 0 : i32
        %dma_start3A_352 = arith.constant 0 : i32
        %dma_start3A_353 = tpu.memref_slice %arg7[%dma_start3A_342, %add3A_341, %dma_start3A_351, %dma_start3A_352] : memref<2x32x8x64xf32, #tpu.memory_space<vmem>> -> memref<1x1x8x64xf32, #tpu.memory_space<vmem>>
        %dma_start3A_354 = tpu.memref_squeeze %dma_start3A_353 : memref<1x1x8x64xf32, #tpu.memory_space<vmem>> -> memref<8x64xf32, #tpu.memory_space<vmem>>
        %dma_start3A_355 = arith.constant 0 : i32
        %dma_start3A_356 = arith.constant 0 : i32
        %dma_start3A_357 = tpu.memref_slice %arg3[%squeeze3A_337, %dma_start3A_355, %dma_start3A_356] : memref<125000x8x64xf32, #tpu.memory_space<hbm>> -> memref<1x8x64xf32, #tpu.memory_space<hbm>>
        %dma_start3A_358 = tpu.memref_squeeze %dma_start3A_357 : memref<1x8x64xf32, #tpu.memory_space<hbm>> -> memref<8x64xf32, #tpu.memory_space<hbm>>
        tpu.enqueue_dma source(%dma_start3A_358 : memref<8x64xf32, #tpu.memory_space<hbm>>) target(%dma_start3A_354 : memref<8x64xf32, #tpu.memory_space<vmem>>) target_semaphore(%arg10 : memref<!tpu.dma_semaphore, #tpu.memory_space<semaphore_mem>>)
        %slice3A_359 = vector.extract_strided_slice %get3A_108 {offsets = [11], sizes = [1], strides = [1]} : vector<16xi32> to vector<1xi32>
        %squeeze3A_360 = vector.extract %slice3A_359[0] : i32 from vector<1xi32>
        %mul3A_361 = arith.constant 16 : i32
        %mul3A_362 = arith.muli %scan3A_102, %mul3A_361 : i32
        %add3A_363 = arith.constant 11 : i32
        %add3A_364 = arith.addi %mul3A_362, %add3A_363 : i32
        %dma_start3A_365 = arith.constant 1 : i32
        %dma_start3A_366 = arith.constant 0 : i32
        %dma_start3A_367 = arith.constant 0 : i32
        %dma_start3A_368 = tpu.memref_slice %arg7[%dma_start3A_365, %add3A_364, %dma_start3A_366, %dma_start3A_367] : memref<2x32x8x64xf32, #tpu.memory_space<vmem>> -> memref<1x1x8x64xf32, #tpu.memory_space<vmem>>
        %dma_start3A_369 = tpu.memref_squeeze %dma_start3A_368 : memref<1x1x8x64xf32, #tpu.memory_space<vmem>> -> memref<8x64xf32, #tpu.memory_space<vmem>>
        %dma_start3A_370 = arith.constant 0 : i32
        %dma_start3A_371 = arith.constant 0 : i32
        %dma_start3A_372 = tpu.memref_slice %arg3[%squeeze3A_360, %dma_start3A_370, %dma_start3A_371] : memref<125000x8x64xf32, #tpu.memory_space<hbm>> -> memref<1x8x64xf32, #tpu.memory_space<hbm>>
        %dma_start3A_373 = tpu.memref_squeeze %dma_start3A_372 : memref<1x8x64xf32, #tpu.memory_space<hbm>> -> memref<8x64xf32, #tpu.memory_space<hbm>>
        %dma_start3A_374 = arith.constant 0 : i32
        %dma_start3A_375 = arith.constant 0 : i32
        %dma_start3A_376 = tpu.memref_slice %arg7[%dma_start3A_365, %add3A_364, %dma_start3A_374, %dma_start3A_375] : memref<2x32x8x64xf32, #tpu.memory_space<vmem>> -> memref<1x1x8x64xf32, #tpu.memory_space<vmem>>
        %dma_start3A_377 = tpu.memref_squeeze %dma_start3A_376 : memref<1x1x8x64xf32, #tpu.memory_space<vmem>> -> memref<8x64xf32, #tpu.memory_space<vmem>>
        %dma_start3A_378 = arith.constant 0 : i32
        %dma_start3A_379 = arith.constant 0 : i32
        %dma_start3A_380 = tpu.memref_slice %arg3[%squeeze3A_360, %dma_start3A_378, %dma_start3A_379] : memref<125000x8x64xf32, #tpu.memory_space<hbm>> -> memref<1x8x64xf32, #tpu.memory_space<hbm>>
        %dma_start3A_381 = tpu.memref_squeeze %dma_start3A_380 : memref<1x8x64xf32, #tpu.memory_space<hbm>> -> memref<8x64xf32, #tpu.memory_space<hbm>>
        tpu.enqueue_dma source(%dma_start3A_381 : memref<8x64xf32, #tpu.memory_space<hbm>>) target(%dma_start3A_377 : memref<8x64xf32, #tpu.memory_space<vmem>>) target_semaphore(%arg10 : memref<!tpu.dma_semaphore, #tpu.memory_space<semaphore_mem>>)
        %slice3A_382 = vector.extract_strided_slice %get3A_108 {offsets = [12], sizes = [1], strides = [1]} : vector<16xi32> to vector<1xi32>
        %squeeze3A_383 = vector.extract %slice3A_382[0] : i32 from vector<1xi32>
        %mul3A_384 = arith.constant 16 : i32
        %mul3A_385 = arith.muli %scan3A_102, %mul3A_384 : i32
        %add3A_386 = arith.constant 12 : i32
        %add3A_387 = arith.addi %mul3A_385, %add3A_386 : i32
        %dma_start3A_388 = arith.constant 1 : i32
        %dma_start3A_389 = arith.constant 0 : i32
        %dma_start3A_390 = arith.constant 0 : i32
        %dma_start3A_391 = tpu.memref_slice %arg7[%dma_start3A_388, %add3A_387, %dma_start3A_389, %dma_start3A_390] : memref<2x32x8x64xf32, #tpu.memory_space<vmem>> -> memref<1x1x8x64xf32, #tpu.memory_space<vmem>>
        %dma_start3A_392 = tpu.memref_squeeze %dma_start3A_391 : memref<1x1x8x64xf32, #tpu.memory_space<vmem>> -> memref<8x64xf32, #tpu.memory_space<vmem>>
        %dma_start3A_393 = arith.constant 0 : i32
        %dma_start3A_394 = arith.constant 0 : i32
        %dma_start3A_395 = tpu.memref_slice %arg3[%squeeze3A_383, %dma_start3A_393, %dma_start3A_394] : memref<125000x8x64xf32, #tpu.memory_space<hbm>> -> memref<1x8x64xf32, #tpu.memory_space<hbm>>
        %dma_start3A_396 = tpu.memref_squeeze %dma_start3A_395 : memref<1x8x64xf32, #tpu.memory_space<hbm>> -> memref<8x64xf32, #tpu.memory_space<hbm>>
        %dma_start3A_397 = arith.constant 0 : i32
        %dma_start3A_398 = arith.constant 0 : i32
        %dma_start3A_399 = tpu.memref_slice %arg7[%dma_start3A_388, %add3A_387, %dma_start3A_397, %dma_start3A_398] : memref<2x32x8x64xf32, #tpu.memory_space<vmem>> -> memref<1x1x8x64xf32, #tpu.memory_space<vmem>>
        %dma_start3A_400 = tpu.memref_squeeze %dma_start3A_399 : memref<1x1x8x64xf32, #tpu.memory_space<vmem>> -> memref<8x64xf32, #tpu.memory_space<vmem>>
        %dma_start3A_401 = arith.constant 0 : i32
        %dma_start3A_402 = arith.constant 0 : i32
        %dma_start3A_403 = tpu.memref_slice %arg3[%squeeze3A_383, %dma_start3A_401, %dma_start3A_402] : memref<125000x8x64xf32, #tpu.memory_space<hbm>> -> memref<1x8x64xf32, #tpu.memory_space<hbm>>
        %dma_start3A_404 = tpu.memref_squeeze %dma_start3A_403 : memref<1x8x64xf32, #tpu.memory_space<hbm>> -> memref<8x64xf32, #tpu.memory_space<hbm>>
        tpu.enqueue_dma source(%dma_start3A_404 : memref<8x64xf32, #tpu.memory_space<hbm>>) target(%dma_start3A_400 : memref<8x64xf32, #tpu.memory_space<vmem>>) target_semaphore(%arg10 : memref<!tpu.dma_semaphore, #tpu.memory_space<semaphore_mem>>)
        %slice3A_405 = vector.extract_strided_slice %get3A_108 {offsets = [13], sizes = [1], strides = [1]} : vector<16xi32> to vector<1xi32>
        %squeeze3A_406 = vector.extract %slice3A_405[0] : i32 from vector<1xi32>
        %mul3A_407 = arith.constant 16 : i32
        %mul3A_408 = arith.muli %scan3A_102, %mul3A_407 : i32
        %add3A_409 = arith.constant 13 : i32
        %add3A_410 = arith.addi %mul3A_408, %add3A_409 : i32
        %dma_start3A_411 = arith.constant 1 : i32
        %dma_start3A_412 = arith.constant 0 : i32
        %dma_start3A_413 = arith.constant 0 : i32
        %dma_start3A_414 = tpu.memref_slice %arg7[%dma_start3A_411, %add3A_410, %dma_start3A_412, %dma_start3A_413] : memref<2x32x8x64xf32, #tpu.memory_space<vmem>> -> memref<1x1x8x64xf32, #tpu.memory_space<vmem>>
        %dma_start3A_415 = tpu.memref_squeeze %dma_start3A_414 : memref<1x1x8x64xf32, #tpu.memory_space<vmem>> -> memref<8x64xf32, #tpu.memory_space<vmem>>
        %dma_start3A_416 = arith.constant 0 : i32
        %dma_start3A_417 = arith.constant 0 : i32
        %dma_start3A_418 = tpu.memref_slice %arg3[%squeeze3A_406, %dma_start3A_416, %dma_start3A_417] : memref<125000x8x64xf32, #tpu.memory_space<hbm>> -> memref<1x8x64xf32, #tpu.memory_space<hbm>>
        %dma_start3A_419 = tpu.memref_squeeze %dma_start3A_418 : memref<1x8x64xf32, #tpu.memory_space<hbm>> -> memref<8x64xf32, #tpu.memory_space<hbm>>
        %dma_start3A_420 = arith.constant 0 : i32
        %dma_start3A_421 = arith.constant 0 : i32
        %dma_start3A_422 = tpu.memref_slice %arg7[%dma_start3A_411, %add3A_410, %dma_start3A_420, %dma_start3A_421] : memref<2x32x8x64xf32, #tpu.memory_space<vmem>> -> memref<1x1x8x64xf32, #tpu.memory_space<vmem>>
        %dma_start3A_423 = tpu.memref_squeeze %dma_start3A_422 : memref<1x1x8x64xf32, #tpu.memory_space<vmem>> -> memref<8x64xf32, #tpu.memory_space<vmem>>
        %dma_start3A_424 = arith.constant 0 : i32
        %dma_start3A_425 = arith.constant 0 : i32
        %dma_start3A_426 = tpu.memref_slice %arg3[%squeeze3A_406, %dma_start3A_424, %dma_start3A_425] : memref<125000x8x64xf32, #tpu.memory_space<hbm>> -> memref<1x8x64xf32, #tpu.memory_space<hbm>>
        %dma_start3A_427 = tpu.memref_squeeze %dma_start3A_426 : memref<1x8x64xf32, #tpu.memory_space<hbm>> -> memref<8x64xf32, #tpu.memory_space<hbm>>
        tpu.enqueue_dma source(%dma_start3A_427 : memref<8x64xf32, #tpu.memory_space<hbm>>) target(%dma_start3A_423 : memref<8x64xf32, #tpu.memory_space<vmem>>) target_semaphore(%arg10 : memref<!tpu.dma_semaphore, #tpu.memory_space<semaphore_mem>>)
        %slice3A_428 = vector.extract_strided_slice %get3A_108 {offsets = [14], sizes = [1], strides = [1]} : vector<16xi32> to vector<1xi32>
        %squeeze3A_429 = vector.extract %slice3A_428[0] : i32 from vector<1xi32>
        %mul3A_430 = arith.constant 16 : i32
        %mul3A_431 = arith.muli %scan3A_102, %mul3A_430 : i32
        %add3A_432 = arith.constant 14 : i32
        %add3A_433 = arith.addi %mul3A_431, %add3A_432 : i32
        %dma_start3A_434 = arith.constant 1 : i32
        %dma_start3A_435 = arith.constant 0 : i32
        %dma_start3A_436 = arith.constant 0 : i32
        %dma_start3A_437 = tpu.memref_slice %arg7[%dma_start3A_434, %add3A_433, %dma_start3A_435, %dma_start3A_436] : memref<2x32x8x64xf32, #tpu.memory_space<vmem>> -> memref<1x1x8x64xf32, #tpu.memory_space<vmem>>
        %dma_start3A_438 = tpu.memref_squeeze %dma_start3A_437 : memref<1x1x8x64xf32, #tpu.memory_space<vmem>> -> memref<8x64xf32, #tpu.memory_space<vmem>>
        %dma_start3A_439 = arith.constant 0 : i32
        %dma_start3A_440 = arith.constant 0 : i32
        %dma_start3A_441 = tpu.memref_slice %arg3[%squeeze3A_429, %dma_start3A_439, %dma_start3A_440] : memref<125000x8x64xf32, #tpu.memory_space<hbm>> -> memref<1x8x64xf32, #tpu.memory_space<hbm>>
        %dma_start3A_442 = tpu.memref_squeeze %dma_start3A_441 : memref<1x8x64xf32, #tpu.memory_space<hbm>> -> memref<8x64xf32, #tpu.memory_space<hbm>>
        %dma_start3A_443 = arith.constant 0 : i32
        %dma_start3A_444 = arith.constant 0 : i32
        %dma_start3A_445 = tpu.memref_slice %arg7[%dma_start3A_434, %add3A_433, %dma_start3A_443, %dma_start3A_444] : memref<2x32x8x64xf32, #tpu.memory_space<vmem>> -> memref<1x1x8x64xf32, #tpu.memory_space<vmem>>
        %dma_start3A_446 = tpu.memref_squeeze %dma_start3A_445 : memref<1x1x8x64xf32, #tpu.memory_space<vmem>> -> memref<8x64xf32, #tpu.memory_space<vmem>>
        %dma_start3A_447 = arith.constant 0 : i32
        %dma_start3A_448 = arith.constant 0 : i32
        %dma_start3A_449 = tpu.memref_slice %arg3[%squeeze3A_429, %dma_start3A_447, %dma_start3A_448] : memref<125000x8x64xf32, #tpu.memory_space<hbm>> -> memref<1x8x64xf32, #tpu.memory_space<hbm>>
        %dma_start3A_450 = tpu.memref_squeeze %dma_start3A_449 : memref<1x8x64xf32, #tpu.memory_space<hbm>> -> memref<8x64xf32, #tpu.memory_space<hbm>>
        tpu.enqueue_dma source(%dma_start3A_450 : memref<8x64xf32, #tpu.memory_space<hbm>>) target(%dma_start3A_446 : memref<8x64xf32, #tpu.memory_space<vmem>>) target_semaphore(%arg10 : memref<!tpu.dma_semaphore, #tpu.memory_space<semaphore_mem>>)
        %slice3A_451 = vector.extract_strided_slice %get3A_108 {offsets = [15], sizes = [1], strides = [1]} : vector<16xi32> to vector<1xi32>
        %squeeze3A_452 = vector.extract %slice3A_451[0] : i32 from vector<1xi32>
        %mul3A_453 = arith.constant 16 : i32
        %mul3A_454 = arith.muli %scan3A_102, %mul3A_453 : i32
        %add3A_455 = arith.constant 15 : i32
        %add3A_456 = arith.addi %mul3A_454, %add3A_455 : i32
        %dma_start3A_457 = arith.constant 1 : i32
        %dma_start3A_458 = arith.constant 0 : i32
        %dma_start3A_459 = arith.constant 0 : i32
        %dma_start3A_460 = tpu.memref_slice %arg7[%dma_start3A_457, %add3A_456, %dma_start3A_458, %dma_start3A_459] : memref<2x32x8x64xf32, #tpu.memory_space<vmem>> -> memref<1x1x8x64xf32, #tpu.memory_space<vmem>>
        %dma_start3A_461 = tpu.memref_squeeze %dma_start3A_460 : memref<1x1x8x64xf32, #tpu.memory_space<vmem>> -> memref<8x64xf32, #tpu.memory_space<vmem>>
        %dma_start3A_462 = arith.constant 0 : i32
        %dma_start3A_463 = arith.constant 0 : i32
        %dma_start3A_464 = tpu.memref_slice %arg3[%squeeze3A_452, %dma_start3A_462, %dma_start3A_463] : memref<125000x8x64xf32, #tpu.memory_space<hbm>> -> memref<1x8x64xf32, #tpu.memory_space<hbm>>
        %dma_start3A_465 = tpu.memref_squeeze %dma_start3A_464 : memref<1x8x64xf32, #tpu.memory_space<hbm>> -> memref<8x64xf32, #tpu.memory_space<hbm>>
        %dma_start3A_466 = arith.constant 0 : i32
        %dma_start3A_467 = arith.constant 0 : i32
        %dma_start3A_468 = tpu.memref_slice %arg7[%dma_start3A_457, %add3A_456, %dma_start3A_466, %dma_start3A_467] : memref<2x32x8x64xf32, #tpu.memory_space<vmem>> -> memref<1x1x8x64xf32, #tpu.memory_space<vmem>>
        %dma_start3A_469 = tpu.memref_squeeze %dma_start3A_468 : memref<1x1x8x64xf32, #tpu.memory_space<vmem>> -> memref<8x64xf32, #tpu.memory_space<vmem>>
        %dma_start3A_470 = arith.constant 0 : i32
        %dma_start3A_471 = arith.constant 0 : i32
        %dma_start3A_472 = tpu.memref_slice %arg3[%squeeze3A_452, %dma_start3A_470, %dma_start3A_471] : memref<125000x8x64xf32, #tpu.memory_space<hbm>> -> memref<1x8x64xf32, #tpu.memory_space<hbm>>
        %dma_start3A_473 = tpu.memref_squeeze %dma_start3A_472 : memref<1x8x64xf32, #tpu.memory_space<hbm>> -> memref<8x64xf32, #tpu.memory_space<hbm>>
        tpu.enqueue_dma source(%dma_start3A_473 : memref<8x64xf32, #tpu.memory_space<hbm>>) target(%dma_start3A_469 : memref<8x64xf32, #tpu.memory_space<vmem>>) target_semaphore(%arg10 : memref<!tpu.dma_semaphore, #tpu.memory_space<semaphore_mem>>)
      }
      %scan3A_46 = arith.constant 2 : i32
      %dma_wait3A = arith.constant 0 : i32
      %dma_wait3A_47 = arith.constant 0 : i32
      %dma_wait3A_48 = arith.constant 0 : i32
      %dma_wait3A_49 = arith.constant 0 : i32
      %dma_wait3A_50 = tpu.memref_slice %arg7[%dma_wait3A, %dma_wait3A_47, %dma_wait3A_48, %dma_wait3A_49] : memref<2x32x8x64xf32, #tpu.memory_space<vmem>> -> memref<1x32x8x64xf32, #tpu.memory_space<vmem>>
      %dma_wait3A_51 = tpu.memref_squeeze %dma_wait3A_50 : memref<1x32x8x64xf32, #tpu.memory_space<vmem>> -> memref<32x8x64xf32, #tpu.memory_space<vmem>>
      %dma_wait3A_52 = arith.constant 0 : i32
      %dma_wait3A_53 = arith.constant 0 : i32
      %dma_wait3A_54 = arith.constant 0 : i32
      %dma_wait3A_55 = tpu.memref_slice %arg3[%dma_wait3A_52, %dma_wait3A_53, %dma_wait3A_54] : memref<125000x8x64xf32, #tpu.memory_space<hbm>> -> memref<32x8x64xf32, #tpu.memory_space<hbm>>
      %dma_wait3A_56 = arith.constant 0 : i32
      %dma_wait3A_57 = arith.constant 0 : i32
      %dma_wait3A_58 = arith.constant 0 : i32
      %dma_wait3A_59 = tpu.memref_slice %arg7[%dma_wait3A, %dma_wait3A_56, %dma_wait3A_57, %dma_wait3A_58] : memref<2x32x8x64xf32, #tpu.memory_space<vmem>> -> memref<1x32x8x64xf32, #tpu.memory_space<vmem>>
      %dma_wait3A_60 = tpu.memref_squeeze %dma_wait3A_59 : memref<1x32x8x64xf32, #tpu.memory_space<vmem>> -> memref<32x8x64xf32, #tpu.memory_space<vmem>>
      %dma_wait3A_61 = arith.constant 0 : i32
      %dma_wait3A_62 = arith.constant 0 : i32
      %dma_wait3A_63 = arith.constant 0 : i32
      %dma_wait3A_64 = tpu.memref_slice %arg3[%dma_wait3A_61, %dma_wait3A_62, %dma_wait3A_63] : memref<125000x8x64xf32, #tpu.memory_space<hbm>> -> memref<32x8x64xf32, #tpu.memory_space<hbm>>
      tpu.wait_dma2 semaphore(%arg9 : memref<!tpu.dma_semaphore, #tpu.memory_space<semaphore_mem>>) src(%dma_wait3A_64 : memref<32x8x64xf32, #tpu.memory_space<hbm>>) dst(%dma_wait3A_60 : memref<32x8x64xf32, #tpu.memory_space<vmem>>)
      %scan3A_65 = arith.constant 0 : i32
      %scan3A_66 = arith.constant 0 : i32
      %scan3A_67 = arith.constant 2 : i32
      %scan3A_68 = arith.addi %scan3A_66, %scan3A_67 : i32
      %scan3A_69 = arith.constant 1 : i32
      scf.for %scan3A_102 = %scan3A_66 to %scan3A_68 step %scan3A_69  : i32 {
        %mul3A_103 = arith.constant 32 : i32
        %mul3A_104 = arith.muli %mul3A_38, %mul3A_103 : i32
        %mul3A_105 = arith.constant 16 : i32
        %mul3A_106 = arith.muli %scan3A_102, %mul3A_105 : i32
        %add3A_107 = arith.addi %mul3A_104, %mul3A_106 : i32
        %get3A = arith.index_cast %add3A_107 : i32 to index
        %get3A_108 = tpu.vector_load %arg5[%get3A] {strides = array<i32>} : memref<512xi32, #tpu.memory_space<vmem>>, vector<16xi32>,
        %and3A_109 = arith.constant 7 : i32
        %and3A_110 = vector.broadcast %and3A_109 : i32 to vector<16xi32>
        %and3A_111 = arith.andi %get3A_108, %and3A_110 : vector<16xi32>
        %mul3A_112 = arith.constant 16 : i32
        %mul3A_113 = arith.muli %scan3A_102, %mul3A_112 : i32
        %add3A_114 = arith.constant 0 : i32
        %add3A_115 = arith.addi %mul3A_113, %add3A_114 : i32
        %slice3A = vector.extract_strided_slice %and3A_111 {offsets = [0], sizes = [1], strides = [1]} : vector<16xi32> to vector<1xi32>
        %squeeze3A = vector.extract %slice3A[0] : i32 from vector<1xi32>
        %get3A_116 = arith.constant 0 : i32
        %get3A_117 = arith.index_cast %get3A_116 : i32 to index
        %get3A_118 = arith.index_cast %add3A_115 : i32 to index
        %get3A_119 = arith.index_cast %squeeze3A : i32 to index
        %get3A_120 = arith.constant 0 : index
        %get3A_121 = tpu.vector_load %arg7[%get3A_117, %get3A_118, %get3A_119, %get3A_120] {strides = array<i32>} : memref<2x32x8x64xf32, #tpu.memory_space<vmem>>, vector<16xf32>,
        %exp3A = math.exp %get3A_121 : vector<16xf32>
        %get3A_122 = arith.constant 0 : i32
        %get3A_123 = arith.index_cast %get3A_122 : i32 to index
        %get3A_124 = arith.index_cast %add3A_115 : i32 to index
        %get3A_125 = arith.index_cast %squeeze3A : i32 to index
        %get3A_126 = arith.constant 16 : index
        %get3A_127 = tpu.vector_load %arg7[%get3A_123, %get3A_124, %get3A_125, %get3A_126] {strides = array<i32>} : memref<2x32x8x64xf32, #tpu.memory_space<vmem>>, vector<16xf32>,
        %exp3A_128 = math.exp %get3A_127 : vector<16xf32>
        %get3A_129 = arith.constant 0 : i32
        %get3A_130 = arith.index_cast %get3A_129 : i32 to index
        %get3A_131 = arith.index_cast %add3A_115 : i32 to index
        %get3A_132 = arith.index_cast %squeeze3A : i32 to index
        %get3A_133 = arith.constant 32 : index
        %get3A_134 = tpu.vector_load %arg7[%get3A_130, %get3A_131, %get3A_132, %get3A_133] {strides = array<i32>} : memref<2x32x8x64xf32, #tpu.memory_space<vmem>>, vector<16xf32>,
        %exp3A_135 = math.exp %get3A_134 : vector<16xf32>
        %get3A_136 = arith.constant 0 : i32
        %get3A_137 = arith.index_cast %get3A_136 : i32 to index
        %get3A_138 = arith.index_cast %add3A_115 : i32 to index
        %get3A_139 = arith.index_cast %squeeze3A : i32 to index
        %get3A_140 = arith.constant 48 : index
        %get3A_141 = tpu.vector_load %arg7[%get3A_137, %get3A_138, %get3A_139, %get3A_140] {strides = array<i32>} : memref<2x32x8x64xf32, #tpu.memory_space<vmem>>, vector<16xf32>,
        %exp3A_142 = math.exp %get3A_141 : vector<16xf32>
        %add3A_143 = arith.addf %exp3A, %exp3A_128 : vector<16xf32>
        %add3A_144 = arith.addf %exp3A_135, %exp3A_142 : vector<16xf32>
        %add3A_145 = arith.addf %add3A_143, %add3A_144 : vector<16xf32>
        %reduce_sum3A = arith.constant true
        %reduce_sum3A_146 = vector.broadcast %reduce_sum3A : i1 to vector<16xi1>
        %reduce_sum3A_147 = tpu.scan <sum>, %add3A_145 masked %reduce_sum3A_146 : vector<16xf32>, vector<16xi1> -> vector<16xf32>
        %reduce_sum3A_148 = vector.extract %reduce_sum3A_147[15] : f32 from vector<16xf32>
        %broadcast_in_dim3A = arith.constant 1.000000e+00 : f32
        %broadcast_in_dim3A_149 = vector.broadcast %broadcast_in_dim3A : f32 to vector<16xf32>
        %broadcast_in_dim3A_150 = vector.broadcast %reduce_sum3A_148 : f32 to vector<16xf32>
        %div3A_151 = arith.divf %broadcast_in_dim3A_149, %broadcast_in_dim3A_150 : vector<16xf32>
        %mul3A_152 = arith.constant 16 : i32
        %mul3A_153 = arith.muli %mul3A_38, %mul3A_152 : i32
        %mul3A_154 = arith.constant 8 : i32
        %mul3A_155 = arith.muli %scan3A_102, %mul3A_154 : i32
        %add3A_156 = arith.addi %mul3A_153, %mul3A_155 : i32
        %add3A_157 = arith.constant 0 : i32
        %add3A_158 = arith.addi %add3A_156, %add3A_157 : i32
        %mul3A_159 = arith.mulf %exp3A, %div3A_151 : vector<16xf32>
        %swap3A = arith.index_cast %add3A_158 : i32 to index
        %swap3A_160 = arith.constant 0 : index
        %swap3A_161 = tpu.vector_load %arg8[%swap3A, %swap3A_160] {strides = array<i32>} : memref<256x128xf32, #tpu.memory_space<vmem>>, vector<16xf32>,
        tpu.vector_store %arg8[%swap3A, %swap3A_160], %mul3A_159 {strides = array<i32>} : memref<256x128xf32, #tpu.memory_space<vmem>>, vector<16xf32>,
        %mul3A_162 = arith.mulf %exp3A_128, %div3A_151 : vector<16xf32>
        %swap3A_163 = arith.index_cast %add3A_158 : i32 to index
        %swap3A_164 = arith.constant 16 : index
        %swap3A_165 = tpu.vector_load %arg8[%swap3A_163, %swap3A_164] {strides = array<i32>} : memref<256x128xf32, #tpu.memory_space<vmem>>, vector<16xf32>,
        tpu.vector_store %arg8[%swap3A_163, %swap3A_164], %mul3A_162 {strides = array<i32>} : memref<256x128xf32, #tpu.memory_space<vmem>>, vector<16xf32>,
        %mul3A_166 = arith.mulf %exp3A_135, %div3A_151 : vector<16xf32>
        %swap3A_167 = arith.index_cast %add3A_158 : i32 to index
        %swap3A_168 = arith.constant 32 : index
        %swap3A_169 = tpu.vector_load %arg8[%swap3A_167, %swap3A_168] {strides = array<i32>} : memref<256x128xf32, #tpu.memory_space<vmem>>, vector<16xf32>,
        tpu.vector_store %arg8[%swap3A_167, %swap3A_168], %mul3A_166 {strides = array<i32>} : memref<256x128xf32, #tpu.memory_space<vmem>>, vector<16xf32>,
        %mul3A_170 = arith.mulf %exp3A_142, %div3A_151 : vector<16xf32>
        %swap3A_171 = arith.index_cast %add3A_158 : i32 to index
        %swap3A_172 = arith.constant 48 : index
        %swap3A_173 = tpu.vector_load %arg8[%swap3A_171, %swap3A_172] {strides = array<i32>} : memref<256x128xf32, #tpu.memory_space<vmem>>, vector<16xf32>,
        tpu.vector_store %arg8[%swap3A_171, %swap3A_172], %mul3A_170 {strides = array<i32>} : memref<256x128xf32, #tpu.memory_space<vmem>>, vector<16xf32>,
        %mul3A_174 = arith.constant 16 : i32
        %mul3A_175 = arith.muli %scan3A_102, %mul3A_174 : i32
        %add3A_176 = arith.constant 1 : i32
        %add3A_177 = arith.addi %mul3A_175, %add3A_176 : i32
        %slice3A_178 = vector.extract_strided_slice %and3A_111 {offsets = [1], sizes = [1], strides = [1]} : vector<16xi32> to vector<1xi32>
        %squeeze3A_179 = vector.extract %slice3A_178[0] : i32 from vector<1xi32>
        %get3A_180 = arith.constant 0 : i32
        %get3A_181 = arith.index_cast %get3A_180 : i32 to index
        %get3A_182 = arith.index_cast %add3A_177 : i32 to index
        %get3A_183 = arith.index_cast %squeeze3A_179 : i32 to index
        %get3A_184 = arith.constant 0 : index
        %get3A_185 = tpu.vector_load %arg7[%get3A_181, %get3A_182, %get3A_183, %get3A_184] {strides = array<i32>} : memref<2x32x8x64xf32, #tpu.memory_space<vmem>>, vector<16xf32>,
        %exp3A_186 = math.exp %get3A_185 : vector<16xf32>
        %get3A_187 = arith.constant 0 : i32
        %get3A_188 = arith.index_cast %get3A_187 : i32 to index
        %get3A_189 = arith.index_cast %add3A_177 : i32 to index
        %get3A_190 = arith.index_cast %squeeze3A_179 : i32 to index
        %get3A_191 = arith.constant 16 : index
        %get3A_192 = tpu.vector_load %arg7[%get3A_188, %get3A_189, %get3A_190, %get3A_191] {strides = array<i32>} : memref<2x32x8x64xf32, #tpu.memory_space<vmem>>, vector<16xf32>,
        %exp3A_193 = math.exp %get3A_192 : vector<16xf32>
        %get3A_194 = arith.constant 0 : i32
        %get3A_195 = arith.index_cast %get3A_194 : i32 to index
        %get3A_196 = arith.index_cast %add3A_177 : i32 to index
        %get3A_197 = arith.index_cast %squeeze3A_179 : i32 to index
        %get3A_198 = arith.constant 32 : index
        %get3A_199 = tpu.vector_load %arg7[%get3A_195, %get3A_196, %get3A_197, %get3A_198] {strides = array<i32>} : memref<2x32x8x64xf32, #tpu.memory_space<vmem>>, vector<16xf32>,
        %exp3A_200 = math.exp %get3A_199 : vector<16xf32>
        %get3A_201 = arith.constant 0 : i32
        %get3A_202 = arith.index_cast %get3A_201 : i32 to index
        %get3A_203 = arith.index_cast %add3A_177 : i32 to index
        %get3A_204 = arith.index_cast %squeeze3A_179 : i32 to index
        %get3A_205 = arith.constant 48 : index
        %get3A_206 = tpu.vector_load %arg7[%get3A_202, %get3A_203, %get3A_204, %get3A_205] {strides = array<i32>} : memref<2x32x8x64xf32, #tpu.memory_space<vmem>>, vector<16xf32>,
        %exp3A_207 = math.exp %get3A_206 : vector<16xf32>
        %add3A_208 = arith.addf %exp3A_186, %exp3A_193 : vector<16xf32>
        %add3A_209 = arith.addf %exp3A_200, %exp3A_207 : vector<16xf32>
        %add3A_210 = arith.addf %add3A_208, %add3A_209 : vector<16xf32>
        %reduce_sum3A_211 = arith.constant true
        %reduce_sum3A_212 = vector.broadcast %reduce_sum3A_211 : i1 to vector<16xi1>
        %reduce_sum3A_213 = tpu.scan <sum>, %add3A_210 masked %reduce_sum3A_212 : vector<16xf32>, vector<16xi1> -> vector<16xf32>
        %reduce_sum3A_214 = vector.extract %reduce_sum3A_213[15] : f32 from vector<16xf32>
        %broadcast_in_dim3A_215 = arith.constant 1.000000e+00 : f32
        %broadcast_in_dim3A_216 = vector.broadcast %broadcast_in_dim3A_215 : f32 to vector<16xf32>
        %broadcast_in_dim3A_217 = vector.broadcast %reduce_sum3A_214 : f32 to vector<16xf32>
        %div3A_218 = arith.divf %broadcast_in_dim3A_216, %broadcast_in_dim3A_217 : vector<16xf32>
        %mul3A_219 = arith.constant 16 : i32
        %mul3A_220 = arith.muli %mul3A_38, %mul3A_219 : i32
        %mul3A_221 = arith.constant 8 : i32
        %mul3A_222 = arith.muli %scan3A_102, %mul3A_221 : i32
        %add3A_223 = arith.addi %mul3A_220, %mul3A_222 : i32
        %add3A_224 = arith.constant 0 : i32
        %add3A_225 = arith.addi %add3A_223, %add3A_224 : i32
        %mul3A_226 = arith.mulf %exp3A_186, %div3A_218 : vector<16xf32>
        %swap3A_227 = arith.index_cast %add3A_225 : i32 to index
        %swap3A_228 = arith.constant 64 : index
        %swap3A_229 = tpu.vector_load %arg8[%swap3A_227, %swap3A_228] {strides = array<i32>} : memref<256x128xf32, #tpu.memory_space<vmem>>, vector<16xf32>,
        tpu.vector_store %arg8[%swap3A_227, %swap3A_228], %mul3A_226 {strides = array<i32>} : memref<256x128xf32, #tpu.memory_space<vmem>>, vector<16xf32>,
        %mul3A_230 = arith.mulf %exp3A_193, %div3A_218 : vector<16xf32>
        %swap3A_231 = arith.index_cast %add3A_225 : i32 to index
        %swap3A_232 = arith.constant 80 : index
        %swap3A_233 = tpu.vector_load %arg8[%swap3A_231, %swap3A_232] {strides = array<i32>} : memref<256x128xf32, #tpu.memory_space<vmem>>, vector<16xf32>,
        tpu.vector_store %arg8[%swap3A_231, %swap3A_232], %mul3A_230 {strides = array<i32>} : memref<256x128xf32, #tpu.memory_space<vmem>>, vector<16xf32>,
        %mul3A_234 = arith.mulf %exp3A_200, %div3A_218 : vector<16xf32>
        %swap3A_235 = arith.index_cast %add3A_225 : i32 to index
        %swap3A_236 = arith.constant 96 : index
        %swap3A_237 = tpu.vector_load %arg8[%swap3A_235, %swap3A_236] {strides = array<i32>} : memref<256x128xf32, #tpu.memory_space<vmem>>, vector<16xf32>,
        tpu.vector_store %arg8[%swap3A_235, %swap3A_236], %mul3A_234 {strides = array<i32>} : memref<256x128xf32, #tpu.memory_space<vmem>>, vector<16xf32>,
        %mul3A_238 = arith.mulf %exp3A_207, %div3A_218 : vector<16xf32>
        %swap3A_239 = arith.index_cast %add3A_225 : i32 to index
        %swap3A_240 = arith.constant 112 : index
        %swap3A_241 = tpu.vector_load %arg8[%swap3A_239, %swap3A_240] {strides = array<i32>} : memref<256x128xf32, #tpu.memory_space<vmem>>, vector<16xf32>,
        tpu.vector_store %arg8[%swap3A_239, %swap3A_240], %mul3A_238 {strides = array<i32>} : memref<256x128xf32, #tpu.memory_space<vmem>>, vector<16xf32>,
        %mul3A_242 = arith.constant 16 : i32
        %mul3A_243 = arith.muli %scan3A_102, %mul3A_242 : i32
        %add3A_244 = arith.constant 2 : i32
        %add3A_245 = arith.addi %mul3A_243, %add3A_244 : i32
        %slice3A_246 = vector.extract_strided_slice %and3A_111 {offsets = [2], sizes = [1], strides = [1]} : vector<16xi32> to vector<1xi32>
        %squeeze3A_247 = vector.extract %slice3A_246[0] : i32 from vector<1xi32>
        %get3A_248 = arith.constant 0 : i32
        %get3A_249 = arith.index_cast %get3A_248 : i32 to index
        %get3A_250 = arith.index_cast %add3A_245 : i32 to index
        %get3A_251 = arith.index_cast %squeeze3A_247 : i32 to index
        %get3A_252 = arith.constant 0 : index
        %get3A_253 = tpu.vector_load %arg7[%get3A_249, %get3A_250, %get3A_251, %get3A_252] {strides = array<i32>} : memref<2x32x8x64xf32, #tpu.memory_space<vmem>>, vector<16xf32>,
        %exp3A_254 = math.exp %get3A_253 : vector<16xf32>
        %get3A_255 = arith.constant 0 : i32
        %get3A_256 = arith.index_cast %get3A_255 : i32 to index
        %get3A_257 = arith.index_cast %add3A_245 : i32 to index
        %get3A_258 = arith.index_cast %squeeze3A_247 : i32 to index
        %get3A_259 = arith.constant 16 : index
        %get3A_260 = tpu.vector_load %arg7[%get3A_256, %get3A_257, %get3A_258, %get3A_259] {strides = array<i32>} : memref<2x32x8x64xf32, #tpu.memory_space<vmem>>, vector<16xf32>,
        %exp3A_261 = math.exp %get3A_260 : vector<16xf32>
        %get3A_262 = arith.constant 0 : i32
        %get3A_263 = arith.index_cast %get3A_262 : i32 to index
        %get3A_264 = arith.index_cast %add3A_245 : i32 to index
        %get3A_265 = arith.index_cast %squeeze3A_247 : i32 to index
        %get3A_266 = arith.constant 32 : index
        %get3A_267 = tpu.vector_load %arg7[%get3A_263, %get3A_264, %get3A_265, %get3A_266] {strides = array<i32>} : memref<2x32x8x64xf32, #tpu.memory_space<vmem>>, vector<16xf32>,
        %exp3A_268 = math.exp %get3A_267 : vector<16xf32>
        %get3A_269 = arith.constant 0 : i32
        %get3A_270 = arith.index_cast %get3A_269 : i32 to index
        %get3A_271 = arith.index_cast %add3A_245 : i32 to index
        %get3A_272 = arith.index_cast %squeeze3A_247 : i32 to index
        %get3A_273 = arith.constant 48 : index
        %get3A_274 = tpu.vector_load %arg7[%get3A_270, %get3A_271, %get3A_272, %get3A_273] {strides = array<i32>} : memref<2x32x8x64xf32, #tpu.memory_space<vmem>>, vector<16xf32>,
        %exp3A_275 = math.exp %get3A_274 : vector<16xf32>
        %add3A_276 = arith.addf %exp3A_254, %exp3A_261 : vector<16xf32>
        %add3A_277 = arith.addf %exp3A_268, %exp3A_275 : vector<16xf32>
        %add3A_278 = arith.addf %add3A_276, %add3A_277 : vector<16xf32>
        %reduce_sum3A_279 = arith.constant true
        %reduce_sum3A_280 = vector.broadcast %reduce_sum3A_279 : i1 to vector<16xi1>
        %reduce_sum3A_281 = tpu.scan <sum>, %add3A_278 masked %reduce_sum3A_280 : vector<16xf32>, vector<16xi1> -> vector<16xf32>
        %reduce_sum3A_282 = vector.extract %reduce_sum3A_281[15] : f32 from vector<16xf32>
        %broadcast_in_dim3A_283 = arith.constant 1.000000e+00 : f32
        %broadcast_in_dim3A_284 = vector.broadcast %broadcast_in_dim3A_283 : f32 to vector<16xf32>
        %broadcast_in_dim3A_285 = vector.broadcast %reduce_sum3A_282 : f32 to vector<16xf32>
        %div3A_286 = arith.divf %broadcast_in_dim3A_284, %broadcast_in_dim3A_285 : vector<16xf32>
        %mul3A_287 = arith.constant 16 : i32
        %mul3A_288 = arith.muli %mul3A_38, %mul3A_287 : i32
        %mul3A_289 = arith.constant 8 : i32
        %mul3A_290 = arith.muli %scan3A_102, %mul3A_289 : i32
        %add3A_291 = arith.addi %mul3A_288, %mul3A_290 : i32
        %add3A_292 = arith.constant 1 : i32
        %add3A_293 = arith.addi %add3A_291, %add3A_292 : i32
        %mul3A_294 = arith.mulf %exp3A_254, %div3A_286 : vector<16xf32>
        %swap3A_295 = arith.index_cast %add3A_293 : i32 to index
        %swap3A_296 = arith.constant 0 : index
        %swap3A_297 = tpu.vector_load %arg8[%swap3A_295, %swap3A_296] {strides = array<i32>} : memref<256x128xf32, #tpu.memory_space<vmem>>, vector<16xf32>,
        tpu.vector_store %arg8[%swap3A_295, %swap3A_296], %mul3A_294 {strides = array<i32>} : memref<256x128xf32, #tpu.memory_space<vmem>>, vector<16xf32>,
        %mul3A_298 = arith.mulf %exp3A_261, %div3A_286 : vector<16xf32>
        %swap3A_299 = arith.index_cast %add3A_293 : i32 to index
        %swap3A_300 = arith.constant 16 : index
        %swap3A_301 = tpu.vector_load %arg8[%swap3A_299, %swap3A_300] {strides = array<i32>} : memref<256x128xf32, #tpu.memory_space<vmem>>, vector<16xf32>,
        tpu.vector_store %arg8[%swap3A_299, %swap3A_300], %mul3A_298 {strides = array<i32>} : memref<256x128xf32, #tpu.memory_space<vmem>>, vector<16xf32>,
        %mul3A_302 = arith.mulf %exp3A_268, %div3A_286 : vector<16xf32>
        %swap3A_303 = arith.index_cast %add3A_293 : i32 to index
        %swap3A_304 = arith.constant 32 : index
        %swap3A_305 = tpu.vector_load %arg8[%swap3A_303, %swap3A_304] {strides = array<i32>} : memref<256x128xf32, #tpu.memory_space<vmem>>, vector<16xf32>,
        tpu.vector_store %arg8[%swap3A_303, %swap3A_304], %mul3A_302 {strides = array<i32>} : memref<256x128xf32, #tpu.memory_space<vmem>>, vector<16xf32>,
        %mul3A_306 = arith.mulf %exp3A_275, %div3A_286 : vector<16xf32>
        %swap3A_307 = arith.index_cast %add3A_293 : i32 to index
        %swap3A_308 = arith.constant 48 : index
        %swap3A_309 = tpu.vector_load %arg8[%swap3A_307, %swap3A_308] {strides = array<i32>} : memref<256x128xf32, #tpu.memory_space<vmem>>, vector<16xf32>,
        tpu.vector_store %arg8[%swap3A_307, %swap3A_308], %mul3A_306 {strides = array<i32>} : memref<256x128xf32, #tpu.memory_space<vmem>>, vector<16xf32>,
        %mul3A_310 = arith.constant 16 : i32
        %mul3A_311 = arith.muli %scan3A_102, %mul3A_310 : i32
        %add3A_312 = arith.constant 3 : i32
        %add3A_313 = arith.addi %mul3A_311, %add3A_312 : i32
        %slice3A_314 = vector.extract_strided_slice %and3A_111 {offsets = [3], sizes = [1], strides = [1]} : vector<16xi32> to vector<1xi32>
        %squeeze3A_315 = vector.extract %slice3A_314[0] : i32 from vector<1xi32>
        %get3A_316 = arith.constant 0 : i32
        %get3A_317 = arith.index_cast %get3A_316 : i32 to index
        %get3A_318 = arith.index_cast %add3A_313 : i32 to index
        %get3A_319 = arith.index_cast %squeeze3A_315 : i32 to index
        %get3A_320 = arith.constant 0 : index
        %get3A_321 = tpu.vector_load %arg7[%get3A_317, %get3A_318, %get3A_319, %get3A_320] {strides = array<i32>} : memref<2x32x8x64xf32, #tpu.memory_space<vmem>>, vector<16xf32>,
        %exp3A_322 = math.exp %get3A_321 : vector<16xf32>
        %get3A_323 = arith.constant 0 : i32
        %get3A_324 = arith.index_cast %get3A_323 : i32 to index
        %get3A_325 = arith.index_cast %add3A_313 : i32 to index
        %get3A_326 = arith.index_cast %squeeze3A_315 : i32 to index
        %get3A_327 = arith.constant 16 : index
        %get3A_328 = tpu.vector_load %arg7[%get3A_324, %get3A_325, %get3A_326, %get3A_327] {strides = array<i32>} : memref<2x32x8x64xf32, #tpu.memory_space<vmem>>, vector<16xf32>,
        %exp3A_329 = math.exp %get3A_328 : vector<16xf32>
        %get3A_330 = arith.constant 0 : i32
        %get3A_331 = arith.index_cast %get3A_330 : i32 to index
        %get3A_332 = arith.index_cast %add3A_313 : i32 to index
        %get3A_333 = arith.index_cast %squeeze3A_315 : i32 to index
        %get3A_334 = arith.constant 32 : index
        %get3A_335 = tpu.vector_load %arg7[%get3A_331, %get3A_332, %get3A_333, %get3A_334] {strides = array<i32>} : memref<2x32x8x64xf32, #tpu.memory_space<vmem>>, vector<16xf32>,
        %exp3A_336 = math.exp %get3A_335 : vector<16xf32>
        %get3A_337 = arith.constant 0 : i32
        %get3A_338 = arith.index_cast %get3A_337 : i32 to index
        %get3A_339 = arith.index_cast %add3A_313 : i32 to index
        %get3A_340 = arith.index_cast %squeeze3A_315 : i32 to index
        %get3A_341 = arith.constant 48 : index
        %get3A_342 = tpu.vector_load %arg7[%get3A_338, %get3A_339, %get3A_340, %get3A_341] {strides = array<i32>} : memref<2x32x8x64xf32, #tpu.memory_space<vmem>>, vector<16xf32>,
        %exp3A_343 = math.exp %get3A_342 : vector<16xf32>
        %add3A_344 = arith.addf %exp3A_322, %exp3A_329 : vector<16xf32>
        %add3A_345 = arith.addf %exp3A_336, %exp3A_343 : vector<16xf32>
        %add3A_346 = arith.addf %add3A_344, %add3A_345 : vector<16xf32>
        %reduce_sum3A_347 = arith.constant true
        %reduce_sum3A_348 = vector.broadcast %reduce_sum3A_347 : i1 to vector<16xi1>
        %reduce_sum3A_349 = tpu.scan <sum>, %add3A_346 masked %reduce_sum3A_348 : vector<16xf32>, vector<16xi1> -> vector<16xf32>
        %reduce_sum3A_350 = vector.extract %reduce_sum3A_349[15] : f32 from vector<16xf32>
        %broadcast_in_dim3A_351 = arith.constant 1.000000e+00 : f32
        %broadcast_in_dim3A_352 = vector.broadcast %broadcast_in_dim3A_351 : f32 to vector<16xf32>
        %broadcast_in_dim3A_353 = vector.broadcast %reduce_sum3A_350 : f32 to vector<16xf32>
        %div3A_354 = arith.divf %broadcast_in_dim3A_352, %broadcast_in_dim3A_353 : vector<16xf32>
        %mul3A_355 = arith.constant 16 : i32
        %mul3A_356 = arith.muli %mul3A_38, %mul3A_355 : i32
        %mul3A_357 = arith.constant 8 : i32
        %mul3A_358 = arith.muli %scan3A_102, %mul3A_357 : i32
        %add3A_359 = arith.addi %mul3A_356, %mul3A_358 : i32
        %add3A_360 = arith.constant 1 : i32
        %add3A_361 = arith.addi %add3A_359, %add3A_360 : i32
        %mul3A_362 = arith.mulf %exp3A_322, %div3A_354 : vector<16xf32>
        %swap3A_363 = arith.index_cast %add3A_361 : i32 to index
        %swap3A_364 = arith.constant 64 : index
        %swap3A_365 = tpu.vector_load %arg8[%swap3A_363, %swap3A_364] {strides = array<i32>} : memref<256x128xf32, #tpu.memory_space<vmem>>, vector<16xf32>,
        tpu.vector_store %arg8[%swap3A_363, %swap3A_364], %mul3A_362 {strides = array<i32>} : memref<256x128xf32, #tpu.memory_space<vmem>>, vector<16xf32>,
        %mul3A_366 = arith.mulf %exp3A_329, %div3A_354 : vector<16xf32>
        %swap3A_367 = arith.index_cast %add3A_361 : i32 to index
        %swap3A_368 = arith.constant 80 : index
        %swap3A_369 = tpu.vector_load %arg8[%swap3A_367, %swap3A_368] {strides = array<i32>} : memref<256x128xf32, #tpu.memory_space<vmem>>, vector<16xf32>,
        tpu.vector_store %arg8[%swap3A_367, %swap3A_368], %mul3A_366 {strides = array<i32>} : memref<256x128xf32, #tpu.memory_space<vmem>>, vector<16xf32>,
        %mul3A_370 = arith.mulf %exp3A_336, %div3A_354 : vector<16xf32>
        %swap3A_371 = arith.index_cast %add3A_361 : i32 to index
        %swap3A_372 = arith.constant 96 : index
        %swap3A_373 = tpu.vector_load %arg8[%swap3A_371, %swap3A_372] {strides = array<i32>} : memref<256x128xf32, #tpu.memory_space<vmem>>, vector<16xf32>,
        tpu.vector_store %arg8[%swap3A_371, %swap3A_372], %mul3A_370 {strides = array<i32>} : memref<256x128xf32, #tpu.memory_space<vmem>>, vector<16xf32>,
        %mul3A_374 = arith.mulf %exp3A_343, %div3A_354 : vector<16xf32>
        %swap3A_375 = arith.index_cast %add3A_361 : i32 to index
        %swap3A_376 = arith.constant 112 : index
        %swap3A_377 = tpu.vector_load %arg8[%swap3A_375, %swap3A_376] {strides = array<i32>} : memref<256x128xf32, #tpu.memory_space<vmem>>, vector<16xf32>,
        tpu.vector_store %arg8[%swap3A_375, %swap3A_376], %mul3A_374 {strides = array<i32>} : memref<256x128xf32, #tpu.memory_space<vmem>>, vector<16xf32>,
        %mul3A_378 = arith.constant 16 : i32
        %mul3A_379 = arith.muli %scan3A_102, %mul3A_378 : i32
        %add3A_380 = arith.constant 4 : i32
        %add3A_381 = arith.addi %mul3A_379, %add3A_380 : i32
        %slice3A_382 = vector.extract_strided_slice %and3A_111 {offsets = [4], sizes = [1], strides = [1]} : vector<16xi32> to vector<1xi32>
        %squeeze3A_383 = vector.extract %slice3A_382[0] : i32 from vector<1xi32>
        %get3A_384 = arith.constant 0 : i32
        %get3A_385 = arith.index_cast %get3A_384 : i32 to index
        %get3A_386 = arith.index_cast %add3A_381 : i32 to index
        %get3A_387 = arith.index_cast %squeeze3A_383 : i32 to index
        %get3A_388 = arith.constant 0 : index
        %get3A_389 = tpu.vector_load %arg7[%get3A_385, %get3A_386, %get3A_387, %get3A_388] {strides = array<i32>} : memref<2x32x8x64xf32, #tpu.memory_space<vmem>>, vector<16xf32>,
        %exp3A_390 = math.exp %get3A_389 : vector<16xf32>
        %get3A_391 = arith.constant 0 : i32
        %get3A_392 = arith.index_cast %get3A_391 : i32 to index
        %get3A_393 = arith.index_cast %add3A_381 : i32 to index
        %get3A_394 = arith.index_cast %squeeze3A_383 : i32 to index
        %get3A_395 = arith.constant 16 : index
        %get3A_396 = tpu.vector_load %arg7[%get3A_392, %get3A_393, %get3A_394, %get3A_395] {strides = array<i32>} : memref<2x32x8x64xf32, #tpu.memory_space<vmem>>, vector<16xf32>,
        %exp3A_397 = math.exp %get3A_396 : vector<16xf32>
        %get3A_398 = arith.constant 0 : i32
        %get3A_399 = arith.index_cast %get3A_398 : i32 to index
        %get3A_400 = arith.index_cast %add3A_381 : i32 to index
        %get3A_401 = arith.index_cast %squeeze3A_383 : i32 to index
        %get3A_402 = arith.constant 32 : index
        %get3A_403 = tpu.vector_load %arg7[%get3A_399, %get3A_400, %get3A_401, %get3A_402] {strides = array<i32>} : memref<2x32x8x64xf32, #tpu.memory_space<vmem>>, vector<16xf32>,
        %exp3A_404 = math.exp %get3A_403 : vector<16xf32>
        %get3A_405 = arith.constant 0 : i32
        %get3A_406 = arith.index_cast %get3A_405 : i32 to index
        %get3A_407 = arith.index_cast %add3A_381 : i32 to index
        %get3A_408 = arith.index_cast %squeeze3A_383 : i32 to index
        %get3A_409 = arith.constant 48 : index
        %get3A_410 = tpu.vector_load %arg7[%get3A_406, %get3A_407, %get3A_408, %get3A_409] {strides = array<i32>} : memref<2x32x8x64xf32, #tpu.memory_space<vmem>>, vector<16xf32>,
        %exp3A_411 = math.exp %get3A_410 : vector<16xf32>
        %add3A_412 = arith.addf %exp3A_390, %exp3A_397 : vector<16xf32>
        %add3A_413 = arith.addf %exp3A_404, %exp3A_411 : vector<16xf32>
        %add3A_414 = arith.addf %add3A_412, %add3A_413 : vector<16xf32>
        %reduce_sum3A_415 = arith.constant true
        %reduce_sum3A_416 = vector.broadcast %reduce_sum3A_415 : i1 to vector<16xi1>
        %reduce_sum3A_417 = tpu.scan <sum>, %add3A_414 masked %reduce_sum3A_416 : vector<16xf32>, vector<16xi1> -> vector<16xf32>
        %reduce_sum3A_418 = vector.extract %reduce_sum3A_417[15] : f32 from vector<16xf32>
        %broadcast_in_dim3A_419 = arith.constant 1.000000e+00 : f32
        %broadcast_in_dim3A_420 = vector.broadcast %broadcast_in_dim3A_419 : f32 to vector<16xf32>
        %broadcast_in_dim3A_421 = vector.broadcast %reduce_sum3A_418 : f32 to vector<16xf32>
        %div3A_422 = arith.divf %broadcast_in_dim3A_420, %broadcast_in_dim3A_421 : vector<16xf32>
        %mul3A_423 = arith.constant 16 : i32
        %mul3A_424 = arith.muli %mul3A_38, %mul3A_423 : i32
        %mul3A_425 = arith.constant 8 : i32
        %mul3A_426 = arith.muli %scan3A_102, %mul3A_425 : i32
        %add3A_427 = arith.addi %mul3A_424, %mul3A_426 : i32
        %add3A_428 = arith.constant 2 : i32
        %add3A_429 = arith.addi %add3A_427, %add3A_428 : i32
        %mul3A_430 = arith.mulf %exp3A_390, %div3A_422 : vector<16xf32>
        %swap3A_431 = arith.index_cast %add3A_429 : i32 to index
        %swap3A_432 = arith.constant 0 : index
        %swap3A_433 = tpu.vector_load %arg8[%swap3A_431, %swap3A_432] {strides = array<i32>} : memref<256x128xf32, #tpu.memory_space<vmem>>, vector<16xf32>,
        tpu.vector_store %arg8[%swap3A_431, %swap3A_432], %mul3A_430 {strides = array<i32>} : memref<256x128xf32, #tpu.memory_space<vmem>>, vector<16xf32>,
        %mul3A_434 = arith.mulf %exp3A_397, %div3A_422 : vector<16xf32>
        %swap3A_435 = arith.index_cast %add3A_429 : i32 to index
        %swap3A_436 = arith.constant 16 : index
        %swap3A_437 = tpu.vector_load %arg8[%swap3A_435, %swap3A_436] {strides = array<i32>} : memref<256x128xf32, #tpu.memory_space<vmem>>, vector<16xf32>,
        tpu.vector_store %arg8[%swap3A_435, %swap3A_436], %mul3A_434 {strides = array<i32>} : memref<256x128xf32, #tpu.memory_space<vmem>>, vector<16xf32>,
        %mul3A_438 = arith.mulf %exp3A_404, %div3A_422 : vector<16xf32>
        %swap3A_439 = arith.index_cast %add3A_429 : i32 to index
        %swap3A_440 = arith.constant 32 : index
        %swap3A_441 = tpu.vector_load %arg8[%swap3A_439, %swap3A_440] {strides = array<i32>} : memref<256x128xf32, #tpu.memory_space<vmem>>, vector<16xf32>,
        tpu.vector_store %arg8[%swap3A_439, %swap3A_440], %mul3A_438 {strides = array<i32>} : memref<256x128xf32, #tpu.memory_space<vmem>>, vector<16xf32>,
        %mul3A_442 = arith.mulf %exp3A_411, %div3A_422 : vector<16xf32>
        %swap3A_443 = arith.index_cast %add3A_429 : i32 to index
        %swap3A_444 = arith.constant 48 : index
        %swap3A_445 = tpu.vector_load %arg8[%swap3A_443, %swap3A_444] {strides = array<i32>} : memref<256x128xf32, #tpu.memory_space<vmem>>, vector<16xf32>,
        tpu.vector_store %arg8[%swap3A_443, %swap3A_444], %mul3A_442 {strides = array<i32>} : memref<256x128xf32, #tpu.memory_space<vmem>>, vector<16xf32>,
        %mul3A_446 = arith.constant 16 : i32
        %mul3A_447 = arith.muli %scan3A_102, %mul3A_446 : i32
        %add3A_448 = arith.constant 5 : i32
        %add3A_449 = arith.addi %mul3A_447, %add3A_448 : i32
        %slice3A_450 = vector.extract_strided_slice %and3A_111 {offsets = [5], sizes = [1], strides = [1]} : vector<16xi32> to vector<1xi32>
        %squeeze3A_451 = vector.extract %slice3A_450[0] : i32 from vector<1xi32>
        %get3A_452 = arith.constant 0 : i32
        %get3A_453 = arith.index_cast %get3A_452 : i32 to index
        %get3A_454 = arith.index_cast %add3A_449 : i32 to index
        %get3A_455 = arith.index_cast %squeeze3A_451 : i32 to index
        %get3A_456 = arith.constant 0 : index
        %get3A_457 = tpu.vector_load %arg7[%get3A_453, %get3A_454, %get3A_455, %get3A_456] {strides = array<i32>} : memref<2x32x8x64xf32, #tpu.memory_space<vmem>>, vector<16xf32>,
        %exp3A_458 = math.exp %get3A_457 : vector<16xf32>
        %get3A_459 = arith.constant 0 : i32
        %get3A_460 = arith.index_cast %get3A_459 : i32 to index
        %get3A_461 = arith.index_cast %add3A_449 : i32 to index
        %get3A_462 = arith.index_cast %squeeze3A_451 : i32 to index
        %get3A_463 = arith.constant 16 : index
        %get3A_464 = tpu.vector_load %arg7[%get3A_460, %get3A_461, %get3A_462, %get3A_463] {strides = array<i32>} : memref<2x32x8x64xf32, #tpu.memory_space<vmem>>, vector<16xf32>,
        %exp3A_465 = math.exp %get3A_464 : vector<16xf32>
        %get3A_466 = arith.constant 0 : i32
        %get3A_467 = arith.index_cast %get3A_466 : i32 to index
        %get3A_468 = arith.index_cast %add3A_449 : i32 to index
        %get3A_469 = arith.index_cast %squeeze3A_451 : i32 to index
        %get3A_470 = arith.constant 32 : index
        %get3A_471 = tpu.vector_load %arg7[%get3A_467, %get3A_468, %get3A_469, %get3A_470] {strides = array<i32>} : memref<2x32x8x64xf32, #tpu.memory_space<vmem>>, vector<16xf32>,
        %exp3A_472 = math.exp %get3A_471 : vector<16xf32>
        %get3A_473 = arith.constant 0 : i32
        %get3A_474 = arith.index_cast %get3A_473 : i32 to index
        %get3A_475 = arith.index_cast %add3A_449 : i32 to index
        %get3A_476 = arith.index_cast %squeeze3A_451 : i32 to index
        %get3A_477 = arith.constant 48 : index
        %get3A_478 = tpu.vector_load %arg7[%get3A_474, %get3A_475, %get3A_476, %get3A_477] {strides = array<i32>} : memref<2x32x8x64xf32, #tpu.memory_space<vmem>>, vector<16xf32>,
        %exp3A_479 = math.exp %get3A_478 : vector<16xf32>
        %add3A_480 = arith.addf %exp3A_458, %exp3A_465 : vector<16xf32>
        %add3A_481 = arith.addf %exp3A_472, %exp3A_479 : vector<16xf32>
        %add3A_482 = arith.addf %add3A_480, %add3A_481 : vector<16xf32>
        %reduce_sum3A_483 = arith.constant true
        %reduce_sum3A_484 = vector.broadcast %reduce_sum3A_483 : i1 to vector<16xi1>
        %reduce_sum3A_485 = tpu.scan <sum>, %add3A_482 masked %reduce_sum3A_484 : vector<16xf32>, vector<16xi1> -> vector<16xf32>
        %reduce_sum3A_486 = vector.extract %reduce_sum3A_485[15] : f32 from vector<16xf32>
        %broadcast_in_dim3A_487 = arith.constant 1.000000e+00 : f32
        %broadcast_in_dim3A_488 = vector.broadcast %broadcast_in_dim3A_487 : f32 to vector<16xf32>
        %broadcast_in_dim3A_489 = vector.broadcast %reduce_sum3A_486 : f32 to vector<16xf32>
        %div3A_490 = arith.divf %broadcast_in_dim3A_488, %broadcast_in_dim3A_489 : vector<16xf32>
        %mul3A_491 = arith.constant 16 : i32
        %mul3A_492 = arith.muli %mul3A_38, %mul3A_491 : i32
        %mul3A_493 = arith.constant 8 : i32
        %mul3A_494 = arith.muli %scan3A_102, %mul3A_493 : i32
        %add3A_495 = arith.addi %mul3A_492, %mul3A_494 : i32
        %add3A_496 = arith.constant 2 : i32
        %add3A_497 = arith.addi %add3A_495, %add3A_496 : i32
        %mul3A_498 = arith.mulf %exp3A_458, %div3A_490 : vector<16xf32>
        %swap3A_499 = arith.index_cast %add3A_497 : i32 to index
        %swap3A_500 = arith.constant 64 : index
        %swap3A_501 = tpu.vector_load %arg8[%swap3A_499, %swap3A_500] {strides = array<i32>} : memref<256x128xf32, #tpu.memory_space<vmem>>, vector<16xf32>,
        tpu.vector_store %arg8[%swap3A_499, %swap3A_500], %mul3A_498 {strides = array<i32>} : memref<256x128xf32, #tpu.memory_space<vmem>>, vector<16xf32>,
        %mul3A_502 = arith.mulf %exp3A_465, %div3A_490 : vector<16xf32>
        %swap3A_503 = arith.index_cast %add3A_497 : i32 to index
        %swap3A_504 = arith.constant 80 : index
        %swap3A_505 = tpu.vector_load %arg8[%swap3A_503, %swap3A_504] {strides = array<i32>} : memref<256x128xf32, #tpu.memory_space<vmem>>, vector<16xf32>,
        tpu.vector_store %arg8[%swap3A_503, %swap3A_504], %mul3A_502 {strides = array<i32>} : memref<256x128xf32, #tpu.memory_space<vmem>>, vector<16xf32>,
        %mul3A_506 = arith.mulf %exp3A_472, %div3A_490 : vector<16xf32>
        %swap3A_507 = arith.index_cast %add3A_497 : i32 to index
        %swap3A_508 = arith.constant 96 : index
        %swap3A_509 = tpu.vector_load %arg8[%swap3A_507, %swap3A_508] {strides = array<i32>} : memref<256x128xf32, #tpu.memory_space<vmem>>, vector<16xf32>,
        tpu.vector_store %arg8[%swap3A_507, %swap3A_508], %mul3A_506 {strides = array<i32>} : memref<256x128xf32, #tpu.memory_space<vmem>>, vector<16xf32>,
        %mul3A_510 = arith.mulf %exp3A_479, %div3A_490 : vector<16xf32>
        %swap3A_511 = arith.index_cast %add3A_497 : i32 to index
        %swap3A_512 = arith.constant 112 : index
        %swap3A_513 = tpu.vector_load %arg8[%swap3A_511, %swap3A_512] {strides = array<i32>} : memref<256x128xf32, #tpu.memory_space<vmem>>, vector<16xf32>,
        tpu.vector_store %arg8[%swap3A_511, %swap3A_512], %mul3A_510 {strides = array<i32>} : memref<256x128xf32, #tpu.memory_space<vmem>>, vector<16xf32>,
        %mul3A_514 = arith.constant 16 : i32
        %mul3A_515 = arith.muli %scan3A_102, %mul3A_514 : i32
        %add3A_516 = arith.constant 6 : i32
        %add3A_517 = arith.addi %mul3A_515, %add3A_516 : i32
        %slice3A_518 = vector.extract_strided_slice %and3A_111 {offsets = [6], sizes = [1], strides = [1]} : vector<16xi32> to vector<1xi32>
        %squeeze3A_519 = vector.extract %slice3A_518[0] : i32 from vector<1xi32>
        %get3A_520 = arith.constant 0 : i32
        %get3A_521 = arith.index_cast %get3A_520 : i32 to index
        %get3A_522 = arith.index_cast %add3A_517 : i32 to index
        %get3A_523 = arith.index_cast %squeeze3A_519 : i32 to index
        %get3A_524 = arith.constant 0 : index
        %get3A_525 = tpu.vector_load %arg7[%get3A_521, %get3A_522, %get3A_523, %get3A_524] {strides = array<i32>} : memref<2x32x8x64xf32, #tpu.memory_space<vmem>>, vector<16xf32>,
        %exp3A_526 = math.exp %get3A_525 : vector<16xf32>
        %get3A_527 = arith.constant 0 : i32
        %get3A_528 = arith.index_cast %get3A_527 : i32 to index
        %get3A_529 = arith.index_cast %add3A_517 : i32 to index
        %get3A_530 = arith.index_cast %squeeze3A_519 : i32 to index
        %get3A_531 = arith.constant 16 : index
        %get3A_532 = tpu.vector_load %arg7[%get3A_528, %get3A_529, %get3A_530, %get3A_531] {strides = array<i32>} : memref<2x32x8x64xf32, #tpu.memory_space<vmem>>, vector<16xf32>,
        %exp3A_533 = math.exp %get3A_532 : vector<16xf32>
        %get3A_534 = arith.constant 0 : i32
        %get3A_535 = arith.index_cast %get3A_534 : i32 to index
        %get3A_536 = arith.index_cast %add3A_517 : i32 to index
        %get3A_537 = arith.index_cast %squeeze3A_519 : i32 to index
        %get3A_538 = arith.constant 32 : index
        %get3A_539 = tpu.vector_load %arg7[%get3A_535, %get3A_536, %get3A_537, %get3A_538] {strides = array<i32>} : memref<2x32x8x64xf32, #tpu.memory_space<vmem>>, vector<16xf32>,
        %exp3A_540 = math.exp %get3A_539 : vector<16xf32>
        %get3A_541 = arith.constant 0 : i32
        %get3A_542 = arith.index_cast %get3A_541 : i32 to index
        %get3A_543 = arith.index_cast %add3A_517 : i32 to index
        %get3A_544 = arith.index_cast %squeeze3A_519 : i32 to index
        %get3A_545 = arith.constant 48 : index
        %get3A_546 = tpu.vector_load %arg7[%get3A_542, %get3A_543, %get3A_544, %get3A_545] {strides = array<i32>} : memref<2x32x8x64xf32, #tpu.memory_space<vmem>>, vector<16xf32>,
        %exp3A_547 = math.exp %get3A_546 : vector<16xf32>
        %add3A_548 = arith.addf %exp3A_526, %exp3A_533 : vector<16xf32>
        %add3A_549 = arith.addf %exp3A_540, %exp3A_547 : vector<16xf32>
        %add3A_550 = arith.addf %add3A_548, %add3A_549 : vector<16xf32>
        %reduce_sum3A_551 = arith.constant true
        %reduce_sum3A_552 = vector.broadcast %reduce_sum3A_551 : i1 to vector<16xi1>
        %reduce_sum3A_553 = tpu.scan <sum>, %add3A_550 masked %reduce_sum3A_552 : vector<16xf32>, vector<16xi1> -> vector<16xf32>
        %reduce_sum3A_554 = vector.extract %reduce_sum3A_553[15] : f32 from vector<16xf32>
        %broadcast_in_dim3A_555 = arith.constant 1.000000e+00 : f32
        %broadcast_in_dim3A_556 = vector.broadcast %broadcast_in_dim3A_555 : f32 to vector<16xf32>
        %broadcast_in_dim3A_557 = vector.broadcast %reduce_sum3A_554 : f32 to vector<16xf32>
        %div3A_558 = arith.divf %broadcast_in_dim3A_556, %broadcast_in_dim3A_557 : vector<16xf32>
        %mul3A_559 = arith.constant 16 : i32
        %mul3A_560 = arith.muli %mul3A_38, %mul3A_559 : i32
        %mul3A_561 = arith.constant 8 : i32
        %mul3A_562 = arith.muli %scan3A_102, %mul3A_561 : i32
        %add3A_563 = arith.addi %mul3A_560, %mul3A_562 : i32
        %add3A_564 = arith.constant 3 : i32
        %add3A_565 = arith.addi %add3A_563, %add3A_564 : i32
        %mul3A_566 = arith.mulf %exp3A_526, %div3A_558 : vector<16xf32>
        %swap3A_567 = arith.index_cast %add3A_565 : i32 to index
        %swap3A_568 = arith.constant 0 : index
        %swap3A_569 = tpu.vector_load %arg8[%swap3A_567, %swap3A_568] {strides = array<i32>} : memref<256x128xf32, #tpu.memory_space<vmem>>, vector<16xf32>,
        tpu.vector_store %arg8[%swap3A_567, %swap3A_568], %mul3A_566 {strides = array<i32>} : memref<256x128xf32, #tpu.memory_space<vmem>>, vector<16xf32>,
        %mul3A_570 = arith.mulf %exp3A_533, %div3A_558 : vector<16xf32>
        %swap3A_571 = arith.index_cast %add3A_565 : i32 to index
        %swap3A_572 = arith.constant 16 : index
        %swap3A_573 = tpu.vector_load %arg8[%swap3A_571, %swap3A_572] {strides = array<i32>} : memref<256x128xf32, #tpu.memory_space<vmem>>, vector<16xf32>,
        tpu.vector_store %arg8[%swap3A_571, %swap3A_572], %mul3A_570 {strides = array<i32>} : memref<256x128xf32, #tpu.memory_space<vmem>>, vector<16xf32>,
        %mul3A_574 = arith.mulf %exp3A_540, %div3A_558 : vector<16xf32>
        %swap3A_575 = arith.index_cast %add3A_565 : i32 to index
        %swap3A_576 = arith.constant 32 : index
        %swap3A_577 = tpu.vector_load %arg8[%swap3A_575, %swap3A_576] {strides = array<i32>} : memref<256x128xf32, #tpu.memory_space<vmem>>, vector<16xf32>,
        tpu.vector_store %arg8[%swap3A_575, %swap3A_576], %mul3A_574 {strides = array<i32>} : memref<256x128xf32, #tpu.memory_space<vmem>>, vector<16xf32>,
        %mul3A_578 = arith.mulf %exp3A_547, %div3A_558 : vector<16xf32>
        %swap3A_579 = arith.index_cast %add3A_565 : i32 to index
        %swap3A_580 = arith.constant 48 : index
        %swap3A_581 = tpu.vector_load %arg8[%swap3A_579, %swap3A_580] {strides = array<i32>} : memref<256x128xf32, #tpu.memory_space<vmem>>, vector<16xf32>,
        tpu.vector_store %arg8[%swap3A_579, %swap3A_580], %mul3A_578 {strides = array<i32>} : memref<256x128xf32, #tpu.memory_space<vmem>>, vector<16xf32>,
        %mul3A_582 = arith.constant 16 : i32
        %mul3A_583 = arith.muli %scan3A_102, %mul3A_582 : i32
        %add3A_584 = arith.constant 7 : i32
        %add3A_585 = arith.addi %mul3A_583, %add3A_584 : i32
        %slice3A_586 = vector.extract_strided_slice %and3A_111 {offsets = [7], sizes = [1], strides = [1]} : vector<16xi32> to vector<1xi32>
        %squeeze3A_587 = vector.extract %slice3A_586[0] : i32 from vector<1xi32>
        %get3A_588 = arith.constant 0 : i32
        %get3A_589 = arith.index_cast %get3A_588 : i32 to index
        %get3A_590 = arith.index_cast %add3A_585 : i32 to index
        %get3A_591 = arith.index_cast %squeeze3A_587 : i32 to index
        %get3A_592 = arith.constant 0 : index
        %get3A_593 = tpu.vector_load %arg7[%get3A_589, %get3A_590, %get3A_591, %get3A_592] {strides = array<i32>} : memref<2x32x8x64xf32, #tpu.memory_space<vmem>>, vector<16xf32>,
        %exp3A_594 = math.exp %get3A_593 : vector<16xf32>
        %get3A_595 = arith.constant 0 : i32
        %get3A_596 = arith.index_cast %get3A_595 : i32 to index
        %get3A_597 = arith.index_cast %add3A_585 : i32 to index
        %get3A_598 = arith.index_cast %squeeze3A_587 : i32 to index
        %get3A_599 = arith.constant 16 : index
        %get3A_600 = tpu.vector_load %arg7[%get3A_596, %get3A_597, %get3A_598, %get3A_599] {strides = array<i32>} : memref<2x32x8x64xf32, #tpu.memory_space<vmem>>, vector<16xf32>,
        %exp3A_601 = math.exp %get3A_600 : vector<16xf32>
        %get3A_602 = arith.constant 0 : i32
        %get3A_603 = arith.index_cast %get3A_602 : i32 to index
        %get3A_604 = arith.index_cast %add3A_585 : i32 to index
        %get3A_605 = arith.index_cast %squeeze3A_587 : i32 to index
        %get3A_606 = arith.constant 32 : index
        %get3A_607 = tpu.vector_load %arg7[%get3A_603, %get3A_604, %get3A_605, %get3A_606] {strides = array<i32>} : memref<2x32x8x64xf32, #tpu.memory_space<vmem>>, vector<16xf32>,
        %exp3A_608 = math.exp %get3A_607 : vector<16xf32>
        %get3A_609 = arith.constant 0 : i32
        %get3A_610 = arith.index_cast %get3A_609 : i32 to index
        %get3A_611 = arith.index_cast %add3A_585 : i32 to index
        %get3A_612 = arith.index_cast %squeeze3A_587 : i32 to index
        %get3A_613 = arith.constant 48 : index
        %get3A_614 = tpu.vector_load %arg7[%get3A_610, %get3A_611, %get3A_612, %get3A_613] {strides = array<i32>} : memref<2x32x8x64xf32, #tpu.memory_space<vmem>>, vector<16xf32>,
        %exp3A_615 = math.exp %get3A_614 : vector<16xf32>
        %add3A_616 = arith.addf %exp3A_594, %exp3A_601 : vector<16xf32>
        %add3A_617 = arith.addf %exp3A_608, %exp3A_615 : vector<16xf32>
        %add3A_618 = arith.addf %add3A_616, %add3A_617 : vector<16xf32>
        %reduce_sum3A_619 = arith.constant true
        %reduce_sum3A_620 = vector.broadcast %reduce_sum3A_619 : i1 to vector<16xi1>
        %reduce_sum3A_621 = tpu.scan <sum>, %add3A_618 masked %reduce_sum3A_620 : vector<16xf32>, vector<16xi1> -> vector<16xf32>
        %reduce_sum3A_622 = vector.extract %reduce_sum3A_621[15] : f32 from vector<16xf32>
        %broadcast_in_dim3A_623 = arith.constant 1.000000e+00 : f32
        %broadcast_in_dim3A_624 = vector.broadcast %broadcast_in_dim3A_623 : f32 to vector<16xf32>
        %broadcast_in_dim3A_625 = vector.broadcast %reduce_sum3A_622 : f32 to vector<16xf32>
        %div3A_626 = arith.divf %broadcast_in_dim3A_624, %broadcast_in_dim3A_625 : vector<16xf32>
        %mul3A_627 = arith.constant 16 : i32
        %mul3A_628 = arith.muli %mul3A_38, %mul3A_627 : i32
        %mul3A_629 = arith.constant 8 : i32
        %mul3A_630 = arith.muli %scan3A_102, %mul3A_629 : i32
        %add3A_631 = arith.addi %mul3A_628, %mul3A_630 : i32
        %add3A_632 = arith.constant 3 : i32
        %add3A_633 = arith.addi %add3A_631, %add3A_632 : i32
        %mul3A_634 = arith.mulf %exp3A_594, %div3A_626 : vector<16xf32>
        %swap3A_635 = arith.index_cast %add3A_633 : i32 to index
        %swap3A_636 = arith.constant 64 : index
        %swap3A_637 = tpu.vector_load %arg8[%swap3A_635, %swap3A_636] {strides = array<i32>} : memref<256x128xf32, #tpu.memory_space<vmem>>, vector<16xf32>,
        tpu.vector_store %arg8[%swap3A_635, %swap3A_636], %mul3A_634 {strides = array<i32>} : memref<256x128xf32, #tpu.memory_space<vmem>>, vector<16xf32>,
        %mul3A_638 = arith.mulf %exp3A_601, %div3A_626 : vector<16xf32>
        %swap3A_639 = arith.index_cast %add3A_633 : i32 to index
        %swap3A_640 = arith.constant 80 : index
        %swap3A_641 = tpu.vector_load %arg8[%swap3A_639, %swap3A_640] {strides = array<i32>} : memref<256x128xf32, #tpu.memory_space<vmem>>, vector<16xf32>,
        tpu.vector_store %arg8[%swap3A_639, %swap3A_640], %mul3A_638 {strides = array<i32>} : memref<256x128xf32, #tpu.memory_space<vmem>>, vector<16xf32>,
        %mul3A_642 = arith.mulf %exp3A_608, %div3A_626 : vector<16xf32>
        %swap3A_643 = arith.index_cast %add3A_633 : i32 to index
        %swap3A_644 = arith.constant 96 : index
        %swap3A_645 = tpu.vector_load %arg8[%swap3A_643, %swap3A_644] {strides = array<i32>} : memref<256x128xf32, #tpu.memory_space<vmem>>, vector<16xf32>,
        tpu.vector_store %arg8[%swap3A_643, %swap3A_644], %mul3A_642 {strides = array<i32>} : memref<256x128xf32, #tpu.memory_space<vmem>>, vector<16xf32>,
        %mul3A_646 = arith.mulf %exp3A_615, %div3A_626 : vector<16xf32>
        %swap3A_647 = arith.index_cast %add3A_633 : i32 to index
        %swap3A_648 = arith.constant 112 : index
        %swap3A_649 = tpu.vector_load %arg8[%swap3A_647, %swap3A_648] {strides = array<i32>} : memref<256x128xf32, #tpu.memory_space<vmem>>, vector<16xf32>,
        tpu.vector_store %arg8[%swap3A_647, %swap3A_648], %mul3A_646 {strides = array<i32>} : memref<256x128xf32, #tpu.memory_space<vmem>>, vector<16xf32>,
        %mul3A_650 = arith.constant 16 : i32
        %mul3A_651 = arith.muli %scan3A_102, %mul3A_650 : i32
        %add3A_652 = arith.constant 8 : i32
        %add3A_653 = arith.addi %mul3A_651, %add3A_652 : i32
        %slice3A_654 = vector.extract_strided_slice %and3A_111 {offsets = [8], sizes = [1], strides = [1]} : vector<16xi32> to vector<1xi32>
        %squeeze3A_655 = vector.extract %slice3A_654[0] : i32 from vector<1xi32>
        %get3A_656 = arith.constant 0 : i32
        %get3A_657 = arith.index_cast %get3A_656 : i32 to index
        %get3A_658 = arith.index_cast %add3A_653 : i32 to index
        %get3A_659 = arith.index_cast %squeeze3A_655 : i32 to index
        %get3A_660 = arith.constant 0 : index
        %get3A_661 = tpu.vector_load %arg7[%get3A_657, %get3A_658, %get3A_659, %get3A_660] {strides = array<i32>} : memref<2x32x8x64xf32, #tpu.memory_space<vmem>>, vector<16xf32>,
        %exp3A_662 = math.exp %get3A_661 : vector<16xf32>
        %get3A_663 = arith.constant 0 : i32
        %get3A_664 = arith.index_cast %get3A_663 : i32 to index
        %get3A_665 = arith.index_cast %add3A_653 : i32 to index
        %get3A_666 = arith.index_cast %squeeze3A_655 : i32 to index
        %get3A_667 = arith.constant 16 : index
        %get3A_668 = tpu.vector_load %arg7[%get3A_664, %get3A_665, %get3A_666, %get3A_667] {strides = array<i32>} : memref<2x32x8x64xf32, #tpu.memory_space<vmem>>, vector<16xf32>,
        %exp3A_669 = math.exp %get3A_668 : vector<16xf32>
        %get3A_670 = arith.constant 0 : i32
        %get3A_671 = arith.index_cast %get3A_670 : i32 to index
        %get3A_672 = arith.index_cast %add3A_653 : i32 to index
        %get3A_673 = arith.index_cast %squeeze3A_655 : i32 to index
        %get3A_674 = arith.constant 32 : index
        %get3A_675 = tpu.vector_load %arg7[%get3A_671, %get3A_672, %get3A_673, %get3A_674] {strides = array<i32>} : memref<2x32x8x64xf32, #tpu.memory_space<vmem>>, vector<16xf32>,
        %exp3A_676 = math.exp %get3A_675 : vector<16xf32>
        %get3A_677 = arith.constant 0 : i32
        %get3A_678 = arith.index_cast %get3A_677 : i32 to index
        %get3A_679 = arith.index_cast %add3A_653 : i32 to index
        %get3A_680 = arith.index_cast %squeeze3A_655 : i32 to index
        %get3A_681 = arith.constant 48 : index
        %get3A_682 = tpu.vector_load %arg7[%get3A_678, %get3A_679, %get3A_680, %get3A_681] {strides = array<i32>} : memref<2x32x8x64xf32, #tpu.memory_space<vmem>>, vector<16xf32>,
        %exp3A_683 = math.exp %get3A_682 : vector<16xf32>
        %add3A_684 = arith.addf %exp3A_662, %exp3A_669 : vector<16xf32>
        %add3A_685 = arith.addf %exp3A_676, %exp3A_683 : vector<16xf32>
        %add3A_686 = arith.addf %add3A_684, %add3A_685 : vector<16xf32>
        %reduce_sum3A_687 = arith.constant true
        %reduce_sum3A_688 = vector.broadcast %reduce_sum3A_687 : i1 to vector<16xi1>
        %reduce_sum3A_689 = tpu.scan <sum>, %add3A_686 masked %reduce_sum3A_688 : vector<16xf32>, vector<16xi1> -> vector<16xf32>
        %reduce_sum3A_690 = vector.extract %reduce_sum3A_689[15] : f32 from vector<16xf32>
        %broadcast_in_dim3A_691 = arith.constant 1.000000e+00 : f32
        %broadcast_in_dim3A_692 = vector.broadcast %broadcast_in_dim3A_691 : f32 to vector<16xf32>
        %broadcast_in_dim3A_693 = vector.broadcast %reduce_sum3A_690 : f32 to vector<16xf32>
        %div3A_694 = arith.divf %broadcast_in_dim3A_692, %broadcast_in_dim3A_693 : vector<16xf32>
        %mul3A_695 = arith.constant 16 : i32
        %mul3A_696 = arith.muli %mul3A_38, %mul3A_695 : i32
        %mul3A_697 = arith.constant 8 : i32
        %mul3A_698 = arith.muli %scan3A_102, %mul3A_697 : i32
        %add3A_699 = arith.addi %mul3A_696, %mul3A_698 : i32
        %add3A_700 = arith.constant 4 : i32
        %add3A_701 = arith.addi %add3A_699, %add3A_700 : i32
        %mul3A_702 = arith.mulf %exp3A_662, %div3A_694 : vector<16xf32>
        %swap3A_703 = arith.index_cast %add3A_701 : i32 to index
        %swap3A_704 = arith.constant 0 : index
        %swap3A_705 = tpu.vector_load %arg8[%swap3A_703, %swap3A_704] {strides = array<i32>} : memref<256x128xf32, #tpu.memory_space<vmem>>, vector<16xf32>,
        tpu.vector_store %arg8[%swap3A_703, %swap3A_704], %mul3A_702 {strides = array<i32>} : memref<256x128xf32, #tpu.memory_space<vmem>>, vector<16xf32>,
        %mul3A_706 = arith.mulf %exp3A_669, %div3A_694 : vector<16xf32>
        %swap3A_707 = arith.index_cast %add3A_701 : i32 to index
        %swap3A_708 = arith.constant 16 : index
        %swap3A_709 = tpu.vector_load %arg8[%swap3A_707, %swap3A_708] {strides = array<i32>} : memref<256x128xf32, #tpu.memory_space<vmem>>, vector<16xf32>,
        tpu.vector_store %arg8[%swap3A_707, %swap3A_708], %mul3A_706 {strides = array<i32>} : memref<256x128xf32, #tpu.memory_space<vmem>>, vector<16xf32>,
        %mul3A_710 = arith.mulf %exp3A_676, %div3A_694 : vector<16xf32>
        %swap3A_711 = arith.index_cast %add3A_701 : i32 to index
        %swap3A_712 = arith.constant 32 : index
        %swap3A_713 = tpu.vector_load %arg8[%swap3A_711, %swap3A_712] {strides = array<i32>} : memref<256x128xf32, #tpu.memory_space<vmem>>, vector<16xf32>,
        tpu.vector_store %arg8[%swap3A_711, %swap3A_712], %mul3A_710 {strides = array<i32>} : memref<256x128xf32, #tpu.memory_space<vmem>>, vector<16xf32>,
        %mul3A_714 = arith.mulf %exp3A_683, %div3A_694 : vector<16xf32>
        %swap3A_715 = arith.index_cast %add3A_701 : i32 to index
        %swap3A_716 = arith.constant 48 : index
        %swap3A_717 = tpu.vector_load %arg8[%swap3A_715, %swap3A_716] {strides = array<i32>} : memref<256x128xf32, #tpu.memory_space<vmem>>, vector<16xf32>,
        tpu.vector_store %arg8[%swap3A_715, %swap3A_716], %mul3A_714 {strides = array<i32>} : memref<256x128xf32, #tpu.memory_space<vmem>>, vector<16xf32>,
        %mul3A_718 = arith.constant 16 : i32
        %mul3A_719 = arith.muli %scan3A_102, %mul3A_718 : i32
        %add3A_720 = arith.constant 9 : i32
        %add3A_721 = arith.addi %mul3A_719, %add3A_720 : i32
        %slice3A_722 = vector.extract_strided_slice %and3A_111 {offsets = [9], sizes = [1], strides = [1]} : vector<16xi32> to vector<1xi32>
        %squeeze3A_723 = vector.extract %slice3A_722[0] : i32 from vector<1xi32>
        %get3A_724 = arith.constant 0 : i32
        %get3A_725 = arith.index_cast %get3A_724 : i32 to index
        %get3A_726 = arith.index_cast %add3A_721 : i32 to index
        %get3A_727 = arith.index_cast %squeeze3A_723 : i32 to index
        %get3A_728 = arith.constant 0 : index
        %get3A_729 = tpu.vector_load %arg7[%get3A_725, %get3A_726, %get3A_727, %get3A_728] {strides = array<i32>} : memref<2x32x8x64xf32, #tpu.memory_space<vmem>>, vector<16xf32>,
        %exp3A_730 = math.exp %get3A_729 : vector<16xf32>
        %get3A_731 = arith.constant 0 : i32
        %get3A_732 = arith.index_cast %get3A_731 : i32 to index
        %get3A_733 = arith.index_cast %add3A_721 : i32 to index
        %get3A_734 = arith.index_cast %squeeze3A_723 : i32 to index
        %get3A_735 = arith.constant 16 : index
        %get3A_736 = tpu.vector_load %arg7[%get3A_732, %get3A_733, %get3A_734, %get3A_735] {strides = array<i32>} : memref<2x32x8x64xf32, #tpu.memory_space<vmem>>, vector<16xf32>,
        %exp3A_737 = math.exp %get3A_736 : vector<16xf32>
        %get3A_738 = arith.constant 0 : i32
        %get3A_739 = arith.index_cast %get3A_738 : i32 to index
        %get3A_740 = arith.index_cast %add3A_721 : i32 to index
        %get3A_741 = arith.index_cast %squeeze3A_723 : i32 to index
        %get3A_742 = arith.constant 32 : index
        %get3A_743 = tpu.vector_load %arg7[%get3A_739, %get3A_740, %get3A_741, %get3A_742] {strides = array<i32>} : memref<2x32x8x64xf32, #tpu.memory_space<vmem>>, vector<16xf32>,
        %exp3A_744 = math.exp %get3A_743 : vector<16xf32>
        %get3A_745 = arith.constant 0 : i32
        %get3A_746 = arith.index_cast %get3A_745 : i32 to index
        %get3A_747 = arith.index_cast %add3A_721 : i32 to index
        %get3A_748 = arith.index_cast %squeeze3A_723 : i32 to index
        %get3A_749 = arith.constant 48 : index
        %get3A_750 = tpu.vector_load %arg7[%get3A_746, %get3A_747, %get3A_748, %get3A_749] {strides = array<i32>} : memref<2x32x8x64xf32, #tpu.memory_space<vmem>>, vector<16xf32>,
        %exp3A_751 = math.exp %get3A_750 : vector<16xf32>
        %add3A_752 = arith.addf %exp3A_730, %exp3A_737 : vector<16xf32>
        %add3A_753 = arith.addf %exp3A_744, %exp3A_751 : vector<16xf32>
        %add3A_754 = arith.addf %add3A_752, %add3A_753 : vector<16xf32>
        %reduce_sum3A_755 = arith.constant true
        %reduce_sum3A_756 = vector.broadcast %reduce_sum3A_755 : i1 to vector<16xi1>
        %reduce_sum3A_757 = tpu.scan <sum>, %add3A_754 masked %reduce_sum3A_756 : vector<16xf32>, vector<16xi1> -> vector<16xf32>
        %reduce_sum3A_758 = vector.extract %reduce_sum3A_757[15] : f32 from vector<16xf32>
        %broadcast_in_dim3A_759 = arith.constant 1.000000e+00 : f32
        %broadcast_in_dim3A_760 = vector.broadcast %broadcast_in_dim3A_759 : f32 to vector<16xf32>
        %broadcast_in_dim3A_761 = vector.broadcast %reduce_sum3A_758 : f32 to vector<16xf32>
        %div3A_762 = arith.divf %broadcast_in_dim3A_760, %broadcast_in_dim3A_761 : vector<16xf32>
        %mul3A_763 = arith.constant 16 : i32
        %mul3A_764 = arith.muli %mul3A_38, %mul3A_763 : i32
        %mul3A_765 = arith.constant 8 : i32
        %mul3A_766 = arith.muli %scan3A_102, %mul3A_765 : i32
        %add3A_767 = arith.addi %mul3A_764, %mul3A_766 : i32
        %add3A_768 = arith.constant 4 : i32
        %add3A_769 = arith.addi %add3A_767, %add3A_768 : i32
        %mul3A_770 = arith.mulf %exp3A_730, %div3A_762 : vector<16xf32>
        %swap3A_771 = arith.index_cast %add3A_769 : i32 to index
        %swap3A_772 = arith.constant 64 : index
        %swap3A_773 = tpu.vector_load %arg8[%swap3A_771, %swap3A_772] {strides = array<i32>} : memref<256x128xf32, #tpu.memory_space<vmem>>, vector<16xf32>,
        tpu.vector_store %arg8[%swap3A_771, %swap3A_772], %mul3A_770 {strides = array<i32>} : memref<256x128xf32, #tpu.memory_space<vmem>>, vector<16xf32>,
        %mul3A_774 = arith.mulf %exp3A_737, %div3A_762 : vector<16xf32>
        %swap3A_775 = arith.index_cast %add3A_769 : i32 to index
        %swap3A_776 = arith.constant 80 : index
        %swap3A_777 = tpu.vector_load %arg8[%swap3A_775, %swap3A_776] {strides = array<i32>} : memref<256x128xf32, #tpu.memory_space<vmem>>, vector<16xf32>,
        tpu.vector_store %arg8[%swap3A_775, %swap3A_776], %mul3A_774 {strides = array<i32>} : memref<256x128xf32, #tpu.memory_space<vmem>>, vector<16xf32>,
        %mul3A_778 = arith.mulf %exp3A_744, %div3A_762 : vector<16xf32>
        %swap3A_779 = arith.index_cast %add3A_769 : i32 to index
        %swap3A_780 = arith.constant 96 : index
        %swap3A_781 = tpu.vector_load %arg8[%swap3A_779, %swap3A_780] {strides = array<i32>} : memref<256x128xf32, #tpu.memory_space<vmem>>, vector<16xf32>,
        tpu.vector_store %arg8[%swap3A_779, %swap3A_780], %mul3A_778 {strides = array<i32>} : memref<256x128xf32, #tpu.memory_space<vmem>>, vector<16xf32>,
        %mul3A_782 = arith.mulf %exp3A_751, %div3A_762 : vector<16xf32>
        %swap3A_783 = arith.index_cast %add3A_769 : i32 to index
        %swap3A_784 = arith.constant 112 : index
        %swap3A_785 = tpu.vector_load %arg8[%swap3A_783, %swap3A_784] {strides = array<i32>} : memref<256x128xf32, #tpu.memory_space<vmem>>, vector<16xf32>,
        tpu.vector_store %arg8[%swap3A_783, %swap3A_784], %mul3A_782 {strides = array<i32>} : memref<256x128xf32, #tpu.memory_space<vmem>>, vector<16xf32>,
        %mul3A_786 = arith.constant 16 : i32
        %mul3A_787 = arith.muli %scan3A_102, %mul3A_786 : i32
        %add3A_788 = arith.constant 10 : i32
        %add3A_789 = arith.addi %mul3A_787, %add3A_788 : i32
        %slice3A_790 = vector.extract_strided_slice %and3A_111 {offsets = [10], sizes = [1], strides = [1]} : vector<16xi32> to vector<1xi32>
        %squeeze3A_791 = vector.extract %slice3A_790[0] : i32 from vector<1xi32>
        %get3A_792 = arith.constant 0 : i32
        %get3A_793 = arith.index_cast %get3A_792 : i32 to index
        %get3A_794 = arith.index_cast %add3A_789 : i32 to index
        %get3A_795 = arith.index_cast %squeeze3A_791 : i32 to index
        %get3A_796 = arith.constant 0 : index
        %get3A_797 = tpu.vector_load %arg7[%get3A_793, %get3A_794, %get3A_795, %get3A_796] {strides = array<i32>} : memref<2x32x8x64xf32, #tpu.memory_space<vmem>>, vector<16xf32>,
        %exp3A_798 = math.exp %get3A_797 : vector<16xf32>
        %get3A_799 = arith.constant 0 : i32
        %get3A_800 = arith.index_cast %get3A_799 : i32 to index
        %get3A_801 = arith.index_cast %add3A_789 : i32 to index
        %get3A_802 = arith.index_cast %squeeze3A_791 : i32 to index
        %get3A_803 = arith.constant 16 : index
        %get3A_804 = tpu.vector_load %arg7[%get3A_800, %get3A_801, %get3A_802, %get3A_803] {strides = array<i32>} : memref<2x32x8x64xf32, #tpu.memory_space<vmem>>, vector<16xf32>,
        %exp3A_805 = math.exp %get3A_804 : vector<16xf32>
        %get3A_806 = arith.constant 0 : i32
        %get3A_807 = arith.index_cast %get3A_806 : i32 to index
        %get3A_808 = arith.index_cast %add3A_789 : i32 to index
        %get3A_809 = arith.index_cast %squeeze3A_791 : i32 to index
        %get3A_810 = arith.constant 32 : index
        %get3A_811 = tpu.vector_load %arg7[%get3A_807, %get3A_808, %get3A_809, %get3A_810] {strides = array<i32>} : memref<2x32x8x64xf32, #tpu.memory_space<vmem>>, vector<16xf32>,
        %exp3A_812 = math.exp %get3A_811 : vector<16xf32>
        %get3A_813 = arith.constant 0 : i32
        %get3A_814 = arith.index_cast %get3A_813 : i32 to index
        %get3A_815 = arith.index_cast %add3A_789 : i32 to index
        %get3A_816 = arith.index_cast %squeeze3A_791 : i32 to index
        %get3A_817 = arith.constant 48 : index
        %get3A_818 = tpu.vector_load %arg7[%get3A_814, %get3A_815, %get3A_816, %get3A_817] {strides = array<i32>} : memref<2x32x8x64xf32, #tpu.memory_space<vmem>>, vector<16xf32>,
        %exp3A_819 = math.exp %get3A_818 : vector<16xf32>
        %add3A_820 = arith.addf %exp3A_798, %exp3A_805 : vector<16xf32>
        %add3A_821 = arith.addf %exp3A_812, %exp3A_819 : vector<16xf32>
        %add3A_822 = arith.addf %add3A_820, %add3A_821 : vector<16xf32>
        %reduce_sum3A_823 = arith.constant true
        %reduce_sum3A_824 = vector.broadcast %reduce_sum3A_823 : i1 to vector<16xi1>
        %reduce_sum3A_825 = tpu.scan <sum>, %add3A_822 masked %reduce_sum3A_824 : vector<16xf32>, vector<16xi1> -> vector<16xf32>
        %reduce_sum3A_826 = vector.extract %reduce_sum3A_825[15] : f32 from vector<16xf32>
        %broadcast_in_dim3A_827 = arith.constant 1.000000e+00 : f32
        %broadcast_in_dim3A_828 = vector.broadcast %broadcast_in_dim3A_827 : f32 to vector<16xf32>
        %broadcast_in_dim3A_829 = vector.broadcast %reduce_sum3A_826 : f32 to vector<16xf32>
        %div3A_830 = arith.divf %broadcast_in_dim3A_828, %broadcast_in_dim3A_829 : vector<16xf32>
        %mul3A_831 = arith.constant 16 : i32
        %mul3A_832 = arith.muli %mul3A_38, %mul3A_831 : i32
        %mul3A_833 = arith.constant 8 : i32
        %mul3A_834 = arith.muli %scan3A_102, %mul3A_833 : i32
        %add3A_835 = arith.addi %mul3A_832, %mul3A_834 : i32
        %add3A_836 = arith.constant 5 : i32
        %add3A_837 = arith.addi %add3A_835, %add3A_836 : i32
        %mul3A_838 = arith.mulf %exp3A_798, %div3A_830 : vector<16xf32>
        %swap3A_839 = arith.index_cast %add3A_837 : i32 to index
        %swap3A_840 = arith.constant 0 : index
        %swap3A_841 = tpu.vector_load %arg8[%swap3A_839, %swap3A_840] {strides = array<i32>} : memref<256x128xf32, #tpu.memory_space<vmem>>, vector<16xf32>,
        tpu.vector_store %arg8[%swap3A_839, %swap3A_840], %mul3A_838 {strides = array<i32>} : memref<256x128xf32, #tpu.memory_space<vmem>>, vector<16xf32>,
        %mul3A_842 = arith.mulf %exp3A_805, %div3A_830 : vector<16xf32>
        %swap3A_843 = arith.index_cast %add3A_837 : i32 to index
        %swap3A_844 = arith.constant 16 : index
        %swap3A_845 = tpu.vector_load %arg8[%swap3A_843, %swap3A_844] {strides = array<i32>} : memref<256x128xf32, #tpu.memory_space<vmem>>, vector<16xf32>,
        tpu.vector_store %arg8[%swap3A_843, %swap3A_844], %mul3A_842 {strides = array<i32>} : memref<256x128xf32, #tpu.memory_space<vmem>>, vector<16xf32>,
        %mul3A_846 = arith.mulf %exp3A_812, %div3A_830 : vector<16xf32>
        %swap3A_847 = arith.index_cast %add3A_837 : i32 to index
        %swap3A_848 = arith.constant 32 : index
        %swap3A_849 = tpu.vector_load %arg8[%swap3A_847, %swap3A_848] {strides = array<i32>} : memref<256x128xf32, #tpu.memory_space<vmem>>, vector<16xf32>,
        tpu.vector_store %arg8[%swap3A_847, %swap3A_848], %mul3A_846 {strides = array<i32>} : memref<256x128xf32, #tpu.memory_space<vmem>>, vector<16xf32>,
        %mul3A_850 = arith.mulf %exp3A_819, %div3A_830 : vector<16xf32>
        %swap3A_851 = arith.index_cast %add3A_837 : i32 to index
        %swap3A_852 = arith.constant 48 : index
        %swap3A_853 = tpu.vector_load %arg8[%swap3A_851, %swap3A_852] {strides = array<i32>} : memref<256x128xf32, #tpu.memory_space<vmem>>, vector<16xf32>,
        tpu.vector_store %arg8[%swap3A_851, %swap3A_852], %mul3A_850 {strides = array<i32>} : memref<256x128xf32, #tpu.memory_space<vmem>>, vector<16xf32>,
        %mul3A_854 = arith.constant 16 : i32
        %mul3A_855 = arith.muli %scan3A_102, %mul3A_854 : i32
        %add3A_856 = arith.constant 11 : i32
        %add3A_857 = arith.addi %mul3A_855, %add3A_856 : i32
        %slice3A_858 = vector.extract_strided_slice %and3A_111 {offsets = [11], sizes = [1], strides = [1]} : vector<16xi32> to vector<1xi32>
        %squeeze3A_859 = vector.extract %slice3A_858[0] : i32 from vector<1xi32>
        %get3A_860 = arith.constant 0 : i32
        %get3A_861 = arith.index_cast %get3A_860 : i32 to index
        %get3A_862 = arith.index_cast %add3A_857 : i32 to index
        %get3A_863 = arith.index_cast %squeeze3A_859 : i32 to index
        %get3A_864 = arith.constant 0 : index
        %get3A_865 = tpu.vector_load %arg7[%get3A_861, %get3A_862, %get3A_863, %get3A_864] {strides = array<i32>} : memref<2x32x8x64xf32, #tpu.memory_space<vmem>>, vector<16xf32>,
        %exp3A_866 = math.exp %get3A_865 : vector<16xf32>
        %get3A_867 = arith.constant 0 : i32
        %get3A_868 = arith.index_cast %get3A_867 : i32 to index
        %get3A_869 = arith.index_cast %add3A_857 : i32 to index
        %get3A_870 = arith.index_cast %squeeze3A_859 : i32 to index
        %get3A_871 = arith.constant 16 : index
        %get3A_872 = tpu.vector_load %arg7[%get3A_868, %get3A_869, %get3A_870, %get3A_871] {strides = array<i32>} : memref<2x32x8x64xf32, #tpu.memory_space<vmem>>, vector<16xf32>,
        %exp3A_873 = math.exp %get3A_872 : vector<16xf32>
        %get3A_874 = arith.constant 0 : i32
        %get3A_875 = arith.index_cast %get3A_874 : i32 to index
        %get3A_876 = arith.index_cast %add3A_857 : i32 to index
        %get3A_877 = arith.index_cast %squeeze3A_859 : i32 to index
        %get3A_878 = arith.constant 32 : index
        %get3A_879 = tpu.vector_load %arg7[%get3A_875, %get3A_876, %get3A_877, %get3A_878] {strides = array<i32>} : memref<2x32x8x64xf32, #tpu.memory_space<vmem>>, vector<16xf32>,
        %exp3A_880 = math.exp %get3A_879 : vector<16xf32>
        %get3A_881 = arith.constant 0 : i32
        %get3A_882 = arith.index_cast %get3A_881 : i32 to index
        %get3A_883 = arith.index_cast %add3A_857 : i32 to index
        %get3A_884 = arith.index_cast %squeeze3A_859 : i32 to index
        %get3A_885 = arith.constant 48 : index
        %get3A_886 = tpu.vector_load %arg7[%get3A_882, %get3A_883, %get3A_884, %get3A_885] {strides = array<i32>} : memref<2x32x8x64xf32, #tpu.memory_space<vmem>>, vector<16xf32>,
        %exp3A_887 = math.exp %get3A_886 : vector<16xf32>
        %add3A_888 = arith.addf %exp3A_866, %exp3A_873 : vector<16xf32>
        %add3A_889 = arith.addf %exp3A_880, %exp3A_887 : vector<16xf32>
        %add3A_890 = arith.addf %add3A_888, %add3A_889 : vector<16xf32>
        %reduce_sum3A_891 = arith.constant true
        %reduce_sum3A_892 = vector.broadcast %reduce_sum3A_891 : i1 to vector<16xi1>
        %reduce_sum3A_893 = tpu.scan <sum>, %add3A_890 masked %reduce_sum3A_892 : vector<16xf32>, vector<16xi1> -> vector<16xf32>
        %reduce_sum3A_894 = vector.extract %reduce_sum3A_893[15] : f32 from vector<16xf32>
        %broadcast_in_dim3A_895 = arith.constant 1.000000e+00 : f32
        %broadcast_in_dim3A_896 = vector.broadcast %broadcast_in_dim3A_895 : f32 to vector<16xf32>
        %broadcast_in_dim3A_897 = vector.broadcast %reduce_sum3A_894 : f32 to vector<16xf32>
        %div3A_898 = arith.divf %broadcast_in_dim3A_896, %broadcast_in_dim3A_897 : vector<16xf32>
        %mul3A_899 = arith.constant 16 : i32
        %mul3A_900 = arith.muli %mul3A_38, %mul3A_899 : i32
        %mul3A_901 = arith.constant 8 : i32
        %mul3A_902 = arith.muli %scan3A_102, %mul3A_901 : i32
        %add3A_903 = arith.addi %mul3A_900, %mul3A_902 : i32
        %add3A_904 = arith.constant 5 : i32
        %add3A_905 = arith.addi %add3A_903, %add3A_904 : i32
        %mul3A_906 = arith.mulf %exp3A_866, %div3A_898 : vector<16xf32>
        %swap3A_907 = arith.index_cast %add3A_905 : i32 to index
        %swap3A_908 = arith.constant 64 : index
        %swap3A_909 = tpu.vector_load %arg8[%swap3A_907, %swap3A_908] {strides = array<i32>} : memref<256x128xf32, #tpu.memory_space<vmem>>, vector<16xf32>,
        tpu.vector_store %arg8[%swap3A_907, %swap3A_908], %mul3A_906 {strides = array<i32>} : memref<256x128xf32, #tpu.memory_space<vmem>>, vector<16xf32>,
        %mul3A_910 = arith.mulf %exp3A_873, %div3A_898 : vector<16xf32>
        %swap3A_911 = arith.index_cast %add3A_905 : i32 to index
        %swap3A_912 = arith.constant 80 : index
        %swap3A_913 = tpu.vector_load %arg8[%swap3A_911, %swap3A_912] {strides = array<i32>} : memref<256x128xf32, #tpu.memory_space<vmem>>, vector<16xf32>,
        tpu.vector_store %arg8[%swap3A_911, %swap3A_912], %mul3A_910 {strides = array<i32>} : memref<256x128xf32, #tpu.memory_space<vmem>>, vector<16xf32>,
        %mul3A_914 = arith.mulf %exp3A_880, %div3A_898 : vector<16xf32>
        %swap3A_915 = arith.index_cast %add3A_905 : i32 to index
        %swap3A_916 = arith.constant 96 : index
        %swap3A_917 = tpu.vector_load %arg8[%swap3A_915, %swap3A_916] {strides = array<i32>} : memref<256x128xf32, #tpu.memory_space<vmem>>, vector<16xf32>,
        tpu.vector_store %arg8[%swap3A_915, %swap3A_916], %mul3A_914 {strides = array<i32>} : memref<256x128xf32, #tpu.memory_space<vmem>>, vector<16xf32>,
        %mul3A_918 = arith.mulf %exp3A_887, %div3A_898 : vector<16xf32>
        %swap3A_919 = arith.index_cast %add3A_905 : i32 to index
        %swap3A_920 = arith.constant 112 : index
        %swap3A_921 = tpu.vector_load %arg8[%swap3A_919, %swap3A_920] {strides = array<i32>} : memref<256x128xf32, #tpu.memory_space<vmem>>, vector<16xf32>,
        tpu.vector_store %arg8[%swap3A_919, %swap3A_920], %mul3A_918 {strides = array<i32>} : memref<256x128xf32, #tpu.memory_space<vmem>>, vector<16xf32>,
        %mul3A_922 = arith.constant 16 : i32
        %mul3A_923 = arith.muli %scan3A_102, %mul3A_922 : i32
        %add3A_924 = arith.constant 12 : i32
        %add3A_925 = arith.addi %mul3A_923, %add3A_924 : i32
        %slice3A_926 = vector.extract_strided_slice %and3A_111 {offsets = [12], sizes = [1], strides = [1]} : vector<16xi32> to vector<1xi32>
        %squeeze3A_927 = vector.extract %slice3A_926[0] : i32 from vector<1xi32>
        %get3A_928 = arith.constant 0 : i32
        %get3A_929 = arith.index_cast %get3A_928 : i32 to index
        %get3A_930 = arith.index_cast %add3A_925 : i32 to index
        %get3A_931 = arith.index_cast %squeeze3A_927 : i32 to index
        %get3A_932 = arith.constant 0 : index
        %get3A_933 = tpu.vector_load %arg7[%get3A_929, %get3A_930, %get3A_931, %get3A_932] {strides = array<i32>} : memref<2x32x8x64xf32, #tpu.memory_space<vmem>>, vector<16xf32>,
        %exp3A_934 = math.exp %get3A_933 : vector<16xf32>
        %get3A_935 = arith.constant 0 : i32
        %get3A_936 = arith.index_cast %get3A_935 : i32 to index
        %get3A_937 = arith.index_cast %add3A_925 : i32 to index
        %get3A_938 = arith.index_cast %squeeze3A_927 : i32 to index
        %get3A_939 = arith.constant 16 : index
        %get3A_940 = tpu.vector_load %arg7[%get3A_936, %get3A_937, %get3A_938, %get3A_939] {strides = array<i32>} : memref<2x32x8x64xf32, #tpu.memory_space<vmem>>, vector<16xf32>,
        %exp3A_941 = math.exp %get3A_940 : vector<16xf32>
        %get3A_942 = arith.constant 0 : i32
        %get3A_943 = arith.index_cast %get3A_942 : i32 to index
        %get3A_944 = arith.index_cast %add3A_925 : i32 to index
        %get3A_945 = arith.index_cast %squeeze3A_927 : i32 to index
        %get3A_946 = arith.constant 32 : index
        %get3A_947 = tpu.vector_load %arg7[%get3A_943, %get3A_944, %get3A_945, %get3A_946] {strides = array<i32>} : memref<2x32x8x64xf32, #tpu.memory_space<vmem>>, vector<16xf32>,
        %exp3A_948 = math.exp %get3A_947 : vector<16xf32>
        %get3A_949 = arith.constant 0 : i32
        %get3A_950 = arith.index_cast %get3A_949 : i32 to index
        %get3A_951 = arith.index_cast %add3A_925 : i32 to index
        %get3A_952 = arith.index_cast %squeeze3A_927 : i32 to index
        %get3A_953 = arith.constant 48 : index
        %get3A_954 = tpu.vector_load %arg7[%get3A_950, %get3A_951, %get3A_952, %get3A_953] {strides = array<i32>} : memref<2x32x8x64xf32, #tpu.memory_space<vmem>>, vector<16xf32>,
        %exp3A_955 = math.exp %get3A_954 : vector<16xf32>
        %add3A_956 = arith.addf %exp3A_934, %exp3A_941 : vector<16xf32>
        %add3A_957 = arith.addf %exp3A_948, %exp3A_955 : vector<16xf32>
        %add3A_958 = arith.addf %add3A_956, %add3A_957 : vector<16xf32>
        %reduce_sum3A_959 = arith.constant true
        %reduce_sum3A_960 = vector.broadcast %reduce_sum3A_959 : i1 to vector<16xi1>
        %reduce_sum3A_961 = tpu.scan <sum>, %add3A_958 masked %reduce_sum3A_960 : vector<16xf32>, vector<16xi1> -> vector<16xf32>
        %reduce_sum3A_962 = vector.extract %reduce_sum3A_961[15] : f32 from vector<16xf32>
        %broadcast_in_dim3A_963 = arith.constant 1.000000e+00 : f32
        %broadcast_in_dim3A_964 = vector.broadcast %broadcast_in_dim3A_963 : f32 to vector<16xf32>
        %broadcast_in_dim3A_965 = vector.broadcast %reduce_sum3A_962 : f32 to vector<16xf32>
        %div3A_966 = arith.divf %broadcast_in_dim3A_964, %broadcast_in_dim3A_965 : vector<16xf32>
        %mul3A_967 = arith.constant 16 : i32
        %mul3A_968 = arith.muli %mul3A_38, %mul3A_967 : i32
        %mul3A_969 = arith.constant 8 : i32
        %mul3A_970 = arith.muli %scan3A_102, %mul3A_969 : i32
        %add3A_971 = arith.addi %mul3A_968, %mul3A_970 : i32
        %add3A_972 = arith.constant 6 : i32
        %add3A_973 = arith.addi %add3A_971, %add3A_972 : i32
        %mul3A_974 = arith.mulf %exp3A_934, %div3A_966 : vector<16xf32>
        %swap3A_975 = arith.index_cast %add3A_973 : i32 to index
        %swap3A_976 = arith.constant 0 : index
        %swap3A_977 = tpu.vector_load %arg8[%swap3A_975, %swap3A_976] {strides = array<i32>} : memref<256x128xf32, #tpu.memory_space<vmem>>, vector<16xf32>,
        tpu.vector_store %arg8[%swap3A_975, %swap3A_976], %mul3A_974 {strides = array<i32>} : memref<256x128xf32, #tpu.memory_space<vmem>>, vector<16xf32>,
        %mul3A_978 = arith.mulf %exp3A_941, %div3A_966 : vector<16xf32>
        %swap3A_979 = arith.index_cast %add3A_973 : i32 to index
        %swap3A_980 = arith.constant 16 : index
        %swap3A_981 = tpu.vector_load %arg8[%swap3A_979, %swap3A_980] {strides = array<i32>} : memref<256x128xf32, #tpu.memory_space<vmem>>, vector<16xf32>,
        tpu.vector_store %arg8[%swap3A_979, %swap3A_980], %mul3A_978 {strides = array<i32>} : memref<256x128xf32, #tpu.memory_space<vmem>>, vector<16xf32>,
        %mul3A_982 = arith.mulf %exp3A_948, %div3A_966 : vector<16xf32>
        %swap3A_983 = arith.index_cast %add3A_973 : i32 to index
        %swap3A_984 = arith.constant 32 : index
        %swap3A_985 = tpu.vector_load %arg8[%swap3A_983, %swap3A_984] {strides = array<i32>} : memref<256x128xf32, #tpu.memory_space<vmem>>, vector<16xf32>,
        tpu.vector_store %arg8[%swap3A_983, %swap3A_984], %mul3A_982 {strides = array<i32>} : memref<256x128xf32, #tpu.memory_space<vmem>>, vector<16xf32>,
        %mul3A_986 = arith.mulf %exp3A_955, %div3A_966 : vector<16xf32>
        %swap3A_987 = arith.index_cast %add3A_973 : i32 to index
        %swap3A_988 = arith.constant 48 : index
        %swap3A_989 = tpu.vector_load %arg8[%swap3A_987, %swap3A_988] {strides = array<i32>} : memref<256x128xf32, #tpu.memory_space<vmem>>, vector<16xf32>,
        tpu.vector_store %arg8[%swap3A_987, %swap3A_988], %mul3A_986 {strides = array<i32>} : memref<256x128xf32, #tpu.memory_space<vmem>>, vector<16xf32>,
        %mul3A_990 = arith.constant 16 : i32
        %mul3A_991 = arith.muli %scan3A_102, %mul3A_990 : i32
        %add3A_992 = arith.constant 13 : i32
        %add3A_993 = arith.addi %mul3A_991, %add3A_992 : i32
        %slice3A_994 = vector.extract_strided_slice %and3A_111 {offsets = [13], sizes = [1], strides = [1]} : vector<16xi32> to vector<1xi32>
        %squeeze3A_995 = vector.extract %slice3A_994[0] : i32 from vector<1xi32>
        %get3A_996 = arith.constant 0 : i32
        %get3A_997 = arith.index_cast %get3A_996 : i32 to index
        %get3A_998 = arith.index_cast %add3A_993 : i32 to index
        %get3A_999 = arith.index_cast %squeeze3A_995 : i32 to index
        %get3A_1000 = arith.constant 0 : index
        %get3A_1001 = tpu.vector_load %arg7[%get3A_997, %get3A_998, %get3A_999, %get3A_1000] {strides = array<i32>} : memref<2x32x8x64xf32, #tpu.memory_space<vmem>>, vector<16xf32>,
        %exp3A_1002 = math.exp %get3A_1001 : vector<16xf32>
        %get3A_1003 = arith.constant 0 : i32
        %get3A_1004 = arith.index_cast %get3A_1003 : i32 to index
        %get3A_1005 = arith.index_cast %add3A_993 : i32 to index
        %get3A_1006 = arith.index_cast %squeeze3A_995 : i32 to index
        %get3A_1007 = arith.constant 16 : index
        %get3A_1008 = tpu.vector_load %arg7[%get3A_1004, %get3A_1005, %get3A_1006, %get3A_1007] {strides = array<i32>} : memref<2x32x8x64xf32, #tpu.memory_space<vmem>>, vector<16xf32>,
        %exp3A_1009 = math.exp %get3A_1008 : vector<16xf32>
        %get3A_1010 = arith.constant 0 : i32
        %get3A_1011 = arith.index_cast %get3A_1010 : i32 to index
        %get3A_1012 = arith.index_cast %add3A_993 : i32 to index
        %get3A_1013 = arith.index_cast %squeeze3A_995 : i32 to index
        %get3A_1014 = arith.constant 32 : index
        %get3A_1015 = tpu.vector_load %arg7[%get3A_1011, %get3A_1012, %get3A_1013, %get3A_1014] {strides = array<i32>} : memref<2x32x8x64xf32, #tpu.memory_space<vmem>>, vector<16xf32>,
        %exp3A_1016 = math.exp %get3A_1015 : vector<16xf32>
        %get3A_1017 = arith.constant 0 : i32
        %get3A_1018 = arith.index_cast %get3A_1017 : i32 to index
        %get3A_1019 = arith.index_cast %add3A_993 : i32 to index
        %get3A_1020 = arith.index_cast %squeeze3A_995 : i32 to index
        %get3A_1021 = arith.constant 48 : index
        %get3A_1022 = tpu.vector_load %arg7[%get3A_1018, %get3A_1019, %get3A_1020, %get3A_1021] {strides = array<i32>} : memref<2x32x8x64xf32, #tpu.memory_space<vmem>>, vector<16xf32>,
        %exp3A_1023 = math.exp %get3A_1022 : vector<16xf32>
        %add3A_1024 = arith.addf %exp3A_1002, %exp3A_1009 : vector<16xf32>
        %add3A_1025 = arith.addf %exp3A_1016, %exp3A_1023 : vector<16xf32>
        %add3A_1026 = arith.addf %add3A_1024, %add3A_1025 : vector<16xf32>
        %reduce_sum3A_1027 = arith.constant true
        %reduce_sum3A_1028 = vector.broadcast %reduce_sum3A_1027 : i1 to vector<16xi1>
        %reduce_sum3A_1029 = tpu.scan <sum>, %add3A_1026 masked %reduce_sum3A_1028 : vector<16xf32>, vector<16xi1> -> vector<16xf32>
        %reduce_sum3A_1030 = vector.extract %reduce_sum3A_1029[15] : f32 from vector<16xf32>
        %broadcast_in_dim3A_1031 = arith.constant 1.000000e+00 : f32
        %broadcast_in_dim3A_1032 = vector.broadcast %broadcast_in_dim3A_1031 : f32 to vector<16xf32>
        %broadcast_in_dim3A_1033 = vector.broadcast %reduce_sum3A_1030 : f32 to vector<16xf32>
        %div3A_1034 = arith.divf %broadcast_in_dim3A_1032, %broadcast_in_dim3A_1033 : vector<16xf32>
        %mul3A_1035 = arith.constant 16 : i32
        %mul3A_1036 = arith.muli %mul3A_38, %mul3A_1035 : i32
        %mul3A_1037 = arith.constant 8 : i32
        %mul3A_1038 = arith.muli %scan3A_102, %mul3A_1037 : i32
        %add3A_1039 = arith.addi %mul3A_1036, %mul3A_1038 : i32
        %add3A_1040 = arith.constant 6 : i32
        %add3A_1041 = arith.addi %add3A_1039, %add3A_1040 : i32
        %mul3A_1042 = arith.mulf %exp3A_1002, %div3A_1034 : vector<16xf32>
        %swap3A_1043 = arith.index_cast %add3A_1041 : i32 to index
        %swap3A_1044 = arith.constant 64 : index
        %swap3A_1045 = tpu.vector_load %arg8[%swap3A_1043, %swap3A_1044] {strides = array<i32>} : memref<256x128xf32, #tpu.memory_space<vmem>>, vector<16xf32>,
        tpu.vector_store %arg8[%swap3A_1043, %swap3A_1044], %mul3A_1042 {strides = array<i32>} : memref<256x128xf32, #tpu.memory_space<vmem>>, vector<16xf32>,
        %mul3A_1046 = arith.mulf %exp3A_1009, %div3A_1034 : vector<16xf32>
        %swap3A_1047 = arith.index_cast %add3A_1041 : i32 to index
        %swap3A_1048 = arith.constant 80 : index
        %swap3A_1049 = tpu.vector_load %arg8[%swap3A_1047, %swap3A_1048] {strides = array<i32>} : memref<256x128xf32, #tpu.memory_space<vmem>>, vector<16xf32>,
        tpu.vector_store %arg8[%swap3A_1047, %swap3A_1048], %mul3A_1046 {strides = array<i32>} : memref<256x128xf32, #tpu.memory_space<vmem>>, vector<16xf32>,
        %mul3A_1050 = arith.mulf %exp3A_1016, %div3A_1034 : vector<16xf32>
        %swap3A_1051 = arith.index_cast %add3A_1041 : i32 to index
        %swap3A_1052 = arith.constant 96 : index
        %swap3A_1053 = tpu.vector_load %arg8[%swap3A_1051, %swap3A_1052] {strides = array<i32>} : memref<256x128xf32, #tpu.memory_space<vmem>>, vector<16xf32>,
        tpu.vector_store %arg8[%swap3A_1051, %swap3A_1052], %mul3A_1050 {strides = array<i32>} : memref<256x128xf32, #tpu.memory_space<vmem>>, vector<16xf32>,
        %mul3A_1054 = arith.mulf %exp3A_1023, %div3A_1034 : vector<16xf32>
        %swap3A_1055 = arith.index_cast %add3A_1041 : i32 to index
        %swap3A_1056 = arith.constant 112 : index
        %swap3A_1057 = tpu.vector_load %arg8[%swap3A_1055, %swap3A_1056] {strides = array<i32>} : memref<256x128xf32, #tpu.memory_space<vmem>>, vector<16xf32>,
        tpu.vector_store %arg8[%swap3A_1055, %swap3A_1056], %mul3A_1054 {strides = array<i32>} : memref<256x128xf32, #tpu.memory_space<vmem>>, vector<16xf32>,
        %mul3A_1058 = arith.constant 16 : i32
        %mul3A_1059 = arith.muli %scan3A_102, %mul3A_1058 : i32
        %add3A_1060 = arith.constant 14 : i32
        %add3A_1061 = arith.addi %mul3A_1059, %add3A_1060 : i32
        %slice3A_1062 = vector.extract_strided_slice %and3A_111 {offsets = [14], sizes = [1], strides = [1]} : vector<16xi32> to vector<1xi32>
        %squeeze3A_1063 = vector.extract %slice3A_1062[0] : i32 from vector<1xi32>
        %get3A_1064 = arith.constant 0 : i32
        %get3A_1065 = arith.index_cast %get3A_1064 : i32 to index
        %get3A_1066 = arith.index_cast %add3A_1061 : i32 to index
        %get3A_1067 = arith.index_cast %squeeze3A_1063 : i32 to index
        %get3A_1068 = arith.constant 0 : index
        %get3A_1069 = tpu.vector_load %arg7[%get3A_1065, %get3A_1066, %get3A_1067, %get3A_1068] {strides = array<i32>} : memref<2x32x8x64xf32, #tpu.memory_space<vmem>>, vector<16xf32>,
        %exp3A_1070 = math.exp %get3A_1069 : vector<16xf32>
        %get3A_1071 = arith.constant 0 : i32
        %get3A_1072 = arith.index_cast %get3A_1071 : i32 to index
        %get3A_1073 = arith.index_cast %add3A_1061 : i32 to index
        %get3A_1074 = arith.index_cast %squeeze3A_1063 : i32 to index
        %get3A_1075 = arith.constant 16 : index
        %get3A_1076 = tpu.vector_load %arg7[%get3A_1072, %get3A_1073, %get3A_1074, %get3A_1075] {strides = array<i32>} : memref<2x32x8x64xf32, #tpu.memory_space<vmem>>, vector<16xf32>,
        %exp3A_1077 = math.exp %get3A_1076 : vector<16xf32>
        %get3A_1078 = arith.constant 0 : i32
        %get3A_1079 = arith.index_cast %get3A_1078 : i32 to index
        %get3A_1080 = arith.index_cast %add3A_1061 : i32 to index
        %get3A_1081 = arith.index_cast %squeeze3A_1063 : i32 to index
        %get3A_1082 = arith.constant 32 : index
        %get3A_1083 = tpu.vector_load %arg7[%get3A_1079, %get3A_1080, %get3A_1081, %get3A_1082] {strides = array<i32>} : memref<2x32x8x64xf32, #tpu.memory_space<vmem>>, vector<16xf32>,
        %exp3A_1084 = math.exp %get3A_1083 : vector<16xf32>
        %get3A_1085 = arith.constant 0 : i32
        %get3A_1086 = arith.index_cast %get3A_1085 : i32 to index
        %get3A_1087 = arith.index_cast %add3A_1061 : i32 to index
        %get3A_1088 = arith.index_cast %squeeze3A_1063 : i32 to index
        %get3A_1089 = arith.constant 48 : index
        %get3A_1090 = tpu.vector_load %arg7[%get3A_1086, %get3A_1087, %get3A_1088, %get3A_1089] {strides = array<i32>} : memref<2x32x8x64xf32, #tpu.memory_space<vmem>>, vector<16xf32>,
        %exp3A_1091 = math.exp %get3A_1090 : vector<16xf32>
        %add3A_1092 = arith.addf %exp3A_1070, %exp3A_1077 : vector<16xf32>
        %add3A_1093 = arith.addf %exp3A_1084, %exp3A_1091 : vector<16xf32>
        %add3A_1094 = arith.addf %add3A_1092, %add3A_1093 : vector<16xf32>
        %reduce_sum3A_1095 = arith.constant true
        %reduce_sum3A_1096 = vector.broadcast %reduce_sum3A_1095 : i1 to vector<16xi1>
        %reduce_sum3A_1097 = tpu.scan <sum>, %add3A_1094 masked %reduce_sum3A_1096 : vector<16xf32>, vector<16xi1> -> vector<16xf32>
        %reduce_sum3A_1098 = vector.extract %reduce_sum3A_1097[15] : f32 from vector<16xf32>
        %broadcast_in_dim3A_1099 = arith.constant 1.000000e+00 : f32
        %broadcast_in_dim3A_1100 = vector.broadcast %broadcast_in_dim3A_1099 : f32 to vector<16xf32>
        %broadcast_in_dim3A_1101 = vector.broadcast %reduce_sum3A_1098 : f32 to vector<16xf32>
        %div3A_1102 = arith.divf %broadcast_in_dim3A_1100, %broadcast_in_dim3A_1101 : vector<16xf32>
        %mul3A_1103 = arith.constant 16 : i32
        %mul3A_1104 = arith.muli %mul3A_38, %mul3A_1103 : i32
        %mul3A_1105 = arith.constant 8 : i32
        %mul3A_1106 = arith.muli %scan3A_102, %mul3A_1105 : i32
        %add3A_1107 = arith.addi %mul3A_1104, %mul3A_1106 : i32
        %add3A_1108 = arith.constant 7 : i32
        %add3A_1109 = arith.addi %add3A_1107, %add3A_1108 : i32
        %mul3A_1110 = arith.mulf %exp3A_1070, %div3A_1102 : vector<16xf32>
        %swap3A_1111 = arith.index_cast %add3A_1109 : i32 to index
        %swap3A_1112 = arith.constant 0 : index
        %swap3A_1113 = tpu.vector_load %arg8[%swap3A_1111, %swap3A_1112] {strides = array<i32>} : memref<256x128xf32, #tpu.memory_space<vmem>>, vector<16xf32>,
        tpu.vector_store %arg8[%swap3A_1111, %swap3A_1112], %mul3A_1110 {strides = array<i32>} : memref<256x128xf32, #tpu.memory_space<vmem>>, vector<16xf32>,
        %mul3A_1114 = arith.mulf %exp3A_1077, %div3A_1102 : vector<16xf32>
        %swap3A_1115 = arith.index_cast %add3A_1109 : i32 to index
        %swap3A_1116 = arith.constant 16 : index
        %swap3A_1117 = tpu.vector_load %arg8[%swap3A_1115, %swap3A_1116] {strides = array<i32>} : memref<256x128xf32, #tpu.memory_space<vmem>>, vector<16xf32>,
        tpu.vector_store %arg8[%swap3A_1115, %swap3A_1116], %mul3A_1114 {strides = array<i32>} : memref<256x128xf32, #tpu.memory_space<vmem>>, vector<16xf32>,
        %mul3A_1118 = arith.mulf %exp3A_1084, %div3A_1102 : vector<16xf32>
        %swap3A_1119 = arith.index_cast %add3A_1109 : i32 to index
        %swap3A_1120 = arith.constant 32 : index
        %swap3A_1121 = tpu.vector_load %arg8[%swap3A_1119, %swap3A_1120] {strides = array<i32>} : memref<256x128xf32, #tpu.memory_space<vmem>>, vector<16xf32>,
        tpu.vector_store %arg8[%swap3A_1119, %swap3A_1120], %mul3A_1118 {strides = array<i32>} : memref<256x128xf32, #tpu.memory_space<vmem>>, vector<16xf32>,
        %mul3A_1122 = arith.mulf %exp3A_1091, %div3A_1102 : vector<16xf32>
        %swap3A_1123 = arith.index_cast %add3A_1109 : i32 to index
        %swap3A_1124 = arith.constant 48 : index
        %swap3A_1125 = tpu.vector_load %arg8[%swap3A_1123, %swap3A_1124] {strides = array<i32>} : memref<256x128xf32, #tpu.memory_space<vmem>>, vector<16xf32>,
        tpu.vector_store %arg8[%swap3A_1123, %swap3A_1124], %mul3A_1122 {strides = array<i32>} : memref<256x128xf32, #tpu.memory_space<vmem>>, vector<16xf32>,
        %mul3A_1126 = arith.constant 16 : i32
        %mul3A_1127 = arith.muli %scan3A_102, %mul3A_1126 : i32
        %add3A_1128 = arith.constant 15 : i32
        %add3A_1129 = arith.addi %mul3A_1127, %add3A_1128 : i32
        %slice3A_1130 = vector.extract_strided_slice %and3A_111 {offsets = [15], sizes = [1], strides = [1]} : vector<16xi32> to vector<1xi32>
        %squeeze3A_1131 = vector.extract %slice3A_1130[0] : i32 from vector<1xi32>
        %get3A_1132 = arith.constant 0 : i32
        %get3A_1133 = arith.index_cast %get3A_1132 : i32 to index
        %get3A_1134 = arith.index_cast %add3A_1129 : i32 to index
        %get3A_1135 = arith.index_cast %squeeze3A_1131 : i32 to index
        %get3A_1136 = arith.constant 0 : index
        %get3A_1137 = tpu.vector_load %arg7[%get3A_1133, %get3A_1134, %get3A_1135, %get3A_1136] {strides = array<i32>} : memref<2x32x8x64xf32, #tpu.memory_space<vmem>>, vector<16xf32>,
        %exp3A_1138 = math.exp %get3A_1137 : vector<16xf32>
        %get3A_1139 = arith.constant 0 : i32
        %get3A_1140 = arith.index_cast %get3A_1139 : i32 to index
        %get3A_1141 = arith.index_cast %add3A_1129 : i32 to index
        %get3A_1142 = arith.index_cast %squeeze3A_1131 : i32 to index
        %get3A_1143 = arith.constant 16 : index
        %get3A_1144 = tpu.vector_load %arg7[%get3A_1140, %get3A_1141, %get3A_1142, %get3A_1143] {strides = array<i32>} : memref<2x32x8x64xf32, #tpu.memory_space<vmem>>, vector<16xf32>,
        %exp3A_1145 = math.exp %get3A_1144 : vector<16xf32>
        %get3A_1146 = arith.constant 0 : i32
        %get3A_1147 = arith.index_cast %get3A_1146 : i32 to index
        %get3A_1148 = arith.index_cast %add3A_1129 : i32 to index
        %get3A_1149 = arith.index_cast %squeeze3A_1131 : i32 to index
        %get3A_1150 = arith.constant 32 : index
        %get3A_1151 = tpu.vector_load %arg7[%get3A_1147, %get3A_1148, %get3A_1149, %get3A_1150] {strides = array<i32>} : memref<2x32x8x64xf32, #tpu.memory_space<vmem>>, vector<16xf32>,
        %exp3A_1152 = math.exp %get3A_1151 : vector<16xf32>
        %get3A_1153 = arith.constant 0 : i32
        %get3A_1154 = arith.index_cast %get3A_1153 : i32 to index
        %get3A_1155 = arith.index_cast %add3A_1129 : i32 to index
        %get3A_1156 = arith.index_cast %squeeze3A_1131 : i32 to index
        %get3A_1157 = arith.constant 48 : index
        %get3A_1158 = tpu.vector_load %arg7[%get3A_1154, %get3A_1155, %get3A_1156, %get3A_1157] {strides = array<i32>} : memref<2x32x8x64xf32, #tpu.memory_space<vmem>>, vector<16xf32>,
        %exp3A_1159 = math.exp %get3A_1158 : vector<16xf32>
        %add3A_1160 = arith.addf %exp3A_1138, %exp3A_1145 : vector<16xf32>
        %add3A_1161 = arith.addf %exp3A_1152, %exp3A_1159 : vector<16xf32>
        %add3A_1162 = arith.addf %add3A_1160, %add3A_1161 : vector<16xf32>
        %reduce_sum3A_1163 = arith.constant true
        %reduce_sum3A_1164 = vector.broadcast %reduce_sum3A_1163 : i1 to vector<16xi1>
        %reduce_sum3A_1165 = tpu.scan <sum>, %add3A_1162 masked %reduce_sum3A_1164 : vector<16xf32>, vector<16xi1> -> vector<16xf32>
        %reduce_sum3A_1166 = vector.extract %reduce_sum3A_1165[15] : f32 from vector<16xf32>
        %broadcast_in_dim3A_1167 = arith.constant 1.000000e+00 : f32
        %broadcast_in_dim3A_1168 = vector.broadcast %broadcast_in_dim3A_1167 : f32 to vector<16xf32>
        %broadcast_in_dim3A_1169 = vector.broadcast %reduce_sum3A_1166 : f32 to vector<16xf32>
        %div3A_1170 = arith.divf %broadcast_in_dim3A_1168, %broadcast_in_dim3A_1169 : vector<16xf32>
        %mul3A_1171 = arith.constant 16 : i32
        %mul3A_1172 = arith.muli %mul3A_38, %mul3A_1171 : i32
        %mul3A_1173 = arith.constant 8 : i32
        %mul3A_1174 = arith.muli %scan3A_102, %mul3A_1173 : i32
        %add3A_1175 = arith.addi %mul3A_1172, %mul3A_1174 : i32
        %add3A_1176 = arith.constant 7 : i32
        %add3A_1177 = arith.addi %add3A_1175, %add3A_1176 : i32
        %mul3A_1178 = arith.mulf %exp3A_1138, %div3A_1170 : vector<16xf32>
        %swap3A_1179 = arith.index_cast %add3A_1177 : i32 to index
        %swap3A_1180 = arith.constant 64 : index
        %swap3A_1181 = tpu.vector_load %arg8[%swap3A_1179, %swap3A_1180] {strides = array<i32>} : memref<256x128xf32, #tpu.memory_space<vmem>>, vector<16xf32>,
        tpu.vector_store %arg8[%swap3A_1179, %swap3A_1180], %mul3A_1178 {strides = array<i32>} : memref<256x128xf32, #tpu.memory_space<vmem>>, vector<16xf32>,
        %mul3A_1182 = arith.mulf %exp3A_1145, %div3A_1170 : vector<16xf32>
        %swap3A_1183 = arith.index_cast %add3A_1177 : i32 to index
        %swap3A_1184 = arith.constant 80 : index
        %swap3A_1185 = tpu.vector_load %arg8[%swap3A_1183, %swap3A_1184] {strides = array<i32>} : memref<256x128xf32, #tpu.memory_space<vmem>>, vector<16xf32>,
        tpu.vector_store %arg8[%swap3A_1183, %swap3A_1184], %mul3A_1182 {strides = array<i32>} : memref<256x128xf32, #tpu.memory_space<vmem>>, vector<16xf32>,
        %mul3A_1186 = arith.mulf %exp3A_1152, %div3A_1170 : vector<16xf32>
        %swap3A_1187 = arith.index_cast %add3A_1177 : i32 to index
        %swap3A_1188 = arith.constant 96 : index
        %swap3A_1189 = tpu.vector_load %arg8[%swap3A_1187, %swap3A_1188] {strides = array<i32>} : memref<256x128xf32, #tpu.memory_space<vmem>>, vector<16xf32>,
        tpu.vector_store %arg8[%swap3A_1187, %swap3A_1188], %mul3A_1186 {strides = array<i32>} : memref<256x128xf32, #tpu.memory_space<vmem>>, vector<16xf32>,
        %mul3A_1190 = arith.mulf %exp3A_1159, %div3A_1170 : vector<16xf32>
        %swap3A_1191 = arith.index_cast %add3A_1177 : i32 to index
        %swap3A_1192 = arith.constant 112 : index
        %swap3A_1193 = tpu.vector_load %arg8[%swap3A_1191, %swap3A_1192] {strides = array<i32>} : memref<256x128xf32, #tpu.memory_space<vmem>>, vector<16xf32>,
        tpu.vector_store %arg8[%swap3A_1191, %swap3A_1192], %mul3A_1190 {strides = array<i32>} : memref<256x128xf32, #tpu.memory_space<vmem>>, vector<16xf32>,
      }
      %scan3A_70 = arith.constant 2 : i32
      %add3A_71 = arith.constant 2 : i32
      %add3A_72 = arith.addi %mul3A_38, %add3A_71 : i32
      %lt3A = arith.constant 16 : i32
      %lt3A_73 = arith.cmpi slt, %add3A_72, %lt3A : i32
      %convert_element_type3A = arith.extui %lt3A_73 : i1 to i32
      %cond3A = arith.constant 0 : i32
      %cond3A_74 = arith.cmpi ne, %convert_element_type3A, %cond3A : i32
      scf.if %cond3A_74 {
        %add3A_102 = arith.constant 2 : i32
        %add3A_103 = arith.addi %mul3A_38, %add3A_102 : i32
        %scan3A_104 = arith.constant 0 : i32
        %scan3A_105 = arith.constant 0 : i32
        %scan3A_106 = arith.constant 2 : i32
        %scan3A_107 = arith.addi %scan3A_105, %scan3A_106 : i32
        %scan3A_108 = arith.constant 1 : i32
        scf.for %scan3A_110 = %scan3A_105 to %scan3A_107 step %scan3A_108  : i32 {
          %mul3A_111 = arith.constant 32 : i32
          %mul3A_112 = arith.muli %add3A_103, %mul3A_111 : i32
          %mul3A_113 = arith.constant 16 : i32
          %mul3A_114 = arith.muli %scan3A_110, %mul3A_113 : i32
          %add3A_115 = arith.addi %mul3A_112, %mul3A_114 : i32
          %get3A = arith.index_cast %add3A_115 : i32 to index
          %get3A_116 = tpu.vector_load %arg6[%get3A] {strides = array<i32>} : memref<512xi32, #tpu.memory_space<vmem>>, vector<16xi32>,
          %slice3A = vector.extract_strided_slice %get3A_116 {offsets = [0], sizes = [1], strides = [1]} : vector<16xi32> to vector<1xi32>
          %squeeze3A = vector.extract %slice3A[0] : i32 from vector<1xi32>
          %mul3A_117 = arith.constant 16 : i32
          %mul3A_118 = arith.muli %scan3A_110, %mul3A_117 : i32
          %add3A_119 = arith.constant 0 : i32
          %add3A_120 = arith.addi %mul3A_118, %add3A_119 : i32
          %dma_start3A = arith.constant 0 : i32
          %dma_start3A_121 = arith.constant 0 : i32
          %dma_start3A_122 = arith.constant 0 : i32
          %dma_start3A_123 = tpu.memref_slice %arg7[%dma_start3A, %add3A_120, %dma_start3A_121, %dma_start3A_122] : memref<2x32x8x64xf32, #tpu.memory_space<vmem>> -> memref<1x1x8x64xf32, #tpu.memory_space<vmem>>
          %dma_start3A_124 = tpu.memref_squeeze %dma_start3A_123 : memref<1x1x8x64xf32, #tpu.memory_space<vmem>> -> memref<8x64xf32, #tpu.memory_space<vmem>>
          %dma_start3A_125 = arith.constant 0 : i32
          %dma_start3A_126 = arith.constant 0 : i32
          %dma_start3A_127 = tpu.memref_slice %arg3[%squeeze3A, %dma_start3A_125, %dma_start3A_126] : memref<125000x8x64xf32, #tpu.memory_space<hbm>> -> memref<1x8x64xf32, #tpu.memory_space<hbm>>
          %dma_start3A_128 = tpu.memref_squeeze %dma_start3A_127 : memref<1x8x64xf32, #tpu.memory_space<hbm>> -> memref<8x64xf32, #tpu.memory_space<hbm>>
          %dma_start3A_129 = arith.constant 0 : i32
          %dma_start3A_130 = arith.constant 0 : i32
          %dma_start3A_131 = tpu.memref_slice %arg7[%dma_start3A, %add3A_120, %dma_start3A_129, %dma_start3A_130] : memref<2x32x8x64xf32, #tpu.memory_space<vmem>> -> memref<1x1x8x64xf32, #tpu.memory_space<vmem>>
          %dma_start3A_132 = tpu.memref_squeeze %dma_start3A_131 : memref<1x1x8x64xf32, #tpu.memory_space<vmem>> -> memref<8x64xf32, #tpu.memory_space<vmem>>
          %dma_start3A_133 = arith.constant 0 : i32
          %dma_start3A_134 = arith.constant 0 : i32
          %dma_start3A_135 = tpu.memref_slice %arg3[%squeeze3A, %dma_start3A_133, %dma_start3A_134] : memref<125000x8x64xf32, #tpu.memory_space<hbm>> -> memref<1x8x64xf32, #tpu.memory_space<hbm>>
          %dma_start3A_136 = tpu.memref_squeeze %dma_start3A_135 : memref<1x8x64xf32, #tpu.memory_space<hbm>> -> memref<8x64xf32, #tpu.memory_space<hbm>>
          tpu.enqueue_dma source(%dma_start3A_136 : memref<8x64xf32, #tpu.memory_space<hbm>>) target(%dma_start3A_132 : memref<8x64xf32, #tpu.memory_space<vmem>>) target_semaphore(%arg9 : memref<!tpu.dma_semaphore, #tpu.memory_space<semaphore_mem>>)
          %slice3A_137 = vector.extract_strided_slice %get3A_116 {offsets = [1], sizes = [1], strides = [1]} : vector<16xi32> to vector<1xi32>
          %squeeze3A_138 = vector.extract %slice3A_137[0] : i32 from vector<1xi32>
          %mul3A_139 = arith.constant 16 : i32
          %mul3A_140 = arith.muli %scan3A_110, %mul3A_139 : i32
          %add3A_141 = arith.constant 1 : i32
          %add3A_142 = arith.addi %mul3A_140, %add3A_141 : i32
          %dma_start3A_143 = arith.constant 0 : i32
          %dma_start3A_144 = arith.constant 0 : i32
          %dma_start3A_145 = arith.constant 0 : i32
          %dma_start3A_146 = tpu.memref_slice %arg7[%dma_start3A_143, %add3A_142, %dma_start3A_144, %dma_start3A_145] : memref<2x32x8x64xf32, #tpu.memory_space<vmem>> -> memref<1x1x8x64xf32, #tpu.memory_space<vmem>>
          %dma_start3A_147 = tpu.memref_squeeze %dma_start3A_146 : memref<1x1x8x64xf32, #tpu.memory_space<vmem>> -> memref<8x64xf32, #tpu.memory_space<vmem>>
          %dma_start3A_148 = arith.constant 0 : i32
          %dma_start3A_149 = arith.constant 0 : i32
          %dma_start3A_150 = tpu.memref_slice %arg3[%squeeze3A_138, %dma_start3A_148, %dma_start3A_149] : memref<125000x8x64xf32, #tpu.memory_space<hbm>> -> memref<1x8x64xf32, #tpu.memory_space<hbm>>
          %dma_start3A_151 = tpu.memref_squeeze %dma_start3A_150 : memref<1x8x64xf32, #tpu.memory_space<hbm>> -> memref<8x64xf32, #tpu.memory_space<hbm>>
          %dma_start3A_152 = arith.constant 0 : i32
          %dma_start3A_153 = arith.constant 0 : i32
          %dma_start3A_154 = tpu.memref_slice %arg7[%dma_start3A_143, %add3A_142, %dma_start3A_152, %dma_start3A_153] : memref<2x32x8x64xf32, #tpu.memory_space<vmem>> -> memref<1x1x8x64xf32, #tpu.memory_space<vmem>>
          %dma_start3A_155 = tpu.memref_squeeze %dma_start3A_154 : memref<1x1x8x64xf32, #tpu.memory_space<vmem>> -> memref<8x64xf32, #tpu.memory_space<vmem>>
          %dma_start3A_156 = arith.constant 0 : i32
          %dma_start3A_157 = arith.constant 0 : i32
          %dma_start3A_158 = tpu.memref_slice %arg3[%squeeze3A_138, %dma_start3A_156, %dma_start3A_157] : memref<125000x8x64xf32, #tpu.memory_space<hbm>> -> memref<1x8x64xf32, #tpu.memory_space<hbm>>
          %dma_start3A_159 = tpu.memref_squeeze %dma_start3A_158 : memref<1x8x64xf32, #tpu.memory_space<hbm>> -> memref<8x64xf32, #tpu.memory_space<hbm>>
          tpu.enqueue_dma source(%dma_start3A_159 : memref<8x64xf32, #tpu.memory_space<hbm>>) target(%dma_start3A_155 : memref<8x64xf32, #tpu.memory_space<vmem>>) target_semaphore(%arg9 : memref<!tpu.dma_semaphore, #tpu.memory_space<semaphore_mem>>)
          %slice3A_160 = vector.extract_strided_slice %get3A_116 {offsets = [2], sizes = [1], strides = [1]} : vector<16xi32> to vector<1xi32>
          %squeeze3A_161 = vector.extract %slice3A_160[0] : i32 from vector<1xi32>
          %mul3A_162 = arith.constant 16 : i32
          %mul3A_163 = arith.muli %scan3A_110, %mul3A_162 : i32
          %add3A_164 = arith.constant 2 : i32
          %add3A_165 = arith.addi %mul3A_163, %add3A_164 : i32
          %dma_start3A_166 = arith.constant 0 : i32
          %dma_start3A_167 = arith.constant 0 : i32
          %dma_start3A_168 = arith.constant 0 : i32
          %dma_start3A_169 = tpu.memref_slice %arg7[%dma_start3A_166, %add3A_165, %dma_start3A_167, %dma_start3A_168] : memref<2x32x8x64xf32, #tpu.memory_space<vmem>> -> memref<1x1x8x64xf32, #tpu.memory_space<vmem>>
          %dma_start3A_170 = tpu.memref_squeeze %dma_start3A_169 : memref<1x1x8x64xf32, #tpu.memory_space<vmem>> -> memref<8x64xf32, #tpu.memory_space<vmem>>
          %dma_start3A_171 = arith.constant 0 : i32
          %dma_start3A_172 = arith.constant 0 : i32
          %dma_start3A_173 = tpu.memref_slice %arg3[%squeeze3A_161, %dma_start3A_171, %dma_start3A_172] : memref<125000x8x64xf32, #tpu.memory_space<hbm>> -> memref<1x8x64xf32, #tpu.memory_space<hbm>>
          %dma_start3A_174 = tpu.memref_squeeze %dma_start3A_173 : memref<1x8x64xf32, #tpu.memory_space<hbm>> -> memref<8x64xf32, #tpu.memory_space<hbm>>
          %dma_start3A_175 = arith.constant 0 : i32
          %dma_start3A_176 = arith.constant 0 : i32
          %dma_start3A_177 = tpu.memref_slice %arg7[%dma_start3A_166, %add3A_165, %dma_start3A_175, %dma_start3A_176] : memref<2x32x8x64xf32, #tpu.memory_space<vmem>> -> memref<1x1x8x64xf32, #tpu.memory_space<vmem>>
          %dma_start3A_178 = tpu.memref_squeeze %dma_start3A_177 : memref<1x1x8x64xf32, #tpu.memory_space<vmem>> -> memref<8x64xf32, #tpu.memory_space<vmem>>
          %dma_start3A_179 = arith.constant 0 : i32
          %dma_start3A_180 = arith.constant 0 : i32
          %dma_start3A_181 = tpu.memref_slice %arg3[%squeeze3A_161, %dma_start3A_179, %dma_start3A_180] : memref<125000x8x64xf32, #tpu.memory_space<hbm>> -> memref<1x8x64xf32, #tpu.memory_space<hbm>>
          %dma_start3A_182 = tpu.memref_squeeze %dma_start3A_181 : memref<1x8x64xf32, #tpu.memory_space<hbm>> -> memref<8x64xf32, #tpu.memory_space<hbm>>
          tpu.enqueue_dma source(%dma_start3A_182 : memref<8x64xf32, #tpu.memory_space<hbm>>) target(%dma_start3A_178 : memref<8x64xf32, #tpu.memory_space<vmem>>) target_semaphore(%arg9 : memref<!tpu.dma_semaphore, #tpu.memory_space<semaphore_mem>>)
          %slice3A_183 = vector.extract_strided_slice %get3A_116 {offsets = [3], sizes = [1], strides = [1]} : vector<16xi32> to vector<1xi32>
          %squeeze3A_184 = vector.extract %slice3A_183[0] : i32 from vector<1xi32>
          %mul3A_185 = arith.constant 16 : i32
          %mul3A_186 = arith.muli %scan3A_110, %mul3A_185 : i32
          %add3A_187 = arith.constant 3 : i32
          %add3A_188 = arith.addi %mul3A_186, %add3A_187 : i32
          %dma_start3A_189 = arith.constant 0 : i32
          %dma_start3A_190 = arith.constant 0 : i32
          %dma_start3A_191 = arith.constant 0 : i32
          %dma_start3A_192 = tpu.memref_slice %arg7[%dma_start3A_189, %add3A_188, %dma_start3A_190, %dma_start3A_191] : memref<2x32x8x64xf32, #tpu.memory_space<vmem>> -> memref<1x1x8x64xf32, #tpu.memory_space<vmem>>
          %dma_start3A_193 = tpu.memref_squeeze %dma_start3A_192 : memref<1x1x8x64xf32, #tpu.memory_space<vmem>> -> memref<8x64xf32, #tpu.memory_space<vmem>>
          %dma_start3A_194 = arith.constant 0 : i32
          %dma_start3A_195 = arith.constant 0 : i32
          %dma_start3A_196 = tpu.memref_slice %arg3[%squeeze3A_184, %dma_start3A_194, %dma_start3A_195] : memref<125000x8x64xf32, #tpu.memory_space<hbm>> -> memref<1x8x64xf32, #tpu.memory_space<hbm>>
          %dma_start3A_197 = tpu.memref_squeeze %dma_start3A_196 : memref<1x8x64xf32, #tpu.memory_space<hbm>> -> memref<8x64xf32, #tpu.memory_space<hbm>>
          %dma_start3A_198 = arith.constant 0 : i32
          %dma_start3A_199 = arith.constant 0 : i32
          %dma_start3A_200 = tpu.memref_slice %arg7[%dma_start3A_189, %add3A_188, %dma_start3A_198, %dma_start3A_199] : memref<2x32x8x64xf32, #tpu.memory_space<vmem>> -> memref<1x1x8x64xf32, #tpu.memory_space<vmem>>
          %dma_start3A_201 = tpu.memref_squeeze %dma_start3A_200 : memref<1x1x8x64xf32, #tpu.memory_space<vmem>> -> memref<8x64xf32, #tpu.memory_space<vmem>>
          %dma_start3A_202 = arith.constant 0 : i32
          %dma_start3A_203 = arith.constant 0 : i32
          %dma_start3A_204 = tpu.memref_slice %arg3[%squeeze3A_184, %dma_start3A_202, %dma_start3A_203] : memref<125000x8x64xf32, #tpu.memory_space<hbm>> -> memref<1x8x64xf32, #tpu.memory_space<hbm>>
          %dma_start3A_205 = tpu.memref_squeeze %dma_start3A_204 : memref<1x8x64xf32, #tpu.memory_space<hbm>> -> memref<8x64xf32, #tpu.memory_space<hbm>>
          tpu.enqueue_dma source(%dma_start3A_205 : memref<8x64xf32, #tpu.memory_space<hbm>>) target(%dma_start3A_201 : memref<8x64xf32, #tpu.memory_space<vmem>>) target_semaphore(%arg9 : memref<!tpu.dma_semaphore, #tpu.memory_space<semaphore_mem>>)
          %slice3A_206 = vector.extract_strided_slice %get3A_116 {offsets = [4], sizes = [1], strides = [1]} : vector<16xi32> to vector<1xi32>
          %squeeze3A_207 = vector.extract %slice3A_206[0] : i32 from vector<1xi32>
          %mul3A_208 = arith.constant 16 : i32
          %mul3A_209 = arith.muli %scan3A_110, %mul3A_208 : i32
          %add3A_210 = arith.constant 4 : i32
          %add3A_211 = arith.addi %mul3A_209, %add3A_210 : i32
          %dma_start3A_212 = arith.constant 0 : i32
          %dma_start3A_213 = arith.constant 0 : i32
          %dma_start3A_214 = arith.constant 0 : i32
          %dma_start3A_215 = tpu.memref_slice %arg7[%dma_start3A_212, %add3A_211, %dma_start3A_213, %dma_start3A_214] : memref<2x32x8x64xf32, #tpu.memory_space<vmem>> -> memref<1x1x8x64xf32, #tpu.memory_space<vmem>>
          %dma_start3A_216 = tpu.memref_squeeze %dma_start3A_215 : memref<1x1x8x64xf32, #tpu.memory_space<vmem>> -> memref<8x64xf32, #tpu.memory_space<vmem>>
          %dma_start3A_217 = arith.constant 0 : i32
          %dma_start3A_218 = arith.constant 0 : i32
          %dma_start3A_219 = tpu.memref_slice %arg3[%squeeze3A_207, %dma_start3A_217, %dma_start3A_218] : memref<125000x8x64xf32, #tpu.memory_space<hbm>> -> memref<1x8x64xf32, #tpu.memory_space<hbm>>
          %dma_start3A_220 = tpu.memref_squeeze %dma_start3A_219 : memref<1x8x64xf32, #tpu.memory_space<hbm>> -> memref<8x64xf32, #tpu.memory_space<hbm>>
          %dma_start3A_221 = arith.constant 0 : i32
          %dma_start3A_222 = arith.constant 0 : i32
          %dma_start3A_223 = tpu.memref_slice %arg7[%dma_start3A_212, %add3A_211, %dma_start3A_221, %dma_start3A_222] : memref<2x32x8x64xf32, #tpu.memory_space<vmem>> -> memref<1x1x8x64xf32, #tpu.memory_space<vmem>>
          %dma_start3A_224 = tpu.memref_squeeze %dma_start3A_223 : memref<1x1x8x64xf32, #tpu.memory_space<vmem>> -> memref<8x64xf32, #tpu.memory_space<vmem>>
          %dma_start3A_225 = arith.constant 0 : i32
          %dma_start3A_226 = arith.constant 0 : i32
          %dma_start3A_227 = tpu.memref_slice %arg3[%squeeze3A_207, %dma_start3A_225, %dma_start3A_226] : memref<125000x8x64xf32, #tpu.memory_space<hbm>> -> memref<1x8x64xf32, #tpu.memory_space<hbm>>
          %dma_start3A_228 = tpu.memref_squeeze %dma_start3A_227 : memref<1x8x64xf32, #tpu.memory_space<hbm>> -> memref<8x64xf32, #tpu.memory_space<hbm>>
          tpu.enqueue_dma source(%dma_start3A_228 : memref<8x64xf32, #tpu.memory_space<hbm>>) target(%dma_start3A_224 : memref<8x64xf32, #tpu.memory_space<vmem>>) target_semaphore(%arg9 : memref<!tpu.dma_semaphore, #tpu.memory_space<semaphore_mem>>)
          %slice3A_229 = vector.extract_strided_slice %get3A_116 {offsets = [5], sizes = [1], strides = [1]} : vector<16xi32> to vector<1xi32>
          %squeeze3A_230 = vector.extract %slice3A_229[0] : i32 from vector<1xi32>
          %mul3A_231 = arith.constant 16 : i32
          %mul3A_232 = arith.muli %scan3A_110, %mul3A_231 : i32
          %add3A_233 = arith.constant 5 : i32
          %add3A_234 = arith.addi %mul3A_232, %add3A_233 : i32
          %dma_start3A_235 = arith.constant 0 : i32
          %dma_start3A_236 = arith.constant 0 : i32
          %dma_start3A_237 = arith.constant 0 : i32
          %dma_start3A_238 = tpu.memref_slice %arg7[%dma_start3A_235, %add3A_234, %dma_start3A_236, %dma_start3A_237] : memref<2x32x8x64xf32, #tpu.memory_space<vmem>> -> memref<1x1x8x64xf32, #tpu.memory_space<vmem>>
          %dma_start3A_239 = tpu.memref_squeeze %dma_start3A_238 : memref<1x1x8x64xf32, #tpu.memory_space<vmem>> -> memref<8x64xf32, #tpu.memory_space<vmem>>
          %dma_start3A_240 = arith.constant 0 : i32
          %dma_start3A_241 = arith.constant 0 : i32
          %dma_start3A_242 = tpu.memref_slice %arg3[%squeeze3A_230, %dma_start3A_240, %dma_start3A_241] : memref<125000x8x64xf32, #tpu.memory_space<hbm>> -> memref<1x8x64xf32, #tpu.memory_space<hbm>>
          %dma_start3A_243 = tpu.memref_squeeze %dma_start3A_242 : memref<1x8x64xf32, #tpu.memory_space<hbm>> -> memref<8x64xf32, #tpu.memory_space<hbm>>
          %dma_start3A_244 = arith.constant 0 : i32
          %dma_start3A_245 = arith.constant 0 : i32
          %dma_start3A_246 = tpu.memref_slice %arg7[%dma_start3A_235, %add3A_234, %dma_start3A_244, %dma_start3A_245] : memref<2x32x8x64xf32, #tpu.memory_space<vmem>> -> memref<1x1x8x64xf32, #tpu.memory_space<vmem>>
          %dma_start3A_247 = tpu.memref_squeeze %dma_start3A_246 : memref<1x1x8x64xf32, #tpu.memory_space<vmem>> -> memref<8x64xf32, #tpu.memory_space<vmem>>
          %dma_start3A_248 = arith.constant 0 : i32
          %dma_start3A_249 = arith.constant 0 : i32
          %dma_start3A_250 = tpu.memref_slice %arg3[%squeeze3A_230, %dma_start3A_248, %dma_start3A_249] : memref<125000x8x64xf32, #tpu.memory_space<hbm>> -> memref<1x8x64xf32, #tpu.memory_space<hbm>>
          %dma_start3A_251 = tpu.memref_squeeze %dma_start3A_250 : memref<1x8x64xf32, #tpu.memory_space<hbm>> -> memref<8x64xf32, #tpu.memory_space<hbm>>
          tpu.enqueue_dma source(%dma_start3A_251 : memref<8x64xf32, #tpu.memory_space<hbm>>) target(%dma_start3A_247 : memref<8x64xf32, #tpu.memory_space<vmem>>) target_semaphore(%arg9 : memref<!tpu.dma_semaphore, #tpu.memory_space<semaphore_mem>>)
          %slice3A_252 = vector.extract_strided_slice %get3A_116 {offsets = [6], sizes = [1], strides = [1]} : vector<16xi32> to vector<1xi32>
          %squeeze3A_253 = vector.extract %slice3A_252[0] : i32 from vector<1xi32>
          %mul3A_254 = arith.constant 16 : i32
          %mul3A_255 = arith.muli %scan3A_110, %mul3A_254 : i32
          %add3A_256 = arith.constant 6 : i32
          %add3A_257 = arith.addi %mul3A_255, %add3A_256 : i32
          %dma_start3A_258 = arith.constant 0 : i32
          %dma_start3A_259 = arith.constant 0 : i32
          %dma_start3A_260 = arith.constant 0 : i32
          %dma_start3A_261 = tpu.memref_slice %arg7[%dma_start3A_258, %add3A_257, %dma_start3A_259, %dma_start3A_260] : memref<2x32x8x64xf32, #tpu.memory_space<vmem>> -> memref<1x1x8x64xf32, #tpu.memory_space<vmem>>
          %dma_start3A_262 = tpu.memref_squeeze %dma_start3A_261 : memref<1x1x8x64xf32, #tpu.memory_space<vmem>> -> memref<8x64xf32, #tpu.memory_space<vmem>>
          %dma_start3A_263 = arith.constant 0 : i32
          %dma_start3A_264 = arith.constant 0 : i32
          %dma_start3A_265 = tpu.memref_slice %arg3[%squeeze3A_253, %dma_start3A_263, %dma_start3A_264] : memref<125000x8x64xf32, #tpu.memory_space<hbm>> -> memref<1x8x64xf32, #tpu.memory_space<hbm>>
          %dma_start3A_266 = tpu.memref_squeeze %dma_start3A_265 : memref<1x8x64xf32, #tpu.memory_space<hbm>> -> memref<8x64xf32, #tpu.memory_space<hbm>>
          %dma_start3A_267 = arith.constant 0 : i32
          %dma_start3A_268 = arith.constant 0 : i32
          %dma_start3A_269 = tpu.memref_slice %arg7[%dma_start3A_258, %add3A_257, %dma_start3A_267, %dma_start3A_268] : memref<2x32x8x64xf32, #tpu.memory_space<vmem>> -> memref<1x1x8x64xf32, #tpu.memory_space<vmem>>
          %dma_start3A_270 = tpu.memref_squeeze %dma_start3A_269 : memref<1x1x8x64xf32, #tpu.memory_space<vmem>> -> memref<8x64xf32, #tpu.memory_space<vmem>>
          %dma_start3A_271 = arith.constant 0 : i32
          %dma_start3A_272 = arith.constant 0 : i32
          %dma_start3A_273 = tpu.memref_slice %arg3[%squeeze3A_253, %dma_start3A_271, %dma_start3A_272] : memref<125000x8x64xf32, #tpu.memory_space<hbm>> -> memref<1x8x64xf32, #tpu.memory_space<hbm>>
          %dma_start3A_274 = tpu.memref_squeeze %dma_start3A_273 : memref<1x8x64xf32, #tpu.memory_space<hbm>> -> memref<8x64xf32, #tpu.memory_space<hbm>>
          tpu.enqueue_dma source(%dma_start3A_274 : memref<8x64xf32, #tpu.memory_space<hbm>>) target(%dma_start3A_270 : memref<8x64xf32, #tpu.memory_space<vmem>>) target_semaphore(%arg9 : memref<!tpu.dma_semaphore, #tpu.memory_space<semaphore_mem>>)
          %slice3A_275 = vector.extract_strided_slice %get3A_116 {offsets = [7], sizes = [1], strides = [1]} : vector<16xi32> to vector<1xi32>
          %squeeze3A_276 = vector.extract %slice3A_275[0] : i32 from vector<1xi32>
          %mul3A_277 = arith.constant 16 : i32
          %mul3A_278 = arith.muli %scan3A_110, %mul3A_277 : i32
          %add3A_279 = arith.constant 7 : i32
          %add3A_280 = arith.addi %mul3A_278, %add3A_279 : i32
          %dma_start3A_281 = arith.constant 0 : i32
          %dma_start3A_282 = arith.constant 0 : i32
          %dma_start3A_283 = arith.constant 0 : i32
          %dma_start3A_284 = tpu.memref_slice %arg7[%dma_start3A_281, %add3A_280, %dma_start3A_282, %dma_start3A_283] : memref<2x32x8x64xf32, #tpu.memory_space<vmem>> -> memref<1x1x8x64xf32, #tpu.memory_space<vmem>>
          %dma_start3A_285 = tpu.memref_squeeze %dma_start3A_284 : memref<1x1x8x64xf32, #tpu.memory_space<vmem>> -> memref<8x64xf32, #tpu.memory_space<vmem>>
          %dma_start3A_286 = arith.constant 0 : i32
          %dma_start3A_287 = arith.constant 0 : i32
          %dma_start3A_288 = tpu.memref_slice %arg3[%squeeze3A_276, %dma_start3A_286, %dma_start3A_287] : memref<125000x8x64xf32, #tpu.memory_space<hbm>> -> memref<1x8x64xf32, #tpu.memory_space<hbm>>
          %dma_start3A_289 = tpu.memref_squeeze %dma_start3A_288 : memref<1x8x64xf32, #tpu.memory_space<hbm>> -> memref<8x64xf32, #tpu.memory_space<hbm>>
          %dma_start3A_290 = arith.constant 0 : i32
          %dma_start3A_291 = arith.constant 0 : i32
          %dma_start3A_292 = tpu.memref_slice %arg7[%dma_start3A_281, %add3A_280, %dma_start3A_290, %dma_start3A_291] : memref<2x32x8x64xf32, #tpu.memory_space<vmem>> -> memref<1x1x8x64xf32, #tpu.memory_space<vmem>>
          %dma_start3A_293 = tpu.memref_squeeze %dma_start3A_292 : memref<1x1x8x64xf32, #tpu.memory_space<vmem>> -> memref<8x64xf32, #tpu.memory_space<vmem>>
          %dma_start3A_294 = arith.constant 0 : i32
          %dma_start3A_295 = arith.constant 0 : i32
          %dma_start3A_296 = tpu.memref_slice %arg3[%squeeze3A_276, %dma_start3A_294, %dma_start3A_295] : memref<125000x8x64xf32, #tpu.memory_space<hbm>> -> memref<1x8x64xf32, #tpu.memory_space<hbm>>
          %dma_start3A_297 = tpu.memref_squeeze %dma_start3A_296 : memref<1x8x64xf32, #tpu.memory_space<hbm>> -> memref<8x64xf32, #tpu.memory_space<hbm>>
          tpu.enqueue_dma source(%dma_start3A_297 : memref<8x64xf32, #tpu.memory_space<hbm>>) target(%dma_start3A_293 : memref<8x64xf32, #tpu.memory_space<vmem>>) target_semaphore(%arg9 : memref<!tpu.dma_semaphore, #tpu.memory_space<semaphore_mem>>)
          %slice3A_298 = vector.extract_strided_slice %get3A_116 {offsets = [8], sizes = [1], strides = [1]} : vector<16xi32> to vector<1xi32>
          %squeeze3A_299 = vector.extract %slice3A_298[0] : i32 from vector<1xi32>
          %mul3A_300 = arith.constant 16 : i32
          %mul3A_301 = arith.muli %scan3A_110, %mul3A_300 : i32
          %add3A_302 = arith.constant 8 : i32
          %add3A_303 = arith.addi %mul3A_301, %add3A_302 : i32
          %dma_start3A_304 = arith.constant 0 : i32
          %dma_start3A_305 = arith.constant 0 : i32
          %dma_start3A_306 = arith.constant 0 : i32
          %dma_start3A_307 = tpu.memref_slice %arg7[%dma_start3A_304, %add3A_303, %dma_start3A_305, %dma_start3A_306] : memref<2x32x8x64xf32, #tpu.memory_space<vmem>> -> memref<1x1x8x64xf32, #tpu.memory_space<vmem>>
          %dma_start3A_308 = tpu.memref_squeeze %dma_start3A_307 : memref<1x1x8x64xf32, #tpu.memory_space<vmem>> -> memref<8x64xf32, #tpu.memory_space<vmem>>
          %dma_start3A_309 = arith.constant 0 : i32
          %dma_start3A_310 = arith.constant 0 : i32
          %dma_start3A_311 = tpu.memref_slice %arg3[%squeeze3A_299, %dma_start3A_309, %dma_start3A_310] : memref<125000x8x64xf32, #tpu.memory_space<hbm>> -> memref<1x8x64xf32, #tpu.memory_space<hbm>>
          %dma_start3A_312 = tpu.memref_squeeze %dma_start3A_311 : memref<1x8x64xf32, #tpu.memory_space<hbm>> -> memref<8x64xf32, #tpu.memory_space<hbm>>
          %dma_start3A_313 = arith.constant 0 : i32
          %dma_start3A_314 = arith.constant 0 : i32
          %dma_start3A_315 = tpu.memref_slice %arg7[%dma_start3A_304, %add3A_303, %dma_start3A_313, %dma_start3A_314] : memref<2x32x8x64xf32, #tpu.memory_space<vmem>> -> memref<1x1x8x64xf32, #tpu.memory_space<vmem>>
          %dma_start3A_316 = tpu.memref_squeeze %dma_start3A_315 : memref<1x1x8x64xf32, #tpu.memory_space<vmem>> -> memref<8x64xf32, #tpu.memory_space<vmem>>
          %dma_start3A_317 = arith.constant 0 : i32
          %dma_start3A_318 = arith.constant 0 : i32
          %dma_start3A_319 = tpu.memref_slice %arg3[%squeeze3A_299, %dma_start3A_317, %dma_start3A_318] : memref<125000x8x64xf32, #tpu.memory_space<hbm>> -> memref<1x8x64xf32, #tpu.memory_space<hbm>>
          %dma_start3A_320 = tpu.memref_squeeze %dma_start3A_319 : memref<1x8x64xf32, #tpu.memory_space<hbm>> -> memref<8x64xf32, #tpu.memory_space<hbm>>
          tpu.enqueue_dma source(%dma_start3A_320 : memref<8x64xf32, #tpu.memory_space<hbm>>) target(%dma_start3A_316 : memref<8x64xf32, #tpu.memory_space<vmem>>) target_semaphore(%arg9 : memref<!tpu.dma_semaphore, #tpu.memory_space<semaphore_mem>>)
          %slice3A_321 = vector.extract_strided_slice %get3A_116 {offsets = [9], sizes = [1], strides = [1]} : vector<16xi32> to vector<1xi32>
          %squeeze3A_322 = vector.extract %slice3A_321[0] : i32 from vector<1xi32>
          %mul3A_323 = arith.constant 16 : i32
          %mul3A_324 = arith.muli %scan3A_110, %mul3A_323 : i32
          %add3A_325 = arith.constant 9 : i32
          %add3A_326 = arith.addi %mul3A_324, %add3A_325 : i32
          %dma_start3A_327 = arith.constant 0 : i32
          %dma_start3A_328 = arith.constant 0 : i32
          %dma_start3A_329 = arith.constant 0 : i32
          %dma_start3A_330 = tpu.memref_slice %arg7[%dma_start3A_327, %add3A_326, %dma_start3A_328, %dma_start3A_329] : memref<2x32x8x64xf32, #tpu.memory_space<vmem>> -> memref<1x1x8x64xf32, #tpu.memory_space<vmem>>
          %dma_start3A_331 = tpu.memref_squeeze %dma_start3A_330 : memref<1x1x8x64xf32, #tpu.memory_space<vmem>> -> memref<8x64xf32, #tpu.memory_space<vmem>>
          %dma_start3A_332 = arith.constant 0 : i32
          %dma_start3A_333 = arith.constant 0 : i32
          %dma_start3A_334 = tpu.memref_slice %arg3[%squeeze3A_322, %dma_start3A_332, %dma_start3A_333] : memref<125000x8x64xf32, #tpu.memory_space<hbm>> -> memref<1x8x64xf32, #tpu.memory_space<hbm>>
          %dma_start3A_335 = tpu.memref_squeeze %dma_start3A_334 : memref<1x8x64xf32, #tpu.memory_space<hbm>> -> memref<8x64xf32, #tpu.memory_space<hbm>>
          %dma_start3A_336 = arith.constant 0 : i32
          %dma_start3A_337 = arith.constant 0 : i32
          %dma_start3A_338 = tpu.memref_slice %arg7[%dma_start3A_327, %add3A_326, %dma_start3A_336, %dma_start3A_337] : memref<2x32x8x64xf32, #tpu.memory_space<vmem>> -> memref<1x1x8x64xf32, #tpu.memory_space<vmem>>
          %dma_start3A_339 = tpu.memref_squeeze %dma_start3A_338 : memref<1x1x8x64xf32, #tpu.memory_space<vmem>> -> memref<8x64xf32, #tpu.memory_space<vmem>>
          %dma_start3A_340 = arith.constant 0 : i32
          %dma_start3A_341 = arith.constant 0 : i32
          %dma_start3A_342 = tpu.memref_slice %arg3[%squeeze3A_322, %dma_start3A_340, %dma_start3A_341] : memref<125000x8x64xf32, #tpu.memory_space<hbm>> -> memref<1x8x64xf32, #tpu.memory_space<hbm>>
          %dma_start3A_343 = tpu.memref_squeeze %dma_start3A_342 : memref<1x8x64xf32, #tpu.memory_space<hbm>> -> memref<8x64xf32, #tpu.memory_space<hbm>>
          tpu.enqueue_dma source(%dma_start3A_343 : memref<8x64xf32, #tpu.memory_space<hbm>>) target(%dma_start3A_339 : memref<8x64xf32, #tpu.memory_space<vmem>>) target_semaphore(%arg9 : memref<!tpu.dma_semaphore, #tpu.memory_space<semaphore_mem>>)
          %slice3A_344 = vector.extract_strided_slice %get3A_116 {offsets = [10], sizes = [1], strides = [1]} : vector<16xi32> to vector<1xi32>
          %squeeze3A_345 = vector.extract %slice3A_344[0] : i32 from vector<1xi32>
          %mul3A_346 = arith.constant 16 : i32
          %mul3A_347 = arith.muli %scan3A_110, %mul3A_346 : i32
          %add3A_348 = arith.constant 10 : i32
          %add3A_349 = arith.addi %mul3A_347, %add3A_348 : i32
          %dma_start3A_350 = arith.constant 0 : i32
          %dma_start3A_351 = arith.constant 0 : i32
          %dma_start3A_352 = arith.constant 0 : i32
          %dma_start3A_353 = tpu.memref_slice %arg7[%dma_start3A_350, %add3A_349, %dma_start3A_351, %dma_start3A_352] : memref<2x32x8x64xf32, #tpu.memory_space<vmem>> -> memref<1x1x8x64xf32, #tpu.memory_space<vmem>>
          %dma_start3A_354 = tpu.memref_squeeze %dma_start3A_353 : memref<1x1x8x64xf32, #tpu.memory_space<vmem>> -> memref<8x64xf32, #tpu.memory_space<vmem>>
          %dma_start3A_355 = arith.constant 0 : i32
          %dma_start3A_356 = arith.constant 0 : i32
          %dma_start3A_357 = tpu.memref_slice %arg3[%squeeze3A_345, %dma_start3A_355, %dma_start3A_356] : memref<125000x8x64xf32, #tpu.memory_space<hbm>> -> memref<1x8x64xf32, #tpu.memory_space<hbm>>
          %dma_start3A_358 = tpu.memref_squeeze %dma_start3A_357 : memref<1x8x64xf32, #tpu.memory_space<hbm>> -> memref<8x64xf32, #tpu.memory_space<hbm>>
          %dma_start3A_359 = arith.constant 0 : i32
          %dma_start3A_360 = arith.constant 0 : i32
          %dma_start3A_361 = tpu.memref_slice %arg7[%dma_start3A_350, %add3A_349, %dma_start3A_359, %dma_start3A_360] : memref<2x32x8x64xf32, #tpu.memory_space<vmem>> -> memref<1x1x8x64xf32, #tpu.memory_space<vmem>>
          %dma_start3A_362 = tpu.memref_squeeze %dma_start3A_361 : memref<1x1x8x64xf32, #tpu.memory_space<vmem>> -> memref<8x64xf32, #tpu.memory_space<vmem>>
          %dma_start3A_363 = arith.constant 0 : i32
          %dma_start3A_364 = arith.constant 0 : i32
          %dma_start3A_365 = tpu.memref_slice %arg3[%squeeze3A_345, %dma_start3A_363, %dma_start3A_364] : memref<125000x8x64xf32, #tpu.memory_space<hbm>> -> memref<1x8x64xf32, #tpu.memory_space<hbm>>
          %dma_start3A_366 = tpu.memref_squeeze %dma_start3A_365 : memref<1x8x64xf32, #tpu.memory_space<hbm>> -> memref<8x64xf32, #tpu.memory_space<hbm>>
          tpu.enqueue_dma source(%dma_start3A_366 : memref<8x64xf32, #tpu.memory_space<hbm>>) target(%dma_start3A_362 : memref<8x64xf32, #tpu.memory_space<vmem>>) target_semaphore(%arg9 : memref<!tpu.dma_semaphore, #tpu.memory_space<semaphore_mem>>)
          %slice3A_367 = vector.extract_strided_slice %get3A_116 {offsets = [11], sizes = [1], strides = [1]} : vector<16xi32> to vector<1xi32>
          %squeeze3A_368 = vector.extract %slice3A_367[0] : i32 from vector<1xi32>
          %mul3A_369 = arith.constant 16 : i32
          %mul3A_370 = arith.muli %scan3A_110, %mul3A_369 : i32
          %add3A_371 = arith.constant 11 : i32
          %add3A_372 = arith.addi %mul3A_370, %add3A_371 : i32
          %dma_start3A_373 = arith.constant 0 : i32
          %dma_start3A_374 = arith.constant 0 : i32
          %dma_start3A_375 = arith.constant 0 : i32
          %dma_start3A_376 = tpu.memref_slice %arg7[%dma_start3A_373, %add3A_372, %dma_start3A_374, %dma_start3A_375] : memref<2x32x8x64xf32, #tpu.memory_space<vmem>> -> memref<1x1x8x64xf32, #tpu.memory_space<vmem>>
          %dma_start3A_377 = tpu.memref_squeeze %dma_start3A_376 : memref<1x1x8x64xf32, #tpu.memory_space<vmem>> -> memref<8x64xf32, #tpu.memory_space<vmem>>
          %dma_start3A_378 = arith.constant 0 : i32
          %dma_start3A_379 = arith.constant 0 : i32
          %dma_start3A_380 = tpu.memref_slice %arg3[%squeeze3A_368, %dma_start3A_378, %dma_start3A_379] : memref<125000x8x64xf32, #tpu.memory_space<hbm>> -> memref<1x8x64xf32, #tpu.memory_space<hbm>>
          %dma_start3A_381 = tpu.memref_squeeze %dma_start3A_380 : memref<1x8x64xf32, #tpu.memory_space<hbm>> -> memref<8x64xf32, #tpu.memory_space<hbm>>
          %dma_start3A_382 = arith.constant 0 : i32
          %dma_start3A_383 = arith.constant 0 : i32
          %dma_start3A_384 = tpu.memref_slice %arg7[%dma_start3A_373, %add3A_372, %dma_start3A_382, %dma_start3A_383] : memref<2x32x8x64xf32, #tpu.memory_space<vmem>> -> memref<1x1x8x64xf32, #tpu.memory_space<vmem>>
          %dma_start3A_385 = tpu.memref_squeeze %dma_start3A_384 : memref<1x1x8x64xf32, #tpu.memory_space<vmem>> -> memref<8x64xf32, #tpu.memory_space<vmem>>
          %dma_start3A_386 = arith.constant 0 : i32
          %dma_start3A_387 = arith.constant 0 : i32
          %dma_start3A_388 = tpu.memref_slice %arg3[%squeeze3A_368, %dma_start3A_386, %dma_start3A_387] : memref<125000x8x64xf32, #tpu.memory_space<hbm>> -> memref<1x8x64xf32, #tpu.memory_space<hbm>>
          %dma_start3A_389 = tpu.memref_squeeze %dma_start3A_388 : memref<1x8x64xf32, #tpu.memory_space<hbm>> -> memref<8x64xf32, #tpu.memory_space<hbm>>
          tpu.enqueue_dma source(%dma_start3A_389 : memref<8x64xf32, #tpu.memory_space<hbm>>) target(%dma_start3A_385 : memref<8x64xf32, #tpu.memory_space<vmem>>) target_semaphore(%arg9 : memref<!tpu.dma_semaphore, #tpu.memory_space<semaphore_mem>>)
          %slice3A_390 = vector.extract_strided_slice %get3A_116 {offsets = [12], sizes = [1], strides = [1]} : vector<16xi32> to vector<1xi32>
          %squeeze3A_391 = vector.extract %slice3A_390[0] : i32 from vector<1xi32>
          %mul3A_392 = arith.constant 16 : i32
          %mul3A_393 = arith.muli %scan3A_110, %mul3A_392 : i32
          %add3A_394 = arith.constant 12 : i32
          %add3A_395 = arith.addi %mul3A_393, %add3A_394 : i32
          %dma_start3A_396 = arith.constant 0 : i32
          %dma_start3A_397 = arith.constant 0 : i32
          %dma_start3A_398 = arith.constant 0 : i32
          %dma_start3A_399 = tpu.memref_slice %arg7[%dma_start3A_396, %add3A_395, %dma_start3A_397, %dma_start3A_398] : memref<2x32x8x64xf32, #tpu.memory_space<vmem>> -> memref<1x1x8x64xf32, #tpu.memory_space<vmem>>
          %dma_start3A_400 = tpu.memref_squeeze %dma_start3A_399 : memref<1x1x8x64xf32, #tpu.memory_space<vmem>> -> memref<8x64xf32, #tpu.memory_space<vmem>>
          %dma_start3A_401 = arith.constant 0 : i32
          %dma_start3A_402 = arith.constant 0 : i32
          %dma_start3A_403 = tpu.memref_slice %arg3[%squeeze3A_391, %dma_start3A_401, %dma_start3A_402] : memref<125000x8x64xf32, #tpu.memory_space<hbm>> -> memref<1x8x64xf32, #tpu.memory_space<hbm>>
          %dma_start3A_404 = tpu.memref_squeeze %dma_start3A_403 : memref<1x8x64xf32, #tpu.memory_space<hbm>> -> memref<8x64xf32, #tpu.memory_space<hbm>>
          %dma_start3A_405 = arith.constant 0 : i32
          %dma_start3A_406 = arith.constant 0 : i32
          %dma_start3A_407 = tpu.memref_slice %arg7[%dma_start3A_396, %add3A_395, %dma_start3A_405, %dma_start3A_406] : memref<2x32x8x64xf32, #tpu.memory_space<vmem>> -> memref<1x1x8x64xf32, #tpu.memory_space<vmem>>
          %dma_start3A_408 = tpu.memref_squeeze %dma_start3A_407 : memref<1x1x8x64xf32, #tpu.memory_space<vmem>> -> memref<8x64xf32, #tpu.memory_space<vmem>>
          %dma_start3A_409 = arith.constant 0 : i32
          %dma_start3A_410 = arith.constant 0 : i32
          %dma_start3A_411 = tpu.memref_slice %arg3[%squeeze3A_391, %dma_start3A_409, %dma_start3A_410] : memref<125000x8x64xf32, #tpu.memory_space<hbm>> -> memref<1x8x64xf32, #tpu.memory_space<hbm>>
          %dma_start3A_412 = tpu.memref_squeeze %dma_start3A_411 : memref<1x8x64xf32, #tpu.memory_space<hbm>> -> memref<8x64xf32, #tpu.memory_space<hbm>>
          tpu.enqueue_dma source(%dma_start3A_412 : memref<8x64xf32, #tpu.memory_space<hbm>>) target(%dma_start3A_408 : memref<8x64xf32, #tpu.memory_space<vmem>>) target_semaphore(%arg9 : memref<!tpu.dma_semaphore, #tpu.memory_space<semaphore_mem>>)
          %slice3A_413 = vector.extract_strided_slice %get3A_116 {offsets = [13], sizes = [1], strides = [1]} : vector<16xi32> to vector<1xi32>
          %squeeze3A_414 = vector.extract %slice3A_413[0] : i32 from vector<1xi32>
          %mul3A_415 = arith.constant 16 : i32
          %mul3A_416 = arith.muli %scan3A_110, %mul3A_415 : i32
          %add3A_417 = arith.constant 13 : i32
          %add3A_418 = arith.addi %mul3A_416, %add3A_417 : i32
          %dma_start3A_419 = arith.constant 0 : i32
          %dma_start3A_420 = arith.constant 0 : i32
          %dma_start3A_421 = arith.constant 0 : i32
          %dma_start3A_422 = tpu.memref_slice %arg7[%dma_start3A_419, %add3A_418, %dma_start3A_420, %dma_start3A_421] : memref<2x32x8x64xf32, #tpu.memory_space<vmem>> -> memref<1x1x8x64xf32, #tpu.memory_space<vmem>>
          %dma_start3A_423 = tpu.memref_squeeze %dma_start3A_422 : memref<1x1x8x64xf32, #tpu.memory_space<vmem>> -> memref<8x64xf32, #tpu.memory_space<vmem>>
          %dma_start3A_424 = arith.constant 0 : i32
          %dma_start3A_425 = arith.constant 0 : i32
          %dma_start3A_426 = tpu.memref_slice %arg3[%squeeze3A_414, %dma_start3A_424, %dma_start3A_425] : memref<125000x8x64xf32, #tpu.memory_space<hbm>> -> memref<1x8x64xf32, #tpu.memory_space<hbm>>
          %dma_start3A_427 = tpu.memref_squeeze %dma_start3A_426 : memref<1x8x64xf32, #tpu.memory_space<hbm>> -> memref<8x64xf32, #tpu.memory_space<hbm>>
          %dma_start3A_428 = arith.constant 0 : i32
          %dma_start3A_429 = arith.constant 0 : i32
          %dma_start3A_430 = tpu.memref_slice %arg7[%dma_start3A_419, %add3A_418, %dma_start3A_428, %dma_start3A_429] : memref<2x32x8x64xf32, #tpu.memory_space<vmem>> -> memref<1x1x8x64xf32, #tpu.memory_space<vmem>>
          %dma_start3A_431 = tpu.memref_squeeze %dma_start3A_430 : memref<1x1x8x64xf32, #tpu.memory_space<vmem>> -> memref<8x64xf32, #tpu.memory_space<vmem>>
          %dma_start3A_432 = arith.constant 0 : i32
          %dma_start3A_433 = arith.constant 0 : i32
          %dma_start3A_434 = tpu.memref_slice %arg3[%squeeze3A_414, %dma_start3A_432, %dma_start3A_433] : memref<125000x8x64xf32, #tpu.memory_space<hbm>> -> memref<1x8x64xf32, #tpu.memory_space<hbm>>
          %dma_start3A_435 = tpu.memref_squeeze %dma_start3A_434 : memref<1x8x64xf32, #tpu.memory_space<hbm>> -> memref<8x64xf32, #tpu.memory_space<hbm>>
          tpu.enqueue_dma source(%dma_start3A_435 : memref<8x64xf32, #tpu.memory_space<hbm>>) target(%dma_start3A_431 : memref<8x64xf32, #tpu.memory_space<vmem>>) target_semaphore(%arg9 : memref<!tpu.dma_semaphore, #tpu.memory_space<semaphore_mem>>)
          %slice3A_436 = vector.extract_strided_slice %get3A_116 {offsets = [14], sizes = [1], strides = [1]} : vector<16xi32> to vector<1xi32>
          %squeeze3A_437 = vector.extract %slice3A_436[0] : i32 from vector<1xi32>
          %mul3A_438 = arith.constant 16 : i32
          %mul3A_439 = arith.muli %scan3A_110, %mul3A_438 : i32
          %add3A_440 = arith.constant 14 : i32
          %add3A_441 = arith.addi %mul3A_439, %add3A_440 : i32
          %dma_start3A_442 = arith.constant 0 : i32
          %dma_start3A_443 = arith.constant 0 : i32
          %dma_start3A_444 = arith.constant 0 : i32
          %dma_start3A_445 = tpu.memref_slice %arg7[%dma_start3A_442, %add3A_441, %dma_start3A_443, %dma_start3A_444] : memref<2x32x8x64xf32, #tpu.memory_space<vmem>> -> memref<1x1x8x64xf32, #tpu.memory_space<vmem>>
          %dma_start3A_446 = tpu.memref_squeeze %dma_start3A_445 : memref<1x1x8x64xf32, #tpu.memory_space<vmem>> -> memref<8x64xf32, #tpu.memory_space<vmem>>
          %dma_start3A_447 = arith.constant 0 : i32
          %dma_start3A_448 = arith.constant 0 : i32
          %dma_start3A_449 = tpu.memref_slice %arg3[%squeeze3A_437, %dma_start3A_447, %dma_start3A_448] : memref<125000x8x64xf32, #tpu.memory_space<hbm>> -> memref<1x8x64xf32, #tpu.memory_space<hbm>>
          %dma_start3A_450 = tpu.memref_squeeze %dma_start3A_449 : memref<1x8x64xf32, #tpu.memory_space<hbm>> -> memref<8x64xf32, #tpu.memory_space<hbm>>
          %dma_start3A_451 = arith.constant 0 : i32
          %dma_start3A_452 = arith.constant 0 : i32
          %dma_start3A_453 = tpu.memref_slice %arg7[%dma_start3A_442, %add3A_441, %dma_start3A_451, %dma_start3A_452] : memref<2x32x8x64xf32, #tpu.memory_space<vmem>> -> memref<1x1x8x64xf32, #tpu.memory_space<vmem>>
          %dma_start3A_454 = tpu.memref_squeeze %dma_start3A_453 : memref<1x1x8x64xf32, #tpu.memory_space<vmem>> -> memref<8x64xf32, #tpu.memory_space<vmem>>
          %dma_start3A_455 = arith.constant 0 : i32
          %dma_start3A_456 = arith.constant 0 : i32
          %dma_start3A_457 = tpu.memref_slice %arg3[%squeeze3A_437, %dma_start3A_455, %dma_start3A_456] : memref<125000x8x64xf32, #tpu.memory_space<hbm>> -> memref<1x8x64xf32, #tpu.memory_space<hbm>>
          %dma_start3A_458 = tpu.memref_squeeze %dma_start3A_457 : memref<1x8x64xf32, #tpu.memory_space<hbm>> -> memref<8x64xf32, #tpu.memory_space<hbm>>
          tpu.enqueue_dma source(%dma_start3A_458 : memref<8x64xf32, #tpu.memory_space<hbm>>) target(%dma_start3A_454 : memref<8x64xf32, #tpu.memory_space<vmem>>) target_semaphore(%arg9 : memref<!tpu.dma_semaphore, #tpu.memory_space<semaphore_mem>>)
          %slice3A_459 = vector.extract_strided_slice %get3A_116 {offsets = [15], sizes = [1], strides = [1]} : vector<16xi32> to vector<1xi32>
          %squeeze3A_460 = vector.extract %slice3A_459[0] : i32 from vector<1xi32>
          %mul3A_461 = arith.constant 16 : i32
          %mul3A_462 = arith.muli %scan3A_110, %mul3A_461 : i32
          %add3A_463 = arith.constant 15 : i32
          %add3A_464 = arith.addi %mul3A_462, %add3A_463 : i32
          %dma_start3A_465 = arith.constant 0 : i32
          %dma_start3A_466 = arith.constant 0 : i32
          %dma_start3A_467 = arith.constant 0 : i32
          %dma_start3A_468 = tpu.memref_slice %arg7[%dma_start3A_465, %add3A_464, %dma_start3A_466, %dma_start3A_467] : memref<2x32x8x64xf32, #tpu.memory_space<vmem>> -> memref<1x1x8x64xf32, #tpu.memory_space<vmem>>
          %dma_start3A_469 = tpu.memref_squeeze %dma_start3A_468 : memref<1x1x8x64xf32, #tpu.memory_space<vmem>> -> memref<8x64xf32, #tpu.memory_space<vmem>>
          %dma_start3A_470 = arith.constant 0 : i32
          %dma_start3A_471 = arith.constant 0 : i32
          %dma_start3A_472 = tpu.memref_slice %arg3[%squeeze3A_460, %dma_start3A_470, %dma_start3A_471] : memref<125000x8x64xf32, #tpu.memory_space<hbm>> -> memref<1x8x64xf32, #tpu.memory_space<hbm>>
          %dma_start3A_473 = tpu.memref_squeeze %dma_start3A_472 : memref<1x8x64xf32, #tpu.memory_space<hbm>> -> memref<8x64xf32, #tpu.memory_space<hbm>>
          %dma_start3A_474 = arith.constant 0 : i32
          %dma_start3A_475 = arith.constant 0 : i32
          %dma_start3A_476 = tpu.memref_slice %arg7[%dma_start3A_465, %add3A_464, %dma_start3A_474, %dma_start3A_475] : memref<2x32x8x64xf32, #tpu.memory_space<vmem>> -> memref<1x1x8x64xf32, #tpu.memory_space<vmem>>
          %dma_start3A_477 = tpu.memref_squeeze %dma_start3A_476 : memref<1x1x8x64xf32, #tpu.memory_space<vmem>> -> memref<8x64xf32, #tpu.memory_space<vmem>>
          %dma_start3A_478 = arith.constant 0 : i32
          %dma_start3A_479 = arith.constant 0 : i32
          %dma_start3A_480 = tpu.memref_slice %arg3[%squeeze3A_460, %dma_start3A_478, %dma_start3A_479] : memref<125000x8x64xf32, #tpu.memory_space<hbm>> -> memref<1x8x64xf32, #tpu.memory_space<hbm>>
          %dma_start3A_481 = tpu.memref_squeeze %dma_start3A_480 : memref<1x8x64xf32, #tpu.memory_space<hbm>> -> memref<8x64xf32, #tpu.memory_space<hbm>>
          tpu.enqueue_dma source(%dma_start3A_481 : memref<8x64xf32, #tpu.memory_space<hbm>>) target(%dma_start3A_477 : memref<8x64xf32, #tpu.memory_space<vmem>>) target_semaphore(%arg9 : memref<!tpu.dma_semaphore, #tpu.memory_space<semaphore_mem>>)
        }
        %scan3A_109 = arith.constant 2 : i32
      } else {
      }
      %dma_wait3A_75 = arith.constant 1 : i32
      %dma_wait3A_76 = arith.constant 0 : i32
      %dma_wait3A_77 = arith.constant 0 : i32
      %dma_wait3A_78 = arith.constant 0 : i32
      %dma_wait3A_79 = tpu.memref_slice %arg7[%dma_wait3A_75, %dma_wait3A_76, %dma_wait3A_77, %dma_wait3A_78] : memref<2x32x8x64xf32, #tpu.memory_space<vmem>> -> memref<1x32x8x64xf32, #tpu.memory_space<vmem>>
      %dma_wait3A_80 = tpu.memref_squeeze %dma_wait3A_79 : memref<1x32x8x64xf32, #tpu.memory_space<vmem>> -> memref<32x8x64xf32, #tpu.memory_space<vmem>>
      %dma_wait3A_81 = arith.constant 0 : i32
      %dma_wait3A_82 = arith.constant 0 : i32
      %dma_wait3A_83 = arith.constant 0 : i32
      %dma_wait3A_84 = tpu.memref_slice %arg3[%dma_wait3A_81, %dma_wait3A_82, %dma_wait3A_83] : memref<125000x8x64xf32, #tpu.memory_space<hbm>> -> memref<32x8x64xf32, #tpu.memory_space<hbm>>
      %dma_wait3A_85 = arith.constant 0 : i32
      %dma_wait3A_86 = arith.constant 0 : i32
      %dma_wait3A_87 = arith.constant 0 : i32
      %dma_wait3A_88 = tpu.memref_slice %arg7[%dma_wait3A_75, %dma_wait3A_85, %dma_wait3A_86, %dma_wait3A_87] : memref<2x32x8x64xf32, #tpu.memory_space<vmem>> -> memref<1x32x8x64xf32, #tpu.memory_space<vmem>>
      %dma_wait3A_89 = tpu.memref_squeeze %dma_wait3A_88 : memref<1x32x8x64xf32, #tpu.memory_space<vmem>> -> memref<32x8x64xf32, #tpu.memory_space<vmem>>
      %dma_wait3A_90 = arith.constant 0 : i32
      %dma_wait3A_91 = arith.constant 0 : i32
      %dma_wait3A_92 = arith.constant 0 : i32
      %dma_wait3A_93 = tpu.memref_slice %arg3[%dma_wait3A_90, %dma_wait3A_91, %dma_wait3A_92] : memref<125000x8x64xf32, #tpu.memory_space<hbm>> -> memref<32x8x64xf32, #tpu.memory_space<hbm>>
      tpu.wait_dma2 semaphore(%arg10 : memref<!tpu.dma_semaphore, #tpu.memory_space<semaphore_mem>>) src(%dma_wait3A_93 : memref<32x8x64xf32, #tpu.memory_space<hbm>>) dst(%dma_wait3A_89 : memref<32x8x64xf32, #tpu.memory_space<vmem>>)
      %add3A_94 = arith.constant 1 : i32
      %add3A_95 = arith.addi %mul3A_38, %add3A_94 : i32
      %scan3A_96 = arith.constant 0 : i32
      %scan3A_97 = arith.constant 0 : i32
      %scan3A_98 = arith.constant 2 : i32
      %scan3A_99 = arith.addi %scan3A_97, %scan3A_98 : i32
      %scan3A_100 = arith.constant 1 : i32
      scf.for %scan3A_102 = %scan3A_97 to %scan3A_99 step %scan3A_100  : i32 {
        %mul3A_103 = arith.constant 32 : i32
        %mul3A_104 = arith.muli %add3A_95, %mul3A_103 : i32
        %mul3A_105 = arith.constant 16 : i32
        %mul3A_106 = arith.muli %scan3A_102, %mul3A_105 : i32
        %add3A_107 = arith.addi %mul3A_104, %mul3A_106 : i32
        %get3A = arith.index_cast %add3A_107 : i32 to index
        %get3A_108 = tpu.vector_load %arg5[%get3A] {strides = array<i32>} : memref<512xi32, #tpu.memory_space<vmem>>, vector<16xi32>,
        %and3A_109 = arith.constant 7 : i32
        %and3A_110 = vector.broadcast %and3A_109 : i32 to vector<16xi32>
        %and3A_111 = arith.andi %get3A_108, %and3A_110 : vector<16xi32>
        %mul3A_112 = arith.constant 16 : i32
        %mul3A_113 = arith.muli %scan3A_102, %mul3A_112 : i32
        %add3A_114 = arith.constant 0 : i32
        %add3A_115 = arith.addi %mul3A_113, %add3A_114 : i32
        %slice3A = vector.extract_strided_slice %and3A_111 {offsets = [0], sizes = [1], strides = [1]} : vector<16xi32> to vector<1xi32>
        %squeeze3A = vector.extract %slice3A[0] : i32 from vector<1xi32>
        %get3A_116 = arith.constant 1 : i32
        %get3A_117 = arith.index_cast %get3A_116 : i32 to index
        %get3A_118 = arith.index_cast %add3A_115 : i32 to index
        %get3A_119 = arith.index_cast %squeeze3A : i32 to index
        %get3A_120 = arith.constant 0 : index
        %get3A_121 = tpu.vector_load %arg7[%get3A_117, %get3A_118, %get3A_119, %get3A_120] {strides = array<i32>} : memref<2x32x8x64xf32, #tpu.memory_space<vmem>>, vector<16xf32>,
        %exp3A = math.exp %get3A_121 : vector<16xf32>
        %get3A_122 = arith.constant 1 : i32
        %get3A_123 = arith.index_cast %get3A_122 : i32 to index
        %get3A_124 = arith.index_cast %add3A_115 : i32 to index
        %get3A_125 = arith.index_cast %squeeze3A : i32 to index
        %get3A_126 = arith.constant 16 : index
        %get3A_127 = tpu.vector_load %arg7[%get3A_123, %get3A_124, %get3A_125, %get3A_126] {strides = array<i32>} : memref<2x32x8x64xf32, #tpu.memory_space<vmem>>, vector<16xf32>,
        %exp3A_128 = math.exp %get3A_127 : vector<16xf32>
        %get3A_129 = arith.constant 1 : i32
        %get3A_130 = arith.index_cast %get3A_129 : i32 to index
        %get3A_131 = arith.index_cast %add3A_115 : i32 to index
        %get3A_132 = arith.index_cast %squeeze3A : i32 to index
        %get3A_133 = arith.constant 32 : index
        %get3A_134 = tpu.vector_load %arg7[%get3A_130, %get3A_131, %get3A_132, %get3A_133] {strides = array<i32>} : memref<2x32x8x64xf32, #tpu.memory_space<vmem>>, vector<16xf32>,
        %exp3A_135 = math.exp %get3A_134 : vector<16xf32>
        %get3A_136 = arith.constant 1 : i32
        %get3A_137 = arith.index_cast %get3A_136 : i32 to index
        %get3A_138 = arith.index_cast %add3A_115 : i32 to index
        %get3A_139 = arith.index_cast %squeeze3A : i32 to index
        %get3A_140 = arith.constant 48 : index
        %get3A_141 = tpu.vector_load %arg7[%get3A_137, %get3A_138, %get3A_139, %get3A_140] {strides = array<i32>} : memref<2x32x8x64xf32, #tpu.memory_space<vmem>>, vector<16xf32>,
        %exp3A_142 = math.exp %get3A_141 : vector<16xf32>
        %add3A_143 = arith.addf %exp3A, %exp3A_128 : vector<16xf32>
        %add3A_144 = arith.addf %exp3A_135, %exp3A_142 : vector<16xf32>
        %add3A_145 = arith.addf %add3A_143, %add3A_144 : vector<16xf32>
        %reduce_sum3A = arith.constant true
        %reduce_sum3A_146 = vector.broadcast %reduce_sum3A : i1 to vector<16xi1>
        %reduce_sum3A_147 = tpu.scan <sum>, %add3A_145 masked %reduce_sum3A_146 : vector<16xf32>, vector<16xi1> -> vector<16xf32>
        %reduce_sum3A_148 = vector.extract %reduce_sum3A_147[15] : f32 from vector<16xf32>
        %broadcast_in_dim3A = arith.constant 1.000000e+00 : f32
        %broadcast_in_dim3A_149 = vector.broadcast %broadcast_in_dim3A : f32 to vector<16xf32>
        %broadcast_in_dim3A_150 = vector.broadcast %reduce_sum3A_148 : f32 to vector<16xf32>
        %div3A_151 = arith.divf %broadcast_in_dim3A_149, %broadcast_in_dim3A_150 : vector<16xf32>
        %mul3A_152 = arith.constant 16 : i32
        %mul3A_153 = arith.muli %add3A_95, %mul3A_152 : i32
        %mul3A_154 = arith.constant 8 : i32
        %mul3A_155 = arith.muli %scan3A_102, %mul3A_154 : i32
        %add3A_156 = arith.addi %mul3A_153, %mul3A_155 : i32
        %add3A_157 = arith.constant 0 : i32
        %add3A_158 = arith.addi %add3A_156, %add3A_157 : i32
        %mul3A_159 = arith.mulf %exp3A, %div3A_151 : vector<16xf32>
        %swap3A = arith.index_cast %add3A_158 : i32 to index
        %swap3A_160 = arith.constant 0 : index
        %swap3A_161 = tpu.vector_load %arg8[%swap3A, %swap3A_160] {strides = array<i32>} : memref<256x128xf32, #tpu.memory_space<vmem>>, vector<16xf32>,
        tpu.vector_store %arg8[%swap3A, %swap3A_160], %mul3A_159 {strides = array<i32>} : memref<256x128xf32, #tpu.memory_space<vmem>>, vector<16xf32>,
        %mul3A_162 = arith.mulf %exp3A_128, %div3A_151 : vector<16xf32>
        %swap3A_163 = arith.index_cast %add3A_158 : i32 to index
        %swap3A_164 = arith.constant 16 : index
        %swap3A_165 = tpu.vector_load %arg8[%swap3A_163, %swap3A_164] {strides = array<i32>} : memref<256x128xf32, #tpu.memory_space<vmem>>, vector<16xf32>,
        tpu.vector_store %arg8[%swap3A_163, %swap3A_164], %mul3A_162 {strides = array<i32>} : memref<256x128xf32, #tpu.memory_space<vmem>>, vector<16xf32>,
        %mul3A_166 = arith.mulf %exp3A_135, %div3A_151 : vector<16xf32>
        %swap3A_167 = arith.index_cast %add3A_158 : i32 to index
        %swap3A_168 = arith.constant 32 : index
        %swap3A_169 = tpu.vector_load %arg8[%swap3A_167, %swap3A_168] {strides = array<i32>} : memref<256x128xf32, #tpu.memory_space<vmem>>, vector<16xf32>,
        tpu.vector_store %arg8[%swap3A_167, %swap3A_168], %mul3A_166 {strides = array<i32>} : memref<256x128xf32, #tpu.memory_space<vmem>>, vector<16xf32>,
        %mul3A_170 = arith.mulf %exp3A_142, %div3A_151 : vector<16xf32>
        %swap3A_171 = arith.index_cast %add3A_158 : i32 to index
        %swap3A_172 = arith.constant 48 : index
        %swap3A_173 = tpu.vector_load %arg8[%swap3A_171, %swap3A_172] {strides = array<i32>} : memref<256x128xf32, #tpu.memory_space<vmem>>, vector<16xf32>,
        tpu.vector_store %arg8[%swap3A_171, %swap3A_172], %mul3A_170 {strides = array<i32>} : memref<256x128xf32, #tpu.memory_space<vmem>>, vector<16xf32>,
        %mul3A_174 = arith.constant 16 : i32
        %mul3A_175 = arith.muli %scan3A_102, %mul3A_174 : i32
        %add3A_176 = arith.constant 1 : i32
        %add3A_177 = arith.addi %mul3A_175, %add3A_176 : i32
        %slice3A_178 = vector.extract_strided_slice %and3A_111 {offsets = [1], sizes = [1], strides = [1]} : vector<16xi32> to vector<1xi32>
        %squeeze3A_179 = vector.extract %slice3A_178[0] : i32 from vector<1xi32>
        %get3A_180 = arith.constant 1 : i32
        %get3A_181 = arith.index_cast %get3A_180 : i32 to index
        %get3A_182 = arith.index_cast %add3A_177 : i32 to index
        %get3A_183 = arith.index_cast %squeeze3A_179 : i32 to index
        %get3A_184 = arith.constant 0 : index
        %get3A_185 = tpu.vector_load %arg7[%get3A_181, %get3A_182, %get3A_183, %get3A_184] {strides = array<i32>} : memref<2x32x8x64xf32, #tpu.memory_space<vmem>>, vector<16xf32>,
        %exp3A_186 = math.exp %get3A_185 : vector<16xf32>
        %get3A_187 = arith.constant 1 : i32
        %get3A_188 = arith.index_cast %get3A_187 : i32 to index
        %get3A_189 = arith.index_cast %add3A_177 : i32 to index
        %get3A_190 = arith.index_cast %squeeze3A_179 : i32 to index
        %get3A_191 = arith.constant 16 : index
        %get3A_192 = tpu.vector_load %arg7[%get3A_188, %get3A_189, %get3A_190, %get3A_191] {strides = array<i32>} : memref<2x32x8x64xf32, #tpu.memory_space<vmem>>, vector<16xf32>,
        %exp3A_193 = math.exp %get3A_192 : vector<16xf32>
        %get3A_194 = arith.constant 1 : i32
        %get3A_195 = arith.index_cast %get3A_194 : i32 to index
        %get3A_196 = arith.index_cast %add3A_177 : i32 to index
        %get3A_197 = arith.index_cast %squeeze3A_179 : i32 to index
        %get3A_198 = arith.constant 32 : index
        %get3A_199 = tpu.vector_load %arg7[%get3A_195, %get3A_196, %get3A_197, %get3A_198] {strides = array<i32>} : memref<2x32x8x64xf32, #tpu.memory_space<vmem>>, vector<16xf32>,
        %exp3A_200 = math.exp %get3A_199 : vector<16xf32>
        %get3A_201 = arith.constant 1 : i32
        %get3A_202 = arith.index_cast %get3A_201 : i32 to index
        %get3A_203 = arith.index_cast %add3A_177 : i32 to index
        %get3A_204 = arith.index_cast %squeeze3A_179 : i32 to index
        %get3A_205 = arith.constant 48 : index
        %get3A_206 = tpu.vector_load %arg7[%get3A_202, %get3A_203, %get3A_204, %get3A_205] {strides = array<i32>} : memref<2x32x8x64xf32, #tpu.memory_space<vmem>>, vector<16xf32>,
        %exp3A_207 = math.exp %get3A_206 : vector<16xf32>
        %add3A_208 = arith.addf %exp3A_186, %exp3A_193 : vector<16xf32>
        %add3A_209 = arith.addf %exp3A_200, %exp3A_207 : vector<16xf32>
        %add3A_210 = arith.addf %add3A_208, %add3A_209 : vector<16xf32>
        %reduce_sum3A_211 = arith.constant true
        %reduce_sum3A_212 = vector.broadcast %reduce_sum3A_211 : i1 to vector<16xi1>
        %reduce_sum3A_213 = tpu.scan <sum>, %add3A_210 masked %reduce_sum3A_212 : vector<16xf32>, vector<16xi1> -> vector<16xf32>
        %reduce_sum3A_214 = vector.extract %reduce_sum3A_213[15] : f32 from vector<16xf32>
        %broadcast_in_dim3A_215 = arith.constant 1.000000e+00 : f32
        %broadcast_in_dim3A_216 = vector.broadcast %broadcast_in_dim3A_215 : f32 to vector<16xf32>
        %broadcast_in_dim3A_217 = vector.broadcast %reduce_sum3A_214 : f32 to vector<16xf32>
        %div3A_218 = arith.divf %broadcast_in_dim3A_216, %broadcast_in_dim3A_217 : vector<16xf32>
        %mul3A_219 = arith.constant 16 : i32
        %mul3A_220 = arith.muli %add3A_95, %mul3A_219 : i32
        %mul3A_221 = arith.constant 8 : i32
        %mul3A_222 = arith.muli %scan3A_102, %mul3A_221 : i32
        %add3A_223 = arith.addi %mul3A_220, %mul3A_222 : i32
        %add3A_224 = arith.constant 0 : i32
        %add3A_225 = arith.addi %add3A_223, %add3A_224 : i32
        %mul3A_226 = arith.mulf %exp3A_186, %div3A_218 : vector<16xf32>
        %swap3A_227 = arith.index_cast %add3A_225 : i32 to index
        %swap3A_228 = arith.constant 64 : index
        %swap3A_229 = tpu.vector_load %arg8[%swap3A_227, %swap3A_228] {strides = array<i32>} : memref<256x128xf32, #tpu.memory_space<vmem>>, vector<16xf32>,
        tpu.vector_store %arg8[%swap3A_227, %swap3A_228], %mul3A_226 {strides = array<i32>} : memref<256x128xf32, #tpu.memory_space<vmem>>, vector<16xf32>,
        %mul3A_230 = arith.mulf %exp3A_193, %div3A_218 : vector<16xf32>
        %swap3A_231 = arith.index_cast %add3A_225 : i32 to index
        %swap3A_232 = arith.constant 80 : index
        %swap3A_233 = tpu.vector_load %arg8[%swap3A_231, %swap3A_232] {strides = array<i32>} : memref<256x128xf32, #tpu.memory_space<vmem>>, vector<16xf32>,
        tpu.vector_store %arg8[%swap3A_231, %swap3A_232], %mul3A_230 {strides = array<i32>} : memref<256x128xf32, #tpu.memory_space<vmem>>, vector<16xf32>,
        %mul3A_234 = arith.mulf %exp3A_200, %div3A_218 : vector<16xf32>
        %swap3A_235 = arith.index_cast %add3A_225 : i32 to index
        %swap3A_236 = arith.constant 96 : index
        %swap3A_237 = tpu.vector_load %arg8[%swap3A_235, %swap3A_236] {strides = array<i32>} : memref<256x128xf32, #tpu.memory_space<vmem>>, vector<16xf32>,
        tpu.vector_store %arg8[%swap3A_235, %swap3A_236], %mul3A_234 {strides = array<i32>} : memref<256x128xf32, #tpu.memory_space<vmem>>, vector<16xf32>,
        %mul3A_238 = arith.mulf %exp3A_207, %div3A_218 : vector<16xf32>
        %swap3A_239 = arith.index_cast %add3A_225 : i32 to index
        %swap3A_240 = arith.constant 112 : index
        %swap3A_241 = tpu.vector_load %arg8[%swap3A_239, %swap3A_240] {strides = array<i32>} : memref<256x128xf32, #tpu.memory_space<vmem>>, vector<16xf32>,
        tpu.vector_store %arg8[%swap3A_239, %swap3A_240], %mul3A_238 {strides = array<i32>} : memref<256x128xf32, #tpu.memory_space<vmem>>, vector<16xf32>,
        %mul3A_242 = arith.constant 16 : i32
        %mul3A_243 = arith.muli %scan3A_102, %mul3A_242 : i32
        %add3A_244 = arith.constant 2 : i32
        %add3A_245 = arith.addi %mul3A_243, %add3A_244 : i32
        %slice3A_246 = vector.extract_strided_slice %and3A_111 {offsets = [2], sizes = [1], strides = [1]} : vector<16xi32> to vector<1xi32>
        %squeeze3A_247 = vector.extract %slice3A_246[0] : i32 from vector<1xi32>
        %get3A_248 = arith.constant 1 : i32
        %get3A_249 = arith.index_cast %get3A_248 : i32 to index
        %get3A_250 = arith.index_cast %add3A_245 : i32 to index
        %get3A_251 = arith.index_cast %squeeze3A_247 : i32 to index
        %get3A_252 = arith.constant 0 : index
        %get3A_253 = tpu.vector_load %arg7[%get3A_249, %get3A_250, %get3A_251, %get3A_252] {strides = array<i32>} : memref<2x32x8x64xf32, #tpu.memory_space<vmem>>, vector<16xf32>,
        %exp3A_254 = math.exp %get3A_253 : vector<16xf32>
        %get3A_255 = arith.constant 1 : i32
        %get3A_256 = arith.index_cast %get3A_255 : i32 to index
        %get3A_257 = arith.index_cast %add3A_245 : i32 to index
        %get3A_258 = arith.index_cast %squeeze3A_247 : i32 to index
        %get3A_259 = arith.constant 16 : index
        %get3A_260 = tpu.vector_load %arg7[%get3A_256, %get3A_257, %get3A_258, %get3A_259] {strides = array<i32>} : memref<2x32x8x64xf32, #tpu.memory_space<vmem>>, vector<16xf32>,
        %exp3A_261 = math.exp %get3A_260 : vector<16xf32>
        %get3A_262 = arith.constant 1 : i32
        %get3A_263 = arith.index_cast %get3A_262 : i32 to index
        %get3A_264 = arith.index_cast %add3A_245 : i32 to index
        %get3A_265 = arith.index_cast %squeeze3A_247 : i32 to index
        %get3A_266 = arith.constant 32 : index
        %get3A_267 = tpu.vector_load %arg7[%get3A_263, %get3A_264, %get3A_265, %get3A_266] {strides = array<i32>} : memref<2x32x8x64xf32, #tpu.memory_space<vmem>>, vector<16xf32>,
        %exp3A_268 = math.exp %get3A_267 : vector<16xf32>
        %get3A_269 = arith.constant 1 : i32
        %get3A_270 = arith.index_cast %get3A_269 : i32 to index
        %get3A_271 = arith.index_cast %add3A_245 : i32 to index
        %get3A_272 = arith.index_cast %squeeze3A_247 : i32 to index
        %get3A_273 = arith.constant 48 : index
        %get3A_274 = tpu.vector_load %arg7[%get3A_270, %get3A_271, %get3A_272, %get3A_273] {strides = array<i32>} : memref<2x32x8x64xf32, #tpu.memory_space<vmem>>, vector<16xf32>,
        %exp3A_275 = math.exp %get3A_274 : vector<16xf32>
        %add3A_276 = arith.addf %exp3A_254, %exp3A_261 : vector<16xf32>
        %add3A_277 = arith.addf %exp3A_268, %exp3A_275 : vector<16xf32>
        %add3A_278 = arith.addf %add3A_276, %add3A_277 : vector<16xf32>
        %reduce_sum3A_279 = arith.constant true
        %reduce_sum3A_280 = vector.broadcast %reduce_sum3A_279 : i1 to vector<16xi1>
        %reduce_sum3A_281 = tpu.scan <sum>, %add3A_278 masked %reduce_sum3A_280 : vector<16xf32>, vector<16xi1> -> vector<16xf32>
        %reduce_sum3A_282 = vector.extract %reduce_sum3A_281[15] : f32 from vector<16xf32>
        %broadcast_in_dim3A_283 = arith.constant 1.000000e+00 : f32
        %broadcast_in_dim3A_284 = vector.broadcast %broadcast_in_dim3A_283 : f32 to vector<16xf32>
        %broadcast_in_dim3A_285 = vector.broadcast %reduce_sum3A_282 : f32 to vector<16xf32>
        %div3A_286 = arith.divf %broadcast_in_dim3A_284, %broadcast_in_dim3A_285 : vector<16xf32>
        %mul3A_287 = arith.constant 16 : i32
        %mul3A_288 = arith.muli %add3A_95, %mul3A_287 : i32
        %mul3A_289 = arith.constant 8 : i32
        %mul3A_290 = arith.muli %scan3A_102, %mul3A_289 : i32
        %add3A_291 = arith.addi %mul3A_288, %mul3A_290 : i32
        %add3A_292 = arith.constant 1 : i32
        %add3A_293 = arith.addi %add3A_291, %add3A_292 : i32
        %mul3A_294 = arith.mulf %exp3A_254, %div3A_286 : vector<16xf32>
        %swap3A_295 = arith.index_cast %add3A_293 : i32 to index
        %swap3A_296 = arith.constant 0 : index
        %swap3A_297 = tpu.vector_load %arg8[%swap3A_295, %swap3A_296] {strides = array<i32>} : memref<256x128xf32, #tpu.memory_space<vmem>>, vector<16xf32>,
        tpu.vector_store %arg8[%swap3A_295, %swap3A_296], %mul3A_294 {strides = array<i32>} : memref<256x128xf32, #tpu.memory_space<vmem>>, vector<16xf32>,
        %mul3A_298 = arith.mulf %exp3A_261, %div3A_286 : vector<16xf32>
        %swap3A_299 = arith.index_cast %add3A_293 : i32 to index
        %swap3A_300 = arith.constant 16 : index
        %swap3A_301 = tpu.vector_load %arg8[%swap3A_299, %swap3A_300] {strides = array<i32>} : memref<256x128xf32, #tpu.memory_space<vmem>>, vector<16xf32>,
        tpu.vector_store %arg8[%swap3A_299, %swap3A_300], %mul3A_298 {strides = array<i32>} : memref<256x128xf32, #tpu.memory_space<vmem>>, vector<16xf32>,
        %mul3A_302 = arith.mulf %exp3A_268, %div3A_286 : vector<16xf32>
        %swap3A_303 = arith.index_cast %add3A_293 : i32 to index
        %swap3A_304 = arith.constant 32 : index
        %swap3A_305 = tpu.vector_load %arg8[%swap3A_303, %swap3A_304] {strides = array<i32>} : memref<256x128xf32, #tpu.memory_space<vmem>>, vector<16xf32>,
        tpu.vector_store %arg8[%swap3A_303, %swap3A_304], %mul3A_302 {strides = array<i32>} : memref<256x128xf32, #tpu.memory_space<vmem>>, vector<16xf32>,
        %mul3A_306 = arith.mulf %exp3A_275, %div3A_286 : vector<16xf32>
        %swap3A_307 = arith.index_cast %add3A_293 : i32 to index
        %swap3A_308 = arith.constant 48 : index
        %swap3A_309 = tpu.vector_load %arg8[%swap3A_307, %swap3A_308] {strides = array<i32>} : memref<256x128xf32, #tpu.memory_space<vmem>>, vector<16xf32>,
        tpu.vector_store %arg8[%swap3A_307, %swap3A_308], %mul3A_306 {strides = array<i32>} : memref<256x128xf32, #tpu.memory_space<vmem>>, vector<16xf32>,
        %mul3A_310 = arith.constant 16 : i32
        %mul3A_311 = arith.muli %scan3A_102, %mul3A_310 : i32
        %add3A_312 = arith.constant 3 : i32
        %add3A_313 = arith.addi %mul3A_311, %add3A_312 : i32
        %slice3A_314 = vector.extract_strided_slice %and3A_111 {offsets = [3], sizes = [1], strides = [1]} : vector<16xi32> to vector<1xi32>
        %squeeze3A_315 = vector.extract %slice3A_314[0] : i32 from vector<1xi32>
        %get3A_316 = arith.constant 1 : i32
        %get3A_317 = arith.index_cast %get3A_316 : i32 to index
        %get3A_318 = arith.index_cast %add3A_313 : i32 to index
        %get3A_319 = arith.index_cast %squeeze3A_315 : i32 to index
        %get3A_320 = arith.constant 0 : index
        %get3A_321 = tpu.vector_load %arg7[%get3A_317, %get3A_318, %get3A_319, %get3A_320] {strides = array<i32>} : memref<2x32x8x64xf32, #tpu.memory_space<vmem>>, vector<16xf32>,
        %exp3A_322 = math.exp %get3A_321 : vector<16xf32>
        %get3A_323 = arith.constant 1 : i32
        %get3A_324 = arith.index_cast %get3A_323 : i32 to index
        %get3A_325 = arith.index_cast %add3A_313 : i32 to index
        %get3A_326 = arith.index_cast %squeeze3A_315 : i32 to index
        %get3A_327 = arith.constant 16 : index
        %get3A_328 = tpu.vector_load %arg7[%get3A_324, %get3A_325, %get3A_326, %get3A_327] {strides = array<i32>} : memref<2x32x8x64xf32, #tpu.memory_space<vmem>>, vector<16xf32>,
        %exp3A_329 = math.exp %get3A_328 : vector<16xf32>
        %get3A_330 = arith.constant 1 : i32
        %get3A_331 = arith.index_cast %get3A_330 : i32 to index
        %get3A_332 = arith.index_cast %add3A_313 : i32 to index
        %get3A_333 = arith.index_cast %squeeze3A_315 : i32 to index
        %get3A_334 = arith.constant 32 : index
        %get3A_335 = tpu.vector_load %arg7[%get3A_331, %get3A_332, %get3A_333, %get3A_334] {strides = array<i32>} : memref<2x32x8x64xf32, #tpu.memory_space<vmem>>, vector<16xf32>,
        %exp3A_336 = math.exp %get3A_335 : vector<16xf32>
        %get3A_337 = arith.constant 1 : i32
        %get3A_338 = arith.index_cast %get3A_337 : i32 to index
        %get3A_339 = arith.index_cast %add3A_313 : i32 to index
        %get3A_340 = arith.index_cast %squeeze3A_315 : i32 to index
        %get3A_341 = arith.constant 48 : index
        %get3A_342 = tpu.vector_load %arg7[%get3A_338, %get3A_339, %get3A_340, %get3A_341] {strides = array<i32>} : memref<2x32x8x64xf32, #tpu.memory_space<vmem>>, vector<16xf32>,
        %exp3A_343 = math.exp %get3A_342 : vector<16xf32>
        %add3A_344 = arith.addf %exp3A_322, %exp3A_329 : vector<16xf32>
        %add3A_345 = arith.addf %exp3A_336, %exp3A_343 : vector<16xf32>
        %add3A_346 = arith.addf %add3A_344, %add3A_345 : vector<16xf32>
        %reduce_sum3A_347 = arith.constant true
        %reduce_sum3A_348 = vector.broadcast %reduce_sum3A_347 : i1 to vector<16xi1>
        %reduce_sum3A_349 = tpu.scan <sum>, %add3A_346 masked %reduce_sum3A_348 : vector<16xf32>, vector<16xi1> -> vector<16xf32>
        %reduce_sum3A_350 = vector.extract %reduce_sum3A_349[15] : f32 from vector<16xf32>
        %broadcast_in_dim3A_351 = arith.constant 1.000000e+00 : f32
        %broadcast_in_dim3A_352 = vector.broadcast %broadcast_in_dim3A_351 : f32 to vector<16xf32>
        %broadcast_in_dim3A_353 = vector.broadcast %reduce_sum3A_350 : f32 to vector<16xf32>
        %div3A_354 = arith.divf %broadcast_in_dim3A_352, %broadcast_in_dim3A_353 : vector<16xf32>
        %mul3A_355 = arith.constant 16 : i32
        %mul3A_356 = arith.muli %add3A_95, %mul3A_355 : i32
        %mul3A_357 = arith.constant 8 : i32
        %mul3A_358 = arith.muli %scan3A_102, %mul3A_357 : i32
        %add3A_359 = arith.addi %mul3A_356, %mul3A_358 : i32
        %add3A_360 = arith.constant 1 : i32
        %add3A_361 = arith.addi %add3A_359, %add3A_360 : i32
        %mul3A_362 = arith.mulf %exp3A_322, %div3A_354 : vector<16xf32>
        %swap3A_363 = arith.index_cast %add3A_361 : i32 to index
        %swap3A_364 = arith.constant 64 : index
        %swap3A_365 = tpu.vector_load %arg8[%swap3A_363, %swap3A_364] {strides = array<i32>} : memref<256x128xf32, #tpu.memory_space<vmem>>, vector<16xf32>,
        tpu.vector_store %arg8[%swap3A_363, %swap3A_364], %mul3A_362 {strides = array<i32>} : memref<256x128xf32, #tpu.memory_space<vmem>>, vector<16xf32>,
        %mul3A_366 = arith.mulf %exp3A_329, %div3A_354 : vector<16xf32>
        %swap3A_367 = arith.index_cast %add3A_361 : i32 to index
        %swap3A_368 = arith.constant 80 : index
        %swap3A_369 = tpu.vector_load %arg8[%swap3A_367, %swap3A_368] {strides = array<i32>} : memref<256x128xf32, #tpu.memory_space<vmem>>, vector<16xf32>,
        tpu.vector_store %arg8[%swap3A_367, %swap3A_368], %mul3A_366 {strides = array<i32>} : memref<256x128xf32, #tpu.memory_space<vmem>>, vector<16xf32>,
        %mul3A_370 = arith.mulf %exp3A_336, %div3A_354 : vector<16xf32>
        %swap3A_371 = arith.index_cast %add3A_361 : i32 to index
        %swap3A_372 = arith.constant 96 : index
        %swap3A_373 = tpu.vector_load %arg8[%swap3A_371, %swap3A_372] {strides = array<i32>} : memref<256x128xf32, #tpu.memory_space<vmem>>, vector<16xf32>,
        tpu.vector_store %arg8[%swap3A_371, %swap3A_372], %mul3A_370 {strides = array<i32>} : memref<256x128xf32, #tpu.memory_space<vmem>>, vector<16xf32>,
        %mul3A_374 = arith.mulf %exp3A_343, %div3A_354 : vector<16xf32>
        %swap3A_375 = arith.index_cast %add3A_361 : i32 to index
        %swap3A_376 = arith.constant 112 : index
        %swap3A_377 = tpu.vector_load %arg8[%swap3A_375, %swap3A_376] {strides = array<i32>} : memref<256x128xf32, #tpu.memory_space<vmem>>, vector<16xf32>,
        tpu.vector_store %arg8[%swap3A_375, %swap3A_376], %mul3A_374 {strides = array<i32>} : memref<256x128xf32, #tpu.memory_space<vmem>>, vector<16xf32>,
        %mul3A_378 = arith.constant 16 : i32
        %mul3A_379 = arith.muli %scan3A_102, %mul3A_378 : i32
        %add3A_380 = arith.constant 4 : i32
        %add3A_381 = arith.addi %mul3A_379, %add3A_380 : i32
        %slice3A_382 = vector.extract_strided_slice %and3A_111 {offsets = [4], sizes = [1], strides = [1]} : vector<16xi32> to vector<1xi32>
        %squeeze3A_383 = vector.extract %slice3A_382[0] : i32 from vector<1xi32>
        %get3A_384 = arith.constant 1 : i32
        %get3A_385 = arith.index_cast %get3A_384 : i32 to index
        %get3A_386 = arith.index_cast %add3A_381 : i32 to index
        %get3A_387 = arith.index_cast %squeeze3A_383 : i32 to index
        %get3A_388 = arith.constant 0 : index
        %get3A_389 = tpu.vector_load %arg7[%get3A_385, %get3A_386, %get3A_387, %get3A_388] {strides = array<i32>} : memref<2x32x8x64xf32, #tpu.memory_space<vmem>>, vector<16xf32>,
        %exp3A_390 = math.exp %get3A_389 : vector<16xf32>
        %get3A_391 = arith.constant 1 : i32
        %get3A_392 = arith.index_cast %get3A_391 : i32 to index
        %get3A_393 = arith.index_cast %add3A_381 : i32 to index
        %get3A_394 = arith.index_cast %squeeze3A_383 : i32 to index
        %get3A_395 = arith.constant 16 : index
        %get3A_396 = tpu.vector_load %arg7[%get3A_392, %get3A_393, %get3A_394, %get3A_395] {strides = array<i32>} : memref<2x32x8x64xf32, #tpu.memory_space<vmem>>, vector<16xf32>,
        %exp3A_397 = math.exp %get3A_396 : vector<16xf32>
        %get3A_398 = arith.constant 1 : i32
        %get3A_399 = arith.index_cast %get3A_398 : i32 to index
        %get3A_400 = arith.index_cast %add3A_381 : i32 to index
        %get3A_401 = arith.index_cast %squeeze3A_383 : i32 to index
        %get3A_402 = arith.constant 32 : index
        %get3A_403 = tpu.vector_load %arg7[%get3A_399, %get3A_400, %get3A_401, %get3A_402] {strides = array<i32>} : memref<2x32x8x64xf32, #tpu.memory_space<vmem>>, vector<16xf32>,
        %exp3A_404 = math.exp %get3A_403 : vector<16xf32>
        %get3A_405 = arith.constant 1 : i32
        %get3A_406 = arith.index_cast %get3A_405 : i32 to index
        %get3A_407 = arith.index_cast %add3A_381 : i32 to index
        %get3A_408 = arith.index_cast %squeeze3A_383 : i32 to index
        %get3A_409 = arith.constant 48 : index
        %get3A_410 = tpu.vector_load %arg7[%get3A_406, %get3A_407, %get3A_408, %get3A_409] {strides = array<i32>} : memref<2x32x8x64xf32, #tpu.memory_space<vmem>>, vector<16xf32>,
        %exp3A_411 = math.exp %get3A_410 : vector<16xf32>
        %add3A_412 = arith.addf %exp3A_390, %exp3A_397 : vector<16xf32>
        %add3A_413 = arith.addf %exp3A_404, %exp3A_411 : vector<16xf32>
        %add3A_414 = arith.addf %add3A_412, %add3A_413 : vector<16xf32>
        %reduce_sum3A_415 = arith.constant true
        %reduce_sum3A_416 = vector.broadcast %reduce_sum3A_415 : i1 to vector<16xi1>
        %reduce_sum3A_417 = tpu.scan <sum>, %add3A_414 masked %reduce_sum3A_416 : vector<16xf32>, vector<16xi1> -> vector<16xf32>
        %reduce_sum3A_418 = vector.extract %reduce_sum3A_417[15] : f32 from vector<16xf32>
        %broadcast_in_dim3A_419 = arith.constant 1.000000e+00 : f32
        %broadcast_in_dim3A_420 = vector.broadcast %broadcast_in_dim3A_419 : f32 to vector<16xf32>
        %broadcast_in_dim3A_421 = vector.broadcast %reduce_sum3A_418 : f32 to vector<16xf32>
        %div3A_422 = arith.divf %broadcast_in_dim3A_420, %broadcast_in_dim3A_421 : vector<16xf32>
        %mul3A_423 = arith.constant 16 : i32
        %mul3A_424 = arith.muli %add3A_95, %mul3A_423 : i32
        %mul3A_425 = arith.constant 8 : i32
        %mul3A_426 = arith.muli %scan3A_102, %mul3A_425 : i32
        %add3A_427 = arith.addi %mul3A_424, %mul3A_426 : i32
        %add3A_428 = arith.constant 2 : i32
        %add3A_429 = arith.addi %add3A_427, %add3A_428 : i32
        %mul3A_430 = arith.mulf %exp3A_390, %div3A_422 : vector<16xf32>
        %swap3A_431 = arith.index_cast %add3A_429 : i32 to index
        %swap3A_432 = arith.constant 0 : index
        %swap3A_433 = tpu.vector_load %arg8[%swap3A_431, %swap3A_432] {strides = array<i32>} : memref<256x128xf32, #tpu.memory_space<vmem>>, vector<16xf32>,
        tpu.vector_store %arg8[%swap3A_431, %swap3A_432], %mul3A_430 {strides = array<i32>} : memref<256x128xf32, #tpu.memory_space<vmem>>, vector<16xf32>,
        %mul3A_434 = arith.mulf %exp3A_397, %div3A_422 : vector<16xf32>
        %swap3A_435 = arith.index_cast %add3A_429 : i32 to index
        %swap3A_436 = arith.constant 16 : index
        %swap3A_437 = tpu.vector_load %arg8[%swap3A_435, %swap3A_436] {strides = array<i32>} : memref<256x128xf32, #tpu.memory_space<vmem>>, vector<16xf32>,
        tpu.vector_store %arg8[%swap3A_435, %swap3A_436], %mul3A_434 {strides = array<i32>} : memref<256x128xf32, #tpu.memory_space<vmem>>, vector<16xf32>,
        %mul3A_438 = arith.mulf %exp3A_404, %div3A_422 : vector<16xf32>
        %swap3A_439 = arith.index_cast %add3A_429 : i32 to index
        %swap3A_440 = arith.constant 32 : index
        %swap3A_441 = tpu.vector_load %arg8[%swap3A_439, %swap3A_440] {strides = array<i32>} : memref<256x128xf32, #tpu.memory_space<vmem>>, vector<16xf32>,
        tpu.vector_store %arg8[%swap3A_439, %swap3A_440], %mul3A_438 {strides = array<i32>} : memref<256x128xf32, #tpu.memory_space<vmem>>, vector<16xf32>,
        %mul3A_442 = arith.mulf %exp3A_411, %div3A_422 : vector<16xf32>
        %swap3A_443 = arith.index_cast %add3A_429 : i32 to index
        %swap3A_444 = arith.constant 48 : index
        %swap3A_445 = tpu.vector_load %arg8[%swap3A_443, %swap3A_444] {strides = array<i32>} : memref<256x128xf32, #tpu.memory_space<vmem>>, vector<16xf32>,
        tpu.vector_store %arg8[%swap3A_443, %swap3A_444], %mul3A_442 {strides = array<i32>} : memref<256x128xf32, #tpu.memory_space<vmem>>, vector<16xf32>,
        %mul3A_446 = arith.constant 16 : i32
        %mul3A_447 = arith.muli %scan3A_102, %mul3A_446 : i32
        %add3A_448 = arith.constant 5 : i32
        %add3A_449 = arith.addi %mul3A_447, %add3A_448 : i32
        %slice3A_450 = vector.extract_strided_slice %and3A_111 {offsets = [5], sizes = [1], strides = [1]} : vector<16xi32> to vector<1xi32>
        %squeeze3A_451 = vector.extract %slice3A_450[0] : i32 from vector<1xi32>
        %get3A_452 = arith.constant 1 : i32
        %get3A_453 = arith.index_cast %get3A_452 : i32 to index
        %get3A_454 = arith.index_cast %add3A_449 : i32 to index
        %get3A_455 = arith.index_cast %squeeze3A_451 : i32 to index
        %get3A_456 = arith.constant 0 : index
        %get3A_457 = tpu.vector_load %arg7[%get3A_453, %get3A_454, %get3A_455, %get3A_456] {strides = array<i32>} : memref<2x32x8x64xf32, #tpu.memory_space<vmem>>, vector<16xf32>,
        %exp3A_458 = math.exp %get3A_457 : vector<16xf32>
        %get3A_459 = arith.constant 1 : i32
        %get3A_460 = arith.index_cast %get3A_459 : i32 to index
        %get3A_461 = arith.index_cast %add3A_449 : i32 to index
        %get3A_462 = arith.index_cast %squeeze3A_451 : i32 to index
        %get3A_463 = arith.constant 16 : index
        %get3A_464 = tpu.vector_load %arg7[%get3A_460, %get3A_461, %get3A_462, %get3A_463] {strides = array<i32>} : memref<2x32x8x64xf32, #tpu.memory_space<vmem>>, vector<16xf32>,
        %exp3A_465 = math.exp %get3A_464 : vector<16xf32>
        %get3A_466 = arith.constant 1 : i32
        %get3A_467 = arith.index_cast %get3A_466 : i32 to index
        %get3A_468 = arith.index_cast %add3A_449 : i32 to index
        %get3A_469 = arith.index_cast %squeeze3A_451 : i32 to index
        %get3A_470 = arith.constant 32 : index
        %get3A_471 = tpu.vector_load %arg7[%get3A_467, %get3A_468, %get3A_469, %get3A_470] {strides = array<i32>} : memref<2x32x8x64xf32, #tpu.memory_space<vmem>>, vector<16xf32>,
        %exp3A_472 = math.exp %get3A_471 : vector<16xf32>
        %get3A_473 = arith.constant 1 : i32
        %get3A_474 = arith.index_cast %get3A_473 : i32 to index
        %get3A_475 = arith.index_cast %add3A_449 : i32 to index
        %get3A_476 = arith.index_cast %squeeze3A_451 : i32 to index
        %get3A_477 = arith.constant 48 : index
        %get3A_478 = tpu.vector_load %arg7[%get3A_474, %get3A_475, %get3A_476, %get3A_477] {strides = array<i32>} : memref<2x32x8x64xf32, #tpu.memory_space<vmem>>, vector<16xf32>,
        %exp3A_479 = math.exp %get3A_478 : vector<16xf32>
        %add3A_480 = arith.addf %exp3A_458, %exp3A_465 : vector<16xf32>
        %add3A_481 = arith.addf %exp3A_472, %exp3A_479 : vector<16xf32>
        %add3A_482 = arith.addf %add3A_480, %add3A_481 : vector<16xf32>
        %reduce_sum3A_483 = arith.constant true
        %reduce_sum3A_484 = vector.broadcast %reduce_sum3A_483 : i1 to vector<16xi1>
        %reduce_sum3A_485 = tpu.scan <sum>, %add3A_482 masked %reduce_sum3A_484 : vector<16xf32>, vector<16xi1> -> vector<16xf32>
        %reduce_sum3A_486 = vector.extract %reduce_sum3A_485[15] : f32 from vector<16xf32>
        %broadcast_in_dim3A_487 = arith.constant 1.000000e+00 : f32
        %broadcast_in_dim3A_488 = vector.broadcast %broadcast_in_dim3A_487 : f32 to vector<16xf32>
        %broadcast_in_dim3A_489 = vector.broadcast %reduce_sum3A_486 : f32 to vector<16xf32>
        %div3A_490 = arith.divf %broadcast_in_dim3A_488, %broadcast_in_dim3A_489 : vector<16xf32>
        %mul3A_491 = arith.constant 16 : i32
        %mul3A_492 = arith.muli %add3A_95, %mul3A_491 : i32
        %mul3A_493 = arith.constant 8 : i32
        %mul3A_494 = arith.muli %scan3A_102, %mul3A_493 : i32
        %add3A_495 = arith.addi %mul3A_492, %mul3A_494 : i32
        %add3A_496 = arith.constant 2 : i32
        %add3A_497 = arith.addi %add3A_495, %add3A_496 : i32
        %mul3A_498 = arith.mulf %exp3A_458, %div3A_490 : vector<16xf32>
        %swap3A_499 = arith.index_cast %add3A_497 : i32 to index
        %swap3A_500 = arith.constant 64 : index
        %swap3A_501 = tpu.vector_load %arg8[%swap3A_499, %swap3A_500] {strides = array<i32>} : memref<256x128xf32, #tpu.memory_space<vmem>>, vector<16xf32>,
        tpu.vector_store %arg8[%swap3A_499, %swap3A_500], %mul3A_498 {strides = array<i32>} : memref<256x128xf32, #tpu.memory_space<vmem>>, vector<16xf32>,
        %mul3A_502 = arith.mulf %exp3A_465, %div3A_490 : vector<16xf32>
        %swap3A_503 = arith.index_cast %add3A_497 : i32 to index
        %swap3A_504 = arith.constant 80 : index
        %swap3A_505 = tpu.vector_load %arg8[%swap3A_503, %swap3A_504] {strides = array<i32>} : memref<256x128xf32, #tpu.memory_space<vmem>>, vector<16xf32>,
        tpu.vector_store %arg8[%swap3A_503, %swap3A_504], %mul3A_502 {strides = array<i32>} : memref<256x128xf32, #tpu.memory_space<vmem>>, vector<16xf32>,
        %mul3A_506 = arith.mulf %exp3A_472, %div3A_490 : vector<16xf32>
        %swap3A_507 = arith.index_cast %add3A_497 : i32 to index
        %swap3A_508 = arith.constant 96 : index
        %swap3A_509 = tpu.vector_load %arg8[%swap3A_507, %swap3A_508] {strides = array<i32>} : memref<256x128xf32, #tpu.memory_space<vmem>>, vector<16xf32>,
        tpu.vector_store %arg8[%swap3A_507, %swap3A_508], %mul3A_506 {strides = array<i32>} : memref<256x128xf32, #tpu.memory_space<vmem>>, vector<16xf32>,
        %mul3A_510 = arith.mulf %exp3A_479, %div3A_490 : vector<16xf32>
        %swap3A_511 = arith.index_cast %add3A_497 : i32 to index
        %swap3A_512 = arith.constant 112 : index
        %swap3A_513 = tpu.vector_load %arg8[%swap3A_511, %swap3A_512] {strides = array<i32>} : memref<256x128xf32, #tpu.memory_space<vmem>>, vector<16xf32>,
        tpu.vector_store %arg8[%swap3A_511, %swap3A_512], %mul3A_510 {strides = array<i32>} : memref<256x128xf32, #tpu.memory_space<vmem>>, vector<16xf32>,
        %mul3A_514 = arith.constant 16 : i32
        %mul3A_515 = arith.muli %scan3A_102, %mul3A_514 : i32
        %add3A_516 = arith.constant 6 : i32
        %add3A_517 = arith.addi %mul3A_515, %add3A_516 : i32
        %slice3A_518 = vector.extract_strided_slice %and3A_111 {offsets = [6], sizes = [1], strides = [1]} : vector<16xi32> to vector<1xi32>
        %squeeze3A_519 = vector.extract %slice3A_518[0] : i32 from vector<1xi32>
        %get3A_520 = arith.constant 1 : i32
        %get3A_521 = arith.index_cast %get3A_520 : i32 to index
        %get3A_522 = arith.index_cast %add3A_517 : i32 to index
        %get3A_523 = arith.index_cast %squeeze3A_519 : i32 to index
        %get3A_524 = arith.constant 0 : index
        %get3A_525 = tpu.vector_load %arg7[%get3A_521, %get3A_522, %get3A_523, %get3A_524] {strides = array<i32>} : memref<2x32x8x64xf32, #tpu.memory_space<vmem>>, vector<16xf32>,
        %exp3A_526 = math.exp %get3A_525 : vector<16xf32>
        %get3A_527 = arith.constant 1 : i32
        %get3A_528 = arith.index_cast %get3A_527 : i32 to index
        %get3A_529 = arith.index_cast %add3A_517 : i32 to index
        %get3A_530 = arith.index_cast %squeeze3A_519 : i32 to index
        %get3A_531 = arith.constant 16 : index
        %get3A_532 = tpu.vector_load %arg7[%get3A_528, %get3A_529, %get3A_530, %get3A_531] {strides = array<i32>} : memref<2x32x8x64xf32, #tpu.memory_space<vmem>>, vector<16xf32>,
        %exp3A_533 = math.exp %get3A_532 : vector<16xf32>
        %get3A_534 = arith.constant 1 : i32
        %get3A_535 = arith.index_cast %get3A_534 : i32 to index
        %get3A_536 = arith.index_cast %add3A_517 : i32 to index
        %get3A_537 = arith.index_cast %squeeze3A_519 : i32 to index
        %get3A_538 = arith.constant 32 : index
        %get3A_539 = tpu.vector_load %arg7[%get3A_535, %get3A_536, %get3A_537, %get3A_538] {strides = array<i32>} : memref<2x32x8x64xf32, #tpu.memory_space<vmem>>, vector<16xf32>,
        %exp3A_540 = math.exp %get3A_539 : vector<16xf32>
        %get3A_541 = arith.constant 1 : i32
        %get3A_542 = arith.index_cast %get3A_541 : i32 to index
        %get3A_543 = arith.index_cast %add3A_517 : i32 to index
        %get3A_544 = arith.index_cast %squeeze3A_519 : i32 to index
        %get3A_545 = arith.constant 48 : index
        %get3A_546 = tpu.vector_load %arg7[%get3A_542, %get3A_543, %get3A_544, %get3A_545] {strides = array<i32>} : memref<2x32x8x64xf32, #tpu.memory_space<vmem>>, vector<16xf32>,
        %exp3A_547 = math.exp %get3A_546 : vector<16xf32>
        %add3A_548 = arith.addf %exp3A_526, %exp3A_533 : vector<16xf32>
        %add3A_549 = arith.addf %exp3A_540, %exp3A_547 : vector<16xf32>
        %add3A_550 = arith.addf %add3A_548, %add3A_549 : vector<16xf32>
        %reduce_sum3A_551 = arith.constant true
        %reduce_sum3A_552 = vector.broadcast %reduce_sum3A_551 : i1 to vector<16xi1>
        %reduce_sum3A_553 = tpu.scan <sum>, %add3A_550 masked %reduce_sum3A_552 : vector<16xf32>, vector<16xi1> -> vector<16xf32>
        %reduce_sum3A_554 = vector.extract %reduce_sum3A_553[15] : f32 from vector<16xf32>
        %broadcast_in_dim3A_555 = arith.constant 1.000000e+00 : f32
        %broadcast_in_dim3A_556 = vector.broadcast %broadcast_in_dim3A_555 : f32 to vector<16xf32>
        %broadcast_in_dim3A_557 = vector.broadcast %reduce_sum3A_554 : f32 to vector<16xf32>
        %div3A_558 = arith.divf %broadcast_in_dim3A_556, %broadcast_in_dim3A_557 : vector<16xf32>
        %mul3A_559 = arith.constant 16 : i32
        %mul3A_560 = arith.muli %add3A_95, %mul3A_559 : i32
        %mul3A_561 = arith.constant 8 : i32
        %mul3A_562 = arith.muli %scan3A_102, %mul3A_561 : i32
        %add3A_563 = arith.addi %mul3A_560, %mul3A_562 : i32
        %add3A_564 = arith.constant 3 : i32
        %add3A_565 = arith.addi %add3A_563, %add3A_564 : i32
        %mul3A_566 = arith.mulf %exp3A_526, %div3A_558 : vector<16xf32>
        %swap3A_567 = arith.index_cast %add3A_565 : i32 to index
        %swap3A_568 = arith.constant 0 : index
        %swap3A_569 = tpu.vector_load %arg8[%swap3A_567, %swap3A_568] {strides = array<i32>} : memref<256x128xf32, #tpu.memory_space<vmem>>, vector<16xf32>,
        tpu.vector_store %arg8[%swap3A_567, %swap3A_568], %mul3A_566 {strides = array<i32>} : memref<256x128xf32, #tpu.memory_space<vmem>>, vector<16xf32>,
        %mul3A_570 = arith.mulf %exp3A_533, %div3A_558 : vector<16xf32>
        %swap3A_571 = arith.index_cast %add3A_565 : i32 to index
        %swap3A_572 = arith.constant 16 : index
        %swap3A_573 = tpu.vector_load %arg8[%swap3A_571, %swap3A_572] {strides = array<i32>} : memref<256x128xf32, #tpu.memory_space<vmem>>, vector<16xf32>,
        tpu.vector_store %arg8[%swap3A_571, %swap3A_572], %mul3A_570 {strides = array<i32>} : memref<256x128xf32, #tpu.memory_space<vmem>>, vector<16xf32>,
        %mul3A_574 = arith.mulf %exp3A_540, %div3A_558 : vector<16xf32>
        %swap3A_575 = arith.index_cast %add3A_565 : i32 to index
        %swap3A_576 = arith.constant 32 : index
        %swap3A_577 = tpu.vector_load %arg8[%swap3A_575, %swap3A_576] {strides = array<i32>} : memref<256x128xf32, #tpu.memory_space<vmem>>, vector<16xf32>,
        tpu.vector_store %arg8[%swap3A_575, %swap3A_576], %mul3A_574 {strides = array<i32>} : memref<256x128xf32, #tpu.memory_space<vmem>>, vector<16xf32>,
        %mul3A_578 = arith.mulf %exp3A_547, %div3A_558 : vector<16xf32>
        %swap3A_579 = arith.index_cast %add3A_565 : i32 to index
        %swap3A_580 = arith.constant 48 : index
        %swap3A_581 = tpu.vector_load %arg8[%swap3A_579, %swap3A_580] {strides = array<i32>} : memref<256x128xf32, #tpu.memory_space<vmem>>, vector<16xf32>,
        tpu.vector_store %arg8[%swap3A_579, %swap3A_580], %mul3A_578 {strides = array<i32>} : memref<256x128xf32, #tpu.memory_space<vmem>>, vector<16xf32>,
        %mul3A_582 = arith.constant 16 : i32
        %mul3A_583 = arith.muli %scan3A_102, %mul3A_582 : i32
        %add3A_584 = arith.constant 7 : i32
        %add3A_585 = arith.addi %mul3A_583, %add3A_584 : i32
        %slice3A_586 = vector.extract_strided_slice %and3A_111 {offsets = [7], sizes = [1], strides = [1]} : vector<16xi32> to vector<1xi32>
        %squeeze3A_587 = vector.extract %slice3A_586[0] : i32 from vector<1xi32>
        %get3A_588 = arith.constant 1 : i32
        %get3A_589 = arith.index_cast %get3A_588 : i32 to index
        %get3A_590 = arith.index_cast %add3A_585 : i32 to index
        %get3A_591 = arith.index_cast %squeeze3A_587 : i32 to index
        %get3A_592 = arith.constant 0 : index
        %get3A_593 = tpu.vector_load %arg7[%get3A_589, %get3A_590, %get3A_591, %get3A_592] {strides = array<i32>} : memref<2x32x8x64xf32, #tpu.memory_space<vmem>>, vector<16xf32>,
        %exp3A_594 = math.exp %get3A_593 : vector<16xf32>
        %get3A_595 = arith.constant 1 : i32
        %get3A_596 = arith.index_cast %get3A_595 : i32 to index
        %get3A_597 = arith.index_cast %add3A_585 : i32 to index
        %get3A_598 = arith.index_cast %squeeze3A_587 : i32 to index
        %get3A_599 = arith.constant 16 : index
        %get3A_600 = tpu.vector_load %arg7[%get3A_596, %get3A_597, %get3A_598, %get3A_599] {strides = array<i32>} : memref<2x32x8x64xf32, #tpu.memory_space<vmem>>, vector<16xf32>,
        %exp3A_601 = math.exp %get3A_600 : vector<16xf32>
        %get3A_602 = arith.constant 1 : i32
        %get3A_603 = arith.index_cast %get3A_602 : i32 to index
        %get3A_604 = arith.index_cast %add3A_585 : i32 to index
        %get3A_605 = arith.index_cast %squeeze3A_587 : i32 to index
        %get3A_606 = arith.constant 32 : index
        %get3A_607 = tpu.vector_load %arg7[%get3A_603, %get3A_604, %get3A_605, %get3A_606] {strides = array<i32>} : memref<2x32x8x64xf32, #tpu.memory_space<vmem>>, vector<16xf32>,
        %exp3A_608 = math.exp %get3A_607 : vector<16xf32>
        %get3A_609 = arith.constant 1 : i32
        %get3A_610 = arith.index_cast %get3A_609 : i32 to index
        %get3A_611 = arith.index_cast %add3A_585 : i32 to index
        %get3A_612 = arith.index_cast %squeeze3A_587 : i32 to index
        %get3A_613 = arith.constant 48 : index
        %get3A_614 = tpu.vector_load %arg7[%get3A_610, %get3A_611, %get3A_612, %get3A_613] {strides = array<i32>} : memref<2x32x8x64xf32, #tpu.memory_space<vmem>>, vector<16xf32>,
        %exp3A_615 = math.exp %get3A_614 : vector<16xf32>
        %add3A_616 = arith.addf %exp3A_594, %exp3A_601 : vector<16xf32>
        %add3A_617 = arith.addf %exp3A_608, %exp3A_615 : vector<16xf32>
        %add3A_618 = arith.addf %add3A_616, %add3A_617 : vector<16xf32>
        %reduce_sum3A_619 = arith.constant true
        %reduce_sum3A_620 = vector.broadcast %reduce_sum3A_619 : i1 to vector<16xi1>
        %reduce_sum3A_621 = tpu.scan <sum>, %add3A_618 masked %reduce_sum3A_620 : vector<16xf32>, vector<16xi1> -> vector<16xf32>
        %reduce_sum3A_622 = vector.extract %reduce_sum3A_621[15] : f32 from vector<16xf32>
        %broadcast_in_dim3A_623 = arith.constant 1.000000e+00 : f32
        %broadcast_in_dim3A_624 = vector.broadcast %broadcast_in_dim3A_623 : f32 to vector<16xf32>
        %broadcast_in_dim3A_625 = vector.broadcast %reduce_sum3A_622 : f32 to vector<16xf32>
        %div3A_626 = arith.divf %broadcast_in_dim3A_624, %broadcast_in_dim3A_625 : vector<16xf32>
        %mul3A_627 = arith.constant 16 : i32
        %mul3A_628 = arith.muli %add3A_95, %mul3A_627 : i32
        %mul3A_629 = arith.constant 8 : i32
        %mul3A_630 = arith.muli %scan3A_102, %mul3A_629 : i32
        %add3A_631 = arith.addi %mul3A_628, %mul3A_630 : i32
        %add3A_632 = arith.constant 3 : i32
        %add3A_633 = arith.addi %add3A_631, %add3A_632 : i32
        %mul3A_634 = arith.mulf %exp3A_594, %div3A_626 : vector<16xf32>
        %swap3A_635 = arith.index_cast %add3A_633 : i32 to index
        %swap3A_636 = arith.constant 64 : index
        %swap3A_637 = tpu.vector_load %arg8[%swap3A_635, %swap3A_636] {strides = array<i32>} : memref<256x128xf32, #tpu.memory_space<vmem>>, vector<16xf32>,
        tpu.vector_store %arg8[%swap3A_635, %swap3A_636], %mul3A_634 {strides = array<i32>} : memref<256x128xf32, #tpu.memory_space<vmem>>, vector<16xf32>,
        %mul3A_638 = arith.mulf %exp3A_601, %div3A_626 : vector<16xf32>
        %swap3A_639 = arith.index_cast %add3A_633 : i32 to index
        %swap3A_640 = arith.constant 80 : index
        %swap3A_641 = tpu.vector_load %arg8[%swap3A_639, %swap3A_640] {strides = array<i32>} : memref<256x128xf32, #tpu.memory_space<vmem>>, vector<16xf32>,
        tpu.vector_store %arg8[%swap3A_639, %swap3A_640], %mul3A_638 {strides = array<i32>} : memref<256x128xf32, #tpu.memory_space<vmem>>, vector<16xf32>,
        %mul3A_642 = arith.mulf %exp3A_608, %div3A_626 : vector<16xf32>
        %swap3A_643 = arith.index_cast %add3A_633 : i32 to index
        %swap3A_644 = arith.constant 96 : index
        %swap3A_645 = tpu.vector_load %arg8[%swap3A_643, %swap3A_644] {strides = array<i32>} : memref<256x128xf32, #tpu.memory_space<vmem>>, vector<16xf32>,
        tpu.vector_store %arg8[%swap3A_643, %swap3A_644], %mul3A_642 {strides = array<i32>} : memref<256x128xf32, #tpu.memory_space<vmem>>, vector<16xf32>,
        %mul3A_646 = arith.mulf %exp3A_615, %div3A_626 : vector<16xf32>
        %swap3A_647 = arith.index_cast %add3A_633 : i32 to index
        %swap3A_648 = arith.constant 112 : index
        %swap3A_649 = tpu.vector_load %arg8[%swap3A_647, %swap3A_648] {strides = array<i32>} : memref<256x128xf32, #tpu.memory_space<vmem>>, vector<16xf32>,
        tpu.vector_store %arg8[%swap3A_647, %swap3A_648], %mul3A_646 {strides = array<i32>} : memref<256x128xf32, #tpu.memory_space<vmem>>, vector<16xf32>,
        %mul3A_650 = arith.constant 16 : i32
        %mul3A_651 = arith.muli %scan3A_102, %mul3A_650 : i32
        %add3A_652 = arith.constant 8 : i32
        %add3A_653 = arith.addi %mul3A_651, %add3A_652 : i32
        %slice3A_654 = vector.extract_strided_slice %and3A_111 {offsets = [8], sizes = [1], strides = [1]} : vector<16xi32> to vector<1xi32>
        %squeeze3A_655 = vector.extract %slice3A_654[0] : i32 from vector<1xi32>
        %get3A_656 = arith.constant 1 : i32
        %get3A_657 = arith.index_cast %get3A_656 : i32 to index
        %get3A_658 = arith.index_cast %add3A_653 : i32 to index
        %get3A_659 = arith.index_cast %squeeze3A_655 : i32 to index
        %get3A_660 = arith.constant 0 : index
        %get3A_661 = tpu.vector_load %arg7[%get3A_657, %get3A_658, %get3A_659, %get3A_660] {strides = array<i32>} : memref<2x32x8x64xf32, #tpu.memory_space<vmem>>, vector<16xf32>,
        %exp3A_662 = math.exp %get3A_661 : vector<16xf32>
        %get3A_663 = arith.constant 1 : i32
        %get3A_664 = arith.index_cast %get3A_663 : i32 to index
        %get3A_665 = arith.index_cast %add3A_653 : i32 to index
        %get3A_666 = arith.index_cast %squeeze3A_655 : i32 to index
        %get3A_667 = arith.constant 16 : index
        %get3A_668 = tpu.vector_load %arg7[%get3A_664, %get3A_665, %get3A_666, %get3A_667] {strides = array<i32>} : memref<2x32x8x64xf32, #tpu.memory_space<vmem>>, vector<16xf32>,
        %exp3A_669 = math.exp %get3A_668 : vector<16xf32>
        %get3A_670 = arith.constant 1 : i32
        %get3A_671 = arith.index_cast %get3A_670 : i32 to index
        %get3A_672 = arith.index_cast %add3A_653 : i32 to index
        %get3A_673 = arith.index_cast %squeeze3A_655 : i32 to index
        %get3A_674 = arith.constant 32 : index
        %get3A_675 = tpu.vector_load %arg7[%get3A_671, %get3A_672, %get3A_673, %get3A_674] {strides = array<i32>} : memref<2x32x8x64xf32, #tpu.memory_space<vmem>>, vector<16xf32>,
        %exp3A_676 = math.exp %get3A_675 : vector<16xf32>
        %get3A_677 = arith.constant 1 : i32
        %get3A_678 = arith.index_cast %get3A_677 : i32 to index
        %get3A_679 = arith.index_cast %add3A_653 : i32 to index
        %get3A_680 = arith.index_cast %squeeze3A_655 : i32 to index
        %get3A_681 = arith.constant 48 : index
        %get3A_682 = tpu.vector_load %arg7[%get3A_678, %get3A_679, %get3A_680, %get3A_681] {strides = array<i32>} : memref<2x32x8x64xf32, #tpu.memory_space<vmem>>, vector<16xf32>,
        %exp3A_683 = math.exp %get3A_682 : vector<16xf32>
        %add3A_684 = arith.addf %exp3A_662, %exp3A_669 : vector<16xf32>
        %add3A_685 = arith.addf %exp3A_676, %exp3A_683 : vector<16xf32>
        %add3A_686 = arith.addf %add3A_684, %add3A_685 : vector<16xf32>
        %reduce_sum3A_687 = arith.constant true
        %reduce_sum3A_688 = vector.broadcast %reduce_sum3A_687 : i1 to vector<16xi1>
        %reduce_sum3A_689 = tpu.scan <sum>, %add3A_686 masked %reduce_sum3A_688 : vector<16xf32>, vector<16xi1> -> vector<16xf32>
        %reduce_sum3A_690 = vector.extract %reduce_sum3A_689[15] : f32 from vector<16xf32>
        %broadcast_in_dim3A_691 = arith.constant 1.000000e+00 : f32
        %broadcast_in_dim3A_692 = vector.broadcast %broadcast_in_dim3A_691 : f32 to vector<16xf32>
        %broadcast_in_dim3A_693 = vector.broadcast %reduce_sum3A_690 : f32 to vector<16xf32>
        %div3A_694 = arith.divf %broadcast_in_dim3A_692, %broadcast_in_dim3A_693 : vector<16xf32>
        %mul3A_695 = arith.constant 16 : i32
        %mul3A_696 = arith.muli %add3A_95, %mul3A_695 : i32
        %mul3A_697 = arith.constant 8 : i32
        %mul3A_698 = arith.muli %scan3A_102, %mul3A_697 : i32
        %add3A_699 = arith.addi %mul3A_696, %mul3A_698 : i32
        %add3A_700 = arith.constant 4 : i32
        %add3A_701 = arith.addi %add3A_699, %add3A_700 : i32
        %mul3A_702 = arith.mulf %exp3A_662, %div3A_694 : vector<16xf32>
        %swap3A_703 = arith.index_cast %add3A_701 : i32 to index
        %swap3A_704 = arith.constant 0 : index
        %swap3A_705 = tpu.vector_load %arg8[%swap3A_703, %swap3A_704] {strides = array<i32>} : memref<256x128xf32, #tpu.memory_space<vmem>>, vector<16xf32>,
        tpu.vector_store %arg8[%swap3A_703, %swap3A_704], %mul3A_702 {strides = array<i32>} : memref<256x128xf32, #tpu.memory_space<vmem>>, vector<16xf32>,
        %mul3A_706 = arith.mulf %exp3A_669, %div3A_694 : vector<16xf32>
        %swap3A_707 = arith.index_cast %add3A_701 : i32 to index
        %swap3A_708 = arith.constant 16 : index
        %swap3A_709 = tpu.vector_load %arg8[%swap3A_707, %swap3A_708] {strides = array<i32>} : memref<256x128xf32, #tpu.memory_space<vmem>>, vector<16xf32>,
        tpu.vector_store %arg8[%swap3A_707, %swap3A_708], %mul3A_706 {strides = array<i32>} : memref<256x128xf32, #tpu.memory_space<vmem>>, vector<16xf32>,
        %mul3A_710 = arith.mulf %exp3A_676, %div3A_694 : vector<16xf32>
        %swap3A_711 = arith.index_cast %add3A_701 : i32 to index
        %swap3A_712 = arith.constant 32 : index
        %swap3A_713 = tpu.vector_load %arg8[%swap3A_711, %swap3A_712] {strides = array<i32>} : memref<256x128xf32, #tpu.memory_space<vmem>>, vector<16xf32>,
        tpu.vector_store %arg8[%swap3A_711, %swap3A_712], %mul3A_710 {strides = array<i32>} : memref<256x128xf32, #tpu.memory_space<vmem>>, vector<16xf32>,
        %mul3A_714 = arith.mulf %exp3A_683, %div3A_694 : vector<16xf32>
        %swap3A_715 = arith.index_cast %add3A_701 : i32 to index
        %swap3A_716 = arith.constant 48 : index
        %swap3A_717 = tpu.vector_load %arg8[%swap3A_715, %swap3A_716] {strides = array<i32>} : memref<256x128xf32, #tpu.memory_space<vmem>>, vector<16xf32>,
        tpu.vector_store %arg8[%swap3A_715, %swap3A_716], %mul3A_714 {strides = array<i32>} : memref<256x128xf32, #tpu.memory_space<vmem>>, vector<16xf32>,
        %mul3A_718 = arith.constant 16 : i32
        %mul3A_719 = arith.muli %scan3A_102, %mul3A_718 : i32
        %add3A_720 = arith.constant 9 : i32
        %add3A_721 = arith.addi %mul3A_719, %add3A_720 : i32
        %slice3A_722 = vector.extract_strided_slice %and3A_111 {offsets = [9], sizes = [1], strides = [1]} : vector<16xi32> to vector<1xi32>
        %squeeze3A_723 = vector.extract %slice3A_722[0] : i32 from vector<1xi32>
        %get3A_724 = arith.constant 1 : i32
        %get3A_725 = arith.index_cast %get3A_724 : i32 to index
        %get3A_726 = arith.index_cast %add3A_721 : i32 to index
        %get3A_727 = arith.index_cast %squeeze3A_723 : i32 to index
        %get3A_728 = arith.constant 0 : index
        %get3A_729 = tpu.vector_load %arg7[%get3A_725, %get3A_726, %get3A_727, %get3A_728] {strides = array<i32>} : memref<2x32x8x64xf32, #tpu.memory_space<vmem>>, vector<16xf32>,
        %exp3A_730 = math.exp %get3A_729 : vector<16xf32>
        %get3A_731 = arith.constant 1 : i32
        %get3A_732 = arith.index_cast %get3A_731 : i32 to index
        %get3A_733 = arith.index_cast %add3A_721 : i32 to index
        %get3A_734 = arith.index_cast %squeeze3A_723 : i32 to index
        %get3A_735 = arith.constant 16 : index
        %get3A_736 = tpu.vector_load %arg7[%get3A_732, %get3A_733, %get3A_734, %get3A_735] {strides = array<i32>} : memref<2x32x8x64xf32, #tpu.memory_space<vmem>>, vector<16xf32>,
        %exp3A_737 = math.exp %get3A_736 : vector<16xf32>
        %get3A_738 = arith.constant 1 : i32
        %get3A_739 = arith.index_cast %get3A_738 : i32 to index
        %get3A_740 = arith.index_cast %add3A_721 : i32 to index
        %get3A_741 = arith.index_cast %squeeze3A_723 : i32 to index
        %get3A_742 = arith.constant 32 : index
        %get3A_743 = tpu.vector_load %arg7[%get3A_739, %get3A_740, %get3A_741, %get3A_742] {strides = array<i32>} : memref<2x32x8x64xf32, #tpu.memory_space<vmem>>, vector<16xf32>,
        %exp3A_744 = math.exp %get3A_743 : vector<16xf32>
        %get3A_745 = arith.constant 1 : i32
        %get3A_746 = arith.index_cast %get3A_745 : i32 to index
        %get3A_747 = arith.index_cast %add3A_721 : i32 to index
        %get3A_748 = arith.index_cast %squeeze3A_723 : i32 to index
        %get3A_749 = arith.constant 48 : index
        %get3A_750 = tpu.vector_load %arg7[%get3A_746, %get3A_747, %get3A_748, %get3A_749] {strides = array<i32>} : memref<2x32x8x64xf32, #tpu.memory_space<vmem>>, vector<16xf32>,
        %exp3A_751 = math.exp %get3A_750 : vector<16xf32>
        %add3A_752 = arith.addf %exp3A_730, %exp3A_737 : vector<16xf32>
        %add3A_753 = arith.addf %exp3A_744, %exp3A_751 : vector<16xf32>
        %add3A_754 = arith.addf %add3A_752, %add3A_753 : vector<16xf32>
        %reduce_sum3A_755 = arith.constant true
        %reduce_sum3A_756 = vector.broadcast %reduce_sum3A_755 : i1 to vector<16xi1>
        %reduce_sum3A_757 = tpu.scan <sum>, %add3A_754 masked %reduce_sum3A_756 : vector<16xf32>, vector<16xi1> -> vector<16xf32>
        %reduce_sum3A_758 = vector.extract %reduce_sum3A_757[15] : f32 from vector<16xf32>
        %broadcast_in_dim3A_759 = arith.constant 1.000000e+00 : f32
        %broadcast_in_dim3A_760 = vector.broadcast %broadcast_in_dim3A_759 : f32 to vector<16xf32>
        %broadcast_in_dim3A_761 = vector.broadcast %reduce_sum3A_758 : f32 to vector<16xf32>
        %div3A_762 = arith.divf %broadcast_in_dim3A_760, %broadcast_in_dim3A_761 : vector<16xf32>
        %mul3A_763 = arith.constant 16 : i32
        %mul3A_764 = arith.muli %add3A_95, %mul3A_763 : i32
        %mul3A_765 = arith.constant 8 : i32
        %mul3A_766 = arith.muli %scan3A_102, %mul3A_765 : i32
        %add3A_767 = arith.addi %mul3A_764, %mul3A_766 : i32
        %add3A_768 = arith.constant 4 : i32
        %add3A_769 = arith.addi %add3A_767, %add3A_768 : i32
        %mul3A_770 = arith.mulf %exp3A_730, %div3A_762 : vector<16xf32>
        %swap3A_771 = arith.index_cast %add3A_769 : i32 to index
        %swap3A_772 = arith.constant 64 : index
        %swap3A_773 = tpu.vector_load %arg8[%swap3A_771, %swap3A_772] {strides = array<i32>} : memref<256x128xf32, #tpu.memory_space<vmem>>, vector<16xf32>,
        tpu.vector_store %arg8[%swap3A_771, %swap3A_772], %mul3A_770 {strides = array<i32>} : memref<256x128xf32, #tpu.memory_space<vmem>>, vector<16xf32>,
        %mul3A_774 = arith.mulf %exp3A_737, %div3A_762 : vector<16xf32>
        %swap3A_775 = arith.index_cast %add3A_769 : i32 to index
        %swap3A_776 = arith.constant 80 : index
        %swap3A_777 = tpu.vector_load %arg8[%swap3A_775, %swap3A_776] {strides = array<i32>} : memref<256x128xf32, #tpu.memory_space<vmem>>, vector<16xf32>,
        tpu.vector_store %arg8[%swap3A_775, %swap3A_776], %mul3A_774 {strides = array<i32>} : memref<256x128xf32, #tpu.memory_space<vmem>>, vector<16xf32>,
        %mul3A_778 = arith.mulf %exp3A_744, %div3A_762 : vector<16xf32>
        %swap3A_779 = arith.index_cast %add3A_769 : i32 to index
        %swap3A_780 = arith.constant 96 : index
        %swap3A_781 = tpu.vector_load %arg8[%swap3A_779, %swap3A_780] {strides = array<i32>} : memref<256x128xf32, #tpu.memory_space<vmem>>, vector<16xf32>,
        tpu.vector_store %arg8[%swap3A_779, %swap3A_780], %mul3A_778 {strides = array<i32>} : memref<256x128xf32, #tpu.memory_space<vmem>>, vector<16xf32>,
        %mul3A_782 = arith.mulf %exp3A_751, %div3A_762 : vector<16xf32>
        %swap3A_783 = arith.index_cast %add3A_769 : i32 to index
        %swap3A_784 = arith.constant 112 : index
        %swap3A_785 = tpu.vector_load %arg8[%swap3A_783, %swap3A_784] {strides = array<i32>} : memref<256x128xf32, #tpu.memory_space<vmem>>, vector<16xf32>,
        tpu.vector_store %arg8[%swap3A_783, %swap3A_784], %mul3A_782 {strides = array<i32>} : memref<256x128xf32, #tpu.memory_space<vmem>>, vector<16xf32>,
        %mul3A_786 = arith.constant 16 : i32
        %mul3A_787 = arith.muli %scan3A_102, %mul3A_786 : i32
        %add3A_788 = arith.constant 10 : i32
        %add3A_789 = arith.addi %mul3A_787, %add3A_788 : i32
        %slice3A_790 = vector.extract_strided_slice %and3A_111 {offsets = [10], sizes = [1], strides = [1]} : vector<16xi32> to vector<1xi32>
        %squeeze3A_791 = vector.extract %slice3A_790[0] : i32 from vector<1xi32>
        %get3A_792 = arith.constant 1 : i32
        %get3A_793 = arith.index_cast %get3A_792 : i32 to index
        %get3A_794 = arith.index_cast %add3A_789 : i32 to index
        %get3A_795 = arith.index_cast %squeeze3A_791 : i32 to index
        %get3A_796 = arith.constant 0 : index
        %get3A_797 = tpu.vector_load %arg7[%get3A_793, %get3A_794, %get3A_795, %get3A_796] {strides = array<i32>} : memref<2x32x8x64xf32, #tpu.memory_space<vmem>>, vector<16xf32>,
        %exp3A_798 = math.exp %get3A_797 : vector<16xf32>
        %get3A_799 = arith.constant 1 : i32
        %get3A_800 = arith.index_cast %get3A_799 : i32 to index
        %get3A_801 = arith.index_cast %add3A_789 : i32 to index
        %get3A_802 = arith.index_cast %squeeze3A_791 : i32 to index
        %get3A_803 = arith.constant 16 : index
        %get3A_804 = tpu.vector_load %arg7[%get3A_800, %get3A_801, %get3A_802, %get3A_803] {strides = array<i32>} : memref<2x32x8x64xf32, #tpu.memory_space<vmem>>, vector<16xf32>,
        %exp3A_805 = math.exp %get3A_804 : vector<16xf32>
        %get3A_806 = arith.constant 1 : i32
        %get3A_807 = arith.index_cast %get3A_806 : i32 to index
        %get3A_808 = arith.index_cast %add3A_789 : i32 to index
        %get3A_809 = arith.index_cast %squeeze3A_791 : i32 to index
        %get3A_810 = arith.constant 32 : index
        %get3A_811 = tpu.vector_load %arg7[%get3A_807, %get3A_808, %get3A_809, %get3A_810] {strides = array<i32>} : memref<2x32x8x64xf32, #tpu.memory_space<vmem>>, vector<16xf32>,
        %exp3A_812 = math.exp %get3A_811 : vector<16xf32>
        %get3A_813 = arith.constant 1 : i32
        %get3A_814 = arith.index_cast %get3A_813 : i32 to index
        %get3A_815 = arith.index_cast %add3A_789 : i32 to index
        %get3A_816 = arith.index_cast %squeeze3A_791 : i32 to index
        %get3A_817 = arith.constant 48 : index
        %get3A_818 = tpu.vector_load %arg7[%get3A_814, %get3A_815, %get3A_816, %get3A_817] {strides = array<i32>} : memref<2x32x8x64xf32, #tpu.memory_space<vmem>>, vector<16xf32>,
        %exp3A_819 = math.exp %get3A_818 : vector<16xf32>
        %add3A_820 = arith.addf %exp3A_798, %exp3A_805 : vector<16xf32>
        %add3A_821 = arith.addf %exp3A_812, %exp3A_819 : vector<16xf32>
        %add3A_822 = arith.addf %add3A_820, %add3A_821 : vector<16xf32>
        %reduce_sum3A_823 = arith.constant true
        %reduce_sum3A_824 = vector.broadcast %reduce_sum3A_823 : i1 to vector<16xi1>
        %reduce_sum3A_825 = tpu.scan <sum>, %add3A_822 masked %reduce_sum3A_824 : vector<16xf32>, vector<16xi1> -> vector<16xf32>
        %reduce_sum3A_826 = vector.extract %reduce_sum3A_825[15] : f32 from vector<16xf32>
        %broadcast_in_dim3A_827 = arith.constant 1.000000e+00 : f32
        %broadcast_in_dim3A_828 = vector.broadcast %broadcast_in_dim3A_827 : f32 to vector<16xf32>
        %broadcast_in_dim3A_829 = vector.broadcast %reduce_sum3A_826 : f32 to vector<16xf32>
        %div3A_830 = arith.divf %broadcast_in_dim3A_828, %broadcast_in_dim3A_829 : vector<16xf32>
        %mul3A_831 = arith.constant 16 : i32
        %mul3A_832 = arith.muli %add3A_95, %mul3A_831 : i32
        %mul3A_833 = arith.constant 8 : i32
        %mul3A_834 = arith.muli %scan3A_102, %mul3A_833 : i32
        %add3A_835 = arith.addi %mul3A_832, %mul3A_834 : i32
        %add3A_836 = arith.constant 5 : i32
        %add3A_837 = arith.addi %add3A_835, %add3A_836 : i32
        %mul3A_838 = arith.mulf %exp3A_798, %div3A_830 : vector<16xf32>
        %swap3A_839 = arith.index_cast %add3A_837 : i32 to index
        %swap3A_840 = arith.constant 0 : index
        %swap3A_841 = tpu.vector_load %arg8[%swap3A_839, %swap3A_840] {strides = array<i32>} : memref<256x128xf32, #tpu.memory_space<vmem>>, vector<16xf32>,
        tpu.vector_store %arg8[%swap3A_839, %swap3A_840], %mul3A_838 {strides = array<i32>} : memref<256x128xf32, #tpu.memory_space<vmem>>, vector<16xf32>,
        %mul3A_842 = arith.mulf %exp3A_805, %div3A_830 : vector<16xf32>
        %swap3A_843 = arith.index_cast %add3A_837 : i32 to index
        %swap3A_844 = arith.constant 16 : index
        %swap3A_845 = tpu.vector_load %arg8[%swap3A_843, %swap3A_844] {strides = array<i32>} : memref<256x128xf32, #tpu.memory_space<vmem>>, vector<16xf32>,
        tpu.vector_store %arg8[%swap3A_843, %swap3A_844], %mul3A_842 {strides = array<i32>} : memref<256x128xf32, #tpu.memory_space<vmem>>, vector<16xf32>,
        %mul3A_846 = arith.mulf %exp3A_812, %div3A_830 : vector<16xf32>
        %swap3A_847 = arith.index_cast %add3A_837 : i32 to index
        %swap3A_848 = arith.constant 32 : index
        %swap3A_849 = tpu.vector_load %arg8[%swap3A_847, %swap3A_848] {strides = array<i32>} : memref<256x128xf32, #tpu.memory_space<vmem>>, vector<16xf32>,
        tpu.vector_store %arg8[%swap3A_847, %swap3A_848], %mul3A_846 {strides = array<i32>} : memref<256x128xf32, #tpu.memory_space<vmem>>, vector<16xf32>,
        %mul3A_850 = arith.mulf %exp3A_819, %div3A_830 : vector<16xf32>
        %swap3A_851 = arith.index_cast %add3A_837 : i32 to index
        %swap3A_852 = arith.constant 48 : index
        %swap3A_853 = tpu.vector_load %arg8[%swap3A_851, %swap3A_852] {strides = array<i32>} : memref<256x128xf32, #tpu.memory_space<vmem>>, vector<16xf32>,
        tpu.vector_store %arg8[%swap3A_851, %swap3A_852], %mul3A_850 {strides = array<i32>} : memref<256x128xf32, #tpu.memory_space<vmem>>, vector<16xf32>,
        %mul3A_854 = arith.constant 16 : i32
        %mul3A_855 = arith.muli %scan3A_102, %mul3A_854 : i32
        %add3A_856 = arith.constant 11 : i32
        %add3A_857 = arith.addi %mul3A_855, %add3A_856 : i32
        %slice3A_858 = vector.extract_strided_slice %and3A_111 {offsets = [11], sizes = [1], strides = [1]} : vector<16xi32> to vector<1xi32>
        %squeeze3A_859 = vector.extract %slice3A_858[0] : i32 from vector<1xi32>
        %get3A_860 = arith.constant 1 : i32
        %get3A_861 = arith.index_cast %get3A_860 : i32 to index
        %get3A_862 = arith.index_cast %add3A_857 : i32 to index
        %get3A_863 = arith.index_cast %squeeze3A_859 : i32 to index
        %get3A_864 = arith.constant 0 : index
        %get3A_865 = tpu.vector_load %arg7[%get3A_861, %get3A_862, %get3A_863, %get3A_864] {strides = array<i32>} : memref<2x32x8x64xf32, #tpu.memory_space<vmem>>, vector<16xf32>,
        %exp3A_866 = math.exp %get3A_865 : vector<16xf32>
        %get3A_867 = arith.constant 1 : i32
        %get3A_868 = arith.index_cast %get3A_867 : i32 to index
        %get3A_869 = arith.index_cast %add3A_857 : i32 to index
        %get3A_870 = arith.index_cast %squeeze3A_859 : i32 to index
        %get3A_871 = arith.constant 16 : index
        %get3A_872 = tpu.vector_load %arg7[%get3A_868, %get3A_869, %get3A_870, %get3A_871] {strides = array<i32>} : memref<2x32x8x64xf32, #tpu.memory_space<vmem>>, vector<16xf32>,
        %exp3A_873 = math.exp %get3A_872 : vector<16xf32>
        %get3A_874 = arith.constant 1 : i32
        %get3A_875 = arith.index_cast %get3A_874 : i32 to index
        %get3A_876 = arith.index_cast %add3A_857 : i32 to index
        %get3A_877 = arith.index_cast %squeeze3A_859 : i32 to index
        %get3A_878 = arith.constant 32 : index
        %get3A_879 = tpu.vector_load %arg7[%get3A_875, %get3A_876, %get3A_877, %get3A_878] {strides = array<i32>} : memref<2x32x8x64xf32, #tpu.memory_space<vmem>>, vector<16xf32>,
        %exp3A_880 = math.exp %get3A_879 : vector<16xf32>
        %get3A_881 = arith.constant 1 : i32
        %get3A_882 = arith.index_cast %get3A_881 : i32 to index
        %get3A_883 = arith.index_cast %add3A_857 : i32 to index
        %get3A_884 = arith.index_cast %squeeze3A_859 : i32 to index
        %get3A_885 = arith.constant 48 : index
        %get3A_886 = tpu.vector_load %arg7[%get3A_882, %get3A_883, %get3A_884, %get3A_885] {strides = array<i32>} : memref<2x32x8x64xf32, #tpu.memory_space<vmem>>, vector<16xf32>,
        %exp3A_887 = math.exp %get3A_886 : vector<16xf32>
        %add3A_888 = arith.addf %exp3A_866, %exp3A_873 : vector<16xf32>
        %add3A_889 = arith.addf %exp3A_880, %exp3A_887 : vector<16xf32>
        %add3A_890 = arith.addf %add3A_888, %add3A_889 : vector<16xf32>
        %reduce_sum3A_891 = arith.constant true
        %reduce_sum3A_892 = vector.broadcast %reduce_sum3A_891 : i1 to vector<16xi1>
        %reduce_sum3A_893 = tpu.scan <sum>, %add3A_890 masked %reduce_sum3A_892 : vector<16xf32>, vector<16xi1> -> vector<16xf32>
        %reduce_sum3A_894 = vector.extract %reduce_sum3A_893[15] : f32 from vector<16xf32>
        %broadcast_in_dim3A_895 = arith.constant 1.000000e+00 : f32
        %broadcast_in_dim3A_896 = vector.broadcast %broadcast_in_dim3A_895 : f32 to vector<16xf32>
        %broadcast_in_dim3A_897 = vector.broadcast %reduce_sum3A_894 : f32 to vector<16xf32>
        %div3A_898 = arith.divf %broadcast_in_dim3A_896, %broadcast_in_dim3A_897 : vector<16xf32>
        %mul3A_899 = arith.constant 16 : i32
        %mul3A_900 = arith.muli %add3A_95, %mul3A_899 : i32
        %mul3A_901 = arith.constant 8 : i32
        %mul3A_902 = arith.muli %scan3A_102, %mul3A_901 : i32
        %add3A_903 = arith.addi %mul3A_900, %mul3A_902 : i32
        %add3A_904 = arith.constant 5 : i32
        %add3A_905 = arith.addi %add3A_903, %add3A_904 : i32
        %mul3A_906 = arith.mulf %exp3A_866, %div3A_898 : vector<16xf32>
        %swap3A_907 = arith.index_cast %add3A_905 : i32 to index
        %swap3A_908 = arith.constant 64 : index
        %swap3A_909 = tpu.vector_load %arg8[%swap3A_907, %swap3A_908] {strides = array<i32>} : memref<256x128xf32, #tpu.memory_space<vmem>>, vector<16xf32>,
        tpu.vector_store %arg8[%swap3A_907, %swap3A_908], %mul3A_906 {strides = array<i32>} : memref<256x128xf32, #tpu.memory_space<vmem>>, vector<16xf32>,
        %mul3A_910 = arith.mulf %exp3A_873, %div3A_898 : vector<16xf32>
        %swap3A_911 = arith.index_cast %add3A_905 : i32 to index
        %swap3A_912 = arith.constant 80 : index
        %swap3A_913 = tpu.vector_load %arg8[%swap3A_911, %swap3A_912] {strides = array<i32>} : memref<256x128xf32, #tpu.memory_space<vmem>>, vector<16xf32>,
        tpu.vector_store %arg8[%swap3A_911, %swap3A_912], %mul3A_910 {strides = array<i32>} : memref<256x128xf32, #tpu.memory_space<vmem>>, vector<16xf32>,
        %mul3A_914 = arith.mulf %exp3A_880, %div3A_898 : vector<16xf32>
        %swap3A_915 = arith.index_cast %add3A_905 : i32 to index
        %swap3A_916 = arith.constant 96 : index
        %swap3A_917 = tpu.vector_load %arg8[%swap3A_915, %swap3A_916] {strides = array<i32>} : memref<256x128xf32, #tpu.memory_space<vmem>>, vector<16xf32>,
        tpu.vector_store %arg8[%swap3A_915, %swap3A_916], %mul3A_914 {strides = array<i32>} : memref<256x128xf32, #tpu.memory_space<vmem>>, vector<16xf32>,
        %mul3A_918 = arith.mulf %exp3A_887, %div3A_898 : vector<16xf32>
        %swap3A_919 = arith.index_cast %add3A_905 : i32 to index
        %swap3A_920 = arith.constant 112 : index
        %swap3A_921 = tpu.vector_load %arg8[%swap3A_919, %swap3A_920] {strides = array<i32>} : memref<256x128xf32, #tpu.memory_space<vmem>>, vector<16xf32>,
        tpu.vector_store %arg8[%swap3A_919, %swap3A_920], %mul3A_918 {strides = array<i32>} : memref<256x128xf32, #tpu.memory_space<vmem>>, vector<16xf32>,
        %mul3A_922 = arith.constant 16 : i32
        %mul3A_923 = arith.muli %scan3A_102, %mul3A_922 : i32
        %add3A_924 = arith.constant 12 : i32
        %add3A_925 = arith.addi %mul3A_923, %add3A_924 : i32
        %slice3A_926 = vector.extract_strided_slice %and3A_111 {offsets = [12], sizes = [1], strides = [1]} : vector<16xi32> to vector<1xi32>
        %squeeze3A_927 = vector.extract %slice3A_926[0] : i32 from vector<1xi32>
        %get3A_928 = arith.constant 1 : i32
        %get3A_929 = arith.index_cast %get3A_928 : i32 to index
        %get3A_930 = arith.index_cast %add3A_925 : i32 to index
        %get3A_931 = arith.index_cast %squeeze3A_927 : i32 to index
        %get3A_932 = arith.constant 0 : index
        %get3A_933 = tpu.vector_load %arg7[%get3A_929, %get3A_930, %get3A_931, %get3A_932] {strides = array<i32>} : memref<2x32x8x64xf32, #tpu.memory_space<vmem>>, vector<16xf32>,
        %exp3A_934 = math.exp %get3A_933 : vector<16xf32>
        %get3A_935 = arith.constant 1 : i32
        %get3A_936 = arith.index_cast %get3A_935 : i32 to index
        %get3A_937 = arith.index_cast %add3A_925 : i32 to index
        %get3A_938 = arith.index_cast %squeeze3A_927 : i32 to index
        %get3A_939 = arith.constant 16 : index
        %get3A_940 = tpu.vector_load %arg7[%get3A_936, %get3A_937, %get3A_938, %get3A_939] {strides = array<i32>} : memref<2x32x8x64xf32, #tpu.memory_space<vmem>>, vector<16xf32>,
        %exp3A_941 = math.exp %get3A_940 : vector<16xf32>
        %get3A_942 = arith.constant 1 : i32
        %get3A_943 = arith.index_cast %get3A_942 : i32 to index
        %get3A_944 = arith.index_cast %add3A_925 : i32 to index
        %get3A_945 = arith.index_cast %squeeze3A_927 : i32 to index
        %get3A_946 = arith.constant 32 : index
        %get3A_947 = tpu.vector_load %arg7[%get3A_943, %get3A_944, %get3A_945, %get3A_946] {strides = array<i32>} : memref<2x32x8x64xf32, #tpu.memory_space<vmem>>, vector<16xf32>,
        %exp3A_948 = math.exp %get3A_947 : vector<16xf32>
        %get3A_949 = arith.constant 1 : i32
        %get3A_950 = arith.index_cast %get3A_949 : i32 to index
        %get3A_951 = arith.index_cast %add3A_925 : i32 to index
        %get3A_952 = arith.index_cast %squeeze3A_927 : i32 to index
        %get3A_953 = arith.constant 48 : index
        %get3A_954 = tpu.vector_load %arg7[%get3A_950, %get3A_951, %get3A_952, %get3A_953] {strides = array<i32>} : memref<2x32x8x64xf32, #tpu.memory_space<vmem>>, vector<16xf32>,
        %exp3A_955 = math.exp %get3A_954 : vector<16xf32>
        %add3A_956 = arith.addf %exp3A_934, %exp3A_941 : vector<16xf32>
        %add3A_957 = arith.addf %exp3A_948, %exp3A_955 : vector<16xf32>
        %add3A_958 = arith.addf %add3A_956, %add3A_957 : vector<16xf32>
        %reduce_sum3A_959 = arith.constant true
        %reduce_sum3A_960 = vector.broadcast %reduce_sum3A_959 : i1 to vector<16xi1>
        %reduce_sum3A_961 = tpu.scan <sum>, %add3A_958 masked %reduce_sum3A_960 : vector<16xf32>, vector<16xi1> -> vector<16xf32>
        %reduce_sum3A_962 = vector.extract %reduce_sum3A_961[15] : f32 from vector<16xf32>
        %broadcast_in_dim3A_963 = arith.constant 1.000000e+00 : f32
        %broadcast_in_dim3A_964 = vector.broadcast %broadcast_in_dim3A_963 : f32 to vector<16xf32>
        %broadcast_in_dim3A_965 = vector.broadcast %reduce_sum3A_962 : f32 to vector<16xf32>
        %div3A_966 = arith.divf %broadcast_in_dim3A_964, %broadcast_in_dim3A_965 : vector<16xf32>
        %mul3A_967 = arith.constant 16 : i32
        %mul3A_968 = arith.muli %add3A_95, %mul3A_967 : i32
        %mul3A_969 = arith.constant 8 : i32
        %mul3A_970 = arith.muli %scan3A_102, %mul3A_969 : i32
        %add3A_971 = arith.addi %mul3A_968, %mul3A_970 : i32
        %add3A_972 = arith.constant 6 : i32
        %add3A_973 = arith.addi %add3A_971, %add3A_972 : i32
        %mul3A_974 = arith.mulf %exp3A_934, %div3A_966 : vector<16xf32>
        %swap3A_975 = arith.index_cast %add3A_973 : i32 to index
        %swap3A_976 = arith.constant 0 : index
        %swap3A_977 = tpu.vector_load %arg8[%swap3A_975, %swap3A_976] {strides = array<i32>} : memref<256x128xf32, #tpu.memory_space<vmem>>, vector<16xf32>,
        tpu.vector_store %arg8[%swap3A_975, %swap3A_976], %mul3A_974 {strides = array<i32>} : memref<256x128xf32, #tpu.memory_space<vmem>>, vector<16xf32>,
        %mul3A_978 = arith.mulf %exp3A_941, %div3A_966 : vector<16xf32>
        %swap3A_979 = arith.index_cast %add3A_973 : i32 to index
        %swap3A_980 = arith.constant 16 : index
        %swap3A_981 = tpu.vector_load %arg8[%swap3A_979, %swap3A_980] {strides = array<i32>} : memref<256x128xf32, #tpu.memory_space<vmem>>, vector<16xf32>,
        tpu.vector_store %arg8[%swap3A_979, %swap3A_980], %mul3A_978 {strides = array<i32>} : memref<256x128xf32, #tpu.memory_space<vmem>>, vector<16xf32>,
        %mul3A_982 = arith.mulf %exp3A_948, %div3A_966 : vector<16xf32>
        %swap3A_983 = arith.index_cast %add3A_973 : i32 to index
        %swap3A_984 = arith.constant 32 : index
        %swap3A_985 = tpu.vector_load %arg8[%swap3A_983, %swap3A_984] {strides = array<i32>} : memref<256x128xf32, #tpu.memory_space<vmem>>, vector<16xf32>,
        tpu.vector_store %arg8[%swap3A_983, %swap3A_984], %mul3A_982 {strides = array<i32>} : memref<256x128xf32, #tpu.memory_space<vmem>>, vector<16xf32>,
        %mul3A_986 = arith.mulf %exp3A_955, %div3A_966 : vector<16xf32>
        %swap3A_987 = arith.index_cast %add3A_973 : i32 to index
        %swap3A_988 = arith.constant 48 : index
        %swap3A_989 = tpu.vector_load %arg8[%swap3A_987, %swap3A_988] {strides = array<i32>} : memref<256x128xf32, #tpu.memory_space<vmem>>, vector<16xf32>,
        tpu.vector_store %arg8[%swap3A_987, %swap3A_988], %mul3A_986 {strides = array<i32>} : memref<256x128xf32, #tpu.memory_space<vmem>>, vector<16xf32>,
        %mul3A_990 = arith.constant 16 : i32
        %mul3A_991 = arith.muli %scan3A_102, %mul3A_990 : i32
        %add3A_992 = arith.constant 13 : i32
        %add3A_993 = arith.addi %mul3A_991, %add3A_992 : i32
        %slice3A_994 = vector.extract_strided_slice %and3A_111 {offsets = [13], sizes = [1], strides = [1]} : vector<16xi32> to vector<1xi32>
        %squeeze3A_995 = vector.extract %slice3A_994[0] : i32 from vector<1xi32>
        %get3A_996 = arith.constant 1 : i32
        %get3A_997 = arith.index_cast %get3A_996 : i32 to index
        %get3A_998 = arith.index_cast %add3A_993 : i32 to index
        %get3A_999 = arith.index_cast %squeeze3A_995 : i32 to index
        %get3A_1000 = arith.constant 0 : index
        %get3A_1001 = tpu.vector_load %arg7[%get3A_997, %get3A_998, %get3A_999, %get3A_1000] {strides = array<i32>} : memref<2x32x8x64xf32, #tpu.memory_space<vmem>>, vector<16xf32>,
        %exp3A_1002 = math.exp %get3A_1001 : vector<16xf32>
        %get3A_1003 = arith.constant 1 : i32
        %get3A_1004 = arith.index_cast %get3A_1003 : i32 to index
        %get3A_1005 = arith.index_cast %add3A_993 : i32 to index
        %get3A_1006 = arith.index_cast %squeeze3A_995 : i32 to index
        %get3A_1007 = arith.constant 16 : index
        %get3A_1008 = tpu.vector_load %arg7[%get3A_1004, %get3A_1005, %get3A_1006, %get3A_1007] {strides = array<i32>} : memref<2x32x8x64xf32, #tpu.memory_space<vmem>>, vector<16xf32>,
        %exp3A_1009 = math.exp %get3A_1008 : vector<16xf32>
        %get3A_1010 = arith.constant 1 : i32
        %get3A_1011 = arith.index_cast %get3A_1010 : i32 to index
        %get3A_1012 = arith.index_cast %add3A_993 : i32 to index
        %get3A_1013 = arith.index_cast %squeeze3A_995 : i32 to index
        %get3A_1014 = arith.constant 32 : index
        %get3A_1015 = tpu.vector_load %arg7[%get3A_1011, %get3A_1012, %get3A_1013, %get3A_1014] {strides = array<i32>} : memref<2x32x8x64xf32, #tpu.memory_space<vmem>>, vector<16xf32>,
        %exp3A_1016 = math.exp %get3A_1015 : vector<16xf32>
        %get3A_1017 = arith.constant 1 : i32
        %get3A_1018 = arith.index_cast %get3A_1017 : i32 to index
        %get3A_1019 = arith.index_cast %add3A_993 : i32 to index
        %get3A_1020 = arith.index_cast %squeeze3A_995 : i32 to index
        %get3A_1021 = arith.constant 48 : index
        %get3A_1022 = tpu.vector_load %arg7[%get3A_1018, %get3A_1019, %get3A_1020, %get3A_1021] {strides = array<i32>} : memref<2x32x8x64xf32, #tpu.memory_space<vmem>>, vector<16xf32>,
        %exp3A_1023 = math.exp %get3A_1022 : vector<16xf32>
        %add3A_1024 = arith.addf %exp3A_1002, %exp3A_1009 : vector<16xf32>
        %add3A_1025 = arith.addf %exp3A_1016, %exp3A_1023 : vector<16xf32>
        %add3A_1026 = arith.addf %add3A_1024, %add3A_1025 : vector<16xf32>
        %reduce_sum3A_1027 = arith.constant true
        %reduce_sum3A_1028 = vector.broadcast %reduce_sum3A_1027 : i1 to vector<16xi1>
        %reduce_sum3A_1029 = tpu.scan <sum>, %add3A_1026 masked %reduce_sum3A_1028 : vector<16xf32>, vector<16xi1> -> vector<16xf32>
        %reduce_sum3A_1030 = vector.extract %reduce_sum3A_1029[15] : f32 from vector<16xf32>
        %broadcast_in_dim3A_1031 = arith.constant 1.000000e+00 : f32
        %broadcast_in_dim3A_1032 = vector.broadcast %broadcast_in_dim3A_1031 : f32 to vector<16xf32>
        %broadcast_in_dim3A_1033 = vector.broadcast %reduce_sum3A_1030 : f32 to vector<16xf32>
        %div3A_1034 = arith.divf %broadcast_in_dim3A_1032, %broadcast_in_dim3A_1033 : vector<16xf32>
        %mul3A_1035 = arith.constant 16 : i32
        %mul3A_1036 = arith.muli %add3A_95, %mul3A_1035 : i32
        %mul3A_1037 = arith.constant 8 : i32
        %mul3A_1038 = arith.muli %scan3A_102, %mul3A_1037 : i32
        %add3A_1039 = arith.addi %mul3A_1036, %mul3A_1038 : i32
        %add3A_1040 = arith.constant 6 : i32
        %add3A_1041 = arith.addi %add3A_1039, %add3A_1040 : i32
        %mul3A_1042 = arith.mulf %exp3A_1002, %div3A_1034 : vector<16xf32>
        %swap3A_1043 = arith.index_cast %add3A_1041 : i32 to index
        %swap3A_1044 = arith.constant 64 : index
        %swap3A_1045 = tpu.vector_load %arg8[%swap3A_1043, %swap3A_1044] {strides = array<i32>} : memref<256x128xf32, #tpu.memory_space<vmem>>, vector<16xf32>,
        tpu.vector_store %arg8[%swap3A_1043, %swap3A_1044], %mul3A_1042 {strides = array<i32>} : memref<256x128xf32, #tpu.memory_space<vmem>>, vector<16xf32>,
        %mul3A_1046 = arith.mulf %exp3A_1009, %div3A_1034 : vector<16xf32>
        %swap3A_1047 = arith.index_cast %add3A_1041 : i32 to index
        %swap3A_1048 = arith.constant 80 : index
        %swap3A_1049 = tpu.vector_load %arg8[%swap3A_1047, %swap3A_1048] {strides = array<i32>} : memref<256x128xf32, #tpu.memory_space<vmem>>, vector<16xf32>,
        tpu.vector_store %arg8[%swap3A_1047, %swap3A_1048], %mul3A_1046 {strides = array<i32>} : memref<256x128xf32, #tpu.memory_space<vmem>>, vector<16xf32>,
        %mul3A_1050 = arith.mulf %exp3A_1016, %div3A_1034 : vector<16xf32>
        %swap3A_1051 = arith.index_cast %add3A_1041 : i32 to index
        %swap3A_1052 = arith.constant 96 : index
        %swap3A_1053 = tpu.vector_load %arg8[%swap3A_1051, %swap3A_1052] {strides = array<i32>} : memref<256x128xf32, #tpu.memory_space<vmem>>, vector<16xf32>,
        tpu.vector_store %arg8[%swap3A_1051, %swap3A_1052], %mul3A_1050 {strides = array<i32>} : memref<256x128xf32, #tpu.memory_space<vmem>>, vector<16xf32>,
        %mul3A_1054 = arith.mulf %exp3A_1023, %div3A_1034 : vector<16xf32>
        %swap3A_1055 = arith.index_cast %add3A_1041 : i32 to index
        %swap3A_1056 = arith.constant 112 : index
        %swap3A_1057 = tpu.vector_load %arg8[%swap3A_1055, %swap3A_1056] {strides = array<i32>} : memref<256x128xf32, #tpu.memory_space<vmem>>, vector<16xf32>,
        tpu.vector_store %arg8[%swap3A_1055, %swap3A_1056], %mul3A_1054 {strides = array<i32>} : memref<256x128xf32, #tpu.memory_space<vmem>>, vector<16xf32>,
        %mul3A_1058 = arith.constant 16 : i32
        %mul3A_1059 = arith.muli %scan3A_102, %mul3A_1058 : i32
        %add3A_1060 = arith.constant 14 : i32
        %add3A_1061 = arith.addi %mul3A_1059, %add3A_1060 : i32
        %slice3A_1062 = vector.extract_strided_slice %and3A_111 {offsets = [14], sizes = [1], strides = [1]} : vector<16xi32> to vector<1xi32>
        %squeeze3A_1063 = vector.extract %slice3A_1062[0] : i32 from vector<1xi32>
        %get3A_1064 = arith.constant 1 : i32
        %get3A_1065 = arith.index_cast %get3A_1064 : i32 to index
        %get3A_1066 = arith.index_cast %add3A_1061 : i32 to index
        %get3A_1067 = arith.index_cast %squeeze3A_1063 : i32 to index
        %get3A_1068 = arith.constant 0 : index
        %get3A_1069 = tpu.vector_load %arg7[%get3A_1065, %get3A_1066, %get3A_1067, %get3A_1068] {strides = array<i32>} : memref<2x32x8x64xf32, #tpu.memory_space<vmem>>, vector<16xf32>,
        %exp3A_1070 = math.exp %get3A_1069 : vector<16xf32>
        %get3A_1071 = arith.constant 1 : i32
        %get3A_1072 = arith.index_cast %get3A_1071 : i32 to index
        %get3A_1073 = arith.index_cast %add3A_1061 : i32 to index
        %get3A_1074 = arith.index_cast %squeeze3A_1063 : i32 to index
        %get3A_1075 = arith.constant 16 : index
        %get3A_1076 = tpu.vector_load %arg7[%get3A_1072, %get3A_1073, %get3A_1074, %get3A_1075] {strides = array<i32>} : memref<2x32x8x64xf32, #tpu.memory_space<vmem>>, vector<16xf32>,
        %exp3A_1077 = math.exp %get3A_1076 : vector<16xf32>
        %get3A_1078 = arith.constant 1 : i32
        %get3A_1079 = arith.index_cast %get3A_1078 : i32 to index
        %get3A_1080 = arith.index_cast %add3A_1061 : i32 to index
        %get3A_1081 = arith.index_cast %squeeze3A_1063 : i32 to index
        %get3A_1082 = arith.constant 32 : index
        %get3A_1083 = tpu.vector_load %arg7[%get3A_1079, %get3A_1080, %get3A_1081, %get3A_1082] {strides = array<i32>} : memref<2x32x8x64xf32, #tpu.memory_space<vmem>>, vector<16xf32>,
        %exp3A_1084 = math.exp %get3A_1083 : vector<16xf32>
        %get3A_1085 = arith.constant 1 : i32
        %get3A_1086 = arith.index_cast %get3A_1085 : i32 to index
        %get3A_1087 = arith.index_cast %add3A_1061 : i32 to index
        %get3A_1088 = arith.index_cast %squeeze3A_1063 : i32 to index
        %get3A_1089 = arith.constant 48 : index
        %get3A_1090 = tpu.vector_load %arg7[%get3A_1086, %get3A_1087, %get3A_1088, %get3A_1089] {strides = array<i32>} : memref<2x32x8x64xf32, #tpu.memory_space<vmem>>, vector<16xf32>,
        %exp3A_1091 = math.exp %get3A_1090 : vector<16xf32>
        %add3A_1092 = arith.addf %exp3A_1070, %exp3A_1077 : vector<16xf32>
        %add3A_1093 = arith.addf %exp3A_1084, %exp3A_1091 : vector<16xf32>
        %add3A_1094 = arith.addf %add3A_1092, %add3A_1093 : vector<16xf32>
        %reduce_sum3A_1095 = arith.constant true
        %reduce_sum3A_1096 = vector.broadcast %reduce_sum3A_1095 : i1 to vector<16xi1>
        %reduce_sum3A_1097 = tpu.scan <sum>, %add3A_1094 masked %reduce_sum3A_1096 : vector<16xf32>, vector<16xi1> -> vector<16xf32>
        %reduce_sum3A_1098 = vector.extract %reduce_sum3A_1097[15] : f32 from vector<16xf32>
        %broadcast_in_dim3A_1099 = arith.constant 1.000000e+00 : f32
        %broadcast_in_dim3A_1100 = vector.broadcast %broadcast_in_dim3A_1099 : f32 to vector<16xf32>
        %broadcast_in_dim3A_1101 = vector.broadcast %reduce_sum3A_1098 : f32 to vector<16xf32>
        %div3A_1102 = arith.divf %broadcast_in_dim3A_1100, %broadcast_in_dim3A_1101 : vector<16xf32>
        %mul3A_1103 = arith.constant 16 : i32
        %mul3A_1104 = arith.muli %add3A_95, %mul3A_1103 : i32
        %mul3A_1105 = arith.constant 8 : i32
        %mul3A_1106 = arith.muli %scan3A_102, %mul3A_1105 : i32
        %add3A_1107 = arith.addi %mul3A_1104, %mul3A_1106 : i32
        %add3A_1108 = arith.constant 7 : i32
        %add3A_1109 = arith.addi %add3A_1107, %add3A_1108 : i32
        %mul3A_1110 = arith.mulf %exp3A_1070, %div3A_1102 : vector<16xf32>
        %swap3A_1111 = arith.index_cast %add3A_1109 : i32 to index
        %swap3A_1112 = arith.constant 0 : index
        %swap3A_1113 = tpu.vector_load %arg8[%swap3A_1111, %swap3A_1112] {strides = array<i32>} : memref<256x128xf32, #tpu.memory_space<vmem>>, vector<16xf32>,
        tpu.vector_store %arg8[%swap3A_1111, %swap3A_1112], %mul3A_1110 {strides = array<i32>} : memref<256x128xf32, #tpu.memory_space<vmem>>, vector<16xf32>,
        %mul3A_1114 = arith.mulf %exp3A_1077, %div3A_1102 : vector<16xf32>
        %swap3A_1115 = arith.index_cast %add3A_1109 : i32 to index
        %swap3A_1116 = arith.constant 16 : index
        %swap3A_1117 = tpu.vector_load %arg8[%swap3A_1115, %swap3A_1116] {strides = array<i32>} : memref<256x128xf32, #tpu.memory_space<vmem>>, vector<16xf32>,
        tpu.vector_store %arg8[%swap3A_1115, %swap3A_1116], %mul3A_1114 {strides = array<i32>} : memref<256x128xf32, #tpu.memory_space<vmem>>, vector<16xf32>,
        %mul3A_1118 = arith.mulf %exp3A_1084, %div3A_1102 : vector<16xf32>
        %swap3A_1119 = arith.index_cast %add3A_1109 : i32 to index
        %swap3A_1120 = arith.constant 32 : index
        %swap3A_1121 = tpu.vector_load %arg8[%swap3A_1119, %swap3A_1120] {strides = array<i32>} : memref<256x128xf32, #tpu.memory_space<vmem>>, vector<16xf32>,
        tpu.vector_store %arg8[%swap3A_1119, %swap3A_1120], %mul3A_1118 {strides = array<i32>} : memref<256x128xf32, #tpu.memory_space<vmem>>, vector<16xf32>,
        %mul3A_1122 = arith.mulf %exp3A_1091, %div3A_1102 : vector<16xf32>
        %swap3A_1123 = arith.index_cast %add3A_1109 : i32 to index
        %swap3A_1124 = arith.constant 48 : index
        %swap3A_1125 = tpu.vector_load %arg8[%swap3A_1123, %swap3A_1124] {strides = array<i32>} : memref<256x128xf32, #tpu.memory_space<vmem>>, vector<16xf32>,
        tpu.vector_store %arg8[%swap3A_1123, %swap3A_1124], %mul3A_1122 {strides = array<i32>} : memref<256x128xf32, #tpu.memory_space<vmem>>, vector<16xf32>,
        %mul3A_1126 = arith.constant 16 : i32
        %mul3A_1127 = arith.muli %scan3A_102, %mul3A_1126 : i32
        %add3A_1128 = arith.constant 15 : i32
        %add3A_1129 = arith.addi %mul3A_1127, %add3A_1128 : i32
        %slice3A_1130 = vector.extract_strided_slice %and3A_111 {offsets = [15], sizes = [1], strides = [1]} : vector<16xi32> to vector<1xi32>
        %squeeze3A_1131 = vector.extract %slice3A_1130[0] : i32 from vector<1xi32>
        %get3A_1132 = arith.constant 1 : i32
        %get3A_1133 = arith.index_cast %get3A_1132 : i32 to index
        %get3A_1134 = arith.index_cast %add3A_1129 : i32 to index
        %get3A_1135 = arith.index_cast %squeeze3A_1131 : i32 to index
        %get3A_1136 = arith.constant 0 : index
        %get3A_1137 = tpu.vector_load %arg7[%get3A_1133, %get3A_1134, %get3A_1135, %get3A_1136] {strides = array<i32>} : memref<2x32x8x64xf32, #tpu.memory_space<vmem>>, vector<16xf32>,
        %exp3A_1138 = math.exp %get3A_1137 : vector<16xf32>
        %get3A_1139 = arith.constant 1 : i32
        %get3A_1140 = arith.index_cast %get3A_1139 : i32 to index
        %get3A_1141 = arith.index_cast %add3A_1129 : i32 to index
        %get3A_1142 = arith.index_cast %squeeze3A_1131 : i32 to index
        %get3A_1143 = arith.constant 16 : index
        %get3A_1144 = tpu.vector_load %arg7[%get3A_1140, %get3A_1141, %get3A_1142, %get3A_1143] {strides = array<i32>} : memref<2x32x8x64xf32, #tpu.memory_space<vmem>>, vector<16xf32>,
        %exp3A_1145 = math.exp %get3A_1144 : vector<16xf32>
        %get3A_1146 = arith.constant 1 : i32
        %get3A_1147 = arith.index_cast %get3A_1146 : i32 to index
        %get3A_1148 = arith.index_cast %add3A_1129 : i32 to index
        %get3A_1149 = arith.index_cast %squeeze3A_1131 : i32 to index
        %get3A_1150 = arith.constant 32 : index
        %get3A_1151 = tpu.vector_load %arg7[%get3A_1147, %get3A_1148, %get3A_1149, %get3A_1150] {strides = array<i32>} : memref<2x32x8x64xf32, #tpu.memory_space<vmem>>, vector<16xf32>,
        %exp3A_1152 = math.exp %get3A_1151 : vector<16xf32>
        %get3A_1153 = arith.constant 1 : i32
        %get3A_1154 = arith.index_cast %get3A_1153 : i32 to index
        %get3A_1155 = arith.index_cast %add3A_1129 : i32 to index
        %get3A_1156 = arith.index_cast %squeeze3A_1131 : i32 to index
        %get3A_1157 = arith.constant 48 : index
        %get3A_1158 = tpu.vector_load %arg7[%get3A_1154, %get3A_1155, %get3A_1156, %get3A_1157] {strides = array<i32>} : memref<2x32x8x64xf32, #tpu.memory_space<vmem>>, vector<16xf32>,
        %exp3A_1159 = math.exp %get3A_1158 : vector<16xf32>
        %add3A_1160 = arith.addf %exp3A_1138, %exp3A_1145 : vector<16xf32>
        %add3A_1161 = arith.addf %exp3A_1152, %exp3A_1159 : vector<16xf32>
        %add3A_1162 = arith.addf %add3A_1160, %add3A_1161 : vector<16xf32>
        %reduce_sum3A_1163 = arith.constant true
        %reduce_sum3A_1164 = vector.broadcast %reduce_sum3A_1163 : i1 to vector<16xi1>
        %reduce_sum3A_1165 = tpu.scan <sum>, %add3A_1162 masked %reduce_sum3A_1164 : vector<16xf32>, vector<16xi1> -> vector<16xf32>
        %reduce_sum3A_1166 = vector.extract %reduce_sum3A_1165[15] : f32 from vector<16xf32>
        %broadcast_in_dim3A_1167 = arith.constant 1.000000e+00 : f32
        %broadcast_in_dim3A_1168 = vector.broadcast %broadcast_in_dim3A_1167 : f32 to vector<16xf32>
        %broadcast_in_dim3A_1169 = vector.broadcast %reduce_sum3A_1166 : f32 to vector<16xf32>
        %div3A_1170 = arith.divf %broadcast_in_dim3A_1168, %broadcast_in_dim3A_1169 : vector<16xf32>
        %mul3A_1171 = arith.constant 16 : i32
        %mul3A_1172 = arith.muli %add3A_95, %mul3A_1171 : i32
        %mul3A_1173 = arith.constant 8 : i32
        %mul3A_1174 = arith.muli %scan3A_102, %mul3A_1173 : i32
        %add3A_1175 = arith.addi %mul3A_1172, %mul3A_1174 : i32
        %add3A_1176 = arith.constant 7 : i32
        %add3A_1177 = arith.addi %add3A_1175, %add3A_1176 : i32
        %mul3A_1178 = arith.mulf %exp3A_1138, %div3A_1170 : vector<16xf32>
        %swap3A_1179 = arith.index_cast %add3A_1177 : i32 to index
        %swap3A_1180 = arith.constant 64 : index
        %swap3A_1181 = tpu.vector_load %arg8[%swap3A_1179, %swap3A_1180] {strides = array<i32>} : memref<256x128xf32, #tpu.memory_space<vmem>>, vector<16xf32>,
        tpu.vector_store %arg8[%swap3A_1179, %swap3A_1180], %mul3A_1178 {strides = array<i32>} : memref<256x128xf32, #tpu.memory_space<vmem>>, vector<16xf32>,
        %mul3A_1182 = arith.mulf %exp3A_1145, %div3A_1170 : vector<16xf32>
        %swap3A_1183 = arith.index_cast %add3A_1177 : i32 to index
        %swap3A_1184 = arith.constant 80 : index
        %swap3A_1185 = tpu.vector_load %arg8[%swap3A_1183, %swap3A_1184] {strides = array<i32>} : memref<256x128xf32, #tpu.memory_space<vmem>>, vector<16xf32>,
        tpu.vector_store %arg8[%swap3A_1183, %swap3A_1184], %mul3A_1182 {strides = array<i32>} : memref<256x128xf32, #tpu.memory_space<vmem>>, vector<16xf32>,
        %mul3A_1186 = arith.mulf %exp3A_1152, %div3A_1170 : vector<16xf32>
        %swap3A_1187 = arith.index_cast %add3A_1177 : i32 to index
        %swap3A_1188 = arith.constant 96 : index
        %swap3A_1189 = tpu.vector_load %arg8[%swap3A_1187, %swap3A_1188] {strides = array<i32>} : memref<256x128xf32, #tpu.memory_space<vmem>>, vector<16xf32>,
        tpu.vector_store %arg8[%swap3A_1187, %swap3A_1188], %mul3A_1186 {strides = array<i32>} : memref<256x128xf32, #tpu.memory_space<vmem>>, vector<16xf32>,
        %mul3A_1190 = arith.mulf %exp3A_1159, %div3A_1170 : vector<16xf32>
        %swap3A_1191 = arith.index_cast %add3A_1177 : i32 to index
        %swap3A_1192 = arith.constant 112 : index
        %swap3A_1193 = tpu.vector_load %arg8[%swap3A_1191, %swap3A_1192] {strides = array<i32>} : memref<256x128xf32, #tpu.memory_space<vmem>>, vector<16xf32>,
        tpu.vector_store %arg8[%swap3A_1191, %swap3A_1192], %mul3A_1190 {strides = array<i32>} : memref<256x128xf32, #tpu.memory_space<vmem>>, vector<16xf32>,
      }
      %scan3A_101 = arith.constant 2 : i32
    }
    %scan3A_19 = arith.constant 8 : i32
    %jit3A = arith.constant 2 : i32
    %div3A = arith.divsi %mul3A_2, %jit3A : i32
    %sign3A = arith.constant 0 : i32
    %sign3A_20 = arith.cmpi sgt, %mul3A_2, %sign3A : i32
    %sign3A_21 = arith.extui %sign3A_20 : i1 to i32
    %sign3A_22 = arith.constant 0 : i32
    %sign3A_23 = arith.cmpi slt, %mul3A_2, %sign3A_22 : i32
    %sign3A_24 = arith.extui %sign3A_23 : i1 to i32
    %sign3A_25 = arith.subi %sign3A_21, %sign3A_24 : i32
    %sign3A_26 = arith.constant 0 : i32
    %sign3A_27 = arith.cmpi sgt, %jit3A, %sign3A_26 : i32
    %sign3A_28 = arith.extui %sign3A_27 : i1 to i32
    %sign3A_29 = arith.constant 0 : i32
    %sign3A_30 = arith.cmpi slt, %jit3A, %sign3A_29 : i32
    %sign3A_31 = arith.extui %sign3A_30 : i1 to i32
    %sign3A_32 = arith.subi %sign3A_28, %sign3A_31 : i32
    %ne3A = arith.cmpi ne, %sign3A_25, %sign3A_32 : i32
    %rem3A = arith.remsi %mul3A_2, %jit3A : i32
    %ne3A_33 = arith.constant 0 : i32
    %ne3A_34 = arith.cmpi ne, %rem3A, %ne3A_33 : i32
    %and3A = arith.andi %ne3A, %ne3A_34 : i1
    %sub3A = arith.constant 1 : i32
    %sub3A_35 = arith.subi %div3A, %sub3A : i32
    %select_n3A = arith.select %and3A, %sub3A_35, %div3A : i32
    %multiple_of3A = tpu.assume_multiple %select_n3A, 256 : i32
    "tpu.region"() ({
      %run_scoped3A = tpu.sem_alloc : memref<!tpu.dma_semaphore, #tpu.memory_space<semaphore_mem>>
      %dma_start3A = arith.constant 0 : i32
      %dma_start3A_36 = tpu.memref_slice %arg4[%multiple_of3A, %dma_start3A] : memref<8192x128xf32, #tpu.memory_space<hbm>> -> memref<256x128xf32, #tpu.memory_space<hbm>>
      %dma_start3A_37 = arith.constant 0 : i32
      %dma_start3A_38 = tpu.memref_slice %arg4[%multiple_of3A, %dma_start3A_37] : memref<8192x128xf32, #tpu.memory_space<hbm>> -> memref<256x128xf32, #tpu.memory_space<hbm>>
      tpu.enqueue_dma source(%arg8 : memref<256x128xf32, #tpu.memory_space<vmem>>) target(%dma_start3A_38 : memref<256x128xf32, #tpu.memory_space<hbm>>) target_semaphore(%run_scoped3A : memref<!tpu.dma_semaphore, #tpu.memory_space<semaphore_mem>>)
      %dma_wait3A = arith.constant 0 : i32
      %dma_wait3A_39 = tpu.memref_slice %arg4[%multiple_of3A, %dma_wait3A] : memref<8192x128xf32, #tpu.memory_space<hbm>> -> memref<256x128xf32, #tpu.memory_space<hbm>>
      %dma_wait3A_40 = arith.constant 0 : i32
      %dma_wait3A_41 = tpu.memref_slice %arg4[%multiple_of3A, %dma_wait3A_40] : memref<8192x128xf32, #tpu.memory_space<hbm>> -> memref<256x128xf32, #tpu.memory_space<hbm>>
      tpu.wait_dma2 semaphore(%run_scoped3A : memref<!tpu.dma_semaphore, #tpu.memory_space<semaphore_mem>>) src(%arg8 : memref<256x128xf32, #tpu.memory_space<vmem>>) dst(%dma_wait3A_41 : memref<256x128xf32, #tpu.memory_space<hbm>>)
      tpu.yield
    }) : () -> ()
    return
  }
}

</mosaic_0001>

<sc_bundles>
// kernel: _sc_softmax_gather.3.cloned.1.call-start
scs
__scs_entry_jumppad:
0x0: {  	(pc) =	sbr.rel $0x88, $3  }
0x1: {  	(tag) =	ssettag $0x0;
	lr =	simm.s32 $0x1  }
0x2: {  	[smem:$0x3F9F] =	sst lr;
	_ =	strace $0xD0000000  }
0x3: {  	_ = 	snop  }
0x4: {  	_ = 	snop  }
0x5: {  	_ = 	snop  }
0x6: {  	_ = 	snop  }
0x7: {  	_ = 	snop  }
__scs_overlays_trampoline_lowered:
0x8: {  	[smem:$0x3FAE] =	sst s0  }
0x9: {  	[smem:$0x3FAF] =	sst s1  }
0xa: {  	[smem:$0x3FB0] =	sst s2  }
0xb: {  	[smem:$0x3FB1] =	sst s3  }
0xc: {  	[smem:$0x3FB2] =	sst s4  }
0xd: {  	[smem:$0x3FB3] =	sst s5  }
0xe: {  	[smem:$0x3FB4] =	sst s6  }
0xf: {  	[smem:$0x3FB5] =	sst s7  }
0x10: {  	[smem:$0x3FB6] =	sst s8  }
0x11: {  	[smem:$0x3FB7] =	sst s9;
	s0 =	simm.s32 @!p0 $0x0  }
0x12: {  	s1 =	sld [smem:$0x3F9D];
	s0 =	simm.s32 @p0 $0x1  }
0x13: {  	[smem:$0x3FB8] =	sst s0;
	s0 =	simm.s32 @!p1 $0x0  }
0x14: {  	s2 =	sld [smem:$0x3F9C];
	s0 =	simm.s32 @p1 $0x1  }
0x15: {  	[smem:$0x3FB9] =	sst s0;
	s0 =	simm.s32 @!p2 $0x0  }
0x16: {  	s3 =	sld [smem:$0x3FDB];
	s0 =	simm.s32 @p2 $0x1  }
0x17: {  	s4 =	simm.s32 $0x1BF5;
	[smem:$0x3FBB] =	sst s0  }
0x18: {  	s0 =	sld [smem:$0x3F9E];
	_ =	swait.ge [sflag:s4], $0x0  }
0x19: {  	s7 =	sld [smem:$0x3F9F]  }
0x1a: {  	s8 =	sadd.s32 $0xFFFFE003, lr  }
0x1b: {  	s9 =	sadd.s32 $0xFFFFFEF7, lr;
	s5 =	simm.s32 $0xFFFFFFFF;
	p2 =	slt.u32 s8, $0xFFFFF086  }
0x1c: {  	p1 =	slt.u32 s9, $0xF7A;
	s5 =	simm.s32 @!p2 $0x0  }
0x1d: {  	s5 =	simm.s32 @p1 $0x1;
	p0 =	seq.s32 s7, s2  }
0x1e: {  	s7 =	smul.u32 @!p0 $0xF7A, s2;
	p2 =	seq.s32 @!p0 s5, $0x0  }
0x1f: {  	s9 =	smul.u32 $0xF7A, s1;
	s8 =	simm.s32 @!p0 $0x1BF5;
	p2 =	por !p2, p0  }
0x20: {  	[sflag:s8] =	ssyncset.s32 @!p0 $0xFFFFF086;
	s6 =	sadd.s32 @!p0 s3, s7;
	s7 =	simm.s32 @!p0 $0x108  }
0x21: {  	s3 =	sadd.s32 s3, s9;
	s6 =	sadd.s32 @!p0 $0x88, s6;
	s7 =	simm.s32 @p2 $0x1082  }
0x22: {  	[simem:s7], [sflag:s8] =	dma.local @!p0 [hbm:s6], $0xF7A  }
0x23: {  	s9 =	sor.u32 $0xD0000000, s2;
	s6 =	simm.s32 $0x108;
	_ =	swait.ge @!p0 [sflag:s8], $0x0  }
0x24: {  	s3 =	sadd.s32 $0x88, s3;
	s6 =	simm.s32 @!p1 $0x1082;
	[sflag:s4] =	ssyncset.s32 $0xFFFFF086  }
0x25: {  	[simem:s6], [sflag:s4] =	dma.local [hbm:s3], $0xF7A  }
0x26: {  	[smem:$0x3F9F] =	sst s1;
	(tag) =	ssettag s2;
	_ =	strace s9  }
0x27: {  	s1 =	sld [smem:$0x3FAF]  }
0x28: {  	s2 =	sld [smem:$0x3FB0]  }
0x29: {  	s4 =	sld [smem:$0x3FB2]  }
0x2a: {  	p0 =	seq.s32 s5, $0x0;
	s5 =	sld [smem:$0x3FB3]  }
0x2b: {  	s6 =	sld [smem:$0x3FB4]  }
0x2c: {  	s7 =	sld [smem:$0x3FB5]  }
0x2d: {  	s3 =	simm.s32 $0x108;
	s8 =	sld [smem:$0x3FB6]  }
0x2e: {  	s3 =	simm.s32 @!p0 $0x1082;
	s9 =	sld [smem:$0x3FB7]  }
0x2f: {  	lr =	sadd.s32 s0, s3;
	s0 =	sld [smem:$0x3FAE]  }
0x30: {  	s3 =	sld [smem:$0x3FB1]  }
0x31: {  	[smem:$0x3FBA] =	sst s10  }
0x32: {  	s10 =	sld [smem:$0x3FB8];
	_ =	sdelay $0x3  }
0x33: {  	p0 =	seq.s32 s10, $0x1;
	s10 =	sld [smem:$0x3FBA];
	_ =	sdelay $0x3  }
0x34: {  	[smem:$0x3FBA] =	sst s10  }
0x35: {  	s10 =	sld [smem:$0x3FB9];
	_ =	sdelay $0x3  }
0x36: {  	p1 =	seq.s32 s10, $0x1;
	s10 =	sld [smem:$0x3FBA];
	_ =	sdelay $0x3  }
0x37: {  	[smem:$0x3FBA] =	sst s10  }
0x38: {  	s10 =	sld [smem:$0x3FBB]  }
0x39: {  	_ = 	snop;
	(pc) =	sbr.ind lr, $3  }
0x3a: {  	_ = 	snop  }
0x3b: {  	_ = 	snop  }
0x3c: {  	p2 =	seq.s32 s10, $0x1;
	s10 =	sld [smem:$0x3FBA]  }
0x3d: {  	_ =	shalt  }
0x3e: {  	_ =	shalt  }
0x3f: {  	_ =	shalt  }
0x40: {  	_ =	shalt  }
0x41: {  	_ =	shalt  }
0x42: {  	_ =	shalt  }
0x43: {  	_ =	shalt  }
0x44: {  	_ =	shalt  }
0x45: {  	_ =	shalt  }
0x46: {  	_ =	shalt  }
0x47: {  	_ =	shalt  }
0x48: {  	_ =	shalt  }
0x49: {  	_ =	shalt  }
0x4a: {  	_ =	shalt  }
0x4b: {  	_ =	shalt  }
0x4c: {  	_ =	shalt  }
0x4d: {  	_ =	shalt  }
0x4e: {  	_ =	shalt  }
0x4f: {  	_ =	shalt  }
0x50: {  	_ =	shalt  }
0x51: {  	_ =	shalt  }
0x52: {  	_ =	shalt  }
0x53: {  	_ =	shalt  }
0x54: {  	_ =	shalt  }
0x55: {  	_ =	shalt  }
0x56: {  	_ =	shalt  }
0x57: {  	_ =	shalt  }
0x58: {  	_ =	shalt  }
0x59: {  	_ =	shalt  }
0x5a: {  	_ =	shalt  }
0x5b: {  	_ =	shalt  }
0x5c: {  	_ =	shalt  }
0x5d: {  	_ =	shalt  }
0x5e: {  	_ =	shalt  }
0x5f: {  	_ =	shalt  }
0x60: {  	_ =	shalt  }
0x61: {  	_ =	shalt  }
0x62: {  	_ =	shalt  }
0x63: {  	_ =	shalt  }
0x64: {  	_ =	shalt  }
0x65: {  	_ =	shalt  }
0x66: {  	_ =	shalt  }
0x67: {  	_ =	shalt  }
0x68: {  	_ =	shalt  }
0x69: {  	_ =	shalt  }
0x6a: {  	_ =	shalt  }
0x6b: {  	_ =	shalt  }
0x6c: {  	_ =	shalt  }
0x6d: {  	_ =	shalt  }
0x6e: {  	_ =	shalt  }
0x6f: {  	_ =	shalt  }
0x70: {  	_ =	shalt  }
0x71: {  	_ =	shalt  }
0x72: {  	_ =	shalt  }
0x73: {  	_ =	shalt  }
0x74: {  	_ =	shalt  }
0x75: {  	_ =	shalt  }
0x76: {  	_ =	shalt  }
0x77: {  	_ =	shalt  }
0x78: {  	_ =	shalt  }
0x79: {  	_ =	shalt  }
0x7a: {  	_ =	shalt  }
0x7b: {  	_ =	shalt  }
0x7c: {  	_ =	shalt  }
0x7d: {  	_ =	shalt  }
0x7e: {  	_ =	shalt  }
0x7f: {  	_ =	shalt  }
0x80: {  	_ =	shalt  }
0x81: {  	_ =	shalt  }
0x82: {  	_ =	shalt  }
0x83: {  	_ =	shalt  }
0x84: {  	_ =	shalt  }
0x85: {  	_ =	shalt  }
0x86: {  	_ =	shalt  }
0x87: {  	_ =	shalt  }
.Lfunc_end0:
.L_simem_size_0:
called_computation_lowered:
.L_overlay_start_0:
0x88: {  	s2 =	sld [smem:$0x3FD9]  }
0x89: {  	s3 =	sld [smem:$0x3FFE];
	_ =	sdelay $0x1  }
0x8a: {  	s1 =	srdreg.scid  }
0x8b: {  	s0 =	sand.u32 $0x1, s1  }
0x8c: {  	s17 =	sshll.u32 s0, $0xA;
	s2 =	sadd.s32 s3, s2  }
0x8d: {  	s2 =	sadd.s32 s2, s17  }
0x8e: {  	[smem:$0x3FC6] =	sst s2  }
0x8f: {  	_ = 	snop  }
0x90: {  	s2 =	sld [smem:$0x3FC9]  }
0x91: {  	s18 =	sld [smem:$0x3FD0];
	(tm) =	ssettm $0x1  }
0x92: {  	s4 =	sld [smem:$0x3FFB];
	_ =	sdelay $0x3  }
0x93: {  	_ =	strace s4  }
0x94: {  	s4 =	sld [smem:$0x3FFC];
	_ =	sdelay $0x3  }
0x95: {  	_ =	strace s4  }
0x96: {  	s4 =	sld [smem:$0x3FFD];
	_ =	sdelay $0x3  }
0x97: {  	_ =	strace s4  }
0x98: {  	_ =	strace $0x8FFFFFFF  }
0x99: {  	s19 =	sld [smem:$0x3FDB];
	_ =	sdelay $0x1  }
0x9a: {  	s5 =	simm.s32 $_scs_section_size  }
0x9b: {  	s6 =	simm.s32 $_size__tile_overlayer_lowered;
	s7 =	simm.s32 $_tile_overlayer_lowered  }
0x9c: {  	s22 =	simm.s32 $0x1BFF;
	s21 =	sshll.u32 s7, $0x1;
	s4 =	sadd.s32 s5, s19  }
0x9d: {  	s8 =	simm.s32 $0x0;
	s20 =	sshll.u32 s6, $0x1;
	s6 =	sadd.s32 s21, s4  }
0x9e: {  	[timem:s8], [sflag:s22] =	dma.local [hbm:s6], s20  }
0x9f: {  	_ =	swait.ge [sflag:s22], s20  }
0xa0: {  	s5 =	ssub.s32 $0x0, s20;
	[sflag:s22] =	ssyncset.done $0x0  }
0xa1: {  	[sflag:s22] =	ssyncadd.s32 s5;
	_ =	sdelay $0x1  }
0xa2: {  	s23 =	simm.s32 $0x1B8B  }
0xa3: {  	_ =	swait.ge [sflag:s23], $0x1  }
0xa4: {  	[sflag:s23] =	ssyncset.done $0x0  }
0xa5: {  	s25 =	simm.s32 $0x1B8E;
	s24 =	sld [smem:$0x3FFE];
	[sflag:s23] =	ssyncadd.s32 $0xFFFFFFFF  }
0xa6: {  	s26 =	simm.s32 $execute0_lowered;
	[smem:$0x3FD2] =	sst s25  }
0xa7: {  	s6 =	sshll.u32 s26, $0x1;
	_ =	strace $0x80000046;
	[dreg:$0x1] =	wrdreg $0xFFFFFFFF  }
0xa8: {  	s28 =	simm.s32 $_size_execute0_lowered;
	s4 =	sadd.s32 s4, s6;
	[dreg:$0x0] =	wrdreg $0x0  }
0xa9: {  	s6 =	sshll.u32 s28, $0x1;
	[dreg:$0x2] =	wrdreg s4  }
0xaa: {  	[dreg:$0x3] =	wrdreg s6  }
0xab: {  	[dreg:$0x4] =	wrdreg $0xC0  }
0xac: {  	_ =	task [dreg:s8], $0x5FFFF  }
0xad: {  	[dreg:$0x1] =	wrdreg $0xFFFFFFFF  }
0xae: {  	[dreg:$0x0] =	wrdreg $0x60  }
0xaf: {  	[dreg:$0x2] =	wrdreg s2  }
0xb0: {  	[dreg:$0x3] =	wrdreg s24  }
0xb1: {  	[dreg:$0x4] =	wrdreg s18  }
0xb2: {  	[dreg:$0x5] =	wrdreg $0x9  }
0xb3: {  	_ =	task.clear_ibuf [dreg:s8], $0x6FFFF;
	_ =	strace $0x90000046  }
0xb4: {  	s29 =	simm.s32 $0x9;
	_ =	strace $0x80000048  }
0xb5: {  	_ =	swait.ge [sflag:s29], $0x1  }
0xb6: {  	[sflag:s29] =	ssyncadd.s32 $0xFFFFFFFF  }
0xb7: {  	_ =	strace $0x90000048  }
0xb8: {  	_ =	sfence  }
0xb9: {  	s30 =	sld [smem:$0x0];
	_ =	sdelay $0x2  }
0xba: {  	s31 =	sshll.u32 s1, $0xD;
	s1 =	sshrl.u32 s1, $0x2  }
0xbb: {  	s3 =	sand.u32 $0x4000, s31;
	s1 =	sadd.s32 s1, s30  }
0xbc: {  	s0 =	sor.u32 s3, s0;
	s1 =	sshll.u32 s1, $0x11  }
0xbd: {  	s0 =	sor.u32 s1, s0  }
0xbe: {  	s0 =	sadd.s32 $0x8F2B, s0  }
0xbf: {  	[sflag:s0] =	ssyncadd.remote.s32 $0x1  }
0xc0: {  	_ =	sfence.sel $0xFFFF  }
0xc1: {  	[dreg:$0x0] =	wrdreg $0xFFFFFFFF;
	(pc) =	sbr.abs _section_cstart, $3  }
0xc2: {  	[dreg:$0x1] =	wrdreg $0xFFFFFFFF  }
0xc3: {  	_ =	task.clear_ibuf [dreg:s8], $0x2FFFF;
	_ =	strace $0x9FFFFFFF  }
0xc4: {  	(tm) =	ssettm $0x7FFFFFFF  }
0xc5: {  	_ =	shalt  }
tec
execute0_lowered:
.L_overlay_start_1:
0x0: {  	(tag) =	ssettag $0x1  }
0x1: {  	s4 =	rddreg [dreg:$0x0]  }
0x2: {  	s3 =	rddreg [dreg:$0x1]  }
0x3: {  	s5 =	rddreg [dreg:$0x2]  }
0x4: {  	s0 =	rddreg [dreg:$0x3];
	s2 =	simm.s32 $0x0;
	s6 =	srdreg.scid  }
0x5: {  	s1 =	stileid.u32;
	s10 =	simm.s32 $0x10400;
	s11 =	simm.s32 $0x0  }
0x6: {  	[smem:$0x7FF] =	sst s2;
	s6 =	sand.u32 $0x1, s6;
	s7 =	sshll.u32 s1, $0xA  }
0x7: {  	s3 =	sadd.s32 $0x400, s3;
	s8 =	sshll.u32 s6, $0x9;
	s6 =	ssub.s32 $0x2, s6  }
0x8: {  	_ =	strace $0x80000047;
	s7 =	sor.u32 s8, s7;
	s31 =	sshrl.u32 s6, $0x1  }
0x9: {  	s8 =	simm.s32 $0x1;
	s9 =	sshrl.u32 s7, $0x3;
	s7 =	sshll.u32 s7, $0x3  }
0xa: {  	s6 =	ssub.s32 s6, s31;
	s4 =	sadd.s32 s4, s9;
	s5 =	sadd.s32 s5, s7  }
0xb: {  	s6 =	smax.u32 s6, $0x1;
	s7 =	simm.s32 $0x3;
	s9 =	simm.s32 $0x2  }
.LBB2_1:
0xc: {  	[tilespmem:s2], [sflag:$0x3] =	stream.linear.gather [hbm4b:s4+s2], $0x200, $0x38;
	[tilespmem:$0x18400] =	vst v63  }
0xd: {  	_ =	swait.ge [sflag:s7], $0x200  }
0xe: {  	[sflag:s7] =	ssyncset.done $0x0  }
0xf: {  	s12 =	simm.s32 $0x0;
	[sflag:s7] =	ssyncadd.s32 $0xFFFFFE00  }
0x10: {  	s13 =	simm.s32 $0x40;
	v0 =	vld [tilespmem:s12+$0x0]  }
.LBB2_2:
0x11: {  	p0 =	sne.s32 s13, $0x7C0  }
.Ltmp0:
0x12: {  	_ = 	snop;
	(pc) =	sbr.rel @p0 .LBB2_2-.Ltmp0, $3  }
0x13: {  	_ =	sdelay $0x1  }
0x14: {  	s14 =	sshra.s32 s13, $0x2;
	s13 =	sadd.s32 $0x40, s13;
	v1 =	vshrl.u32 v0, $0x3  }
0x15: {  	v0 =	vld [tilespmem:s14+$0x0];
	[tilespmem:s12+$0x200] =	vst v1;
	s12 =	smov.u32 s14  }
0x16: {  	_ =	sdelay $0x3  }
0x17: {  	v0 =	vshrl.u32 v0, $0x3  }
0x18: {  	p0 =	por $0x1, $0x1;
	s13 =	simm.s32 $0x0;
	[tilespmem:s12+$0x200] =	vst v0;
	s12 =	simm.s32 $0x0  }
.LBB2_4:
0x19: {  	s14 =	sshll.u32 s13, $0x4  }
0x1a: {  	s14 =	sand.u32 $0x3FFFFFF0, s14  }
0x1b: {  	v0 =	vld [tilespmem:s14+$0x200];
	_ =	sdelay $0x4  }
0x1c: {  	v0 =	vshll.u32 v0, $0x7  }
0x1d: {  	(v2sf) =	vpush v0, $0x0;
	_ =	sdelay $0x1  }
0x1e: {  	(v2sf) =	vpush v0, $0x1;
	_ =	sdelay $0x1  }
0x1f: {  	(v2sf) =	vpush v0, $0x2;
	_ =	sdelay $0x4  }
0x20: {  	(v2sf) =	vpush v0, $0x3;
	_ =	sdelay $0x5  }
0x21: {  	s16 =	spop (v2sf);
	(v2sf) =	vpush v0, $0x4;
	_ =	sdelay $0x1  }
0x22: {  	s17 =	spop (v2sf);
	(v2sf) =	vpush v0, $0x5;
	_ =	sdelay $0x1  }
0x23: {  	s19 =	spop (v2sf);
	(v2sf) =	vpush v0, $0x6  }
0x24: {  	s15 =	sshll.u32 s13, $0xE  }
0x25: {  	s13 =	sand.u32 $0x3FFFC000, s15;
	s14 =	sand.u32 $0x1FFFFF80, s16  }
0x26: {  	s15 =	sor.u32 $0x400, s13;
	s14 =	sadd.s32 s3, s14  }
0x27: {  	[tilespmem:s15], [sflag:$0x1] =	stream.linear.gather [hbm4b:s14+s12], $0x400, $0x38;
	[tilespmem:$0x18400] =	vst v63  }
0x28: {  	s14 =	sand.u32 $0x1FFFFF80, s17;
	s21 =	spop (v2sf);
	(v2sf) =	vpush v0, $0x7  }
0x29: {  	s18 =	sor.u32 $0x800, s13;
	s14 =	sadd.s32 s3, s14  }
0x2a: {  	[tilespmem:s18], [sflag:$0x1] =	stream.linear.gather [hbm4b:s14+s12], $0x400, $0x38;
	[tilespmem:$0x18400] =	vst v63  }
0x2b: {  	s14 =	sand.u32 $0x1FFFFF80, s19  }
0x2c: {  	s20 =	sor.u32 $0xC00, s13;
	s14 =	sadd.s32 s3, s14  }
0x2d: {  	[tilespmem:s20], [sflag:$0x1] =	stream.linear.gather [hbm4b:s14+s12], $0x400, $0x38;
	[tilespmem:$0x18400] =	vst v63  }
0x2e: {  	s23 =	spop (v2sf);
	(v2sf) =	vpush v0, $0x8  }
0x2f: {  	s14 =	sand.u32 $0x1FFFFF80, s21  }
0x30: {  	s22 =	sor.u32 $0x1000, s13;
	s14 =	sadd.s32 s3, s14;
	s25 =	spop (v2sf);
	(v2sf) =	vpush v0, $0x9  }
0x31: {  	[tilespmem:s22], [sflag:$0x1] =	stream.linear.gather [hbm4b:s14+s12], $0x400, $0x38;
	[tilespmem:$0x18400] =	vst v63  }
0x32: {  	s28 =	spop (v2sf);
	(v2sf) =	vpush v0, $0xA  }
0x33: {  	s14 =	sand.u32 $0x1FFFFF80, s23  }
0x34: {  	s24 =	sor.u32 $0x1400, s13;
	s14 =	sadd.s32 s3, s14  }
0x35: {  	[tilespmem:s24], [sflag:$0x1] =	stream.linear.gather [hbm4b:s14+s12], $0x400, $0x38;
	[tilespmem:$0x18400] =	vst v63  }
0x36: {  	s14 =	sand.u32 $0x1FFFFF80, s25  }
0x37: {  	s26 =	sor.u32 $0x1800, s13;
	s30 =	spop (v2sf);
	s14 =	sadd.s32 s3, s14  }
0x38: {  	(v2sf) =	vpush v0, $0xB;
	[tilespmem:s26], [sflag:$0x1] =	stream.linear.gather [hbm4b:s14+s12], $0x400, $0x38;
	[tilespmem:$0x18400] =	vst v63  }
0x39: {  	s14 =	sand.u32 $0x1FFFFF80, s28  }
0x3a: {  	s29 =	sor.u32 $0x1C00, s13;
	s14 =	sadd.s32 s3, s14  }
0x3b: {  	[tilespmem:s29], [sflag:$0x1] =	stream.linear.gather [hbm4b:s14+s12], $0x400, $0x38;
	[tilespmem:$0x18400] =	vst v63  }
0x3c: {  	s14 =	sand.u32 $0x1FFFFF80, s30  }
0x3d: {  	s31 =	sor.u32 $0x2000, s13;
	s14 =	sadd.s32 s3, s14;
	s16 =	spop (v2sf);
	(v2sf) =	vpush v0, $0xC  }
0x3e: {  	[tilespmem:s31], [sflag:$0x1] =	stream.linear.gather [hbm4b:s14+s12], $0x400, $0x38;
	[tilespmem:$0x18400] =	vst v63  }
0x3f: {  	s18 =	spop (v2sf);
	(v2sf) =	vpush v0, $0xD  }
0x40: {  	s14 =	sand.u32 $0x1FFFFF80, s16  }
0x41: {  	s17 =	sor.u32 $0x2400, s13;
	s14 =	sadd.s32 s3, s14;
	s20 =	spop (v2sf)  }
0x42: {  	(v2sf) =	vpush v0, $0xE;
	[tilespmem:s17], [sflag:$0x1] =	stream.linear.gather [hbm4b:s14+s12], $0x400, $0x38;
	[tilespmem:$0x18400] =	vst v63  }
0x43: {  	s14 =	sand.u32 $0x1FFFFF80, s18  }
0x44: {  	s19 =	sor.u32 $0x2800, s13;
	s14 =	sadd.s32 s3, s14  }
0x45: {  	[tilespmem:s19], [sflag:$0x1] =	stream.linear.gather [hbm4b:s14+s12], $0x400, $0x38;
	[tilespmem:$0x18400] =	vst v63  }
0x46: {  	s14 =	sand.u32 $0x1FFFFF80, s20  }
0x47: {  	s21 =	sor.u32 $0x2C00, s13;
	s22 =	spop (v2sf);
	(v2sf) =	vpush v0, $0xF;
	s14 =	sadd.s32 s3, s14  }
0x48: {  	[tilespmem:s21], [sflag:$0x1] =	stream.linear.gather [hbm4b:s14+s12], $0x400, $0x38;
	[tilespmem:$0x18400] =	vst v63  }
0x49: {  	s14 =	sand.u32 $0x1FFFFF80, s22  }
0x4a: {  	s23 =	sor.u32 $0x3000, s13;
	s14 =	sadd.s32 s3, s14  }
0x4b: {  	[tilespmem:s23], [sflag:$0x1] =	stream.linear.gather [hbm4b:s14+s12], $0x400, $0x38;
	[tilespmem:$0x18400] =	vst v63  }
0x4c: {  	s24 =	spop (v2sf)  }
0x4d: {  	s14 =	sand.u32 $0x1FFFFF80, s24  }
0x4e: {  	s25 =	sor.u32 $0x3400, s13;
	s26 =	spop (v2sf);
	s14 =	sadd.s32 s3, s14  }
0x4f: {  	[tilespmem:s25], [sflag:$0x1] =	stream.linear.gather [hbm4b:s14+s12], $0x400, $0x38;
	[tilespmem:$0x18400] =	vst v63  }
0x50: {  	s14 =	sand.u32 $0x1FFFFF80, s26  }
0x51: {  	s28 =	sor.u32 $0x3800, s13;
	s29 =	spop (v2sf);
	s14 =	sadd.s32 s3, s14  }
0x52: {  	[tilespmem:s28], [sflag:$0x1] =	stream.linear.gather [hbm4b:s14+s12], $0x400, $0x38;
	[tilespmem:$0x18400] =	vst v63  }
0x53: {  	s14 =	sand.u32 $0x1FFFFF80, s29  }
0x54: {  	p1 =	por p0, p0;
	s30 =	sor.u32 $0x3C00, s13;
	s14 =	sadd.s32 s3, s14  }
0x55: {  	[tilespmem:s30], [sflag:$0x1] =	stream.linear.gather [hbm4b:s14+s12], $0x400, $0x38;
	[tilespmem:$0x18400] =	vst v63  }
.Ltmp1:
0x56: {  	s31 =	spop (v2sf);
	(pc) =	sbr.rel @p1 .LBB2_4-.Ltmp1, $4  }
0x57: {  	s14 =	sand.u32 $0x1FFFFF80, s31  }
0x58: {  	s13 =	sadd.s32 $0x4000, s13;
	s14 =	sadd.s32 s3, s14  }
0x59: {  	[tilespmem:s13], [sflag:$0x1] =	stream.linear.gather [hbm4b:s14+s12], $0x400, $0x38;
	[tilespmem:$0x18400] =	vst v63  }
0x5a: {  	p0 =	por $0x0, $0x0;
	s13 =	simm.s32 $0x1  }
.LBB2_5:
0x5b: {  	s14 =	sshllo.u32 s12, $0x1  }
0x5c: {  	s13 =	sshll.u32 s14, $0x7  }
0x5d: {  	s13 =	sshrl.u32 s13, $0x2  }
0x5e: {  	s16 =	sadd.s32 $0x200, s13  }
0x5f: {  	v0 =	vmov s16;
	_ =	sdelay $0x1  }
0x60: {  	s15 =	simm.s32 $0x0;
	p0 =	por $0x1, $0x1  }
.LBB2_6:
0x61: {  	s16 =	sshll.u32 s15, $0x4  }
0x62: {  	s16 =	sand.u32 $0x3FFFFFF0, s16  }
0x63: {  	v1 =	vld.idx.msk [tilespmem:v0+s16+$0x0 ss:$0x1], $0xffff;
	_ =	sdelay $0x4  }
0x64: {  	v1 =	vshll.u32 v1, $0x7  }
0x65: {  	(v2sf) =	vpush v1, $0x0;
	_ =	sdelay $0x1  }
0x66: {  	(v2sf) =	vpush v1, $0x1;
	_ =	sdelay $0x2  }
0x67: {  	(v2sf) =	vpush v1, $0x2;
	_ =	sdelay $0x3  }
0x68: {  	(v2sf) =	vpush v1, $0x3;
	_ =	sdelay $0x5  }
0x69: {  	s29 =	spop (v2sf);
	(v2sf) =	vpush v1, $0x4  }
0x6a: {  	s28 =	sshll.u32 s15, $0xE  }
0x6b: {  	s15 =	sand.u32 $0x3FFFC000, s28;
	s16 =	sand.u32 $0x1FFFFF80, s29;
	s30 =	spop (v2sf);
	(v2sf) =	vpush v1, $0x5  }
0x6c: {  	s17 =	sadd.s32 $0x8400, s15;
	s16 =	sadd.s32 s3, s16  }
0x6d: {  	[tilespmem:s17], [sflag:$0x2] =	stream.linear.gather [hbm4b:s16+s2], $0x400, $0x38;
	[tilespmem:$0x18400] =	vst v63  }
0x6e: {  	s17 =	spop (v2sf);
	(v2sf) =	vpush v1, $0x6;
	_ =	sdelay $0x3  }
0x6f: {  	s19 =	spop (v2sf);
	(v2sf) =	vpush v1, $0x7;
	_ =	sdelay $0x1  }
0x70: {  	s16 =	sand.u32 $0x1FFFFF80, s30  }
0x71: {  	s31 =	sadd.s32 $0x8800, s15;
	s16 =	sadd.s32 s3, s16  }
0x72: {  	[tilespmem:s31], [sflag:$0x2] =	stream.linear.gather [hbm4b:s16+s2], $0x400, $0x38;
	[tilespmem:$0x18400] =	vst v63  }
0x73: {  	s16 =	sand.u32 $0x1FFFFF80, s17  }
0x74: {  	s18 =	sadd.s32 $0x8C00, s15;
	s16 =	sadd.s32 s3, s16;
	s21 =	spop (v2sf);
	(v2sf) =	vpush v1, $0x8  }
0x75: {  	[tilespmem:s18], [sflag:$0x2] =	stream.linear.gather [hbm4b:s16+s2], $0x400, $0x38;
	[tilespmem:$0x18400] =	vst v63  }
0x76: {  	s16 =	sand.u32 $0x1FFFFF80, s19;
	s23 =	spop (v2sf);
	(v2sf) =	vpush v1, $0x9  }
0x77: {  	s20 =	sadd.s32 $0x9000, s15;
	s16 =	sadd.s32 s3, s16  }
0x78: {  	[tilespmem:s20], [sflag:$0x2] =	stream.linear.gather [hbm4b:s16+s2], $0x400, $0x38;
	[tilespmem:$0x18400] =	vst v63  }
0x79: {  	s16 =	sand.u32 $0x1FFFFF80, s21;
	s25 =	spop (v2sf);
	(v2sf) =	vpush v1, $0xA  }
0x7a: {  	s22 =	sadd.s32 $0x9400, s15;
	s16 =	sadd.s32 s3, s16  }
0x7b: {  	[tilespmem:s22], [sflag:$0x2] =	stream.linear.gather [hbm4b:s16+s2], $0x400, $0x38;
	[tilespmem:$0x18400] =	vst v63  }
0x7c: {  	s16 =	sand.u32 $0x1FFFFF80, s23  }
0x7d: {  	s24 =	sadd.s32 $0x9800, s15;
	s16 =	sadd.s32 s3, s16;
	s28 =	spop (v2sf)  }
0x7e: {  	(v2sf) =	vpush v1, $0xB;
	[tilespmem:s24], [sflag:$0x2] =	stream.linear.gather [hbm4b:s16+s2], $0x400, $0x38;
	[tilespmem:$0x18400] =	vst v63  }
0x7f: {  	s16 =	sand.u32 $0x1FFFFF80, s25  }
0x80: {  	s26 =	sadd.s32 $0x9C00, s15;
	s16 =	sadd.s32 s3, s16  }
0x81: {  	[tilespmem:s26], [sflag:$0x2] =	stream.linear.gather [hbm4b:s16+s2], $0x400, $0x38;
	[tilespmem:$0x18400] =	vst v63  }
0x82: {  	s16 =	sand.u32 $0x1FFFFF80, s28  }
0x83: {  	s29 =	sadd.s32 $0xA000, s15;
	s16 =	sadd.s32 s3, s16;
	s30 =	spop (v2sf);
	(v2sf) =	vpush v1, $0xC  }
0x84: {  	[tilespmem:s29], [sflag:$0x2] =	stream.linear.gather [hbm4b:s16+s2], $0x400, $0x38;
	[tilespmem:$0x18400] =	vst v63  }
0x85: {  	s16 =	sand.u32 $0x1FFFFF80, s30;
	s18 =	spop (v2sf);
	(v2sf) =	vpush v1, $0xD  }
0x86: {  	s31 =	sadd.s32 $0xA400, s15;
	s16 =	sadd.s32 s3, s16  }
0x87: {  	[tilespmem:s31], [sflag:$0x2] =	stream.linear.gather [hbm4b:s16+s2], $0x400, $0x38;
	[tilespmem:$0x18400] =	vst v63  }
0x88: {  	s20 =	spop (v2sf);
	(v2sf) =	vpush v1, $0xE  }
0x89: {  	s16 =	sand.u32 $0x1FFFFF80, s18  }
0x8a: {  	s19 =	sadd.s32 $0xA800, s15;
	s16 =	sadd.s32 s3, s16  }
0x8b: {  	[tilespmem:s19], [sflag:$0x2] =	stream.linear.gather [hbm4b:s16+s2], $0x400, $0x38;
	[tilespmem:$0x18400] =	vst v63  }
0x8c: {  	s16 =	sand.u32 $0x1FFFFF80, s20  }
0x8d: {  	s21 =	sadd.s32 $0xAC00, s15;
	s22 =	spop (v2sf);
	(v2sf) =	vpush v1, $0xF;
	s16 =	sadd.s32 s3, s16  }
0x8e: {  	[tilespmem:s21], [sflag:$0x2] =	stream.linear.gather [hbm4b:s16+s2], $0x400, $0x38;
	[tilespmem:$0x18400] =	vst v63  }
0x8f: {  	s16 =	sand.u32 $0x1FFFFF80, s22  }
0x90: {  	s23 =	sadd.s32 $0xB000, s15;
	s16 =	sadd.s32 s3, s16  }
0x91: {  	[tilespmem:s23], [sflag:$0x2] =	stream.linear.gather [hbm4b:s16+s2], $0x400, $0x38;
	[tilespmem:$0x18400] =	vst v63  }
0x92: {  	s24 =	spop (v2sf)  }
0x93: {  	s16 =	sand.u32 $0x1FFFFF80, s24  }
0x94: {  	s25 =	sadd.s32 $0xB400, s15;
	s26 =	spop (v2sf);
	s16 =	sadd.s32 s3, s16  }
0x95: {  	[tilespmem:s25], [sflag:$0x2] =	stream.linear.gather [hbm4b:s16+s2], $0x400, $0x38;
	[tilespmem:$0x18400] =	vst v63  }
0x96: {  	s16 =	sand.u32 $0x1FFFFF80, s26  }
0x97: {  	s28 =	sadd.s32 $0xB800, s15;
	s29 =	spop (v2sf);
	s16 =	sadd.s32 s3, s16  }
0x98: {  	[tilespmem:s28], [sflag:$0x2] =	stream.linear.gather [hbm4b:s16+s2], $0x400, $0x38;
	[tilespmem:$0x18400] =	vst v63  }
0x99: {  	s16 =	sand.u32 $0x1FFFFF80, s29  }
0x9a: {  	p1 =	por p0, p0;
	s30 =	sadd.s32 $0xBC00, s15;
	s16 =	sadd.s32 s3, s16  }
0x9b: {  	[tilespmem:s30], [sflag:$0x2] =	stream.linear.gather [hbm4b:s16+s2], $0x400, $0x38;
	[tilespmem:$0x18400] =	vst v63  }
.Ltmp2:
0x9c: {  	s31 =	spop (v2sf);
	(pc) =	sbr.rel @p1 .LBB2_6-.Ltmp2, $4  }
0x9d: {  	s16 =	sand.u32 $0x1FFFFF80, s31  }
0x9e: {  	s15 =	sadd.s32 $0xC000, s15;
	s16 =	sadd.s32 s3, s16  }
0x9f: {  	[tilespmem:s15], [sflag:$0x2] =	stream.linear.gather [hbm4b:s16+s2], $0x400, $0x38;
	[tilespmem:$0x18400] =	vst v63  }
0xa0: {  	p0 =	por $0x0, $0x0;
	s15 =	simm.s32 $0x1  }
0xa1: {  	s15 =	sshll.u32 s12, $0xC;
	s16 =	sshll.u32 s12, $0x8  }
0xa2: {  	s17 =	sand.u32 $0x3FFFF000, s15;
	s15 =	sshrl.u32 s16, $0x2  }
0xa3: {  	_ =	swait.ge [sflag:s8], $0x8000;
	v0 =	vmov s15  }
0xa4: {  	[sflag:s8] =	ssyncset.done $0x0;
	s17 =	sadd.s32 $0x10400, s17  }
0xa5: {  	p0 =	por $0x1, $0x1;
	s16 =	simm.s32 $0x0;
	[sflag:s8] =	ssyncadd.s32 $0xFFFF8000;
	v1 =	vmov s17  }
.LBB2_8:
0xa6: {  	s17 =	sshll.u32 s16, $0x4  }
0xa7: {  	s17 =	sand.u32 $0x3FFFFFF0, s17  }
0xa8: {  	v2 =	vld.idx.msk [tilespmem:v0+s17+$0x0 ss:$0x1], $0xffff;
	_ =	sdelay $0x4  }
0xa9: {  	v2 =	vand.u32 $0x7, v2  }
0xaa: {  	v2 =	vshll.u32 v2, $0x7  }
0xab: {  	(v2sf) =	vpush v2, $0x1  }
0xac: {  	(v2sf) =	vpush v2, $0x0;
	_ =	sdelay $0xc  }
0xad: {  	s26 =	sshll.u32 s16, $0xE  }
0xae: {  	s17 =	sand.u32 $0x3FFFC000, s26;
	s18 =	spop (v2sf)  }
0xaf: {  	s17 =	sor.u32 $0x400, s17;
	s19 =	spop (v2sf)  }
0xb0: {  	s19 =	sor.u32 s19, s17  }
0xb1: {  	v3 =	vld [tilespmem:s19+$0x0]  }
0xb2: {  	v4 =	vld [tilespmem:s19+$0x10]  }
0xb3: {  	v5 =	vld [tilespmem:s19+$0x20]  }
0xb4: {  	v6 =	vld [tilespmem:s19+$0x30];
	_ =	sdelay $0x1  }
0xb5: {  	v3 =	vmul.f32 $1.442695020e+00, v3  }
0xb6: {  	v4 =	vmul.f32 $1.442695020e+00, v4  }
0xb7: {  	(erf) = vpow2.f32 v3;
	v3 =	vmul.f32 $1.442695020e+00, v5  }
0xb8: {  	v42 =	vmul.f32 $1.442695020e+00, v6;
	(erf) = vpow2.f32 v4  }
0xb9: {  	(erf) = vpow2.f32 v3  }
0xba: {  	(erf) = vpow2.f32 v42;
	_ =	sdelay $0x5  }
0xbb: {  	v3 =	vpop (erf)  }
0xbc: {  	v43 =	vpop (erf)  }
0xbd: {  	v44 =	vpop (erf)  }
0xbe: {  	v45 =	vpop (erf)  }
0xbf: {  	v7 =	vadd.f32 v43, v3;
	v8 =	vadd.f32 v45, v44;
	_ =	sdelay $0x1  }
0xc0: {  	v7 =	vadd.f32 v8, v7;
	_ =	sdelay $0x1  }
0xc1: {  	(xrf2) =	vadd.scan.msk.f32 $0xffff, v7;
	_ =	sdelay $0x9  }
0xc2: {  	v7, _, _ =	vpop (xrf2)  }
0xc3: {  	v7 =	vbroadcast v7, $0xF;
	_ =	sdelay $0x1  }
0xc4: {  	(erf) = vrcp.f32 v7;
	_ =	sdelay $0x8  }
0xc5: {  	v7 =	vpop (erf)  }
0xc6: {  	s28 =	sshll.u32 s16, $0xA;
	v3 =	vmul.f32 v7, v3  }
0xc7: {  	s16 =	sand.u32 $0x3FFFFC00, s28;
	v4 =	vmul.f32 v7, v43  }
0xc8: {  	[tilespmem:v1+s16+$0x0 ss:$0x1] =	vst.idx.msk $0xffff, v3;
	v3 =	vmul.f32 v7, v44  }
0xc9: {  	v46 =	vmul.f32 v7, v45;
	[tilespmem:v1+s16+$0x10 ss:$0x1] =	vst.idx.msk $0xffff, v4  }
0xca: {  	[tilespmem:v1+s16+$0x20 ss:$0x1] =	vst.idx.msk $0xffff, v3  }
0xcb: {  	s18 =	sor.u32 s18, s17;
	[tilespmem:v1+s16+$0x30 ss:$0x1] =	vst.idx.msk $0xffff, v46  }
0xcc: {  	v3 =	vld [tilespmem:s18+$0x400]  }
0xcd: {  	v4 =	vld [tilespmem:s18+$0x410]  }
0xce: {  	v47 =	vld [tilespmem:s18+$0x420]  }
0xcf: {  	v48 =	vld [tilespmem:s18+$0x430];
	_ =	sdelay $0x1  }
0xd0: {  	v3 =	vmul.f32 $1.442695020e+00, v3  }
0xd1: {  	v4 =	vmul.f32 $1.442695020e+00, v4  }
0xd2: {  	(erf) = vpow2.f32 v3;
	v3 =	vmul.f32 $1.442695020e+00, v47  }
0xd3: {  	v49 =	vmul.f32 $1.442695020e+00, v48;
	(erf) = vpow2.f32 v4  }
0xd4: {  	(erf) = vpow2.f32 v3  }
0xd5: {  	(erf) = vpow2.f32 v49;
	_ =	sdelay $0x5  }
0xd6: {  	v3 =	vpop (erf)  }
0xd7: {  	v50 =	vpop (erf)  }
0xd8: {  	v51 =	vpop (erf)  }
0xd9: {  	v52 =	vpop (erf)  }
0xda: {  	v53 =	vadd.f32 v50, v3;
	v54 =	vadd.f32 v52, v51;
	_ =	sdelay $0x1  }
0xdb: {  	v7 =	vadd.f32 v54, v53;
	_ =	sdelay $0x1  }
0xdc: {  	(xrf2) =	vadd.scan.msk.f32 $0xffff, v7;
	_ =	sdelay $0x9  }
0xdd: {  	v7, _, _ =	vpop (xrf2)  }
0xde: {  	(v2sf) =	vpush v2, $0x3;
	v7 =	vbroadcast v7, $0xF  }
0xdf: {  	(v2sf) =	vpush v2, $0x2  }
0xe0: {  	(erf) = vrcp.f32 v7;
	_ =	sdelay $0x8  }
0xe1: {  	v7 =	vpop (erf)  }
0xe2: {  	v3 =	vmul.f32 v7, v3  }
0xe3: {  	v4 =	vmul.f32 v7, v50  }
0xe4: {  	[tilespmem:v1+s16+$0x40 ss:$0x1] =	vst.idx.msk $0xffff, v3;
	v3 =	vmul.f32 v7, v51  }
0xe5: {  	s29 =	spop (v2sf);
	v55 =	vmul.f32 v7, v52;
	[tilespmem:v1+s16+$0x50 ss:$0x1] =	vst.idx.msk $0xffff, v4  }
0xe6: {  	s30 =	spop (v2sf);
	[tilespmem:v1+s16+$0x60 ss:$0x1] =	vst.idx.msk $0xffff, v3  }
0xe7: {  	s19 =	sor.u32 s30, s17;
	[tilespmem:v1+s16+$0x70 ss:$0x1] =	vst.idx.msk $0xffff, v55  }
0xe8: {  	v3 =	vld [tilespmem:s19+$0x800]  }
0xe9: {  	v4 =	vld [tilespmem:s19+$0x810]  }
0xea: {  	v56 =	vld [tilespmem:s19+$0x820]  }
0xeb: {  	v57 =	vld [tilespmem:s19+$0x830];
	_ =	sdelay $0x1  }
0xec: {  	v3 =	vmul.f32 $1.442695020e+00, v3  }
0xed: {  	v4 =	vmul.f32 $1.442695020e+00, v4  }
0xee: {  	(erf) = vpow2.f32 v3;
	v3 =	vmul.f32 $1.442695020e+00, v56  }
0xef: {  	v58 =	vmul.f32 $1.442695020e+00, v57;
	(erf) = vpow2.f32 v4  }
0xf0: {  	(erf) = vpow2.f32 v3  }
0xf1: {  	(erf) = vpow2.f32 v58;
	_ =	sdelay $0x5  }
0xf2: {  	v3 =	vpop (erf)  }
0xf3: {  	v59 =	vpop (erf)  }
0xf4: {  	v60 =	vpop (erf)  }
0xf5: {  	v61 =	vpop (erf)  }
0xf6: {  	v62 =	vadd.f32 v59, v3;
	v63 =	vadd.f32 v61, v60;
	_ =	sdelay $0x1  }
0xf7: {  	v7 =	vadd.f32 v63, v62;
	_ =	sdelay $0x1  }
0xf8: {  	(xrf2) =	vadd.scan.msk.f32 $0xffff, v7;
	_ =	sdelay $0x9  }
0xf9: {  	v7, _, _ =	vpop (xrf2)  }
0xfa: {  	v7 =	vbroadcast v7, $0xF;
	_ =	sdelay $0x1  }
0xfb: {  	(erf) = vrcp.f32 v7;
	_ =	sdelay $0x8  }
0xfc: {  	v7 =	vpop (erf)  }
0xfd: {  	v3 =	vmul.f32 v7, v3  }
0xfe: {  	v4 =	vmul.f32 v7, v59  }
0xff: {  	[tilespmem:v1+s16+$0x80 ss:$0x1] =	vst.idx.msk $0xffff, v3;
	v3 =	vmul.f32 v7, v60  }
0x100: {  	v10 =	vmul.f32 v7, v61;
	[tilespmem:v1+s16+$0x90 ss:$0x1] =	vst.idx.msk $0xffff, v4  }
0x101: {  	[tilespmem:v1+s16+$0xA0 ss:$0x1] =	vst.idx.msk $0xffff, v3  }
0x102: {  	s18 =	sor.u32 s29, s17;
	[tilespmem:v1+s16+$0xB0 ss:$0x1] =	vst.idx.msk $0xffff, v10  }
0x103: {  	v3 =	vld [tilespmem:s18+$0xC00]  }
0x104: {  	v4 =	vld [tilespmem:s18+$0xC10]  }
0x105: {  	v11 =	vld [tilespmem:s18+$0xC20]  }
0x106: {  	v12 =	vld [tilespmem:s18+$0xC30];
	_ =	sdelay $0x1  }
0x107: {  	v3 =	vmul.f32 $1.442695020e+00, v3  }
0x108: {  	v4 =	vmul.f32 $1.442695020e+00, v4  }
0x109: {  	(erf) = vpow2.f32 v3;
	v3 =	vmul.f32 $1.442695020e+00, v11  }
0x10a: {  	v13 =	vmul.f32 $1.442695020e+00, v12;
	(erf) = vpow2.f32 v4  }
0x10b: {  	(erf) = vpow2.f32 v3  }
0x10c: {  	(erf) = vpow2.f32 v13;
	_ =	sdelay $0x5  }
0x10d: {  	v3 =	vpop (erf)  }
0x10e: {  	v14 =	vpop (erf)  }
0x10f: {  	v15 =	vpop (erf)  }
0x110: {  	v16 =	vpop (erf)  }
0x111: {  	v17 =	vadd.f32 v14, v3;
	v18 =	vadd.f32 v16, v15;
	_ =	sdelay $0x1  }
0x112: {  	v7 =	vadd.f32 v18, v17;
	_ =	sdelay $0x1  }
0x113: {  	(xrf2) =	vadd.scan.msk.f32 $0xffff, v7;
	_ =	sdelay $0x9  }
0x114: {  	v7, _, _ =	vpop (xrf2)  }
0x115: {  	(v2sf) =	vpush v2, $0x5;
	v7 =	vbroadcast v7, $0xF  }
0x116: {  	(v2sf) =	vpush v2, $0x4  }
0x117: {  	(erf) = vrcp.f32 v7;
	_ =	sdelay $0x8  }
0x118: {  	v7 =	vpop (erf)  }
0x119: {  	v3 =	vmul.f32 v7, v3  }
0x11a: {  	v4 =	vmul.f32 v7, v14  }
0x11b: {  	[tilespmem:v1+s16+$0xC0 ss:$0x1] =	vst.idx.msk $0xffff, v3;
	v3 =	vmul.f32 v7, v15  }
0x11c: {  	s31 =	spop (v2sf);
	v19 =	vmul.f32 v7, v16;
	[tilespmem:v1+s16+$0xD0 ss:$0x1] =	vst.idx.msk $0xffff, v4  }
0x11d: {  	s20 =	spop (v2sf);
	[tilespmem:v1+s16+$0xE0 ss:$0x1] =	vst.idx.msk $0xffff, v3  }
0x11e: {  	s19 =	sor.u32 s20, s17;
	[tilespmem:v1+s16+$0xF0 ss:$0x1] =	vst.idx.msk $0xffff, v19  }
0x11f: {  	v3 =	vld [tilespmem:s19+$0x1000]  }
0x120: {  	v4 =	vld [tilespmem:s19+$0x1010]  }
0x121: {  	v20 =	vld [tilespmem:s19+$0x1020]  }
0x122: {  	v21 =	vld [tilespmem:s19+$0x1030];
	_ =	sdelay $0x1  }
0x123: {  	v3 =	vmul.f32 $1.442695020e+00, v3  }
0x124: {  	v4 =	vmul.f32 $1.442695020e+00, v4  }
0x125: {  	(erf) = vpow2.f32 v3;
	v3 =	vmul.f32 $1.442695020e+00, v20  }
0x126: {  	v22 =	vmul.f32 $1.442695020e+00, v21;
	(erf) = vpow2.f32 v4  }
0x127: {  	(erf) = vpow2.f32 v3  }
0x128: {  	(erf) = vpow2.f32 v22;
	_ =	sdelay $0x5  }
0x129: {  	v3 =	vpop (erf)  }
0x12a: {  	v23 =	vpop (erf)  }
0x12b: {  	v24 =	vpop (erf)  }
0x12c: {  	v25 =	vpop (erf)  }
0x12d: {  	v26 =	vadd.f32 v23, v3;
	v27 =	vadd.f32 v25, v24;
	_ =	sdelay $0x1  }
0x12e: {  	v7 =	vadd.f32 v27, v26;
	_ =	sdelay $0x1  }
0x12f: {  	(xrf2) =	vadd.scan.msk.f32 $0xffff, v7;
	_ =	sdelay $0x9  }
0x130: {  	v7, _, _ =	vpop (xrf2)  }
0x131: {  	v7 =	vbroadcast v7, $0xF;
	_ =	sdelay $0x1  }
0x132: {  	(erf) = vrcp.f32 v7;
	_ =	sdelay $0x8  }
0x133: {  	v7 =	vpop (erf)  }
0x134: {  	v3 =	vmul.f32 v7, v3  }
0x135: {  	v4 =	vmul.f32 v7, v23  }
0x136: {  	[tilespmem:v1+s16+$0x100 ss:$0x1] =	vst.idx.msk $0xffff, v3;
	v3 =	vmul.f32 v7, v24  }
0x137: {  	v28 =	vmul.f32 v7, v25;
	[tilespmem:v1+s16+$0x110 ss:$0x1] =	vst.idx.msk $0xffff, v4  }
0x138: {  	[tilespmem:v1+s16+$0x120 ss:$0x1] =	vst.idx.msk $0xffff, v3  }
0x139: {  	s18 =	sor.u32 s31, s17;
	[tilespmem:v1+s16+$0x130 ss:$0x1] =	vst.idx.msk $0xffff, v28  }
0x13a: {  	v3 =	vld [tilespmem:s18+$0x1400]  }
0x13b: {  	v4 =	vld [tilespmem:s18+$0x1410]  }
0x13c: {  	v29 =	vld [tilespmem:s18+$0x1420]  }
0x13d: {  	v30 =	vld [tilespmem:s18+$0x1430];
	_ =	sdelay $0x1  }
0x13e: {  	v3 =	vmul.f32 $1.442695020e+00, v3  }
0x13f: {  	v4 =	vmul.f32 $1.442695020e+00, v4  }
0x140: {  	(erf) = vpow2.f32 v3;
	v3 =	vmul.f32 $1.442695020e+00, v29  }
0x141: {  	v31 =	vmul.f32 $1.442695020e+00, v30;
	(erf) = vpow2.f32 v4  }
0x142: {  	(erf) = vpow2.f32 v3  }
0x143: {  	(erf) = vpow2.f32 v31;
	_ =	sdelay $0x5  }
0x144: {  	v3 =	vpop (erf)  }
0x145: {  	v32 =	vpop (erf)  }
0x146: {  	v33 =	vpop (erf)  }
0x147: {  	v34 =	vpop (erf)  }
0x148: {  	v35 =	vadd.f32 v32, v3;
	v36 =	vadd.f32 v34, v33;
	_ =	sdelay $0x1  }
0x149: {  	v7 =	vadd.f32 v36, v35;
	_ =	sdelay $0x1  }
0x14a: {  	(xrf2) =	vadd.scan.msk.f32 $0xffff, v7;
	_ =	sdelay $0x9  }
0x14b: {  	v7, _, _ =	vpop (xrf2)  }
0x14c: {  	(v2sf) =	vpush v2, $0x7;
	v7 =	vbroadcast v7, $0xF  }
0x14d: {  	(v2sf) =	vpush v2, $0x6  }
0x14e: {  	(erf) = vrcp.f32 v7;
	_ =	sdelay $0x8  }
0x14f: {  	v7 =	vpop (erf)  }
0x150: {  	v3 =	vmul.f32 v7, v3  }
0x151: {  	v4 =	vmul.f32 v7, v32  }
0x152: {  	[tilespmem:v1+s16+$0x140 ss:$0x1] =	vst.idx.msk $0xffff, v3;
	v3 =	vmul.f32 v7, v33  }
0x153: {  	s21 =	spop (v2sf);
	v37 =	vmul.f32 v7, v34;
	[tilespmem:v1+s16+$0x150 ss:$0x1] =	vst.idx.msk $0xffff, v4  }
0x154: {  	s22 =	spop (v2sf);
	[tilespmem:v1+s16+$0x160 ss:$0x1] =	vst.idx.msk $0xffff, v3  }
0x155: {  	s19 =	sor.u32 s22, s17;
	[tilespmem:v1+s16+$0x170 ss:$0x1] =	vst.idx.msk $0xffff, v37  }
0x156: {  	v3 =	vld [tilespmem:s19+$0x1800]  }
0x157: {  	v4 =	vld [tilespmem:s19+$0x1810]  }
0x158: {  	v38 =	vld [tilespmem:s19+$0x1820]  }
0x159: {  	v39 =	vld [tilespmem:s19+$0x1830];
	_ =	sdelay $0x1  }
0x15a: {  	v3 =	vmul.f32 $1.442695020e+00, v3  }
0x15b: {  	v4 =	vmul.f32 $1.442695020e+00, v4  }
0x15c: {  	(erf) = vpow2.f32 v3;
	v3 =	vmul.f32 $1.442695020e+00, v38  }
0x15d: {  	v40 =	vmul.f32 $1.442695020e+00, v39;
	(erf) = vpow2.f32 v4  }
0x15e: {  	(erf) = vpow2.f32 v3  }
0x15f: {  	(erf) = vpow2.f32 v40;
	_ =	sdelay $0x5  }
0x160: {  	v3 =	vpop (erf)  }
0x161: {  	v41 =	vpop (erf)  }
0x162: {  	v42 =	vpop (erf)  }
0x163: {  	v43 =	vpop (erf)  }
0x164: {  	v44 =	vadd.f32 v41, v3;
	v45 =	vadd.f32 v43, v42;
	_ =	sdelay $0x1  }
0x165: {  	v7 =	vadd.f32 v45, v44;
	_ =	sdelay $0x1  }
0x166: {  	(xrf2) =	vadd.scan.msk.f32 $0xffff, v7;
	_ =	sdelay $0x9  }
0x167: {  	v7, _, _ =	vpop (xrf2)  }
0x168: {  	v7 =	vbroadcast v7, $0xF;
	_ =	sdelay $0x1  }
0x169: {  	(erf) = vrcp.f32 v7;
	_ =	sdelay $0x8  }
0x16a: {  	v7 =	vpop (erf)  }
0x16b: {  	v3 =	vmul.f32 v7, v3  }
0x16c: {  	v4 =	vmul.f32 v7, v41  }
0x16d: {  	[tilespmem:v1+s16+$0x180 ss:$0x1] =	vst.idx.msk $0xffff, v3;
	v3 =	vmul.f32 v7, v42  }
0x16e: {  	v46 =	vmul.f32 v7, v43;
	[tilespmem:v1+s16+$0x190 ss:$0x1] =	vst.idx.msk $0xffff, v4  }
0x16f: {  	[tilespmem:v1+s16+$0x1A0 ss:$0x1] =	vst.idx.msk $0xffff, v3  }
0x170: {  	s18 =	sor.u32 s21, s17;
	[tilespmem:v1+s16+$0x1B0 ss:$0x1] =	vst.idx.msk $0xffff, v46  }
0x171: {  	v3 =	vld [tilespmem:s18+$0x1C00]  }
0x172: {  	v4 =	vld [tilespmem:s18+$0x1C10]  }
0x173: {  	v47 =	vld [tilespmem:s18+$0x1C20]  }
0x174: {  	v48 =	vld [tilespmem:s18+$0x1C30];
	_ =	sdelay $0x1  }
0x175: {  	v3 =	vmul.f32 $1.442695020e+00, v3  }
0x176: {  	v4 =	vmul.f32 $1.442695020e+00, v4  }
0x177: {  	(erf) = vpow2.f32 v3;
	v3 =	vmul.f32 $1.442695020e+00, v47  }
0x178: {  	v49 =	vmul.f32 $1.442695020e+00, v48;
	(erf) = vpow2.f32 v4  }
0x179: {  	(erf) = vpow2.f32 v3  }
0x17a: {  	(erf) = vpow2.f32 v49;
	_ =	sdelay $0x5  }
0x17b: {  	v3 =	vpop (erf)  }
0x17c: {  	v50 =	vpop (erf)  }
0x17d: {  	v51 =	vpop (erf)  }
0x17e: {  	v52 =	vpop (erf)  }
0x17f: {  	v53 =	vadd.f32 v50, v3;
	v54 =	vadd.f32 v52, v51;
	_ =	sdelay $0x1  }
0x180: {  	v7 =	vadd.f32 v54, v53;
	_ =	sdelay $0x1  }
0x181: {  	(xrf2) =	vadd.scan.msk.f32 $0xffff, v7;
	_ =	sdelay $0x9  }
0x182: {  	v7, _, _ =	vpop (xrf2)  }
0x183: {  	(v2sf) =	vpush v2, $0x9;
	v7 =	vbroadcast v7, $0xF  }
0x184: {  	(v2sf) =	vpush v2, $0x8  }
0x185: {  	(erf) = vrcp.f32 v7;
	_ =	sdelay $0x8  }
0x186: {  	v7 =	vpop (erf)  }
0x187: {  	v3 =	vmul.f32 v7, v3  }
0x188: {  	v4 =	vmul.f32 v7, v50  }
0x189: {  	[tilespmem:v1+s16+$0x1C0 ss:$0x1] =	vst.idx.msk $0xffff, v3;
	v3 =	vmul.f32 v7, v51  }
0x18a: {  	s23 =	spop (v2sf);
	v55 =	vmul.f32 v7, v52;
	[tilespmem:v1+s16+$0x1D0 ss:$0x1] =	vst.idx.msk $0xffff, v4  }
0x18b: {  	s24 =	spop (v2sf);
	[tilespmem:v1+s16+$0x1E0 ss:$0x1] =	vst.idx.msk $0xffff, v3  }
0x18c: {  	s19 =	sor.u32 s24, s17;
	[tilespmem:v1+s16+$0x1F0 ss:$0x1] =	vst.idx.msk $0xffff, v55  }
0x18d: {  	v3 =	vld [tilespmem:s19+$0x2000]  }
0x18e: {  	v4 =	vld [tilespmem:s19+$0x2010]  }
0x18f: {  	v56 =	vld [tilespmem:s19+$0x2020]  }
0x190: {  	v57 =	vld [tilespmem:s19+$0x2030];
	_ =	sdelay $0x1  }
0x191: {  	v3 =	vmul.f32 $1.442695020e+00, v3  }
0x192: {  	v4 =	vmul.f32 $1.442695020e+00, v4  }
0x193: {  	(erf) = vpow2.f32 v3;
	v3 =	vmul.f32 $1.442695020e+00, v56  }
0x194: {  	v58 =	vmul.f32 $1.442695020e+00, v57;
	(erf) = vpow2.f32 v4  }
0x195: {  	(erf) = vpow2.f32 v3  }
0x196: {  	(erf) = vpow2.f32 v58;
	_ =	sdelay $0x5  }
0x197: {  	v3 =	vpop (erf)  }
0x198: {  	v59 =	vpop (erf)  }
0x199: {  	v60 =	vpop (erf)  }
0x19a: {  	v61 =	vpop (erf)  }
0x19b: {  	v62 =	vadd.f32 v59, v3;
	v63 =	vadd.f32 v61, v60;
	_ =	sdelay $0x1  }
0x19c: {  	v7 =	vadd.f32 v63, v62;
	_ =	sdelay $0x1  }
0x19d: {  	(xrf2) =	vadd.scan.msk.f32 $0xffff, v7;
	_ =	sdelay $0x9  }
0x19e: {  	v7, _, _ =	vpop (xrf2)  }
0x19f: {  	v7 =	vbroadcast v7, $0xF;
	_ =	sdelay $0x1  }
0x1a0: {  	(erf) = vrcp.f32 v7;
	_ =	sdelay $0x8  }
0x1a1: {  	v7 =	vpop (erf)  }
0x1a2: {  	v3 =	vmul.f32 v7, v3  }
0x1a3: {  	v4 =	vmul.f32 v7, v59  }
0x1a4: {  	[tilespmem:v1+s16+$0x200 ss:$0x1] =	vst.idx.msk $0xffff, v3;
	v3 =	vmul.f32 v7, v60  }
0x1a5: {  	v8 =	vmul.f32 v7, v61;
	[tilespmem:v1+s16+$0x210 ss:$0x1] =	vst.idx.msk $0xffff, v4  }
0x1a6: {  	[tilespmem:v1+s16+$0x220 ss:$0x1] =	vst.idx.msk $0xffff, v3  }
0x1a7: {  	s18 =	sor.u32 s23, s17;
	[tilespmem:v1+s16+$0x230 ss:$0x1] =	vst.idx.msk $0xffff, v8  }
0x1a8: {  	v3 =	vld [tilespmem:s18+$0x2400]  }
0x1a9: {  	v4 =	vld [tilespmem:s18+$0x2410]  }
0x1aa: {  	v9 =	vld [tilespmem:s18+$0x2420]  }
0x1ab: {  	v10 =	vld [tilespmem:s18+$0x2430];
	_ =	sdelay $0x1  }
0x1ac: {  	v3 =	vmul.f32 $1.442695020e+00, v3  }
0x1ad: {  	v4 =	vmul.f32 $1.442695020e+00, v4  }
0x1ae: {  	(erf) = vpow2.f32 v3;
	v3 =	vmul.f32 $1.442695020e+00, v9  }
0x1af: {  	v11 =	vmul.f32 $1.442695020e+00, v10;
	(erf) = vpow2.f32 v4  }
0x1b0: {  	(erf) = vpow2.f32 v3  }
0x1b1: {  	(erf) = vpow2.f32 v11;
	_ =	sdelay $0x5  }
0x1b2: {  	v3 =	vpop (erf)  }
0x1b3: {  	v12 =	vpop (erf)  }
0x1b4: {  	v13 =	vpop (erf)  }
0x1b5: {  	v14 =	vpop (erf)  }
0x1b6: {  	v15 =	vadd.f32 v12, v3;
	v16 =	vadd.f32 v14, v13;
	_ =	sdelay $0x1  }
0x1b7: {  	v7 =	vadd.f32 v16, v15;
	_ =	sdelay $0x1  }
0x1b8: {  	(xrf2) =	vadd.scan.msk.f32 $0xffff, v7;
	_ =	sdelay $0x9  }
0x1b9: {  	v7, _, _ =	vpop (xrf2)  }
0x1ba: {  	(v2sf) =	vpush v2, $0xB;
	v7 =	vbroadcast v7, $0xF  }
0x1bb: {  	(v2sf) =	vpush v2, $0xA  }
0x1bc: {  	(erf) = vrcp.f32 v7;
	_ =	sdelay $0x8  }
0x1bd: {  	v7 =	vpop (erf)  }
0x1be: {  	v3 =	vmul.f32 v7, v3  }
0x1bf: {  	v4 =	vmul.f32 v7, v12  }
0x1c0: {  	[tilespmem:v1+s16+$0x240 ss:$0x1] =	vst.idx.msk $0xffff, v3;
	v3 =	vmul.f32 v7, v13  }
0x1c1: {  	s25 =	spop (v2sf);
	v17 =	vmul.f32 v7, v14;
	[tilespmem:v1+s16+$0x250 ss:$0x1] =	vst.idx.msk $0xffff, v4  }
0x1c2: {  	s26 =	spop (v2sf);
	[tilespmem:v1+s16+$0x260 ss:$0x1] =	vst.idx.msk $0xffff, v3  }
0x1c3: {  	s19 =	sor.u32 s26, s17;
	[tilespmem:v1+s16+$0x270 ss:$0x1] =	vst.idx.msk $0xffff, v17  }
0x1c4: {  	v3 =	vld [tilespmem:s19+$0x2800]  }
0x1c5: {  	v4 =	vld [tilespmem:s19+$0x2810]  }
0x1c6: {  	v18 =	vld [tilespmem:s19+$0x2820]  }
0x1c7: {  	v19 =	vld [tilespmem:s19+$0x2830];
	_ =	sdelay $0x1  }
0x1c8: {  	v3 =	vmul.f32 $1.442695020e+00, v3  }
0x1c9: {  	v4 =	vmul.f32 $1.442695020e+00, v4  }
0x1ca: {  	(erf) = vpow2.f32 v3;
	v3 =	vmul.f32 $1.442695020e+00, v18  }
0x1cb: {  	v20 =	vmul.f32 $1.442695020e+00, v19;
	(erf) = vpow2.f32 v4  }
0x1cc: {  	(erf) = vpow2.f32 v3  }
0x1cd: {  	(erf) = vpow2.f32 v20;
	_ =	sdelay $0x5  }
0x1ce: {  	v3 =	vpop (erf)  }
0x1cf: {  	v21 =	vpop (erf)  }
0x1d0: {  	v22 =	vpop (erf)  }
0x1d1: {  	v23 =	vpop (erf)  }
0x1d2: {  	v24 =	vadd.f32 v21, v3;
	v25 =	vadd.f32 v23, v22;
	_ =	sdelay $0x1  }
0x1d3: {  	v7 =	vadd.f32 v25, v24;
	_ =	sdelay $0x1  }
0x1d4: {  	(xrf2) =	vadd.scan.msk.f32 $0xffff, v7;
	_ =	sdelay $0x9  }
0x1d5: {  	v7, _, _ =	vpop (xrf2)  }
0x1d6: {  	v7 =	vbroadcast v7, $0xF;
	_ =	sdelay $0x1  }
0x1d7: {  	(erf) = vrcp.f32 v7;
	_ =	sdelay $0x8  }
0x1d8: {  	v7 =	vpop (erf)  }
0x1d9: {  	v3 =	vmul.f32 v7, v3  }
0x1da: {  	v4 =	vmul.f32 v7, v21  }
0x1db: {  	[tilespmem:v1+s16+$0x280 ss:$0x1] =	vst.idx.msk $0xffff, v3;
	v3 =	vmul.f32 v7, v22  }
0x1dc: {  	v26 =	vmul.f32 v7, v23;
	[tilespmem:v1+s16+$0x290 ss:$0x1] =	vst.idx.msk $0xffff, v4  }
0x1dd: {  	[tilespmem:v1+s16+$0x2A0 ss:$0x1] =	vst.idx.msk $0xffff, v3  }
0x1de: {  	s18 =	sor.u32 s25, s17;
	[tilespmem:v1+s16+$0x2B0 ss:$0x1] =	vst.idx.msk $0xffff, v26  }
0x1df: {  	v3 =	vld [tilespmem:s18+$0x2C00]  }
0x1e0: {  	v4 =	vld [tilespmem:s18+$0x2C10]  }
0x1e1: {  	v27 =	vld [tilespmem:s18+$0x2C20]  }
0x1e2: {  	v28 =	vld [tilespmem:s18+$0x2C30];
	_ =	sdelay $0x1  }
0x1e3: {  	v3 =	vmul.f32 $1.442695020e+00, v3  }
0x1e4: {  	v4 =	vmul.f32 $1.442695020e+00, v4  }
0x1e5: {  	(erf) = vpow2.f32 v3;
	v3 =	vmul.f32 $1.442695020e+00, v27  }
0x1e6: {  	v29 =	vmul.f32 $1.442695020e+00, v28;
	(erf) = vpow2.f32 v4  }
0x1e7: {  	(erf) = vpow2.f32 v3  }
0x1e8: {  	(erf) = vpow2.f32 v29;
	_ =	sdelay $0x5  }
0x1e9: {  	v3 =	vpop (erf)  }
0x1ea: {  	v30 =	vpop (erf)  }
0x1eb: {  	v31 =	vpop (erf)  }
0x1ec: {  	v32 =	vpop (erf)  }
0x1ed: {  	v33 =	vadd.f32 v30, v3;
	v34 =	vadd.f32 v32, v31;
	_ =	sdelay $0x1  }
0x1ee: {  	v7 =	vadd.f32 v34, v33;
	_ =	sdelay $0x1  }
0x1ef: {  	(xrf2) =	vadd.scan.msk.f32 $0xffff, v7;
	_ =	sdelay $0x9  }
0x1f0: {  	v7, _, _ =	vpop (xrf2)  }
0x1f1: {  	(v2sf) =	vpush v2, $0xD;
	v7 =	vbroadcast v7, $0xF  }
0x1f2: {  	(v2sf) =	vpush v2, $0xC  }
0x1f3: {  	(erf) = vrcp.f32 v7;
	_ =	sdelay $0x8  }
0x1f4: {  	v7 =	vpop (erf)  }
0x1f5: {  	v3 =	vmul.f32 v7, v3  }
0x1f6: {  	v4 =	vmul.f32 v7, v30  }
0x1f7: {  	[tilespmem:v1+s16+$0x2C0 ss:$0x1] =	vst.idx.msk $0xffff, v3;
	v3 =	vmul.f32 v7, v31  }
0x1f8: {  	s28 =	spop (v2sf);
	v35 =	vmul.f32 v7, v32;
	[tilespmem:v1+s16+$0x2D0 ss:$0x1] =	vst.idx.msk $0xffff, v4  }
0x1f9: {  	s29 =	spop (v2sf);
	[tilespmem:v1+s16+$0x2E0 ss:$0x1] =	vst.idx.msk $0xffff, v3  }
0x1fa: {  	s19 =	sor.u32 s29, s17;
	[tilespmem:v1+s16+$0x2F0 ss:$0x1] =	vst.idx.msk $0xffff, v35  }
0x1fb: {  	v3 =	vld [tilespmem:s19+$0x3000]  }
0x1fc: {  	v4 =	vld [tilespmem:s19+$0x3010]  }
0x1fd: {  	v36 =	vld [tilespmem:s19+$0x3020]  }
0x1fe: {  	v37 =	vld [tilespmem:s19+$0x3030];
	_ =	sdelay $0x1  }
0x1ff: {  	v3 =	vmul.f32 $1.442695020e+00, v3  }
0x200: {  	v4 =	vmul.f32 $1.442695020e+00, v4  }
0x201: {  	(erf) = vpow2.f32 v3;
	v3 =	vmul.f32 $1.442695020e+00, v36  }
0x202: {  	v38 =	vmul.f32 $1.442695020e+00, v37;
	(erf) = vpow2.f32 v4  }
0x203: {  	(erf) = vpow2.f32 v3  }
0x204: {  	(erf) = vpow2.f32 v38;
	_ =	sdelay $0x5  }
0x205: {  	v3 =	vpop (erf)  }
0x206: {  	v39 =	vpop (erf)  }
0x207: {  	v40 =	vpop (erf)  }
0x208: {  	v41 =	vpop (erf)  }
0x209: {  	v42 =	vadd.f32 v39, v3;
	v43 =	vadd.f32 v41, v40;
	_ =	sdelay $0x1  }
0x20a: {  	v7 =	vadd.f32 v43, v42;
	_ =	sdelay $0x1  }
0x20b: {  	(xrf2) =	vadd.scan.msk.f32 $0xffff, v7;
	_ =	sdelay $0x9  }
0x20c: {  	v7, _, _ =	vpop (xrf2)  }
0x20d: {  	v7 =	vbroadcast v7, $0xF;
	_ =	sdelay $0x1  }
0x20e: {  	(erf) = vrcp.f32 v7;
	_ =	sdelay $0x8  }
0x20f: {  	v7 =	vpop (erf)  }
0x210: {  	v3 =	vmul.f32 v7, v3  }
0x211: {  	v4 =	vmul.f32 v7, v39  }
0x212: {  	[tilespmem:v1+s16+$0x300 ss:$0x1] =	vst.idx.msk $0xffff, v3;
	v3 =	vmul.f32 v7, v40  }
0x213: {  	v44 =	vmul.f32 v7, v41;
	[tilespmem:v1+s16+$0x310 ss:$0x1] =	vst.idx.msk $0xffff, v4  }
0x214: {  	[tilespmem:v1+s16+$0x320 ss:$0x1] =	vst.idx.msk $0xffff, v3  }
0x215: {  	s18 =	sor.u32 s28, s17;
	[tilespmem:v1+s16+$0x330 ss:$0x1] =	vst.idx.msk $0xffff, v44  }
0x216: {  	v3 =	vld [tilespmem:s18+$0x3400]  }
0x217: {  	v4 =	vld [tilespmem:s18+$0x3410]  }
0x218: {  	v45 =	vld [tilespmem:s18+$0x3420]  }
0x219: {  	v46 =	vld [tilespmem:s18+$0x3430];
	_ =	sdelay $0x1  }
0x21a: {  	v3 =	vmul.f32 $1.442695020e+00, v3  }
0x21b: {  	v4 =	vmul.f32 $1.442695020e+00, v4  }
0x21c: {  	(erf) = vpow2.f32 v3;
	v3 =	vmul.f32 $1.442695020e+00, v45  }
0x21d: {  	v47 =	vmul.f32 $1.442695020e+00, v46;
	(erf) = vpow2.f32 v4  }
0x21e: {  	(erf) = vpow2.f32 v3  }
0x21f: {  	(erf) = vpow2.f32 v47;
	_ =	sdelay $0x5  }
0x220: {  	v3 =	vpop (erf)  }
0x221: {  	v48 =	vpop (erf)  }
0x222: {  	v49 =	vpop (erf)  }
0x223: {  	v50 =	vpop (erf)  }
0x224: {  	v51 =	vadd.f32 v48, v3;
	v52 =	vadd.f32 v50, v49;
	_ =	sdelay $0x1  }
0x225: {  	v7 =	vadd.f32 v52, v51;
	_ =	sdelay $0x1  }
0x226: {  	(xrf2) =	vadd.scan.msk.f32 $0xffff, v7;
	_ =	sdelay $0x9  }
0x227: {  	v7, _, _ =	vpop (xrf2)  }
0x228: {  	(v2sf) =	vpush v2, $0xF;
	v7 =	vbroadcast v7, $0xF  }
0x229: {  	(v2sf) =	vpush v2, $0xE  }
0x22a: {  	(erf) = vrcp.f32 v7;
	_ =	sdelay $0x8  }
0x22b: {  	v2 =	vpop (erf)  }
0x22c: {  	v3 =	vmul.f32 v2, v3  }
0x22d: {  	v4 =	vmul.f32 v2, v48  }
0x22e: {  	[tilespmem:v1+s16+$0x340 ss:$0x1] =	vst.idx.msk $0xffff, v3;
	v3 =	vmul.f32 v2, v49  }
0x22f: {  	s30 =	spop (v2sf);
	v2 =	vmul.f32 v2, v50;
	[tilespmem:v1+s16+$0x350 ss:$0x1] =	vst.idx.msk $0xffff, v4  }
0x230: {  	s31 =	spop (v2sf);
	[tilespmem:v1+s16+$0x360 ss:$0x1] =	vst.idx.msk $0xffff, v3  }
0x231: {  	s19 =	sor.u32 s31, s17;
	[tilespmem:v1+s16+$0x370 ss:$0x1] =	vst.idx.msk $0xffff, v2  }
0x232: {  	v2 =	vld [tilespmem:s19+$0x3800]  }
0x233: {  	v3 =	vld [tilespmem:s19+$0x3810]  }
0x234: {  	v4 =	vld [tilespmem:s19+$0x3820]  }
0x235: {  	v53 =	vld [tilespmem:s19+$0x3830];
	_ =	sdelay $0x1  }
0x236: {  	v2 =	vmul.f32 $1.442695020e+00, v2  }
0x237: {  	v3 =	vmul.f32 $1.442695020e+00, v3  }
0x238: {  	(erf) = vpow2.f32 v2;
	v2 =	vmul.f32 $1.442695020e+00, v4  }
0x239: {  	(erf) = vpow2.f32 v3;
	v3 =	vmul.f32 $1.442695020e+00, v53  }
0x23a: {  	(erf) = vpow2.f32 v2  }
0x23b: {  	(erf) = vpow2.f32 v3;
	_ =	sdelay $0x5  }
0x23c: {  	v2 =	vpop (erf)  }
0x23d: {  	v3 =	vpop (erf)  }
0x23e: {  	v54 =	vpop (erf)  }
0x23f: {  	v55 =	vpop (erf)  }
0x240: {  	v56 =	vadd.f32 v3, v2;
	v57 =	vadd.f32 v55, v54;
	_ =	sdelay $0x1  }
0x241: {  	v6 =	vadd.f32 v57, v56;
	_ =	sdelay $0x1  }
0x242: {  	(xrf2) =	vadd.scan.msk.f32 $0xffff, v6;
	_ =	sdelay $0x9  }
0x243: {  	v6, _, _ =	vpop (xrf2)  }
0x244: {  	v6 =	vbroadcast v6, $0xF;
	_ =	sdelay $0x1  }
0x245: {  	(erf) = vrcp.f32 v6;
	_ =	sdelay $0x8  }
0x246: {  	v6 =	vpop (erf)  }
0x247: {  	v2 =	vmul.f32 v6, v2  }
0x248: {  	v3 =	vmul.f32 v6, v3  }
0x249: {  	[tilespmem:v1+s16+$0x380 ss:$0x1] =	vst.idx.msk $0xffff, v2;
	v2 =	vmul.f32 v6, v54  }
0x24a: {  	[tilespmem:v1+s16+$0x390 ss:$0x1] =	vst.idx.msk $0xffff, v3;
	v3 =	vmul.f32 v6, v55  }
0x24b: {  	[tilespmem:v1+s16+$0x3A0 ss:$0x1] =	vst.idx.msk $0xffff, v2  }
0x24c: {  	s17 =	sor.u32 s30, s17;
	[tilespmem:v1+s16+$0x3B0 ss:$0x1] =	vst.idx.msk $0xffff, v3  }
0x24d: {  	v2 =	vld [tilespmem:s17+$0x3C00]  }
0x24e: {  	v3 =	vld [tilespmem:s17+$0x3C10]  }
0x24f: {  	v58 =	vld [tilespmem:s17+$0x3C20]  }
0x250: {  	v59 =	vld [tilespmem:s17+$0x3C30];
	_ =	sdelay $0x1  }
0x251: {  	v2 =	vmul.f32 $1.442695020e+00, v2  }
0x252: {  	v3 =	vmul.f32 $1.442695020e+00, v3  }
0x253: {  	(erf) = vpow2.f32 v2;
	v2 =	vmul.f32 $1.442695020e+00, v58  }
0x254: {  	(erf) = vpow2.f32 v3;
	v3 =	vmul.f32 $1.442695020e+00, v59  }
0x255: {  	(erf) = vpow2.f32 v2  }
0x256: {  	(erf) = vpow2.f32 v3;
	_ =	sdelay $0x5  }
0x257: {  	v2 =	vpop (erf)  }
0x258: {  	v3 =	vpop (erf)  }
0x259: {  	v60 =	vpop (erf)  }
0x25a: {  	v61 =	vpop (erf)  }
0x25b: {  	v62 =	vadd.f32 v3, v2;
	v63 =	vadd.f32 v61, v60;
	_ =	sdelay $0x1  }
0x25c: {  	v6 =	vadd.f32 v63, v62;
	_ =	sdelay $0x1  }
0x25d: {  	(xrf2) =	vadd.scan.msk.f32 $0xffff, v6;
	_ =	sdelay $0x9  }
0x25e: {  	v6, _, _ =	vpop (xrf2)  }
0x25f: {  	v6 =	vbroadcast v6, $0xF;
	_ =	sdelay $0x1  }
0x260: {  	(erf) = vrcp.f32 v6;
	_ =	sdelay $0x8  }
0x261: {  	v6 =	vpop (erf)  }
0x262: {  	p1 =	por p0, p0;
	v2 =	vmul.f32 v6, v2  }
.Ltmp3:
0x263: {  	v3 =	vmul.f32 v6, v3;
	(pc) =	sbr.rel @p1 .LBB2_8-.Ltmp3, $4  }
0x264: {  	[tilespmem:v1+s16+$0x3C0 ss:$0x1] =	vst.idx.msk $0xffff, v2;
	v2 =	vmul.f32 v6, v60  }
0x265: {  	[tilespmem:v1+s16+$0x3D0 ss:$0x1] =	vst.idx.msk $0xffff, v3;
	v3 =	vmul.f32 v6, v61  }
0x266: {  	[tilespmem:v1+s16+$0x3E0 ss:$0x1] =	vst.idx.msk $0xffff, v2  }
0x267: {  	p0 =	por $0x0, $0x0;
	[tilespmem:v1+s16+$0x3F0 ss:$0x1] =	vst.idx.msk $0xffff, v3;
	s16 =	simm.s32 $0x1  }
0x268: {  	p0 =	seq.s32 s12, $0x7  }
.Ltmp4:
0x269: {  	_ = 	snop;
	(pc) =	sbr.rel @p0 .LBB2_12-.Ltmp4, $1  }
0x26a: {  	_ =	sdelay $0x3  }
0x26b: {  	s16 =	sadd.s32 $0x240, s15  }
0x26c: {  	v0 =	vmov s16;
	_ =	sdelay $0x1  }
0x26d: {  	s15 =	simm.s32 $0x0;
	p0 =	por $0x1, $0x1  }
.LBB2_11:
0x26e: {  	s16 =	sshll.u32 s15, $0x4  }
0x26f: {  	s16 =	sand.u32 $0x3FFFFFF0, s16  }
0x270: {  	v1 =	vld.idx.msk [tilespmem:v0+s16+$0x0 ss:$0x1], $0xffff;
	_ =	sdelay $0x4  }
0x271: {  	v1 =	vshll.u32 v1, $0x7  }
0x272: {  	(v2sf) =	vpush v1, $0x0;
	_ =	sdelay $0x1  }
0x273: {  	(v2sf) =	vpush v1, $0x1;
	_ =	sdelay $0x2  }
0x274: {  	(v2sf) =	vpush v1, $0x2;
	_ =	sdelay $0x3  }
0x275: {  	(v2sf) =	vpush v1, $0x3;
	_ =	sdelay $0x5  }
0x276: {  	s29 =	spop (v2sf);
	(v2sf) =	vpush v1, $0x4  }
0x277: {  	s28 =	sshll.u32 s15, $0xE  }
0x278: {  	s15 =	sand.u32 $0x3FFFC000, s28;
	s16 =	sand.u32 $0x1FFFFF80, s29;
	s30 =	spop (v2sf);
	(v2sf) =	vpush v1, $0x5  }
0x279: {  	s17 =	sor.u32 $0x400, s15;
	s16 =	sadd.s32 s3, s16  }
0x27a: {  	[tilespmem:s17], [sflag:$0x1] =	stream.linear.gather [hbm4b:s16+s2], $0x400, $0x38;
	[tilespmem:$0x18400] =	vst v63  }
0x27b: {  	s17 =	spop (v2sf);
	(v2sf) =	vpush v1, $0x6;
	_ =	sdelay $0x3  }
0x27c: {  	s19 =	spop (v2sf);
	(v2sf) =	vpush v1, $0x7;
	_ =	sdelay $0x1  }
0x27d: {  	s16 =	sand.u32 $0x1FFFFF80, s30  }
0x27e: {  	s31 =	sor.u32 $0x800, s15;
	s16 =	sadd.s32 s3, s16  }
0x27f: {  	[tilespmem:s31], [sflag:$0x1] =	stream.linear.gather [hbm4b:s16+s2], $0x400, $0x38;
	[tilespmem:$0x18400] =	vst v63  }
0x280: {  	s16 =	sand.u32 $0x1FFFFF80, s17  }
0x281: {  	s18 =	sor.u32 $0xC00, s15;
	s16 =	sadd.s32 s3, s16;
	s21 =	spop (v2sf);
	(v2sf) =	vpush v1, $0x8  }
0x282: {  	[tilespmem:s18], [sflag:$0x1] =	stream.linear.gather [hbm4b:s16+s2], $0x400, $0x38;
	[tilespmem:$0x18400] =	vst v63  }
0x283: {  	s16 =	sand.u32 $0x1FFFFF80, s19;
	s23 =	spop (v2sf);
	(v2sf) =	vpush v1, $0x9  }
0x284: {  	s20 =	sor.u32 $0x1000, s15;
	s16 =	sadd.s32 s3, s16  }
0x285: {  	[tilespmem:s20], [sflag:$0x1] =	stream.linear.gather [hbm4b:s16+s2], $0x400, $0x38;
	[tilespmem:$0x18400] =	vst v63  }
0x286: {  	s16 =	sand.u32 $0x1FFFFF80, s21;
	s25 =	spop (v2sf);
	(v2sf) =	vpush v1, $0xA  }
0x287: {  	s22 =	sor.u32 $0x1400, s15;
	s16 =	sadd.s32 s3, s16  }
0x288: {  	[tilespmem:s22], [sflag:$0x1] =	stream.linear.gather [hbm4b:s16+s2], $0x400, $0x38;
	[tilespmem:$0x18400] =	vst v63  }
0x289: {  	s16 =	sand.u32 $0x1FFFFF80, s23  }
0x28a: {  	s24 =	sor.u32 $0x1800, s15;
	s16 =	sadd.s32 s3, s16;
	s28 =	spop (v2sf)  }
0x28b: {  	(v2sf) =	vpush v1, $0xB;
	[tilespmem:s24], [sflag:$0x1] =	stream.linear.gather [hbm4b:s16+s2], $0x400, $0x38;
	[tilespmem:$0x18400] =	vst v63  }
0x28c: {  	s16 =	sand.u32 $0x1FFFFF80, s25  }
0x28d: {  	s26 =	sor.u32 $0x1C00, s15;
	s16 =	sadd.s32 s3, s16  }
0x28e: {  	[tilespmem:s26], [sflag:$0x1] =	stream.linear.gather [hbm4b:s16+s2], $0x400, $0x38;
	[tilespmem:$0x18400] =	vst v63  }
0x28f: {  	s16 =	sand.u32 $0x1FFFFF80, s28  }
0x290: {  	s29 =	sor.u32 $0x2000, s15;
	s16 =	sadd.s32 s3, s16;
	s30 =	spop (v2sf);
	(v2sf) =	vpush v1, $0xC  }
0x291: {  	[tilespmem:s29], [sflag:$0x1] =	stream.linear.gather [hbm4b:s16+s2], $0x400, $0x38;
	[tilespmem:$0x18400] =	vst v63  }
0x292: {  	s16 =	sand.u32 $0x1FFFFF80, s30;
	s18 =	spop (v2sf);
	(v2sf) =	vpush v1, $0xD  }
0x293: {  	s31 =	sor.u32 $0x2400, s15;
	s16 =	sadd.s32 s3, s16  }
0x294: {  	[tilespmem:s31], [sflag:$0x1] =	stream.linear.gather [hbm4b:s16+s2], $0x400, $0x38;
	[tilespmem:$0x18400] =	vst v63  }
0x295: {  	s20 =	spop (v2sf);
	(v2sf) =	vpush v1, $0xE  }
0x296: {  	s16 =	sand.u32 $0x1FFFFF80, s18  }
0x297: {  	s19 =	sor.u32 $0x2800, s15;
	s16 =	sadd.s32 s3, s16  }
0x298: {  	[tilespmem:s19], [sflag:$0x1] =	stream.linear.gather [hbm4b:s16+s2], $0x400, $0x38;
	[tilespmem:$0x18400] =	vst v63  }
0x299: {  	s16 =	sand.u32 $0x1FFFFF80, s20  }
0x29a: {  	s21 =	sor.u32 $0x2C00, s15;
	s22 =	spop (v2sf);
	(v2sf) =	vpush v1, $0xF;
	s16 =	sadd.s32 s3, s16  }
0x29b: {  	[tilespmem:s21], [sflag:$0x1] =	stream.linear.gather [hbm4b:s16+s2], $0x400, $0x38;
	[tilespmem:$0x18400] =	vst v63  }
0x29c: {  	s16 =	sand.u32 $0x1FFFFF80, s22  }
0x29d: {  	s23 =	sor.u32 $0x3000, s15;
	s16 =	sadd.s32 s3, s16  }
0x29e: {  	[tilespmem:s23], [sflag:$0x1] =	stream.linear.gather [hbm4b:s16+s2], $0x400, $0x38;
	[tilespmem:$0x18400] =	vst v63  }
0x29f: {  	s24 =	spop (v2sf)  }
0x2a0: {  	s16 =	sand.u32 $0x1FFFFF80, s24  }
0x2a1: {  	s25 =	sor.u32 $0x3400, s15;
	s26 =	spop (v2sf);
	s16 =	sadd.s32 s3, s16  }
0x2a2: {  	[tilespmem:s25], [sflag:$0x1] =	stream.linear.gather [hbm4b:s16+s2], $0x400, $0x38;
	[tilespmem:$0x18400] =	vst v63  }
0x2a3: {  	s16 =	sand.u32 $0x1FFFFF80, s26  }
0x2a4: {  	s28 =	sor.u32 $0x3800, s15;
	s29 =	spop (v2sf);
	s16 =	sadd.s32 s3, s16  }
0x2a5: {  	[tilespmem:s28], [sflag:$0x1] =	stream.linear.gather [hbm4b:s16+s2], $0x400, $0x38;
	[tilespmem:$0x18400] =	vst v63  }
0x2a6: {  	s16 =	sand.u32 $0x1FFFFF80, s29  }
0x2a7: {  	p1 =	por p0, p0;
	s30 =	sor.u32 $0x3C00, s15;
	s16 =	sadd.s32 s3, s16  }
0x2a8: {  	[tilespmem:s30], [sflag:$0x1] =	stream.linear.gather [hbm4b:s16+s2], $0x400, $0x38;
	[tilespmem:$0x18400] =	vst v63  }
.Ltmp5:
0x2a9: {  	s31 =	spop (v2sf);
	(pc) =	sbr.rel @p1 .LBB2_11-.Ltmp5, $4  }
0x2aa: {  	s16 =	sand.u32 $0x1FFFFF80, s31  }
0x2ab: {  	s15 =	sadd.s32 $0x4000, s15;
	s16 =	sadd.s32 s3, s16  }
0x2ac: {  	[tilespmem:s15], [sflag:$0x1] =	stream.linear.gather [hbm4b:s16+s2], $0x400, $0x38;
	[tilespmem:$0x18400] =	vst v63  }
0x2ad: {  	p0 =	por $0x0, $0x0;
	s15 =	simm.s32 $0x1  }
.LBB2_12:
0x2ae: {  	s14 =	sshll.u32 s14, $0xB  }
0x2af: {  	_ =	swait.ge [sflag:s9], $0x8000;
	v0 =	vmov s13;
	s14 =	sand.u32 $0x3FFFF800, s14  }
0x2b0: {  	[sflag:s9] =	ssyncset.done $0x0;
	s14 =	sadd.s32 $0x10400, s14  }
0x2b1: {  	s15 =	simm.s32 $0x0;
	p0 =	por $0x1, $0x1;
	[sflag:s9] =	ssyncadd.s32 $0xFFFF8000;
	v1 =	vmov s14  }
.LBB2_13:
0x2b2: {  	s13 =	sshll.u32 s15, $0x4  }
0x2b3: {  	s13 =	sand.u32 $0x3FFFFFF0, s13  }
0x2b4: {  	v2 =	vld.idx.msk [tilespmem:v0+s13+$0x0 ss:$0x1], $0xffff;
	_ =	sdelay $0x4  }
0x2b5: {  	v2 =	vand.u32 $0x7, v2  }
0x2b6: {  	v2 =	vshll.u32 v2, $0x7  }
0x2b7: {  	(v2sf) =	vpush v2, $0x1  }
0x2b8: {  	(v2sf) =	vpush v2, $0x0;
	_ =	sdelay $0xc  }
0x2b9: {  	s30 =	sshll.u32 s15, $0xE  }
0x2ba: {  	s13 =	sand.u32 $0x3FFFC000, s30;
	s16 =	spop (v2sf)  }
0x2bb: {  	s14 =	sor.u32 $0x400, s13;
	s31 =	spop (v2sf)  }
0x2bc: {  	s13 =	sor.u32 s31, s14  }
0x2bd: {  	v3 =	vld [tilespmem:s13+$0x8000]  }
0x2be: {  	v4 =	vld [tilespmem:s13+$0x8010]  }
0x2bf: {  	v5 =	vld [tilespmem:s13+$0x8020]  }
0x2c0: {  	v6 =	vld [tilespmem:s13+$0x8030];
	_ =	sdelay $0x1  }
0x2c1: {  	v3 =	vmul.f32 $1.442695020e+00, v3  }
0x2c2: {  	v4 =	vmul.f32 $1.442695020e+00, v4  }
0x2c3: {  	(erf) = vpow2.f32 v3;
	v3 =	vmul.f32 $1.442695020e+00, v5  }
0x2c4: {  	v42 =	vmul.f32 $1.442695020e+00, v6;
	(erf) = vpow2.f32 v4  }
0x2c5: {  	(erf) = vpow2.f32 v3  }
0x2c6: {  	(erf) = vpow2.f32 v42;
	_ =	sdelay $0x5  }
0x2c7: {  	v3 =	vpop (erf)  }
0x2c8: {  	v43 =	vpop (erf)  }
0x2c9: {  	v44 =	vpop (erf)  }
0x2ca: {  	v45 =	vpop (erf)  }
0x2cb: {  	v7 =	vadd.f32 v43, v3;
	v8 =	vadd.f32 v45, v44;
	_ =	sdelay $0x1  }
0x2cc: {  	v7 =	vadd.f32 v8, v7;
	_ =	sdelay $0x1  }
0x2cd: {  	(xrf2) =	vadd.scan.msk.f32 $0xffff, v7;
	_ =	sdelay $0x9  }
0x2ce: {  	v7, _, _ =	vpop (xrf2)  }
0x2cf: {  	v7 =	vbroadcast v7, $0xF;
	_ =	sdelay $0x1  }
0x2d0: {  	(erf) = vrcp.f32 v7;
	_ =	sdelay $0x8  }
0x2d1: {  	v7 =	vpop (erf)  }
0x2d2: {  	s15 =	sshll.u32 s15, $0xA;
	v3 =	vmul.f32 v7, v3  }
0x2d3: {  	s13 =	sand.u32 $0x3FFFFC00, s15;
	v4 =	vmul.f32 v7, v43  }
0x2d4: {  	[tilespmem:v1+s13+$0x0 ss:$0x1] =	vst.idx.msk $0xffff, v3;
	v3 =	vmul.f32 v7, v44  }
0x2d5: {  	v46 =	vmul.f32 v7, v45;
	[tilespmem:v1+s13+$0x10 ss:$0x1] =	vst.idx.msk $0xffff, v4  }
0x2d6: {  	[tilespmem:v1+s13+$0x20 ss:$0x1] =	vst.idx.msk $0xffff, v3  }
0x2d7: {  	s16 =	sor.u32 s16, s14;
	[tilespmem:v1+s13+$0x30 ss:$0x1] =	vst.idx.msk $0xffff, v46  }
0x2d8: {  	v3 =	vld [tilespmem:s16+$0x8400]  }
0x2d9: {  	v4 =	vld [tilespmem:s16+$0x8410]  }
0x2da: {  	v47 =	vld [tilespmem:s16+$0x8420]  }
0x2db: {  	v48 =	vld [tilespmem:s16+$0x8430];
	_ =	sdelay $0x1  }
0x2dc: {  	v3 =	vmul.f32 $1.442695020e+00, v3  }
0x2dd: {  	v4 =	vmul.f32 $1.442695020e+00, v4  }
0x2de: {  	(erf) = vpow2.f32 v3;
	v3 =	vmul.f32 $1.442695020e+00, v47  }
0x2df: {  	v49 =	vmul.f32 $1.442695020e+00, v48;
	(erf) = vpow2.f32 v4  }
0x2e0: {  	(erf) = vpow2.f32 v3  }
0x2e1: {  	(erf) = vpow2.f32 v49;
	_ =	sdelay $0x5  }
0x2e2: {  	v3 =	vpop (erf)  }
0x2e3: {  	v50 =	vpop (erf)  }
0x2e4: {  	v51 =	vpop (erf)  }
0x2e5: {  	v52 =	vpop (erf)  }
0x2e6: {  	v53 =	vadd.f32 v50, v3;
	v54 =	vadd.f32 v52, v51;
	_ =	sdelay $0x1  }
0x2e7: {  	v7 =	vadd.f32 v54, v53;
	_ =	sdelay $0x1  }
0x2e8: {  	(xrf2) =	vadd.scan.msk.f32 $0xffff, v7;
	_ =	sdelay $0x9  }
0x2e9: {  	v7, _, _ =	vpop (xrf2)  }
0x2ea: {  	(v2sf) =	vpush v2, $0x3;
	v7 =	vbroadcast v7, $0xF  }
0x2eb: {  	(v2sf) =	vpush v2, $0x2  }
0x2ec: {  	(erf) = vrcp.f32 v7;
	_ =	sdelay $0x8  }
0x2ed: {  	v7 =	vpop (erf)  }
0x2ee: {  	v3 =	vmul.f32 v7, v3  }
0x2ef: {  	v4 =	vmul.f32 v7, v50  }
0x2f0: {  	[tilespmem:v1+s13+$0x40 ss:$0x1] =	vst.idx.msk $0xffff, v3;
	v3 =	vmul.f32 v7, v51  }
0x2f1: {  	s17 =	spop (v2sf);
	v55 =	vmul.f32 v7, v52;
	[tilespmem:v1+s13+$0x50 ss:$0x1] =	vst.idx.msk $0xffff, v4  }
0x2f2: {  	s18 =	spop (v2sf);
	[tilespmem:v1+s13+$0x60 ss:$0x1] =	vst.idx.msk $0xffff, v3  }
0x2f3: {  	s16 =	sor.u32 s18, s14;
	[tilespmem:v1+s13+$0x70 ss:$0x1] =	vst.idx.msk $0xffff, v55  }
0x2f4: {  	v3 =	vld [tilespmem:s16+$0x8800]  }
0x2f5: {  	v4 =	vld [tilespmem:s16+$0x8810]  }
0x2f6: {  	v56 =	vld [tilespmem:s16+$0x8820]  }
0x2f7: {  	v57 =	vld [tilespmem:s16+$0x8830];
	_ =	sdelay $0x1  }
0x2f8: {  	v3 =	vmul.f32 $1.442695020e+00, v3  }
0x2f9: {  	v4 =	vmul.f32 $1.442695020e+00, v4  }
0x2fa: {  	(erf) = vpow2.f32 v3;
	v3 =	vmul.f32 $1.442695020e+00, v56  }
0x2fb: {  	v58 =	vmul.f32 $1.442695020e+00, v57;
	(erf) = vpow2.f32 v4  }
0x2fc: {  	(erf) = vpow2.f32 v3  }
0x2fd: {  	(erf) = vpow2.f32 v58;
	_ =	sdelay $0x5  }
0x2fe: {  	v3 =	vpop (erf)  }
0x2ff: {  	v59 =	vpop (erf)  }
0x300: {  	v60 =	vpop (erf)  }
0x301: {  	v61 =	vpop (erf)  }
0x302: {  	v62 =	vadd.f32 v59, v3;
	v63 =	vadd.f32 v61, v60;
	_ =	sdelay $0x1  }
0x303: {  	v7 =	vadd.f32 v63, v62;
	_ =	sdelay $0x1  }
0x304: {  	(xrf2) =	vadd.scan.msk.f32 $0xffff, v7;
	_ =	sdelay $0x9  }
0x305: {  	v7, _, _ =	vpop (xrf2)  }
0x306: {  	v7 =	vbroadcast v7, $0xF;
	_ =	sdelay $0x1  }
0x307: {  	(erf) = vrcp.f32 v7;
	_ =	sdelay $0x8  }
0x308: {  	v7 =	vpop (erf)  }
0x309: {  	v3 =	vmul.f32 v7, v3  }
0x30a: {  	v4 =	vmul.f32 v7, v59  }
0x30b: {  	[tilespmem:v1+s13+$0x80 ss:$0x1] =	vst.idx.msk $0xffff, v3;
	v3 =	vmul.f32 v7, v60  }
0x30c: {  	v10 =	vmul.f32 v7, v61;
	[tilespmem:v1+s13+$0x90 ss:$0x1] =	vst.idx.msk $0xffff, v4  }
0x30d: {  	[tilespmem:v1+s13+$0xA0 ss:$0x1] =	vst.idx.msk $0xffff, v3  }
0x30e: {  	s15 =	sor.u32 s17, s14;
	[tilespmem:v1+s13+$0xB0 ss:$0x1] =	vst.idx.msk $0xffff, v10  }
0x30f: {  	v3 =	vld [tilespmem:s15+$0x8C00]  }
0x310: {  	v4 =	vld [tilespmem:s15+$0x8C10]  }
0x311: {  	v11 =	vld [tilespmem:s15+$0x8C20]  }
0x312: {  	v12 =	vld [tilespmem:s15+$0x8C30];
	_ =	sdelay $0x1  }
0x313: {  	v3 =	vmul.f32 $1.442695020e+00, v3  }
0x314: {  	v4 =	vmul.f32 $1.442695020e+00, v4  }
0x315: {  	(erf) = vpow2.f32 v3;
	v3 =	vmul.f32 $1.442695020e+00, v11  }
0x316: {  	v13 =	vmul.f32 $1.442695020e+00, v12;
	(erf) = vpow2.f32 v4  }
0x317: {  	(erf) = vpow2.f32 v3  }
0x318: {  	(erf) = vpow2.f32 v13;
	_ =	sdelay $0x5  }
0x319: {  	v3 =	vpop (erf)  }
0x31a: {  	v14 =	vpop (erf)  }
0x31b: {  	v15 =	vpop (erf)  }
0x31c: {  	v16 =	vpop (erf)  }
0x31d: {  	v17 =	vadd.f32 v14, v3;
	v18 =	vadd.f32 v16, v15;
	_ =	sdelay $0x1  }
0x31e: {  	v7 =	vadd.f32 v18, v17;
	_ =	sdelay $0x1  }
0x31f: {  	(xrf2) =	vadd.scan.msk.f32 $0xffff, v7;
	_ =	sdelay $0x9  }
0x320: {  	v7, _, _ =	vpop (xrf2)  }
0x321: {  	(v2sf) =	vpush v2, $0x5;
	v7 =	vbroadcast v7, $0xF  }
0x322: {  	(v2sf) =	vpush v2, $0x4  }
0x323: {  	(erf) = vrcp.f32 v7;
	_ =	sdelay $0x8  }
0x324: {  	v7 =	vpop (erf)  }
0x325: {  	v3 =	vmul.f32 v7, v3  }
0x326: {  	v4 =	vmul.f32 v7, v14  }
0x327: {  	[tilespmem:v1+s13+$0xC0 ss:$0x1] =	vst.idx.msk $0xffff, v3;
	v3 =	vmul.f32 v7, v15  }
0x328: {  	s19 =	spop (v2sf);
	v19 =	vmul.f32 v7, v16;
	[tilespmem:v1+s13+$0xD0 ss:$0x1] =	vst.idx.msk $0xffff, v4  }
0x329: {  	s20 =	spop (v2sf);
	[tilespmem:v1+s13+$0xE0 ss:$0x1] =	vst.idx.msk $0xffff, v3  }
0x32a: {  	s16 =	sor.u32 s20, s14;
	[tilespmem:v1+s13+$0xF0 ss:$0x1] =	vst.idx.msk $0xffff, v19  }
0x32b: {  	v3 =	vld [tilespmem:s16+$0x9000]  }
0x32c: {  	v4 =	vld [tilespmem:s16+$0x9010]  }
0x32d: {  	v20 =	vld [tilespmem:s16+$0x9020]  }
0x32e: {  	v21 =	vld [tilespmem:s16+$0x9030];
	_ =	sdelay $0x1  }
0x32f: {  	v3 =	vmul.f32 $1.442695020e+00, v3  }
0x330: {  	v4 =	vmul.f32 $1.442695020e+00, v4  }
0x331: {  	(erf) = vpow2.f32 v3;
	v3 =	vmul.f32 $1.442695020e+00, v20  }
0x332: {  	v22 =	vmul.f32 $1.442695020e+00, v21;
	(erf) = vpow2.f32 v4  }
0x333: {  	(erf) = vpow2.f32 v3  }
0x334: {  	(erf) = vpow2.f32 v22;
	_ =	sdelay $0x5  }
0x335: {  	v3 =	vpop (erf)  }
0x336: {  	v23 =	vpop (erf)  }
0x337: {  	v24 =	vpop (erf)  }
0x338: {  	v25 =	vpop (erf)  }
0x339: {  	v26 =	vadd.f32 v23, v3;
	v27 =	vadd.f32 v25, v24;
	_ =	sdelay $0x1  }
0x33a: {  	v7 =	vadd.f32 v27, v26;
	_ =	sdelay $0x1  }
0x33b: {  	(xrf2) =	vadd.scan.msk.f32 $0xffff, v7;
	_ =	sdelay $0x9  }
0x33c: {  	v7, _, _ =	vpop (xrf2)  }
0x33d: {  	v7 =	vbroadcast v7, $0xF;
	_ =	sdelay $0x1  }
0x33e: {  	(erf) = vrcp.f32 v7;
	_ =	sdelay $0x8  }
0x33f: {  	v7 =	vpop (erf)  }
0x340: {  	v3 =	vmul.f32 v7, v3  }
0x341: {  	v4 =	vmul.f32 v7, v23  }
0x342: {  	[tilespmem:v1+s13+$0x100 ss:$0x1] =	vst.idx.msk $0xffff, v3;
	v3 =	vmul.f32 v7, v24  }
0x343: {  	v28 =	vmul.f32 v7, v25;
	[tilespmem:v1+s13+$0x110 ss:$0x1] =	vst.idx.msk $0xffff, v4  }
0x344: {  	[tilespmem:v1+s13+$0x120 ss:$0x1] =	vst.idx.msk $0xffff, v3  }
0x345: {  	s15 =	sor.u32 s19, s14;
	[tilespmem:v1+s13+$0x130 ss:$0x1] =	vst.idx.msk $0xffff, v28  }
0x346: {  	v3 =	vld [tilespmem:s15+$0x9400]  }
0x347: {  	v4 =	vld [tilespmem:s15+$0x9410]  }
0x348: {  	v29 =	vld [tilespmem:s15+$0x9420]  }
0x349: {  	v30 =	vld [tilespmem:s15+$0x9430];
	_ =	sdelay $0x1  }
0x34a: {  	v3 =	vmul.f32 $1.442695020e+00, v3  }
0x34b: {  	v4 =	vmul.f32 $1.442695020e+00, v4  }
0x34c: {  	(erf) = vpow2.f32 v3;
	v3 =	vmul.f32 $1.442695020e+00, v29  }
0x34d: {  	v31 =	vmul.f32 $1.442695020e+00, v30;
	(erf) = vpow2.f32 v4  }
0x34e: {  	(erf) = vpow2.f32 v3  }
0x34f: {  	(erf) = vpow2.f32 v31;
	_ =	sdelay $0x5  }
0x350: {  	v3 =	vpop (erf)  }
0x351: {  	v32 =	vpop (erf)  }
0x352: {  	v33 =	vpop (erf)  }
0x353: {  	v34 =	vpop (erf)  }
0x354: {  	v35 =	vadd.f32 v32, v3;
	v36 =	vadd.f32 v34, v33;
	_ =	sdelay $0x1  }
0x355: {  	v7 =	vadd.f32 v36, v35;
	_ =	sdelay $0x1  }
0x356: {  	(xrf2) =	vadd.scan.msk.f32 $0xffff, v7;
	_ =	sdelay $0x9  }
0x357: {  	v7, _, _ =	vpop (xrf2)  }
0x358: {  	(v2sf) =	vpush v2, $0x7;
	v7 =	vbroadcast v7, $0xF  }
0x359: {  	(v2sf) =	vpush v2, $0x6  }
0x35a: {  	(erf) = vrcp.f32 v7;
	_ =	sdelay $0x8  }
0x35b: {  	v7 =	vpop (erf)  }
0x35c: {  	v3 =	vmul.f32 v7, v3  }
0x35d: {  	v4 =	vmul.f32 v7, v32  }
0x35e: {  	[tilespmem:v1+s13+$0x140 ss:$0x1] =	vst.idx.msk $0xffff, v3;
	v3 =	vmul.f32 v7, v33  }
0x35f: {  	s21 =	spop (v2sf);
	v37 =	vmul.f32 v7, v34;
	[tilespmem:v1+s13+$0x150 ss:$0x1] =	vst.idx.msk $0xffff, v4  }
0x360: {  	s22 =	spop (v2sf);
	[tilespmem:v1+s13+$0x160 ss:$0x1] =	vst.idx.msk $0xffff, v3  }
0x361: {  	s16 =	sor.u32 s22, s14;
	[tilespmem:v1+s13+$0x170 ss:$0x1] =	vst.idx.msk $0xffff, v37  }
0x362: {  	v3 =	vld [tilespmem:s16+$0x9800]  }
0x363: {  	v4 =	vld [tilespmem:s16+$0x9810]  }
0x364: {  	v38 =	vld [tilespmem:s16+$0x9820]  }
0x365: {  	v39 =	vld [tilespmem:s16+$0x9830];
	_ =	sdelay $0x1  }
0x366: {  	v3 =	vmul.f32 $1.442695020e+00, v3  }
0x367: {  	v4 =	vmul.f32 $1.442695020e+00, v4  }
0x368: {  	(erf) = vpow2.f32 v3;
	v3 =	vmul.f32 $1.442695020e+00, v38  }
0x369: {  	v40 =	vmul.f32 $1.442695020e+00, v39;
	(erf) = vpow2.f32 v4  }
0x36a: {  	(erf) = vpow2.f32 v3  }
0x36b: {  	(erf) = vpow2.f32 v40;
	_ =	sdelay $0x5  }
0x36c: {  	v3 =	vpop (erf)  }
0x36d: {  	v41 =	vpop (erf)  }
0x36e: {  	v42 =	vpop (erf)  }
0x36f: {  	v43 =	vpop (erf)  }
0x370: {  	v44 =	vadd.f32 v41, v3;
	v45 =	vadd.f32 v43, v42;
	_ =	sdelay $0x1  }
0x371: {  	v7 =	vadd.f32 v45, v44;
	_ =	sdelay $0x1  }
0x372: {  	(xrf2) =	vadd.scan.msk.f32 $0xffff, v7;
	_ =	sdelay $0x9  }
0x373: {  	v7, _, _ =	vpop (xrf2)  }
0x374: {  	v7 =	vbroadcast v7, $0xF;
	_ =	sdelay $0x1  }
0x375: {  	(erf) = vrcp.f32 v7;
	_ =	sdelay $0x8  }
0x376: {  	v7 =	vpop (erf)  }
0x377: {  	v3 =	vmul.f32 v7, v3  }
0x378: {  	v4 =	vmul.f32 v7, v41  }
0x379: {  	[tilespmem:v1+s13+$0x180 ss:$0x1] =	vst.idx.msk $0xffff, v3;
	v3 =	vmul.f32 v7, v42  }
0x37a: {  	v46 =	vmul.f32 v7, v43;
	[tilespmem:v1+s13+$0x190 ss:$0x1] =	vst.idx.msk $0xffff, v4  }
0x37b: {  	[tilespmem:v1+s13+$0x1A0 ss:$0x1] =	vst.idx.msk $0xffff, v3  }
0x37c: {  	s15 =	sor.u32 s21, s14;
	[tilespmem:v1+s13+$0x1B0 ss:$0x1] =	vst.idx.msk $0xffff, v46  }
0x37d: {  	v3 =	vld [tilespmem:s15+$0x9C00]  }
0x37e: {  	v4 =	vld [tilespmem:s15+$0x9C10]  }
0x37f: {  	v47 =	vld [tilespmem:s15+$0x9C20]  }
0x380: {  	v48 =	vld [tilespmem:s15+$0x9C30];
	_ =	sdelay $0x1  }
0x381: {  	v3 =	vmul.f32 $1.442695020e+00, v3  }
0x382: {  	v4 =	vmul.f32 $1.442695020e+00, v4  }
0x383: {  	(erf) = vpow2.f32 v3;
	v3 =	vmul.f32 $1.442695020e+00, v47  }
0x384: {  	v49 =	vmul.f32 $1.442695020e+00, v48;
	(erf) = vpow2.f32 v4  }
0x385: {  	(erf) = vpow2.f32 v3  }
0x386: {  	(erf) = vpow2.f32 v49;
	_ =	sdelay $0x5  }
0x387: {  	v3 =	vpop (erf)  }
0x388: {  	v50 =	vpop (erf)  }
0x389: {  	v51 =	vpop (erf)  }
0x38a: {  	v52 =	vpop (erf)  }
0x38b: {  	v53 =	vadd.f32 v50, v3;
	v54 =	vadd.f32 v52, v51;
	_ =	sdelay $0x1  }
0x38c: {  	v7 =	vadd.f32 v54, v53;
	_ =	sdelay $0x1  }
0x38d: {  	(xrf2) =	vadd.scan.msk.f32 $0xffff, v7;
	_ =	sdelay $0x9  }
0x38e: {  	v7, _, _ =	vpop (xrf2)  }
0x38f: {  	(v2sf) =	vpush v2, $0x9;
	v7 =	vbroadcast v7, $0xF  }
0x390: {  	(v2sf) =	vpush v2, $0x8  }
0x391: {  	(erf) = vrcp.f32 v7;
	_ =	sdelay $0x8  }
0x392: {  	v7 =	vpop (erf)  }
0x393: {  	v3 =	vmul.f32 v7, v3  }
0x394: {  	v4 =	vmul.f32 v7, v50  }
0x395: {  	[tilespmem:v1+s13+$0x1C0 ss:$0x1] =	vst.idx.msk $0xffff, v3;
	v3 =	vmul.f32 v7, v51  }
0x396: {  	s23 =	spop (v2sf);
	v55 =	vmul.f32 v7, v52;
	[tilespmem:v1+s13+$0x1D0 ss:$0x1] =	vst.idx.msk $0xffff, v4  }
0x397: {  	s24 =	spop (v2sf);
	[tilespmem:v1+s13+$0x1E0 ss:$0x1] =	vst.idx.msk $0xffff, v3  }
0x398: {  	s16 =	sor.u32 s24, s14;
	[tilespmem:v1+s13+$0x1F0 ss:$0x1] =	vst.idx.msk $0xffff, v55  }
0x399: {  	v3 =	vld [tilespmem:s16+$0xA000]  }
0x39a: {  	v4 =	vld [tilespmem:s16+$0xA010]  }
0x39b: {  	v56 =	vld [tilespmem:s16+$0xA020]  }
0x39c: {  	v57 =	vld [tilespmem:s16+$0xA030];
	_ =	sdelay $0x1  }
0x39d: {  	v3 =	vmul.f32 $1.442695020e+00, v3  }
0x39e: {  	v4 =	vmul.f32 $1.442695020e+00, v4  }
0x39f: {  	(erf) = vpow2.f32 v3;
	v3 =	vmul.f32 $1.442695020e+00, v56  }
0x3a0: {  	v58 =	vmul.f32 $1.442695020e+00, v57;
	(erf) = vpow2.f32 v4  }
0x3a1: {  	(erf) = vpow2.f32 v3  }
0x3a2: {  	(erf) = vpow2.f32 v58;
	_ =	sdelay $0x5  }
0x3a3: {  	v3 =	vpop (erf)  }
0x3a4: {  	v59 =	vpop (erf)  }
0x3a5: {  	v60 =	vpop (erf)  }
0x3a6: {  	v61 =	vpop (erf)  }
0x3a7: {  	v62 =	vadd.f32 v59, v3;
	v63 =	vadd.f32 v61, v60;
	_ =	sdelay $0x1  }
0x3a8: {  	v7 =	vadd.f32 v63, v62;
	_ =	sdelay $0x1  }
0x3a9: {  	(xrf2) =	vadd.scan.msk.f32 $0xffff, v7;
	_ =	sdelay $0x9  }
0x3aa: {  	v7, _, _ =	vpop (xrf2)  }
0x3ab: {  	v7 =	vbroadcast v7, $0xF;
	_ =	sdelay $0x1  }
0x3ac: {  	(erf) = vrcp.f32 v7;
	_ =	sdelay $0x8  }
0x3ad: {  	v7 =	vpop (erf)  }
0x3ae: {  	v3 =	vmul.f32 v7, v3  }
0x3af: {  	v4 =	vmul.f32 v7, v59  }
0x3b0: {  	[tilespmem:v1+s13+$0x200 ss:$0x1] =	vst.idx.msk $0xffff, v3;
	v3 =	vmul.f32 v7, v60  }
0x3b1: {  	v8 =	vmul.f32 v7, v61;
	[tilespmem:v1+s13+$0x210 ss:$0x1] =	vst.idx.msk $0xffff, v4  }
0x3b2: {  	[tilespmem:v1+s13+$0x220 ss:$0x1] =	vst.idx.msk $0xffff, v3  }
0x3b3: {  	s15 =	sor.u32 s23, s14;
	[tilespmem:v1+s13+$0x230 ss:$0x1] =	vst.idx.msk $0xffff, v8  }
0x3b4: {  	v3 =	vld [tilespmem:s15+$0xA400]  }
0x3b5: {  	v4 =	vld [tilespmem:s15+$0xA410]  }
0x3b6: {  	v9 =	vld [tilespmem:s15+$0xA420]  }
0x3b7: {  	v10 =	vld [tilespmem:s15+$0xA430];
	_ =	sdelay $0x1  }
0x3b8: {  	v3 =	vmul.f32 $1.442695020e+00, v3  }
0x3b9: {  	v4 =	vmul.f32 $1.442695020e+00, v4  }
0x3ba: {  	(erf) = vpow2.f32 v3;
	v3 =	vmul.f32 $1.442695020e+00, v9  }
0x3bb: {  	v11 =	vmul.f32 $1.442695020e+00, v10;
	(erf) = vpow2.f32 v4  }
0x3bc: {  	(erf) = vpow2.f32 v3  }
0x3bd: {  	(erf) = vpow2.f32 v11;
	_ =	sdelay $0x5  }
0x3be: {  	v3 =	vpop (erf)  }
0x3bf: {  	v12 =	vpop (erf)  }
0x3c0: {  	v13 =	vpop (erf)  }
0x3c1: {  	v14 =	vpop (erf)  }
0x3c2: {  	v15 =	vadd.f32 v12, v3;
	v16 =	vadd.f32 v14, v13;
	_ =	sdelay $0x1  }
0x3c3: {  	v7 =	vadd.f32 v16, v15;
	_ =	sdelay $0x1  }
0x3c4: {  	(xrf2) =	vadd.scan.msk.f32 $0xffff, v7;
	_ =	sdelay $0x9  }
0x3c5: {  	v7, _, _ =	vpop (xrf2)  }
0x3c6: {  	(v2sf) =	vpush v2, $0xB;
	v7 =	vbroadcast v7, $0xF  }
0x3c7: {  	(v2sf) =	vpush v2, $0xA  }
0x3c8: {  	(erf) = vrcp.f32 v7;
	_ =	sdelay $0x8  }
0x3c9: {  	v7 =	vpop (erf)  }
0x3ca: {  	v3 =	vmul.f32 v7, v3  }
0x3cb: {  	v4 =	vmul.f32 v7, v12  }
0x3cc: {  	[tilespmem:v1+s13+$0x240 ss:$0x1] =	vst.idx.msk $0xffff, v3;
	v3 =	vmul.f32 v7, v13  }
0x3cd: {  	s25 =	spop (v2sf);
	v17 =	vmul.f32 v7, v14;
	[tilespmem:v1+s13+$0x250 ss:$0x1] =	vst.idx.msk $0xffff, v4  }
0x3ce: {  	s26 =	spop (v2sf);
	[tilespmem:v1+s13+$0x260 ss:$0x1] =	vst.idx.msk $0xffff, v3  }
0x3cf: {  	s16 =	sor.u32 s26, s14;
	[tilespmem:v1+s13+$0x270 ss:$0x1] =	vst.idx.msk $0xffff, v17  }
0x3d0: {  	v3 =	vld [tilespmem:s16+$0xA800]  }
0x3d1: {  	v4 =	vld [tilespmem:s16+$0xA810]  }
0x3d2: {  	v18 =	vld [tilespmem:s16+$0xA820]  }
0x3d3: {  	v19 =	vld [tilespmem:s16+$0xA830];
	_ =	sdelay $0x1  }
0x3d4: {  	v3 =	vmul.f32 $1.442695020e+00, v3  }
0x3d5: {  	v4 =	vmul.f32 $1.442695020e+00, v4  }
0x3d6: {  	(erf) = vpow2.f32 v3;
	v3 =	vmul.f32 $1.442695020e+00, v18  }
0x3d7: {  	v20 =	vmul.f32 $1.442695020e+00, v19;
	(erf) = vpow2.f32 v4  }
0x3d8: {  	(erf) = vpow2.f32 v3  }
0x3d9: {  	(erf) = vpow2.f32 v20;
	_ =	sdelay $0x5  }
0x3da: {  	v3 =	vpop (erf)  }
0x3db: {  	v21 =	vpop (erf)  }
0x3dc: {  	v22 =	vpop (erf)  }
0x3dd: {  	v23 =	vpop (erf)  }
0x3de: {  	v24 =	vadd.f32 v21, v3;
	v25 =	vadd.f32 v23, v22;
	_ =	sdelay $0x1  }
0x3df: {  	v7 =	vadd.f32 v25, v24;
	_ =	sdelay $0x1  }
0x3e0: {  	(xrf2) =	vadd.scan.msk.f32 $0xffff, v7;
	_ =	sdelay $0x9  }
0x3e1: {  	v7, _, _ =	vpop (xrf2)  }
0x3e2: {  	v7 =	vbroadcast v7, $0xF;
	_ =	sdelay $0x1  }
0x3e3: {  	(erf) = vrcp.f32 v7;
	_ =	sdelay $0x8  }
0x3e4: {  	v7 =	vpop (erf)  }
0x3e5: {  	v3 =	vmul.f32 v7, v3  }
0x3e6: {  	v4 =	vmul.f32 v7, v21  }
0x3e7: {  	[tilespmem:v1+s13+$0x280 ss:$0x1] =	vst.idx.msk $0xffff, v3;
	v3 =	vmul.f32 v7, v22  }
0x3e8: {  	v26 =	vmul.f32 v7, v23;
	[tilespmem:v1+s13+$0x290 ss:$0x1] =	vst.idx.msk $0xffff, v4  }
0x3e9: {  	[tilespmem:v1+s13+$0x2A0 ss:$0x1] =	vst.idx.msk $0xffff, v3  }
0x3ea: {  	s15 =	sor.u32 s25, s14;
	[tilespmem:v1+s13+$0x2B0 ss:$0x1] =	vst.idx.msk $0xffff, v26  }
0x3eb: {  	v3 =	vld [tilespmem:s15+$0xAC00]  }
0x3ec: {  	v4 =	vld [tilespmem:s15+$0xAC10]  }
0x3ed: {  	v27 =	vld [tilespmem:s15+$0xAC20]  }
0x3ee: {  	v28 =	vld [tilespmem:s15+$0xAC30];
	_ =	sdelay $0x1  }
0x3ef: {  	v3 =	vmul.f32 $1.442695020e+00, v3  }
0x3f0: {  	v4 =	vmul.f32 $1.442695020e+00, v4  }
0x3f1: {  	(erf) = vpow2.f32 v3;
	v3 =	vmul.f32 $1.442695020e+00, v27  }
0x3f2: {  	v29 =	vmul.f32 $1.442695020e+00, v28;
	(erf) = vpow2.f32 v4  }
0x3f3: {  	(erf) = vpow2.f32 v3  }
0x3f4: {  	(erf) = vpow2.f32 v29;
	_ =	sdelay $0x5  }
0x3f5: {  	v3 =	vpop (erf)  }
0x3f6: {  	v30 =	vpop (erf)  }
0x3f7: {  	v31 =	vpop (erf)  }
0x3f8: {  	v32 =	vpop (erf)  }
0x3f9: {  	v33 =	vadd.f32 v30, v3;
	v34 =	vadd.f32 v32, v31;
	_ =	sdelay $0x1  }
0x3fa: {  	v7 =	vadd.f32 v34, v33;
	_ =	sdelay $0x1  }
0x3fb: {  	(xrf2) =	vadd.scan.msk.f32 $0xffff, v7;
	_ =	sdelay $0x9  }
0x3fc: {  	v7, _, _ =	vpop (xrf2)  }
0x3fd: {  	(v2sf) =	vpush v2, $0xD;
	v7 =	vbroadcast v7, $0xF  }
0x3fe: {  	(v2sf) =	vpush v2, $0xC  }
0x3ff: {  	(erf) = vrcp.f32 v7;
	_ =	sdelay $0x8  }
0x400: {  	v7 =	vpop (erf)  }
0x401: {  	v3 =	vmul.f32 v7, v3  }
0x402: {  	v4 =	vmul.f32 v7, v30  }
0x403: {  	[tilespmem:v1+s13+$0x2C0 ss:$0x1] =	vst.idx.msk $0xffff, v3;
	v3 =	vmul.f32 v7, v31  }
0x404: {  	s28 =	spop (v2sf);
	v35 =	vmul.f32 v7, v32;
	[tilespmem:v1+s13+$0x2D0 ss:$0x1] =	vst.idx.msk $0xffff, v4  }
0x405: {  	s29 =	spop (v2sf);
	[tilespmem:v1+s13+$0x2E0 ss:$0x1] =	vst.idx.msk $0xffff, v3  }
0x406: {  	s16 =	sor.u32 s29, s14;
	[tilespmem:v1+s13+$0x2F0 ss:$0x1] =	vst.idx.msk $0xffff, v35  }
0x407: {  	v3 =	vld [tilespmem:s16+$0xB000]  }
0x408: {  	v4 =	vld [tilespmem:s16+$0xB010]  }
0x409: {  	v36 =	vld [tilespmem:s16+$0xB020]  }
0x40a: {  	v37 =	vld [tilespmem:s16+$0xB030];
	_ =	sdelay $0x1  }
0x40b: {  	v3 =	vmul.f32 $1.442695020e+00, v3  }
0x40c: {  	v4 =	vmul.f32 $1.442695020e+00, v4  }
0x40d: {  	(erf) = vpow2.f32 v3;
	v3 =	vmul.f32 $1.442695020e+00, v36  }
0x40e: {  	v38 =	vmul.f32 $1.442695020e+00, v37;
	(erf) = vpow2.f32 v4  }
0x40f: {  	(erf) = vpow2.f32 v3  }
0x410: {  	(erf) = vpow2.f32 v38;
	_ =	sdelay $0x5  }
0x411: {  	v3 =	vpop (erf)  }
0x412: {  	v39 =	vpop (erf)  }
0x413: {  	v40 =	vpop (erf)  }
0x414: {  	v41 =	vpop (erf)  }
0x415: {  	v42 =	vadd.f32 v39, v3;
	v43 =	vadd.f32 v41, v40;
	_ =	sdelay $0x1  }
0x416: {  	v7 =	vadd.f32 v43, v42;
	_ =	sdelay $0x1  }
0x417: {  	(xrf2) =	vadd.scan.msk.f32 $0xffff, v7;
	_ =	sdelay $0x9  }
0x418: {  	v7, _, _ =	vpop (xrf2)  }
0x419: {  	v7 =	vbroadcast v7, $0xF;
	_ =	sdelay $0x1  }
0x41a: {  	(erf) = vrcp.f32 v7;
	_ =	sdelay $0x8  }
0x41b: {  	v7 =	vpop (erf)  }
0x41c: {  	v3 =	vmul.f32 v7, v3  }
0x41d: {  	v4 =	vmul.f32 v7, v39  }
0x41e: {  	[tilespmem:v1+s13+$0x300 ss:$0x1] =	vst.idx.msk $0xffff, v3;
	v3 =	vmul.f32 v7, v40  }
0x41f: {  	v44 =	vmul.f32 v7, v41;
	[tilespmem:v1+s13+$0x310 ss:$0x1] =	vst.idx.msk $0xffff, v4  }
0x420: {  	[tilespmem:v1+s13+$0x320 ss:$0x1] =	vst.idx.msk $0xffff, v3  }
0x421: {  	s15 =	sor.u32 s28, s14;
	[tilespmem:v1+s13+$0x330 ss:$0x1] =	vst.idx.msk $0xffff, v44  }
0x422: {  	v3 =	vld [tilespmem:s15+$0xB400]  }
0x423: {  	v4 =	vld [tilespmem:s15+$0xB410]  }
0x424: {  	v45 =	vld [tilespmem:s15+$0xB420]  }
0x425: {  	v46 =	vld [tilespmem:s15+$0xB430];
	_ =	sdelay $0x1  }
0x426: {  	v3 =	vmul.f32 $1.442695020e+00, v3  }
0x427: {  	v4 =	vmul.f32 $1.442695020e+00, v4  }
0x428: {  	(erf) = vpow2.f32 v3;
	v3 =	vmul.f32 $1.442695020e+00, v45  }
0x429: {  	v47 =	vmul.f32 $1.442695020e+00, v46;
	(erf) = vpow2.f32 v4  }
0x42a: {  	(erf) = vpow2.f32 v3  }
0x42b: {  	(erf) = vpow2.f32 v47;
	_ =	sdelay $0x5  }
0x42c: {  	v3 =	vpop (erf)  }
0x42d: {  	v48 =	vpop (erf)  }
0x42e: {  	v49 =	vpop (erf)  }
0x42f: {  	v50 =	vpop (erf)  }
0x430: {  	v51 =	vadd.f32 v48, v3;
	v52 =	vadd.f32 v50, v49;
	_ =	sdelay $0x1  }
0x431: {  	v7 =	vadd.f32 v52, v51;
	_ =	sdelay $0x1  }
0x432: {  	(xrf2) =	vadd.scan.msk.f32 $0xffff, v7;
	_ =	sdelay $0x9  }
0x433: {  	v7, _, _ =	vpop (xrf2)  }
0x434: {  	(v2sf) =	vpush v2, $0xF;
	v7 =	vbroadcast v7, $0xF  }
0x435: {  	(v2sf) =	vpush v2, $0xE  }
0x436: {  	(erf) = vrcp.f32 v7;
	_ =	sdelay $0x8  }
0x437: {  	v2 =	vpop (erf)  }
0x438: {  	v3 =	vmul.f32 v2, v3  }
0x439: {  	v4 =	vmul.f32 v2, v48  }
0x43a: {  	[tilespmem:v1+s13+$0x340 ss:$0x1] =	vst.idx.msk $0xffff, v3;
	v3 =	vmul.f32 v2, v49  }
0x43b: {  	s30 =	spop (v2sf);
	v2 =	vmul.f32 v2, v50;
	[tilespmem:v1+s13+$0x350 ss:$0x1] =	vst.idx.msk $0xffff, v4  }
0x43c: {  	s31 =	spop (v2sf);
	[tilespmem:v1+s13+$0x360 ss:$0x1] =	vst.idx.msk $0xffff, v3  }
0x43d: {  	s16 =	sor.u32 s31, s14;
	[tilespmem:v1+s13+$0x370 ss:$0x1] =	vst.idx.msk $0xffff, v2  }
0x43e: {  	v2 =	vld [tilespmem:s16+$0xB800]  }
0x43f: {  	v3 =	vld [tilespmem:s16+$0xB810]  }
0x440: {  	v4 =	vld [tilespmem:s16+$0xB820]  }
0x441: {  	v53 =	vld [tilespmem:s16+$0xB830];
	_ =	sdelay $0x1  }
0x442: {  	v2 =	vmul.f32 $1.442695020e+00, v2  }
0x443: {  	v3 =	vmul.f32 $1.442695020e+00, v3  }
0x444: {  	(erf) = vpow2.f32 v2;
	v2 =	vmul.f32 $1.442695020e+00, v4  }
0x445: {  	(erf) = vpow2.f32 v3;
	v3 =	vmul.f32 $1.442695020e+00, v53  }
0x446: {  	(erf) = vpow2.f32 v2  }
0x447: {  	(erf) = vpow2.f32 v3;
	_ =	sdelay $0x5  }
0x448: {  	v2 =	vpop (erf)  }
0x449: {  	v3 =	vpop (erf)  }
0x44a: {  	v54 =	vpop (erf)  }
0x44b: {  	v55 =	vpop (erf)  }
0x44c: {  	v56 =	vadd.f32 v3, v2;
	v57 =	vadd.f32 v55, v54;
	_ =	sdelay $0x1  }
0x44d: {  	v6 =	vadd.f32 v57, v56;
	_ =	sdelay $0x1  }
0x44e: {  	(xrf2) =	vadd.scan.msk.f32 $0xffff, v6;
	_ =	sdelay $0x9  }
0x44f: {  	v6, _, _ =	vpop (xrf2)  }
0x450: {  	v6 =	vbroadcast v6, $0xF;
	_ =	sdelay $0x1  }
0x451: {  	(erf) = vrcp.f32 v6;
	_ =	sdelay $0x8  }
0x452: {  	v6 =	vpop (erf)  }
0x453: {  	v2 =	vmul.f32 v6, v2  }
0x454: {  	v3 =	vmul.f32 v6, v3  }
0x455: {  	[tilespmem:v1+s13+$0x380 ss:$0x1] =	vst.idx.msk $0xffff, v2;
	v2 =	vmul.f32 v6, v54  }
0x456: {  	[tilespmem:v1+s13+$0x390 ss:$0x1] =	vst.idx.msk $0xffff, v3;
	v3 =	vmul.f32 v6, v55  }
0x457: {  	[tilespmem:v1+s13+$0x3A0 ss:$0x1] =	vst.idx.msk $0xffff, v2  }
0x458: {  	s14 =	sor.u32 s30, s14;
	[tilespmem:v1+s13+$0x3B0 ss:$0x1] =	vst.idx.msk $0xffff, v3  }
0x459: {  	v2 =	vld [tilespmem:s14+$0xBC00]  }
0x45a: {  	v3 =	vld [tilespmem:s14+$0xBC10]  }
0x45b: {  	v58 =	vld [tilespmem:s14+$0xBC20]  }
0x45c: {  	v59 =	vld [tilespmem:s14+$0xBC30];
	_ =	sdelay $0x1  }
0x45d: {  	v2 =	vmul.f32 $1.442695020e+00, v2  }
0x45e: {  	v3 =	vmul.f32 $1.442695020e+00, v3  }
0x45f: {  	(erf) = vpow2.f32 v2;
	v2 =	vmul.f32 $1.442695020e+00, v58  }
0x460: {  	(erf) = vpow2.f32 v3;
	v3 =	vmul.f32 $1.442695020e+00, v59  }
0x461: {  	(erf) = vpow2.f32 v2  }
0x462: {  	(erf) = vpow2.f32 v3;
	_ =	sdelay $0x5  }
0x463: {  	v2 =	vpop (erf)  }
0x464: {  	v3 =	vpop (erf)  }
0x465: {  	v60 =	vpop (erf)  }
0x466: {  	v61 =	vpop (erf)  }
0x467: {  	v62 =	vadd.f32 v3, v2;
	v63 =	vadd.f32 v61, v60;
	_ =	sdelay $0x1  }
0x468: {  	v6 =	vadd.f32 v63, v62;
	_ =	sdelay $0x1  }
0x469: {  	(xrf2) =	vadd.scan.msk.f32 $0xffff, v6;
	_ =	sdelay $0x9  }
0x46a: {  	v6, _, _ =	vpop (xrf2)  }
0x46b: {  	v6 =	vbroadcast v6, $0xF;
	_ =	sdelay $0x1  }
0x46c: {  	(erf) = vrcp.f32 v6;
	_ =	sdelay $0x8  }
0x46d: {  	v6 =	vpop (erf)  }
0x46e: {  	p1 =	por p0, p0;
	v2 =	vmul.f32 v6, v2  }
.Ltmp6:
0x46f: {  	v3 =	vmul.f32 v6, v3;
	(pc) =	sbr.rel @p1 .LBB2_13-.Ltmp6, $4  }
0x470: {  	[tilespmem:v1+s13+$0x3C0 ss:$0x1] =	vst.idx.msk $0xffff, v2;
	v2 =	vmul.f32 v6, v60  }
0x471: {  	[tilespmem:v1+s13+$0x3D0 ss:$0x1] =	vst.idx.msk $0xffff, v3;
	v3 =	vmul.f32 v6, v61  }
0x472: {  	[tilespmem:v1+s13+$0x3E0 ss:$0x1] =	vst.idx.msk $0xffff, v2  }
0x473: {  	p0 =	por $0x0, $0x0;
	s15 =	simm.s32 $0x1;
	[tilespmem:v1+s13+$0x3F0 ss:$0x1] =	vst.idx.msk $0xffff, v3  }
0x474: {  	s12 =	sadd.s32 $0x1, s12  }
0x475: {  	p0 =	sne.s32 s12, $0x8  }
.Ltmp7:
0x476: {  	_ = 	snop;
	(pc) =	sbr.rel @p0 .LBB2_5-.Ltmp7, $1  }
0x477: {  	_ =	sdelay $0x3  }
0x478: {  	s11 =	sadd.s32 $0x1, s11  }
0x479: {  	p0 =	sne.s32 s11, s6  }
.Ltmp8:
0x47a: {  	_ = 	snop;
	(pc) =	sbr.rel @p0 .LBB2_1-.Ltmp8, $4  }
0x47b: {  	[hbm4b:s5+s2] =	stream.linear.scatter [tilespmem:s10], [sflag:$0x3], $0x8000, $0x38;
	[tilespmem:$0x18400] =	vst v63  }
0x47c: {  	_ =	swait.ge [sflag:s7], $0x8000  }
0x47d: {  	[sflag:s7] =	ssyncset.done $0x0  }
0x47e: {  	[sflag:s7] =	ssyncadd.s32 $0xFFFF8000  }
0x47f: {  	_ =	sfence.sel $0x180000  }
0x480: {  	[bflag:$0x0] =	sbarrier.arrive $0xFFFF  }
0x481: {  	p0 =	sne.s32 s1, $0x0;
	_ =	strace $0x90000047  }
0x482: {  	s0 =	sadd.s32 @!p0 $0x100000, s0;
	[bflag:$0x2] =	sbarrier.arrive $0xFFFF  }
0x483: {  	[sflag:s0] =	ssyncadd.tile.s32 @!p0 $0x1;
	_ =	shalt  }
.Lfunc_end2:
_tile_overlayer_lowered:
.L_overlay_start_2:
0x484: {  	(tag) =	ssettag $0x2  }
0x485: {  	s0 =	rddreg [dreg:$0x0];
	s2 =	stileid.u32  }
0x486: {  	s1 =	rddreg [dreg:$0x1];
	p0 =	sne.s32 s2, $0x0  }
0x487: {  	s3 =	rddreg [dreg:$0x2];
	[bflag:$0x3] =	sbarrier.arrive $0xFFFF;
	s2 =	simm.s32 @!p0 $0x1C03  }
0x488: {  	[timem:s3], [sflag:s2] =	dma.local @!p0 [hbm:s0], s1  }
0x489: {  	s0 =	simm.s32 @!p0 $0x3  }
0x48a: {  	_ =	swait.ge @!p0 [sflag:s0], s1  }
0x48b: {  	s1 =	ssub.s32 @!p0 $0x0, s1;
	[sflag:s0] =	ssyncset.done @!p0 $0x0  }
0x48c: {  	[sflag:s0] =	ssyncadd.s32 @!p0 s1  }
0x48d: {  	[bflag:$0x3] =	sbarrier.arrive $0xFFFF  }
0x48e: {  	_ =	shalt  }

</sc_bundles>
